<compile_context>
chip_gen: v7x
topology: tpu7x:2x2x1
jax: 0.10.2.dev20260603
libtpu: 0.0.44.dev20260713+nightly
codegen_flags: <defaults>
</compile_context>

<pallas_src>
import functools

import jax
import jax.numpy as jnp
from jax import lax
from jax.experimental import pallas as pl
from jax.experimental.pallas import tpu as pltpu
from jax.experimental.pallas import tpu_sc as plsc

N_NODES = 10000
N_EDGES = 320000
D_FEAT = 128
NHID = 64

NC = 2
NS = 16
NW = NC * NS
EDGE_CHUNK = 64
EDGES_PER_TILE = N_EDGES // NW
EDGES_PER_TILE_PAD = 10240
N_CHUNKS = EDGES_PER_TILE_PAD // EDGE_CHUNK
N_PAD = 10240
ROWS_PER_SUB = N_PAD // NS
L = 16

DIDX_CHUNK = 400


def _sc_mesh():
  return plsc.VectorSubcoreMesh(core_axis_name="c", subcore_axis_name="s")


def _zero_rows(buf, nrows, width):
  z = jnp.zeros((L,), jnp.float32)

  def row(i, _):
    for j in range(width // L):
      buf[i, pl.ds(j * L, L)] = z
    return 0

  lax.fori_loop(0, nrows, row, 0)


def _deg_body(dst_hbm, out_hbm, didxs, isems, hist, obuf, tbuf, hists):
  cid = lax.axis_index("c")
  sid = lax.axis_index("s")
  wid = sid * NC + cid

  z = jnp.zeros((L,), jnp.float32)

  def zrow(i, _):
    hist[pl.ds(pl.multiple_of(i * L, L), L)] = z
    return 0

  lax.fori_loop(0, N_PAD // L, zrow, 0)

  def load(slot, c):
    base = pl.multiple_of(wid * EDGES_PER_TILE + c * DIDX_CHUNK, 8)
    return pltpu.make_async_copy(dst_hbm.at[pl.ds(base, DIDX_CHUNK)],
                                 didxs[slot], isems[slot])

  def process(slot):
    didx = didxs[slot]

    def grp(k, _):
      d16 = didx[pl.ds(pl.multiple_of(k * L, L), L)]
      srt, _ = plsc.sort_key_val(d16, d16)
      iota = lax.iota(jnp.int32, L)
      prev = srt.at[jnp.maximum(iota - 1, 0)].get(mode="promise_in_bounds")
      nxt = srt.at[jnp.minimum(iota + 1, L - 1)].get(mode="promise_in_bounds")
      first = (iota == 0) | (srt != prev)
      last = (iota == L - 1) | (srt != nxt)
      pf = plsc.cummax(jnp.where(first, iota, 0))
      cnt = (iota - pf + 1).astype(jnp.float32)
      plsc.addupdate_scatter(hist, [srt], cnt, mask=last)
      return 0

    lax.fori_loop(0, DIDX_CHUNK // L, grp, 0)

  n_didx_chunks = EDGES_PER_TILE // DIDX_CHUNK
  load(0, 0).start()
  load(1, 1).start()

  def chunk_pair(p, _):
    for slot in range(2):
      c = p * 2 + slot
      load(slot, c).wait()
      process(slot)

      @pl.when(c + 2 < n_didx_chunks)
      def _():
        load(slot, c + 2).start()

    return 0

  lax.fori_loop(0, n_didx_chunks // 2, chunk_pair, 0)
  load(0, n_didx_chunks - 1).wait()
  process(0)

  pltpu.sync_copy(hist, hists.at[sid])
  plsc.subcore_barrier()

  row0 = pl.multiple_of(sid * ROWS_PER_SUB, 128)

  def zobuf(i, _):
    obuf[pl.ds(pl.multiple_of(i * L, L), L)] = z
    return 0

  lax.fori_loop(0, ROWS_PER_SUB // L, zobuf, 0)
  for t in range(NS):
    pltpu.sync_copy(hists.at[t, pl.ds(row0, ROWS_PER_SUB)], tbuf)

    def addv(i, _):
      s = pl.ds(pl.multiple_of(i * L, L), L)
      obuf[s] = obuf[s] + tbuf[s]
      return 0

    lax.fori_loop(0, ROWS_PER_SUB // L, addv, 0)
  pltpu.sync_copy(obuf, out_hbm.at[cid, pl.ds(row0, ROWS_PER_SUB)])


def _deg_kernel(dst):
  f = pl.kernel(
      _deg_body,
      out_type=jax.ShapeDtypeStruct((NC, N_PAD), jnp.float32),
      mesh=_sc_mesh(),
      compiler_params=pltpu.CompilerParams(needs_layout_passes=False),
      scratch_types=[
          [pltpu.VMEM((DIDX_CHUNK,), jnp.int32)] * 2,
          [pltpu.SemaphoreType.DMA] * 2,
          pltpu.VMEM((N_PAD,), jnp.float32),
          pltpu.VMEM((ROWS_PER_SUB,), jnp.float32),
          pltpu.VMEM((ROWS_PER_SUB,), jnp.float32),
          pltpu.VMEM_SHARED((NS, N_PAD), jnp.float32),
      ],
  )
  return f(dst)




def _agg_body(y_hbm, src_hbm, dst_hbm, out_hbm, sidx, didx, rows, acc,
              gsems, isems):
  cid = lax.axis_index("c")
  sid = lax.axis_index("s")
  wid = sid * NC + cid

  pltpu.sync_copy(src_hbm.at[wid], sidx)

  _zero_rows(rows[0], EDGE_CHUNK, D_FEAT)
  for r in range(ROWS_PER_SUB // EDGE_CHUNK):
    pltpu.sync_copy(
        rows[0],
        acc.at[pl.ds(sid * ROWS_PER_SUB + r * EDGE_CHUNK, EDGE_CHUNK)])
  plsc.subcore_barrier()

  def gather(slot, chunk):
    return pltpu.make_async_copy(y_hbm.at[sidx.at[chunk]], rows[slot],
                                 gsems[slot])

  def load_didx(slot, chunk):
    return pltpu.make_async_copy(dst_hbm.at[wid].at[chunk], didx[slot],
                                 isems[slot])

  load_didx(0, 0).start()
  load_didx(1, 1).start()

  def body(q, _):
    a = q * 2

    gather(0, a).start()

    @pl.when(q > 0)
    def _():
      gather(1, a - 1).wait()
      load_didx(1, a - 1).wait()
      pltpu.sync_copy(rows[1], acc.at[didx[1]], add=True)
      load_didx(1, a + 1).start()

    gather(1, a + 1).start()

    gather(0, a).wait()
    load_didx(0, a).wait()
    pltpu.sync_copy(rows[0], acc.at[didx[0]], add=True)

    @pl.when(a + 2 < N_CHUNKS)
    def _():
      load_didx(0, a + 2).start()

    return 0

  lax.fori_loop(0, N_CHUNKS // 2, body, 0)
  gather(1, N_CHUNKS - 1).wait()
  load_didx(1, N_CHUNKS - 1).wait()
  pltpu.sync_copy(rows[1], acc.at[didx[1]], add=True)
  plsc.subcore_barrier()

  for r in range(ROWS_PER_SUB // EDGE_CHUNK):
    row0 = sid * ROWS_PER_SUB + r * EDGE_CHUNK
    pltpu.sync_copy(acc.at[pl.ds(row0, EDGE_CHUNK)], rows[0])
    pltpu.sync_copy(rows[0], out_hbm.at[cid, pl.ds(row0, EDGE_CHUNK)])


@functools.cache
def _agg_kernel_fn():
  return pl.kernel(
      _agg_body,
      out_type=jax.ShapeDtypeStruct((NC, N_PAD, D_FEAT), jnp.float32),
      mesh=_sc_mesh(),
      scratch_types=[
          pltpu.VMEM((N_CHUNKS, EDGE_CHUNK), jnp.int32),
          [pltpu.VMEM((EDGE_CHUNK,), jnp.int32)] * 2,
          [pltpu.VMEM((EDGE_CHUNK, D_FEAT), jnp.float32)] * 2,
          pltpu.VMEM_SHARED((N_PAD, D_FEAT), jnp.float32),
          [pltpu.SemaphoreType.DMA] * 2,
          [pltpu.SemaphoreType.DMA] * 2,
      ],
  )


def _agg_kernel(y, src, dst):
  return _agg_kernel_fn()(y, src, dst)


ROW_BLK = 1024


def _tc_b_body(deg_ref, x_ref, w_ref, dis_ref, y_ref):
  deg = deg_ref[0, :] + deg_ref[1, :] + 1.0
  dis = lax.rsqrt(deg)[:, None]
  dis_ref[...] = dis
  y_ref[...] = jnp.dot(x_ref[...], w_ref[...],
                       preferred_element_type=jnp.float32) * dis


def _tc_b(deg2, xp, W1p):
  return pl.pallas_call(
      _tc_b_body,
      grid=(N_PAD // ROW_BLK,),
      in_specs=[
          pl.BlockSpec((NC, ROW_BLK), lambda i: (0, i)),
          pl.BlockSpec((ROW_BLK, D_FEAT), lambda i: (i, 0)),
          pl.BlockSpec((D_FEAT, D_FEAT), lambda i: (0, 0)),
      ],
      out_specs=[
          pl.BlockSpec((ROW_BLK, 1), lambda i: (i, 0)),
          pl.BlockSpec((ROW_BLK, D_FEAT), lambda i: (i, 0)),
      ],
      out_shape=[
          jax.ShapeDtypeStruct((N_PAD, 1), jnp.float32),
          jax.ShapeDtypeStruct((N_PAD, D_FEAT), jnp.float32),
      ],
  )(deg2, xp, W1p)


def _tc_d_body(acc_ref, y1_ref, dis_ref, b1_ref, w_ref, y2_ref):
  agg = acc_ref[0] + acc_ref[1] + y1_ref[...]
  dis = dis_ref[...]
  h = jnp.maximum(agg[:, :NHID] * dis + b1_ref[...][None, :], 0.0)
  y2_ref[...] = jnp.dot(h, w_ref[...],
                        preferred_element_type=jnp.float32) * dis


def _tc_d(acc1, y1, dis, b1, W2):
  return pl.pallas_call(
      _tc_d_body,
      grid=(N_PAD // ROW_BLK,),
      in_specs=[
          pl.BlockSpec((NC, ROW_BLK, D_FEAT), lambda i: (0, i, 0)),
          pl.BlockSpec((ROW_BLK, D_FEAT), lambda i: (i, 0)),
          pl.BlockSpec((ROW_BLK, 1), lambda i: (i, 0)),
          pl.BlockSpec((NHID,), lambda i: (0,)),
          pl.BlockSpec((NHID, D_FEAT), lambda i: (0, 0)),
      ],
      out_specs=pl.BlockSpec((ROW_BLK, D_FEAT), lambda i: (i, 0)),
      out_shape=jax.ShapeDtypeStruct((N_PAD, D_FEAT), jnp.float32),
  )(acc1, y1, dis, b1, W2)


def _tc_f_body(acc_ref, y2_ref, dis_ref, b2_ref, out_ref):
  agg = acc_ref[0] + acc_ref[1] + y2_ref[...]
  out_ref[...] = agg * dis_ref[...] + b2_ref[...][None, :]


def _tc_f(acc2, y2, dis, b2):
  return pl.pallas_call(
      _tc_f_body,
      grid=(N_PAD // ROW_BLK,),
      in_specs=[
          pl.BlockSpec((NC, ROW_BLK, D_FEAT), lambda i: (0, i, 0)),
          pl.BlockSpec((ROW_BLK, D_FEAT), lambda i: (i, 0)),
          pl.BlockSpec((ROW_BLK, 1), lambda i: (i, 0)),
          pl.BlockSpec((D_FEAT,), lambda i: (0,)),
      ],
      out_specs=pl.BlockSpec((ROW_BLK, D_FEAT), lambda i: (i, 0)),
      out_shape=jax.ShapeDtypeStruct((N_PAD, D_FEAT), jnp.float32),
  )(acc2, y2, dis, b2)


@jax.jit
def kernel(x, edge_index, W1, b1, W2, b2):
  ei = edge_index.astype(jnp.int32)
  src = ei[0]
  dst = ei[1]

  xp = jnp.pad(x, ((0, N_PAD - N_NODES), (0, 0)))
  W1p = jnp.pad(W1, ((0, 0), (0, D_FEAT - NHID)))

  pad = EDGES_PER_TILE_PAD - EDGES_PER_TILE
  trash = N_NODES + jnp.arange(NW, dtype=jnp.int32)[:, None]
  src3 = jnp.pad(src.reshape(NW, EDGES_PER_TILE), ((0, 0), (0, pad))
                 ).reshape(NW, N_CHUNKS, EDGE_CHUNK)
  dst3 = jnp.concatenate(
      [dst.reshape(NW, EDGES_PER_TILE),
       jnp.broadcast_to(trash, (NW, pad))], axis=1
  ).reshape(NW, N_CHUNKS, EDGE_CHUNK)

  deg2 = _deg_kernel(dst)
  dis, y1 = _tc_b(deg2, xp, W1p)
  acc1 = _agg_kernel(y1, src3, dst3)
  y2 = _tc_d(acc1, y1, dis, b1, W2)
  acc2 = _agg_kernel(y2, src3, dst3)
  out = _tc_f(acc2, y2, dis, b2)
  return out[:N_NODES]

# --- scband reference (transcript-rebuilt; emitter-appended) ---
"""Pipeline reference for scband-gcn-pre-43654047596701 (READ-ONLY COPY).

The authoritative reference and input builder live on the scoring server;
editing this copy changes nothing except your own understanding.
"""

import jax, jax.numpy as jnp
import numpy as np

N_NODES = 10000
N_EDGES = 320000
D_FEAT = 128
NHID = 64


def gcn_conv(x, edge_index, W, b):
    # Faithful PyG GCNConv: add self-loops, symmetric normalization, linear, scatter-add aggregate, bias.
    num_nodes = x.shape[0]
    src = edge_index[0]
    dst = edge_index[1]
    loop = jnp.arange(num_nodes, dtype=edge_index.dtype)
    src = jnp.concatenate([src, loop])
    dst = jnp.concatenate([dst, loop])
    # degree computed on destination nodes with unit edge weights (incl. self loops)
    deg = jnp.zeros((num_nodes,), dtype=x.dtype).at[dst].add(1.0)
    deg_inv_sqrt = jnp.where(deg > 0, deg ** -0.5, 0.0)
    norm = deg_inv_sqrt[src] * deg_inv_sqrt[dst]
    xw = x @ W
    msg = xw[src] * norm[:, None]
    out = jnp.zeros((num_nodes, xw.shape[1]), dtype=x.dtype).at[dst].add(msg)
    return out + b


def setup_inputs(seed: int = 0) -> dict:
    key = jax.random.key(seed)
    k1, k2, k3, k4, k5, k6 = jax.random.split(key, 6)
    x = jax.random.normal(k1, (N_NODES, D_FEAT), dtype=jnp.float32)
    edge_index = jax.random.randint(k2, (2, N_EDGES), 0, N_NODES, dtype=jnp.int64)
    # glorot-style init for GCNConv weights
    s1 = float(np.sqrt(6.0 / (D_FEAT + NHID)))
    s2 = float(np.sqrt(6.0 / (NHID + D_FEAT)))
    W1 = jax.random.uniform(k3, (D_FEAT, NHID), dtype=jnp.float32, minval=-s1, maxval=s1)
    b1 = jnp.zeros((NHID,), dtype=jnp.float32)
    W2 = jax.random.uniform(k4, (NHID, D_FEAT), dtype=jnp.float32, minval=-s2, maxval=s2)
    b2 = jnp.zeros((D_FEAT,), dtype=jnp.float32)
    return {"x": x, "edge_index": edge_index, "W1": W1, "b1": b1, "W2": W2, "b2": b2}


def reference(x, edge_index, W1, b1, W2, b2):
    h = gcn_conv(x, edge_index, W1, b1)
    h = jax.nn.relu(h)
    # F.dropout with training=False (eval) -> identity
    out = gcn_conv(h, edge_index, W2, b2)
    return out

if __name__ == "__main__":
    import jax
    _d = setup_inputs()
    print(jax.jit(kernel)(*tuple(_d.values())))

</pallas_src>

<mosaic_0001>
#map = affine_map<(d0, d1) -> (0)>
#map1 = affine_map<(d0, d1) -> (0, 0)>
module attributes {stable_mosaic.version = 14 : i64} {
  func.func @_deg_body(%arg0: i32, %arg1: i32, %arg2: memref<320000xi32, #tpu.memory_space<hbm>>, %arg3: memref<2x10240xf32, #tpu.memory_space<hbm>>, %arg4: memref<400xi32, #tpu.memory_space<vmem>>, %arg5: memref<400xi32, #tpu.memory_space<vmem>>, %arg6: memref<!tpu.dma_semaphore, #tpu.memory_space<semaphore_mem>>, %arg7: memref<!tpu.dma_semaphore, #tpu.memory_space<semaphore_mem>>, %arg8: memref<10240xf32, #tpu.memory_space<vmem>>, %arg9: memref<640xf32, #tpu.memory_space<vmem>>, %arg10: memref<640xf32, #tpu.memory_space<vmem>>, %arg11: memref<16x10240xf32, #tpu.memory_space<vmem_shared>>) attributes {dimension_semantics = [#tpu.dimension_semantics<core_parallel>, #tpu.dimension_semantics<subcore_parallel>], iteration_bounds = array<i64: 2, 16>, scalar_prefetch = 0 : i64, scratch_operands = 8 : i64, tpu.core_type = #tpu.core_type<sc_vector_subcore>, window_params = [{transform_indices = #map}, {transform_indices = #map1}]} {
    %mul3A = arith.constant 2 : i32
    %mul3A_0 = arith.muli %arg1, %mul3A : i32
    %add3A = arith.addi %mul3A_0, %arg0 : i32
    %broadcast_in_dim3A = arith.constant 0.000000e+00 : f32
    %broadcast_in_dim3A_1 = vector.broadcast %broadcast_in_dim3A : f32 to vector<16xf32>
    %scan3A = arith.constant 0 : i32
    %scan3A_2 = arith.constant 0 : i32
    %scan3A_3 = arith.constant 640 : i32
    %scan3A_4 = arith.addi %scan3A_2, %scan3A_3 : i32
    %scan3A_5 = arith.constant 1 : i32
    %scan3A_6 = scf.for %scan3A_177 = %scan3A_2 to %scan3A_4 step %scan3A_5 iter_args(%scan3A_178 = %scan3A) -> (i32)  : i32 {
      %mul3A_179 = arith.constant 16 : i32
      %mul3A_180 = arith.muli %scan3A_177, %mul3A_179 : i32
      %multiple_of3A_181 = tpu.assume_multiple %mul3A_180, 16 : i32
      %swap3A = arith.index_cast %multiple_of3A_181 : i32 to index
      %swap3A_182 = tpu.vector_load %arg8[%swap3A] {strides = array<i32>} : memref<10240xf32, #tpu.memory_space<vmem>>, vector<16xf32>,
      tpu.vector_store %arg8[%swap3A], %broadcast_in_dim3A_1 {strides = array<i32>} : memref<10240xf32, #tpu.memory_space<vmem>>, vector<16xf32>,
      %scan3A_183 = arith.constant 0 : i32
      scf.yield %scan3A_183 : i32
    }
    %scan3A_7 = arith.constant 640 : i32
    %mul3A_8 = arith.constant 10000 : i32
    %mul3A_9 = arith.muli %add3A, %mul3A_8 : i32
    %add3A_10 = arith.constant 0 : i32
    %add3A_11 = arith.addi %mul3A_9, %add3A_10 : i32
    %multiple_of3A = tpu.assume_multiple %add3A_11, 8 : i32
    %dma_start3A = tpu.memref_slice %arg2[%multiple_of3A] : memref<320000xi32, #tpu.memory_space<hbm>> -> memref<400xi32, #tpu.memory_space<hbm>>
    %dma_start3A_12 = tpu.memref_slice %arg2[%multiple_of3A] : memref<320000xi32, #tpu.memory_space<hbm>> -> memref<400xi32, #tpu.memory_space<hbm>>
    tpu.enqueue_dma source(%dma_start3A_12 : memref<400xi32, #tpu.memory_space<hbm>>) target(%arg4 : memref<400xi32, #tpu.memory_space<vmem>>) target_semaphore(%arg6 : memref<!tpu.dma_semaphore, #tpu.memory_space<semaphore_mem>>)
    %mul3A_13 = arith.constant 10000 : i32
    %mul3A_14 = arith.muli %add3A, %mul3A_13 : i32
    %add3A_15 = arith.constant 400 : i32
    %add3A_16 = arith.addi %mul3A_14, %add3A_15 : i32
    %multiple_of3A_17 = tpu.assume_multiple %add3A_16, 8 : i32
    %dma_start3A_18 = tpu.memref_slice %arg2[%multiple_of3A_17] : memref<320000xi32, #tpu.memory_space<hbm>> -> memref<400xi32, #tpu.memory_space<hbm>>
    %dma_start3A_19 = tpu.memref_slice %arg2[%multiple_of3A_17] : memref<320000xi32, #tpu.memory_space<hbm>> -> memref<400xi32, #tpu.memory_space<hbm>>
    tpu.enqueue_dma source(%dma_start3A_19 : memref<400xi32, #tpu.memory_space<hbm>>) target(%arg5 : memref<400xi32, #tpu.memory_space<vmem>>) target_semaphore(%arg7 : memref<!tpu.dma_semaphore, #tpu.memory_space<semaphore_mem>>)
    %scan3A_20 = arith.constant 0 : i32
    %scan3A_21 = arith.constant 0 : i32
    %scan3A_22 = arith.constant 12 : i32
    %scan3A_23 = arith.addi %scan3A_21, %scan3A_22 : i32
    %scan3A_24 = arith.constant 1 : i32
    %scan3A_25 = scf.for %scan3A_177 = %scan3A_21 to %scan3A_23 step %scan3A_24 iter_args(%scan3A_178 = %scan3A_20) -> (i32)  : i32 {
      %mul3A_179 = arith.constant 2 : i32
      %mul3A_180 = arith.muli %scan3A_177, %mul3A_179 : i32
      %add3A_181 = arith.constant 0 : i32
      %add3A_182 = arith.addi %mul3A_180, %add3A_181 : i32
      %mul3A_183 = arith.constant 10000 : i32
      %mul3A_184 = arith.muli %add3A, %mul3A_183 : i32
      %mul3A_185 = arith.constant 400 : i32
      %mul3A_186 = arith.muli %add3A_182, %mul3A_185 : i32
      %add3A_187 = arith.addi %mul3A_184, %mul3A_186 : i32
      %multiple_of3A_188 = tpu.assume_multiple %add3A_187, 8 : i32
      %dma_wait3A_189 = tpu.memref_slice %arg2[%multiple_of3A_188] : memref<320000xi32, #tpu.memory_space<hbm>> -> memref<400xi32, #tpu.memory_space<hbm>>
      %dma_wait3A_190 = tpu.memref_slice %arg2[%multiple_of3A_188] : memref<320000xi32, #tpu.memory_space<hbm>> -> memref<400xi32, #tpu.memory_space<hbm>>
      tpu.wait_dma2 semaphore(%arg6 : memref<!tpu.dma_semaphore, #tpu.memory_space<semaphore_mem>>) src(%dma_wait3A_190 : memref<400xi32, #tpu.memory_space<hbm>>) dst(%arg4 : memref<400xi32, #tpu.memory_space<vmem>>)
      %scan3A_191 = arith.constant 0 : i32
      %scan3A_192 = arith.constant 0 : i32
      %scan3A_193 = arith.constant 25 : i32
      %scan3A_194 = arith.addi %scan3A_192, %scan3A_193 : i32
      %scan3A_195 = arith.constant 1 : i32
      %scan3A_196 = scf.for %scan3A_229 = %scan3A_192 to %scan3A_194 step %scan3A_195 iter_args(%scan3A_230 = %scan3A_191) -> (i32)  : i32 {
        %mul3A_231 = arith.constant 16 : i32
        %mul3A_232 = arith.muli %scan3A_229, %mul3A_231 : i32
        %multiple_of3A_233 = tpu.assume_multiple %mul3A_232, 16 : i32
        %get3A = arith.index_cast %multiple_of3A_233 : i32 to index
        %get3A_234 = tpu.vector_load %arg4[%get3A] {strides = array<i32>} : memref<400xi32, #tpu.memory_space<vmem>>, vector<16xi32>,
        %masked_sort3A = arith.constant dense<true> : vector<16xi1>
        %masked_sort3A_235 = arith.constant -2147483648 : i32
        %masked_sort3A_236 = vector.broadcast %masked_sort3A_235 : i32 to vector<16xi32>
        %masked_sort3A_237 = arith.xori %get3A_234, %masked_sort3A_236 : vector<16xi32>
        %masked_sort3A_238, %masked_sort3A_239, %masked_sort3A_240 = tpu.sort %masked_sort3A_237, %get3A_234 masked %masked_sort3A : (vector<16xi32>, vector<16xi32>, vector<16xi1>) -> (vector<16xi1>, vector<16xi32>, vector<16xi32>)
        %masked_sort3A_241 = arith.xori %masked_sort3A_239, %masked_sort3A_236 : vector<16xi32>
        %iota3A = tpu.iota {dimensions = array<i32: 0>} : vector<16xi32>
        %sub3A = arith.constant 1 : i32
        %sub3A_242 = vector.broadcast %sub3A : i32 to vector<16xi32>
        %sub3A_243 = arith.subi %iota3A, %sub3A_242 : vector<16xi32>
        %max3A = arith.constant 0 : i32
        %max3A_244 = vector.broadcast %max3A : i32 to vector<16xi32>
        %max3A_245 = arith.maxsi %sub3A_243, %max3A_244 : vector<16xi32>
        %lt3A_246 = arith.constant 0 : i32
        %lt3A_247 = vector.broadcast %lt3A_246 : i32 to vector<16xi32>
        %lt3A_248 = arith.cmpi slt, %max3A_245, %lt3A_247 : vector<16xi32>
        %add3A_249 = arith.constant 16 : i32
        %add3A_250 = vector.broadcast %add3A_249 : i32 to vector<16xi32>
        %add3A_251 = arith.addi %max3A_245, %add3A_250 : vector<16xi32>
        %select_n3A = arith.select %lt3A_248, %add3A_251, %max3A_245 : vector<16xi1>, vector<16xi32>
        %broadcast_in_dim3A_252 = vector.shape_cast %select_n3A : vector<16xi32> to vector<16x1xi32>
        %gather3A = vector.shape_cast %broadcast_in_dim3A_252 : vector<16x1xi32> to vector<16xi32>
        %gather3A_253 = tpu.dynamic_gather %masked_sort3A_241[%gather3A] in [0] : vector<16xi32>, vector<16xi32> -> vector<16xi32>
        %add3A_254 = arith.constant 1 : i32
        %add3A_255 = vector.broadcast %add3A_254 : i32 to vector<16xi32>
        %add3A_256 = arith.addi %iota3A, %add3A_255 : vector<16xi32>
        %min3A = arith.constant 15 : i32
        %min3A_257 = vector.broadcast %min3A : i32 to vector<16xi32>
        %min3A_258 = arith.minsi %add3A_256, %min3A_257 : vector<16xi32>
        %lt3A_259 = arith.constant 0 : i32
        %lt3A_260 = vector.broadcast %lt3A_259 : i32 to vector<16xi32>
        %lt3A_261 = arith.cmpi slt, %min3A_258, %lt3A_260 : vector<16xi32>
        %add3A_262 = arith.constant 16 : i32
        %add3A_263 = vector.broadcast %add3A_262 : i32 to vector<16xi32>
        %add3A_264 = arith.addi %min3A_258, %add3A_263 : vector<16xi32>
        %select_n3A_265 = arith.select %lt3A_261, %add3A_264, %min3A_258 : vector<16xi1>, vector<16xi32>
        %broadcast_in_dim3A_266 = vector.shape_cast %select_n3A_265 : vector<16xi32> to vector<16x1xi32>
        %gather3A_267 = vector.shape_cast %broadcast_in_dim3A_266 : vector<16x1xi32> to vector<16xi32>
        %gather3A_268 = tpu.dynamic_gather %masked_sort3A_241[%gather3A_267] in [0] : vector<16xi32>, vector<16xi32> -> vector<16xi32>
        %eq3A = arith.constant 0 : i32
        %eq3A_269 = vector.broadcast %eq3A : i32 to vector<16xi32>
        %eq3A_270 = arith.cmpi eq, %iota3A, %eq3A_269 : vector<16xi32>
        %ne3A = arith.cmpi ne, %masked_sort3A_241, %gather3A_253 : vector<16xi32>
        %or3A = arith.ori %eq3A_270, %ne3A : vector<16xi1>
        %eq3A_271 = arith.constant 15 : i32
        %eq3A_272 = vector.broadcast %eq3A_271 : i32 to vector<16xi32>
        %eq3A_273 = arith.cmpi eq, %iota3A, %eq3A_272 : vector<16xi32>
        %ne3A_274 = arith.cmpi ne, %masked_sort3A_241, %gather3A_268 : vector<16xi32>
        %or3A_275 = arith.ori %eq3A_273, %ne3A_274 : vector<16xi1>
        %jit3A = arith.constant 0 : i32
        %broadcast_in_dim3A_276 = vector.broadcast %jit3A : i32 to vector<16xi32>
        %select_n3A_277 = arith.select %or3A, %iota3A, %broadcast_in_dim3A_276 : vector<16xi1>, vector<16xi32>
        %broadcast_in_dim3A_278 = arith.constant true
        %broadcast_in_dim3A_279 = vector.broadcast %broadcast_in_dim3A_278 : i1 to vector<16xi1>
        %masked_cummax3A = arith.constant -2147483648 : i32
        %masked_cummax3A_280 = vector.broadcast %masked_cummax3A : i32 to vector<16xi32>
        %masked_cummax3A_281 = arith.xori %select_n3A_277, %masked_cummax3A_280 : vector<16xi32>
        %masked_cummax3A_282 = tpu.scan <max>, %masked_cummax3A_281 masked %broadcast_in_dim3A_279 : vector<16xi32>, vector<16xi1> -> vector<16xi32>
        %masked_cummax3A_283 = arith.xori %masked_cummax3A_282, %masked_cummax3A_280 : vector<16xi32>
        %sub3A_284 = arith.subi %iota3A, %masked_cummax3A_283 : vector<16xi32>
        %add3A_285 = arith.constant 1 : i32
        %add3A_286 = vector.broadcast %add3A_285 : i32 to vector<16xi32>
        %add3A_287 = arith.addi %sub3A_284, %add3A_286 : vector<16xi32>
        %convert_element_type3A_288 = arith.sitofp %add3A_287 : vector<16xi32> to vector<16xf32>
        tpu.vector_store_idx %arg8[%masked_sort3A_241], %convert_element_type3A_288 masked %or3A_275 {add = true} : memref<10240xf32, #tpu.memory_space<vmem>>[vector<16xi32>], vector<16xf32>, vector<16xi1>
        %scan3A_289 = arith.constant 0 : i32
        scf.yield %scan3A_289 : i32
      }
      %scan3A_197 = arith.constant 25 : i32
      %add3A_198 = arith.constant 2 : i32
      %add3A_199 = arith.addi %add3A_182, %add3A_198 : i32
      %lt3A = arith.constant 25 : i32
      %lt3A_200 = arith.cmpi slt, %add3A_199, %lt3A : i32
      %convert_element_type3A = arith.extui %lt3A_200 : i1 to i32
      %cond3A = arith.constant 0 : i32
      %cond3A_201 = arith.cmpi ne, %convert_element_type3A, %cond3A : i32
      scf.if %cond3A_201 {
        %add3A_229 = arith.constant 2 : i32
        %add3A_230 = arith.addi %add3A_182, %add3A_229 : i32
        %mul3A_231 = arith.constant 10000 : i32
        %mul3A_232 = arith.muli %add3A, %mul3A_231 : i32
        %mul3A_233 = arith.constant 400 : i32
        %mul3A_234 = arith.muli %add3A_230, %mul3A_233 : i32
        %add3A_235 = arith.addi %mul3A_232, %mul3A_234 : i32
        %multiple_of3A_236 = tpu.assume_multiple %add3A_235, 8 : i32
        %dma_start3A_237 = tpu.memref_slice %arg2[%multiple_of3A_236] : memref<320000xi32, #tpu.memory_space<hbm>> -> memref<400xi32, #tpu.memory_space<hbm>>
        %dma_start3A_238 = tpu.memref_slice %arg2[%multiple_of3A_236] : memref<320000xi32, #tpu.memory_space<hbm>> -> memref<400xi32, #tpu.memory_space<hbm>>
        tpu.enqueue_dma source(%dma_start3A_238 : memref<400xi32, #tpu.memory_space<hbm>>) target(%arg4 : memref<400xi32, #tpu.memory_space<vmem>>) target_semaphore(%arg6 : memref<!tpu.dma_semaphore, #tpu.memory_space<semaphore_mem>>)
      } else {
      }
      %mul3A_202 = arith.constant 2 : i32
      %mul3A_203 = arith.muli %scan3A_177, %mul3A_202 : i32
      %add3A_204 = arith.constant 1 : i32
      %add3A_205 = arith.addi %mul3A_203, %add3A_204 : i32
      %mul3A_206 = arith.constant 10000 : i32
      %mul3A_207 = arith.muli %add3A, %mul3A_206 : i32
      %mul3A_208 = arith.constant 400 : i32
      %mul3A_209 = arith.muli %add3A_205, %mul3A_208 : i32
      %add3A_210 = arith.addi %mul3A_207, %mul3A_209 : i32
      %multiple_of3A_211 = tpu.assume_multiple %add3A_210, 8 : i32
      %dma_wait3A_212 = tpu.memref_slice %arg2[%multiple_of3A_211] : memref<320000xi32, #tpu.memory_space<hbm>> -> memref<400xi32, #tpu.memory_space<hbm>>
      %dma_wait3A_213 = tpu.memref_slice %arg2[%multiple_of3A_211] : memref<320000xi32, #tpu.memory_space<hbm>> -> memref<400xi32, #tpu.memory_space<hbm>>
      tpu.wait_dma2 semaphore(%arg7 : memref<!tpu.dma_semaphore, #tpu.memory_space<semaphore_mem>>) src(%dma_wait3A_213 : memref<400xi32, #tpu.memory_space<hbm>>) dst(%arg5 : memref<400xi32, #tpu.memory_space<vmem>>)
      %scan3A_214 = arith.constant 0 : i32
      %scan3A_215 = arith.constant 0 : i32
      %scan3A_216 = arith.constant 25 : i32
      %scan3A_217 = arith.addi %scan3A_215, %scan3A_216 : i32
      %scan3A_218 = arith.constant 1 : i32
      %scan3A_219 = scf.for %scan3A_229 = %scan3A_215 to %scan3A_217 step %scan3A_218 iter_args(%scan3A_230 = %scan3A_214) -> (i32)  : i32 {
        %mul3A_231 = arith.constant 16 : i32
        %mul3A_232 = arith.muli %scan3A_229, %mul3A_231 : i32
        %multiple_of3A_233 = tpu.assume_multiple %mul3A_232, 16 : i32
        %get3A = arith.index_cast %multiple_of3A_233 : i32 to index
        %get3A_234 = tpu.vector_load %arg5[%get3A] {strides = array<i32>} : memref<400xi32, #tpu.memory_space<vmem>>, vector<16xi32>,
        %masked_sort3A = arith.constant dense<true> : vector<16xi1>
        %masked_sort3A_235 = arith.constant -2147483648 : i32
        %masked_sort3A_236 = vector.broadcast %masked_sort3A_235 : i32 to vector<16xi32>
        %masked_sort3A_237 = arith.xori %get3A_234, %masked_sort3A_236 : vector<16xi32>
        %masked_sort3A_238, %masked_sort3A_239, %masked_sort3A_240 = tpu.sort %masked_sort3A_237, %get3A_234 masked %masked_sort3A : (vector<16xi32>, vector<16xi32>, vector<16xi1>) -> (vector<16xi1>, vector<16xi32>, vector<16xi32>)
        %masked_sort3A_241 = arith.xori %masked_sort3A_239, %masked_sort3A_236 : vector<16xi32>
        %iota3A = tpu.iota {dimensions = array<i32: 0>} : vector<16xi32>
        %sub3A = arith.constant 1 : i32
        %sub3A_242 = vector.broadcast %sub3A : i32 to vector<16xi32>
        %sub3A_243 = arith.subi %iota3A, %sub3A_242 : vector<16xi32>
        %max3A = arith.constant 0 : i32
        %max3A_244 = vector.broadcast %max3A : i32 to vector<16xi32>
        %max3A_245 = arith.maxsi %sub3A_243, %max3A_244 : vector<16xi32>
        %lt3A_246 = arith.constant 0 : i32
        %lt3A_247 = vector.broadcast %lt3A_246 : i32 to vector<16xi32>
        %lt3A_248 = arith.cmpi slt, %max3A_245, %lt3A_247 : vector<16xi32>
        %add3A_249 = arith.constant 16 : i32
        %add3A_250 = vector.broadcast %add3A_249 : i32 to vector<16xi32>
        %add3A_251 = arith.addi %max3A_245, %add3A_250 : vector<16xi32>
        %select_n3A = arith.select %lt3A_248, %add3A_251, %max3A_245 : vector<16xi1>, vector<16xi32>
        %broadcast_in_dim3A_252 = vector.shape_cast %select_n3A : vector<16xi32> to vector<16x1xi32>
        %gather3A = vector.shape_cast %broadcast_in_dim3A_252 : vector<16x1xi32> to vector<16xi32>
        %gather3A_253 = tpu.dynamic_gather %masked_sort3A_241[%gather3A] in [0] : vector<16xi32>, vector<16xi32> -> vector<16xi32>
        %add3A_254 = arith.constant 1 : i32
        %add3A_255 = vector.broadcast %add3A_254 : i32 to vector<16xi32>
        %add3A_256 = arith.addi %iota3A, %add3A_255 : vector<16xi32>
        %min3A = arith.constant 15 : i32
        %min3A_257 = vector.broadcast %min3A : i32 to vector<16xi32>
        %min3A_258 = arith.minsi %add3A_256, %min3A_257 : vector<16xi32>
        %lt3A_259 = arith.constant 0 : i32
        %lt3A_260 = vector.broadcast %lt3A_259 : i32 to vector<16xi32>
        %lt3A_261 = arith.cmpi slt, %min3A_258, %lt3A_260 : vector<16xi32>
        %add3A_262 = arith.constant 16 : i32
        %add3A_263 = vector.broadcast %add3A_262 : i32 to vector<16xi32>
        %add3A_264 = arith.addi %min3A_258, %add3A_263 : vector<16xi32>
        %select_n3A_265 = arith.select %lt3A_261, %add3A_264, %min3A_258 : vector<16xi1>, vector<16xi32>
        %broadcast_in_dim3A_266 = vector.shape_cast %select_n3A_265 : vector<16xi32> to vector<16x1xi32>
        %gather3A_267 = vector.shape_cast %broadcast_in_dim3A_266 : vector<16x1xi32> to vector<16xi32>
        %gather3A_268 = tpu.dynamic_gather %masked_sort3A_241[%gather3A_267] in [0] : vector<16xi32>, vector<16xi32> -> vector<16xi32>
        %eq3A = arith.constant 0 : i32
        %eq3A_269 = vector.broadcast %eq3A : i32 to vector<16xi32>
        %eq3A_270 = arith.cmpi eq, %iota3A, %eq3A_269 : vector<16xi32>
        %ne3A = arith.cmpi ne, %masked_sort3A_241, %gather3A_253 : vector<16xi32>
        %or3A = arith.ori %eq3A_270, %ne3A : vector<16xi1>
        %eq3A_271 = arith.constant 15 : i32
        %eq3A_272 = vector.broadcast %eq3A_271 : i32 to vector<16xi32>
        %eq3A_273 = arith.cmpi eq, %iota3A, %eq3A_272 : vector<16xi32>
        %ne3A_274 = arith.cmpi ne, %masked_sort3A_241, %gather3A_268 : vector<16xi32>
        %or3A_275 = arith.ori %eq3A_273, %ne3A_274 : vector<16xi1>
        %jit3A = arith.constant 0 : i32
        %broadcast_in_dim3A_276 = vector.broadcast %jit3A : i32 to vector<16xi32>
        %select_n3A_277 = arith.select %or3A, %iota3A, %broadcast_in_dim3A_276 : vector<16xi1>, vector<16xi32>
        %broadcast_in_dim3A_278 = arith.constant true
        %broadcast_in_dim3A_279 = vector.broadcast %broadcast_in_dim3A_278 : i1 to vector<16xi1>
        %masked_cummax3A = arith.constant -2147483648 : i32
        %masked_cummax3A_280 = vector.broadcast %masked_cummax3A : i32 to vector<16xi32>
        %masked_cummax3A_281 = arith.xori %select_n3A_277, %masked_cummax3A_280 : vector<16xi32>
        %masked_cummax3A_282 = tpu.scan <max>, %masked_cummax3A_281 masked %broadcast_in_dim3A_279 : vector<16xi32>, vector<16xi1> -> vector<16xi32>
        %masked_cummax3A_283 = arith.xori %masked_cummax3A_282, %masked_cummax3A_280 : vector<16xi32>
        %sub3A_284 = arith.subi %iota3A, %masked_cummax3A_283 : vector<16xi32>
        %add3A_285 = arith.constant 1 : i32
        %add3A_286 = vector.broadcast %add3A_285 : i32 to vector<16xi32>
        %add3A_287 = arith.addi %sub3A_284, %add3A_286 : vector<16xi32>
        %convert_element_type3A_288 = arith.sitofp %add3A_287 : vector<16xi32> to vector<16xf32>
        tpu.vector_store_idx %arg8[%masked_sort3A_241], %convert_element_type3A_288 masked %or3A_275 {add = true} : memref<10240xf32, #tpu.memory_space<vmem>>[vector<16xi32>], vector<16xf32>, vector<16xi1>
        %scan3A_289 = arith.constant 0 : i32
        scf.yield %scan3A_289 : i32
      }
      %scan3A_220 = arith.constant 25 : i32
      %add3A_221 = arith.constant 2 : i32
      %add3A_222 = arith.addi %add3A_205, %add3A_221 : i32
      %lt3A_223 = arith.constant 25 : i32
      %lt3A_224 = arith.cmpi slt, %add3A_222, %lt3A_223 : i32
      %convert_element_type3A_225 = arith.extui %lt3A_224 : i1 to i32
      %cond3A_226 = arith.constant 0 : i32
      %cond3A_227 = arith.cmpi ne, %convert_element_type3A_225, %cond3A_226 : i32
      scf.if %cond3A_227 {
        %add3A_229 = arith.constant 2 : i32
        %add3A_230 = arith.addi %add3A_205, %add3A_229 : i32
        %mul3A_231 = arith.constant 10000 : i32
        %mul3A_232 = arith.muli %add3A, %mul3A_231 : i32
        %mul3A_233 = arith.constant 400 : i32
        %mul3A_234 = arith.muli %add3A_230, %mul3A_233 : i32
        %add3A_235 = arith.addi %mul3A_232, %mul3A_234 : i32
        %multiple_of3A_236 = tpu.assume_multiple %add3A_235, 8 : i32
        %dma_start3A_237 = tpu.memref_slice %arg2[%multiple_of3A_236] : memref<320000xi32, #tpu.memory_space<hbm>> -> memref<400xi32, #tpu.memory_space<hbm>>
        %dma_start3A_238 = tpu.memref_slice %arg2[%multiple_of3A_236] : memref<320000xi32, #tpu.memory_space<hbm>> -> memref<400xi32, #tpu.memory_space<hbm>>
        tpu.enqueue_dma source(%dma_start3A_238 : memref<400xi32, #tpu.memory_space<hbm>>) target(%arg5 : memref<400xi32, #tpu.memory_space<vmem>>) target_semaphore(%arg7 : memref<!tpu.dma_semaphore, #tpu.memory_space<semaphore_mem>>)
      } else {
      }
      %scan3A_228 = arith.constant 0 : i32
      scf.yield %scan3A_228 : i32
    }
    %scan3A_26 = arith.constant 12 : i32
    %mul3A_27 = arith.constant 10000 : i32
    %mul3A_28 = arith.muli %add3A, %mul3A_27 : i32
    %add3A_29 = arith.constant 9600 : i32
    %add3A_30 = arith.addi %mul3A_28, %add3A_29 : i32
    %multiple_of3A_31 = tpu.assume_multiple %add3A_30, 8 : i32
    %dma_wait3A = tpu.memref_slice %arg2[%multiple_of3A_31] : memref<320000xi32, #tpu.memory_space<hbm>> -> memref<400xi32, #tpu.memory_space<hbm>>
    %dma_wait3A_32 = tpu.memref_slice %arg2[%multiple_of3A_31] : memref<320000xi32, #tpu.memory_space<hbm>> -> memref<400xi32, #tpu.memory_space<hbm>>
    tpu.wait_dma2 semaphore(%arg6 : memref<!tpu.dma_semaphore, #tpu.memory_space<semaphore_mem>>) src(%dma_wait3A_32 : memref<400xi32, #tpu.memory_space<hbm>>) dst(%arg4 : memref<400xi32, #tpu.memory_space<vmem>>)
    %scan3A_33 = arith.constant 0 : i32
    %scan3A_34 = arith.constant 0 : i32
    %scan3A_35 = arith.constant 25 : i32
    %scan3A_36 = arith.addi %scan3A_34, %scan3A_35 : i32
    %scan3A_37 = arith.constant 1 : i32
    %scan3A_38 = scf.for %scan3A_177 = %scan3A_34 to %scan3A_36 step %scan3A_37 iter_args(%scan3A_178 = %scan3A_33) -> (i32)  : i32 {
      %mul3A_179 = arith.constant 16 : i32
      %mul3A_180 = arith.muli %scan3A_177, %mul3A_179 : i32
      %multiple_of3A_181 = tpu.assume_multiple %mul3A_180, 16 : i32
      %get3A = arith.index_cast %multiple_of3A_181 : i32 to index
      %get3A_182 = tpu.vector_load %arg4[%get3A] {strides = array<i32>} : memref<400xi32, #tpu.memory_space<vmem>>, vector<16xi32>,
      %masked_sort3A = arith.constant dense<true> : vector<16xi1>
      %masked_sort3A_183 = arith.constant -2147483648 : i32
      %masked_sort3A_184 = vector.broadcast %masked_sort3A_183 : i32 to vector<16xi32>
      %masked_sort3A_185 = arith.xori %get3A_182, %masked_sort3A_184 : vector<16xi32>
      %masked_sort3A_186, %masked_sort3A_187, %masked_sort3A_188 = tpu.sort %masked_sort3A_185, %get3A_182 masked %masked_sort3A : (vector<16xi32>, vector<16xi32>, vector<16xi1>) -> (vector<16xi1>, vector<16xi32>, vector<16xi32>)
      %masked_sort3A_189 = arith.xori %masked_sort3A_187, %masked_sort3A_184 : vector<16xi32>
      %iota3A = tpu.iota {dimensions = array<i32: 0>} : vector<16xi32>
      %sub3A = arith.constant 1 : i32
      %sub3A_190 = vector.broadcast %sub3A : i32 to vector<16xi32>
      %sub3A_191 = arith.subi %iota3A, %sub3A_190 : vector<16xi32>
      %max3A = arith.constant 0 : i32
      %max3A_192 = vector.broadcast %max3A : i32 to vector<16xi32>
      %max3A_193 = arith.maxsi %sub3A_191, %max3A_192 : vector<16xi32>
      %lt3A = arith.constant 0 : i32
      %lt3A_194 = vector.broadcast %lt3A : i32 to vector<16xi32>
      %lt3A_195 = arith.cmpi slt, %max3A_193, %lt3A_194 : vector<16xi32>
      %add3A_196 = arith.constant 16 : i32
      %add3A_197 = vector.broadcast %add3A_196 : i32 to vector<16xi32>
      %add3A_198 = arith.addi %max3A_193, %add3A_197 : vector<16xi32>
      %select_n3A = arith.select %lt3A_195, %add3A_198, %max3A_193 : vector<16xi1>, vector<16xi32>
      %broadcast_in_dim3A_199 = vector.shape_cast %select_n3A : vector<16xi32> to vector<16x1xi32>
      %gather3A = vector.shape_cast %broadcast_in_dim3A_199 : vector<16x1xi32> to vector<16xi32>
      %gather3A_200 = tpu.dynamic_gather %masked_sort3A_189[%gather3A] in [0] : vector<16xi32>, vector<16xi32> -> vector<16xi32>
      %add3A_201 = arith.constant 1 : i32
      %add3A_202 = vector.broadcast %add3A_201 : i32 to vector<16xi32>
      %add3A_203 = arith.addi %iota3A, %add3A_202 : vector<16xi32>
      %min3A = arith.constant 15 : i32
      %min3A_204 = vector.broadcast %min3A : i32 to vector<16xi32>
      %min3A_205 = arith.minsi %add3A_203, %min3A_204 : vector<16xi32>
      %lt3A_206 = arith.constant 0 : i32
      %lt3A_207 = vector.broadcast %lt3A_206 : i32 to vector<16xi32>
      %lt3A_208 = arith.cmpi slt, %min3A_205, %lt3A_207 : vector<16xi32>
      %add3A_209 = arith.constant 16 : i32
      %add3A_210 = vector.broadcast %add3A_209 : i32 to vector<16xi32>
      %add3A_211 = arith.addi %min3A_205, %add3A_210 : vector<16xi32>
      %select_n3A_212 = arith.select %lt3A_208, %add3A_211, %min3A_205 : vector<16xi1>, vector<16xi32>
      %broadcast_in_dim3A_213 = vector.shape_cast %select_n3A_212 : vector<16xi32> to vector<16x1xi32>
      %gather3A_214 = vector.shape_cast %broadcast_in_dim3A_213 : vector<16x1xi32> to vector<16xi32>
      %gather3A_215 = tpu.dynamic_gather %masked_sort3A_189[%gather3A_214] in [0] : vector<16xi32>, vector<16xi32> -> vector<16xi32>
      %eq3A = arith.constant 0 : i32
      %eq3A_216 = vector.broadcast %eq3A : i32 to vector<16xi32>
      %eq3A_217 = arith.cmpi eq, %iota3A, %eq3A_216 : vector<16xi32>
      %ne3A = arith.cmpi ne, %masked_sort3A_189, %gather3A_200 : vector<16xi32>
      %or3A = arith.ori %eq3A_217, %ne3A : vector<16xi1>
      %eq3A_218 = arith.constant 15 : i32
      %eq3A_219 = vector.broadcast %eq3A_218 : i32 to vector<16xi32>
      %eq3A_220 = arith.cmpi eq, %iota3A, %eq3A_219 : vector<16xi32>
      %ne3A_221 = arith.cmpi ne, %masked_sort3A_189, %gather3A_215 : vector<16xi32>
      %or3A_222 = arith.ori %eq3A_220, %ne3A_221 : vector<16xi1>
      %jit3A = arith.constant 0 : i32
      %broadcast_in_dim3A_223 = vector.broadcast %jit3A : i32 to vector<16xi32>
      %select_n3A_224 = arith.select %or3A, %iota3A, %broadcast_in_dim3A_223 : vector<16xi1>, vector<16xi32>
      %broadcast_in_dim3A_225 = arith.constant true
      %broadcast_in_dim3A_226 = vector.broadcast %broadcast_in_dim3A_225 : i1 to vector<16xi1>
      %masked_cummax3A = arith.constant -2147483648 : i32
      %masked_cummax3A_227 = vector.broadcast %masked_cummax3A : i32 to vector<16xi32>
      %masked_cummax3A_228 = arith.xori %select_n3A_224, %masked_cummax3A_227 : vector<16xi32>
      %masked_cummax3A_229 = tpu.scan <max>, %masked_cummax3A_228 masked %broadcast_in_dim3A_226 : vector<16xi32>, vector<16xi1> -> vector<16xi32>
      %masked_cummax3A_230 = arith.xori %masked_cummax3A_229, %masked_cummax3A_227 : vector<16xi32>
      %sub3A_231 = arith.subi %iota3A, %masked_cummax3A_230 : vector<16xi32>
      %add3A_232 = arith.constant 1 : i32
      %add3A_233 = vector.broadcast %add3A_232 : i32 to vector<16xi32>
      %add3A_234 = arith.addi %sub3A_231, %add3A_233 : vector<16xi32>
      %convert_element_type3A = arith.sitofp %add3A_234 : vector<16xi32> to vector<16xf32>
      tpu.vector_store_idx %arg8[%masked_sort3A_189], %convert_element_type3A masked %or3A_222 {add = true} : memref<10240xf32, #tpu.memory_space<vmem>>[vector<16xi32>], vector<16xf32>, vector<16xi1>
      %scan3A_235 = arith.constant 0 : i32
      scf.yield %scan3A_235 : i32
    }
    %scan3A_39 = arith.constant 25 : i32
    "tpu.region"() ({
      %run_scoped3A_177 = tpu.sem_alloc : memref<!tpu.dma_semaphore, #tpu.memory_space<semaphore_mem>>
      %dma_start3A_178 = arith.constant 0 : i32
      %dma_start3A_179 = tpu.memref_slice %arg11[%arg1, %dma_start3A_178] : memref<16x10240xf32, #tpu.memory_space<vmem_shared>> -> memref<1x10240xf32, #tpu.memory_space<vmem_shared>>
      %dma_start3A_180 = tpu.memref_squeeze %dma_start3A_179 : memref<1x10240xf32, #tpu.memory_space<vmem_shared>> -> memref<10240xf32, #tpu.memory_space<vmem_shared>>
      %dma_start3A_181 = arith.constant 0 : i32
      %dma_start3A_182 = tpu.memref_slice %arg11[%arg1, %dma_start3A_181] : memref<16x10240xf32, #tpu.memory_space<vmem_shared>> -> memref<1x10240xf32, #tpu.memory_space<vmem_shared>>
      %dma_start3A_183 = tpu.memref_squeeze %dma_start3A_182 : memref<1x10240xf32, #tpu.memory_space<vmem_shared>> -> memref<10240xf32, #tpu.memory_space<vmem_shared>>
      tpu.enqueue_dma source(%arg8 : memref<10240xf32, #tpu.memory_space<vmem>>) target(%dma_start3A_183 : memref<10240xf32, #tpu.memory_space<vmem_shared>>) target_semaphore(%run_scoped3A_177 : memref<!tpu.dma_semaphore, #tpu.memory_space<semaphore_mem>>)
      %dma_wait3A_184 = arith.constant 0 : i32
      %dma_wait3A_185 = tpu.memref_slice %arg11[%arg1, %dma_wait3A_184] : memref<16x10240xf32, #tpu.memory_space<vmem_shared>> -> memref<1x10240xf32, #tpu.memory_space<vmem_shared>>
      %dma_wait3A_186 = tpu.memref_squeeze %dma_wait3A_185 : memref<1x10240xf32, #tpu.memory_space<vmem_shared>> -> memref<10240xf32, #tpu.memory_space<vmem_shared>>
      %dma_wait3A_187 = arith.constant 0 : i32
      %dma_wait3A_188 = tpu.memref_slice %arg11[%arg1, %dma_wait3A_187] : memref<16x10240xf32, #tpu.memory_space<vmem_shared>> -> memref<1x10240xf32, #tpu.memory_space<vmem_shared>>
      %dma_wait3A_189 = tpu.memref_squeeze %dma_wait3A_188 : memref<1x10240xf32, #tpu.memory_space<vmem_shared>> -> memref<10240xf32, #tpu.memory_space<vmem_shared>>
      tpu.wait_dma2 semaphore(%run_scoped3A_177 : memref<!tpu.dma_semaphore, #tpu.memory_space<semaphore_mem>>) src(%arg8 : memref<10240xf32, #tpu.memory_space<vmem>>) dst(%dma_wait3A_189 : memref<10240xf32, #tpu.memory_space<vmem_shared>>)
      tpu.yield
    }) : () -> ()
    %barrier3A = arith.constant 0 : index
    tpu.barrier barrier_id(%barrier3A)
    %mul3A_40 = arith.constant 640 : i32
    %mul3A_41 = arith.muli %arg1, %mul3A_40 : i32
    %multiple_of3A_42 = tpu.assume_multiple %mul3A_41, 128 : i32
    %scan3A_43 = arith.constant 0 : i32
    %scan3A_44 = arith.constant 0 : i32
    %scan3A_45 = arith.constant 40 : i32
    %scan3A_46 = arith.addi %scan3A_44, %scan3A_45 : i32
    %scan3A_47 = arith.constant 1 : i32
    %scan3A_48 = scf.for %scan3A_177 = %scan3A_44 to %scan3A_46 step %scan3A_47 iter_args(%scan3A_178 = %scan3A_43) -> (i32)  : i32 {
      %mul3A_179 = arith.constant 16 : i32
      %mul3A_180 = arith.muli %scan3A_177, %mul3A_179 : i32
      %multiple_of3A_181 = tpu.assume_multiple %mul3A_180, 16 : i32
      %swap3A = arith.index_cast %multiple_of3A_181 : i32 to index
      %swap3A_182 = tpu.vector_load %arg9[%swap3A] {strides = array<i32>} : memref<640xf32, #tpu.memory_space<vmem>>, vector<16xf32>,
      tpu.vector_store %arg9[%swap3A], %broadcast_in_dim3A_1 {strides = array<i32>} : memref<640xf32, #tpu.memory_space<vmem>>, vector<16xf32>,
      %scan3A_183 = arith.constant 0 : i32
      scf.yield %scan3A_183 : i32
    }
    %scan3A_49 = arith.constant 40 : i32
    %run_scoped3A = arith.constant 0 : i32
    "tpu.region"() ({
      %run_scoped3A_177 = tpu.sem_alloc : memref<!tpu.dma_semaphore, #tpu.memory_space<semaphore_mem>>
      %dma_start3A_178 = tpu.memref_slice %arg11[%run_scoped3A, %multiple_of3A_42] : memref<16x10240xf32, #tpu.memory_space<vmem_shared>> -> memref<1x640xf32, #tpu.memory_space<vmem_shared>>
      %dma_start3A_179 = tpu.memref_squeeze %dma_start3A_178 : memref<1x640xf32, #tpu.memory_space<vmem_shared>> -> memref<640xf32, #tpu.memory_space<vmem_shared>>
      %dma_start3A_180 = tpu.memref_slice %arg11[%run_scoped3A, %multiple_of3A_42] : memref<16x10240xf32, #tpu.memory_space<vmem_shared>> -> memref<1x640xf32, #tpu.memory_space<vmem_shared>>
      %dma_start3A_181 = tpu.memref_squeeze %dma_start3A_180 : memref<1x640xf32, #tpu.memory_space<vmem_shared>> -> memref<640xf32, #tpu.memory_space<vmem_shared>>
      tpu.enqueue_dma source(%dma_start3A_181 : memref<640xf32, #tpu.memory_space<vmem_shared>>) target(%arg10 : memref<640xf32, #tpu.memory_space<vmem>>) target_semaphore(%run_scoped3A_177 : memref<!tpu.dma_semaphore, #tpu.memory_space<semaphore_mem>>)
      %dma_wait3A_182 = tpu.memref_slice %arg11[%run_scoped3A, %multiple_of3A_42] : memref<16x10240xf32, #tpu.memory_space<vmem_shared>> -> memref<1x640xf32, #tpu.memory_space<vmem_shared>>
      %dma_wait3A_183 = tpu.memref_squeeze %dma_wait3A_182 : memref<1x640xf32, #tpu.memory_space<vmem_shared>> -> memref<640xf32, #tpu.memory_space<vmem_shared>>
      %dma_wait3A_184 = tpu.memref_slice %arg11[%run_scoped3A, %multiple_of3A_42] : memref<16x10240xf32, #tpu.memory_space<vmem_shared>> -> memref<1x640xf32, #tpu.memory_space<vmem_shared>>
      %dma_wait3A_185 = tpu.memref_squeeze %dma_wait3A_184 : memref<1x640xf32, #tpu.memory_space<vmem_shared>> -> memref<640xf32, #tpu.memory_space<vmem_shared>>
      tpu.wait_dma2 semaphore(%run_scoped3A_177 : memref<!tpu.dma_semaphore, #tpu.memory_space<semaphore_mem>>) src(%dma_wait3A_185 : memref<640xf32, #tpu.memory_space<vmem_shared>>) dst(%arg10 : memref<640xf32, #tpu.memory_space<vmem>>)
      tpu.yield
    }) : () -> ()
    %scan3A_50 = arith.constant 0 : i32
    %scan3A_51 = arith.constant 0 : i32
    %scan3A_52 = arith.constant 40 : i32
    %scan3A_53 = arith.addi %scan3A_51, %scan3A_52 : i32
    %scan3A_54 = arith.constant 1 : i32
    %scan3A_55 = scf.for %scan3A_177 = %scan3A_51 to %scan3A_53 step %scan3A_54 iter_args(%scan3A_178 = %scan3A_50) -> (i32)  : i32 {
      %mul3A_179 = arith.constant 16 : i32
      %mul3A_180 = arith.muli %scan3A_177, %mul3A_179 : i32
      %multiple_of3A_181 = tpu.assume_multiple %mul3A_180, 16 : i32
      %get3A = arith.index_cast %multiple_of3A_181 : i32 to index
      %get3A_182 = tpu.vector_load %arg9[%get3A] {strides = array<i32>} : memref<640xf32, #tpu.memory_space<vmem>>, vector<16xf32>,
      %get3A_183 = arith.index_cast %multiple_of3A_181 : i32 to index
      %get3A_184 = tpu.vector_load %arg10[%get3A_183] {strides = array<i32>} : memref<640xf32, #tpu.memory_space<vmem>>, vector<16xf32>,
      %add3A_185 = arith.addf %get3A_182, %get3A_184 : vector<16xf32>
      %swap3A = arith.index_cast %multiple_of3A_181 : i32 to index
      %swap3A_186 = tpu.vector_load %arg9[%swap3A] {strides = array<i32>} : memref<640xf32, #tpu.memory_space<vmem>>, vector<16xf32>,
      tpu.vector_store %arg9[%swap3A], %add3A_185 {strides = array<i32>} : memref<640xf32, #tpu.memory_space<vmem>>, vector<16xf32>,
      %scan3A_187 = arith.constant 0 : i32
      scf.yield %scan3A_187 : i32
    }
    %scan3A_56 = arith.constant 40 : i32
    %run_scoped3A_57 = arith.constant 1 : i32
    "tpu.region"() ({
      %run_scoped3A_177 = tpu.sem_alloc : memref<!tpu.dma_semaphore, #tpu.memory_space<semaphore_mem>>
      %dma_start3A_178 = tpu.memref_slice %arg11[%run_scoped3A_57, %multiple_of3A_42] : memref<16x10240xf32, #tpu.memory_space<vmem_shared>> -> memref<1x640xf32, #tpu.memory_space<vmem_shared>>
      %dma_start3A_179 = tpu.memref_squeeze %dma_start3A_178 : memref<1x640xf32, #tpu.memory_space<vmem_shared>> -> memref<640xf32, #tpu.memory_space<vmem_shared>>
      %dma_start3A_180 = tpu.memref_slice %arg11[%run_scoped3A_57, %multiple_of3A_42] : memref<16x10240xf32, #tpu.memory_space<vmem_shared>> -> memref<1x640xf32, #tpu.memory_space<vmem_shared>>
      %dma_start3A_181 = tpu.memref_squeeze %dma_start3A_180 : memref<1x640xf32, #tpu.memory_space<vmem_shared>> -> memref<640xf32, #tpu.memory_space<vmem_shared>>
      tpu.enqueue_dma source(%dma_start3A_181 : memref<640xf32, #tpu.memory_space<vmem_shared>>) target(%arg10 : memref<640xf32, #tpu.memory_space<vmem>>) target_semaphore(%run_scoped3A_177 : memref<!tpu.dma_semaphore, #tpu.memory_space<semaphore_mem>>)
      %dma_wait3A_182 = tpu.memref_slice %arg11[%run_scoped3A_57, %multiple_of3A_42] : memref<16x10240xf32, #tpu.memory_space<vmem_shared>> -> memref<1x640xf32, #tpu.memory_space<vmem_shared>>
      %dma_wait3A_183 = tpu.memref_squeeze %dma_wait3A_182 : memref<1x640xf32, #tpu.memory_space<vmem_shared>> -> memref<640xf32, #tpu.memory_space<vmem_shared>>
      %dma_wait3A_184 = tpu.memref_slice %arg11[%run_scoped3A_57, %multiple_of3A_42] : memref<16x10240xf32, #tpu.memory_space<vmem_shared>> -> memref<1x640xf32, #tpu.memory_space<vmem_shared>>
      %dma_wait3A_185 = tpu.memref_squeeze %dma_wait3A_184 : memref<1x640xf32, #tpu.memory_space<vmem_shared>> -> memref<640xf32, #tpu.memory_space<vmem_shared>>
      tpu.wait_dma2 semaphore(%run_scoped3A_177 : memref<!tpu.dma_semaphore, #tpu.memory_space<semaphore_mem>>) src(%dma_wait3A_185 : memref<640xf32, #tpu.memory_space<vmem_shared>>) dst(%arg10 : memref<640xf32, #tpu.memory_space<vmem>>)
      tpu.yield
    }) : () -> ()
    %scan3A_58 = arith.constant 0 : i32
    %scan3A_59 = arith.constant 0 : i32
    %scan3A_60 = arith.constant 40 : i32
    %scan3A_61 = arith.addi %scan3A_59, %scan3A_60 : i32
    %scan3A_62 = arith.constant 1 : i32
    %scan3A_63 = scf.for %scan3A_177 = %scan3A_59 to %scan3A_61 step %scan3A_62 iter_args(%scan3A_178 = %scan3A_58) -> (i32)  : i32 {
      %mul3A_179 = arith.constant 16 : i32
      %mul3A_180 = arith.muli %scan3A_177, %mul3A_179 : i32
      %multiple_of3A_181 = tpu.assume_multiple %mul3A_180, 16 : i32
      %get3A = arith.index_cast %multiple_of3A_181 : i32 to index
      %get3A_182 = tpu.vector_load %arg9[%get3A] {strides = array<i32>} : memref<640xf32, #tpu.memory_space<vmem>>, vector<16xf32>,
      %get3A_183 = arith.index_cast %multiple_of3A_181 : i32 to index
      %get3A_184 = tpu.vector_load %arg10[%get3A_183] {strides = array<i32>} : memref<640xf32, #tpu.memory_space<vmem>>, vector<16xf32>,
      %add3A_185 = arith.addf %get3A_182, %get3A_184 : vector<16xf32>
      %swap3A = arith.index_cast %multiple_of3A_181 : i32 to index
      %swap3A_186 = tpu.vector_load %arg9[%swap3A] {strides = array<i32>} : memref<640xf32, #tpu.memory_space<vmem>>, vector<16xf32>,
      tpu.vector_store %arg9[%swap3A], %add3A_185 {strides = array<i32>} : memref<640xf32, #tpu.memory_space<vmem>>, vector<16xf32>,
      %scan3A_187 = arith.constant 0 : i32
      scf.yield %scan3A_187 : i32
    }
    %scan3A_64 = arith.constant 40 : i32
    %run_scoped3A_65 = arith.constant 2 : i32
    "tpu.region"() ({
      %run_scoped3A_177 = tpu.sem_alloc : memref<!tpu.dma_semaphore, #tpu.memory_space<semaphore_mem>>
      %dma_start3A_178 = tpu.memref_slice %arg11[%run_scoped3A_65, %multiple_of3A_42] : memref<16x10240xf32, #tpu.memory_space<vmem_shared>> -> memref<1x640xf32, #tpu.memory_space<vmem_shared>>
      %dma_start3A_179 = tpu.memref_squeeze %dma_start3A_178 : memref<1x640xf32, #tpu.memory_space<vmem_shared>> -> memref<640xf32, #tpu.memory_space<vmem_shared>>
      %dma_start3A_180 = tpu.memref_slice %arg11[%run_scoped3A_65, %multiple_of3A_42] : memref<16x10240xf32, #tpu.memory_space<vmem_shared>> -> memref<1x640xf32, #tpu.memory_space<vmem_shared>>
      %dma_start3A_181 = tpu.memref_squeeze %dma_start3A_180 : memref<1x640xf32, #tpu.memory_space<vmem_shared>> -> memref<640xf32, #tpu.memory_space<vmem_shared>>
      tpu.enqueue_dma source(%dma_start3A_181 : memref<640xf32, #tpu.memory_space<vmem_shared>>) target(%arg10 : memref<640xf32, #tpu.memory_space<vmem>>) target_semaphore(%run_scoped3A_177 : memref<!tpu.dma_semaphore, #tpu.memory_space<semaphore_mem>>)
      %dma_wait3A_182 = tpu.memref_slice %arg11[%run_scoped3A_65, %multiple_of3A_42] : memref<16x10240xf32, #tpu.memory_space<vmem_shared>> -> memref<1x640xf32, #tpu.memory_space<vmem_shared>>
      %dma_wait3A_183 = tpu.memref_squeeze %dma_wait3A_182 : memref<1x640xf32, #tpu.memory_space<vmem_shared>> -> memref<640xf32, #tpu.memory_space<vmem_shared>>
      %dma_wait3A_184 = tpu.memref_slice %arg11[%run_scoped3A_65, %multiple_of3A_42] : memref<16x10240xf32, #tpu.memory_space<vmem_shared>> -> memref<1x640xf32, #tpu.memory_space<vmem_shared>>
      %dma_wait3A_185 = tpu.memref_squeeze %dma_wait3A_184 : memref<1x640xf32, #tpu.memory_space<vmem_shared>> -> memref<640xf32, #tpu.memory_space<vmem_shared>>
      tpu.wait_dma2 semaphore(%run_scoped3A_177 : memref<!tpu.dma_semaphore, #tpu.memory_space<semaphore_mem>>) src(%dma_wait3A_185 : memref<640xf32, #tpu.memory_space<vmem_shared>>) dst(%arg10 : memref<640xf32, #tpu.memory_space<vmem>>)
      tpu.yield
    }) : () -> ()
    %scan3A_66 = arith.constant 0 : i32
    %scan3A_67 = arith.constant 0 : i32
    %scan3A_68 = arith.constant 40 : i32
    %scan3A_69 = arith.addi %scan3A_67, %scan3A_68 : i32
    %scan3A_70 = arith.constant 1 : i32
    %scan3A_71 = scf.for %scan3A_177 = %scan3A_67 to %scan3A_69 step %scan3A_70 iter_args(%scan3A_178 = %scan3A_66) -> (i32)  : i32 {
      %mul3A_179 = arith.constant 16 : i32
      %mul3A_180 = arith.muli %scan3A_177, %mul3A_179 : i32
      %multiple_of3A_181 = tpu.assume_multiple %mul3A_180, 16 : i32
      %get3A = arith.index_cast %multiple_of3A_181 : i32 to index
      %get3A_182 = tpu.vector_load %arg9[%get3A] {strides = array<i32>} : memref<640xf32, #tpu.memory_space<vmem>>, vector<16xf32>,
      %get3A_183 = arith.index_cast %multiple_of3A_181 : i32 to index
      %get3A_184 = tpu.vector_load %arg10[%get3A_183] {strides = array<i32>} : memref<640xf32, #tpu.memory_space<vmem>>, vector<16xf32>,
      %add3A_185 = arith.addf %get3A_182, %get3A_184 : vector<16xf32>
      %swap3A = arith.index_cast %multiple_of3A_181 : i32 to index
      %swap3A_186 = tpu.vector_load %arg9[%swap3A] {strides = array<i32>} : memref<640xf32, #tpu.memory_space<vmem>>, vector<16xf32>,
      tpu.vector_store %arg9[%swap3A], %add3A_185 {strides = array<i32>} : memref<640xf32, #tpu.memory_space<vmem>>, vector<16xf32>,
      %scan3A_187 = arith.constant 0 : i32
      scf.yield %scan3A_187 : i32
    }
    %scan3A_72 = arith.constant 40 : i32
    %run_scoped3A_73 = arith.constant 3 : i32
    "tpu.region"() ({
      %run_scoped3A_177 = tpu.sem_alloc : memref<!tpu.dma_semaphore, #tpu.memory_space<semaphore_mem>>
      %dma_start3A_178 = tpu.memref_slice %arg11[%run_scoped3A_73, %multiple_of3A_42] : memref<16x10240xf32, #tpu.memory_space<vmem_shared>> -> memref<1x640xf32, #tpu.memory_space<vmem_shared>>
      %dma_start3A_179 = tpu.memref_squeeze %dma_start3A_178 : memref<1x640xf32, #tpu.memory_space<vmem_shared>> -> memref<640xf32, #tpu.memory_space<vmem_shared>>
      %dma_start3A_180 = tpu.memref_slice %arg11[%run_scoped3A_73, %multiple_of3A_42] : memref<16x10240xf32, #tpu.memory_space<vmem_shared>> -> memref<1x640xf32, #tpu.memory_space<vmem_shared>>
      %dma_start3A_181 = tpu.memref_squeeze %dma_start3A_180 : memref<1x640xf32, #tpu.memory_space<vmem_shared>> -> memref<640xf32, #tpu.memory_space<vmem_shared>>
      tpu.enqueue_dma source(%dma_start3A_181 : memref<640xf32, #tpu.memory_space<vmem_shared>>) target(%arg10 : memref<640xf32, #tpu.memory_space<vmem>>) target_semaphore(%run_scoped3A_177 : memref<!tpu.dma_semaphore, #tpu.memory_space<semaphore_mem>>)
      %dma_wait3A_182 = tpu.memref_slice %arg11[%run_scoped3A_73, %multiple_of3A_42] : memref<16x10240xf32, #tpu.memory_space<vmem_shared>> -> memref<1x640xf32, #tpu.memory_space<vmem_shared>>
      %dma_wait3A_183 = tpu.memref_squeeze %dma_wait3A_182 : memref<1x640xf32, #tpu.memory_space<vmem_shared>> -> memref<640xf32, #tpu.memory_space<vmem_shared>>
      %dma_wait3A_184 = tpu.memref_slice %arg11[%run_scoped3A_73, %multiple_of3A_42] : memref<16x10240xf32, #tpu.memory_space<vmem_shared>> -> memref<1x640xf32, #tpu.memory_space<vmem_shared>>
      %dma_wait3A_185 = tpu.memref_squeeze %dma_wait3A_184 : memref<1x640xf32, #tpu.memory_space<vmem_shared>> -> memref<640xf32, #tpu.memory_space<vmem_shared>>
      tpu.wait_dma2 semaphore(%run_scoped3A_177 : memref<!tpu.dma_semaphore, #tpu.memory_space<semaphore_mem>>) src(%dma_wait3A_185 : memref<640xf32, #tpu.memory_space<vmem_shared>>) dst(%arg10 : memref<640xf32, #tpu.memory_space<vmem>>)
      tpu.yield
    }) : () -> ()
    %scan3A_74 = arith.constant 0 : i32
    %scan3A_75 = arith.constant 0 : i32
    %scan3A_76 = arith.constant 40 : i32
    %scan3A_77 = arith.addi %scan3A_75, %scan3A_76 : i32
    %scan3A_78 = arith.constant 1 : i32
    %scan3A_79 = scf.for %scan3A_177 = %scan3A_75 to %scan3A_77 step %scan3A_78 iter_args(%scan3A_178 = %scan3A_74) -> (i32)  : i32 {
      %mul3A_179 = arith.constant 16 : i32
      %mul3A_180 = arith.muli %scan3A_177, %mul3A_179 : i32
      %multiple_of3A_181 = tpu.assume_multiple %mul3A_180, 16 : i32
      %get3A = arith.index_cast %multiple_of3A_181 : i32 to index
      %get3A_182 = tpu.vector_load %arg9[%get3A] {strides = array<i32>} : memref<640xf32, #tpu.memory_space<vmem>>, vector<16xf32>,
      %get3A_183 = arith.index_cast %multiple_of3A_181 : i32 to index
      %get3A_184 = tpu.vector_load %arg10[%get3A_183] {strides = array<i32>} : memref<640xf32, #tpu.memory_space<vmem>>, vector<16xf32>,
      %add3A_185 = arith.addf %get3A_182, %get3A_184 : vector<16xf32>
      %swap3A = arith.index_cast %multiple_of3A_181 : i32 to index
      %swap3A_186 = tpu.vector_load %arg9[%swap3A] {strides = array<i32>} : memref<640xf32, #tpu.memory_space<vmem>>, vector<16xf32>,
      tpu.vector_store %arg9[%swap3A], %add3A_185 {strides = array<i32>} : memref<640xf32, #tpu.memory_space<vmem>>, vector<16xf32>,
      %scan3A_187 = arith.constant 0 : i32
      scf.yield %scan3A_187 : i32
    }
    %scan3A_80 = arith.constant 40 : i32
    %run_scoped3A_81 = arith.constant 4 : i32
    "tpu.region"() ({
      %run_scoped3A_177 = tpu.sem_alloc : memref<!tpu.dma_semaphore, #tpu.memory_space<semaphore_mem>>
      %dma_start3A_178 = tpu.memref_slice %arg11[%run_scoped3A_81, %multiple_of3A_42] : memref<16x10240xf32, #tpu.memory_space<vmem_shared>> -> memref<1x640xf32, #tpu.memory_space<vmem_shared>>
      %dma_start3A_179 = tpu.memref_squeeze %dma_start3A_178 : memref<1x640xf32, #tpu.memory_space<vmem_shared>> -> memref<640xf32, #tpu.memory_space<vmem_shared>>
      %dma_start3A_180 = tpu.memref_slice %arg11[%run_scoped3A_81, %multiple_of3A_42] : memref<16x10240xf32, #tpu.memory_space<vmem_shared>> -> memref<1x640xf32, #tpu.memory_space<vmem_shared>>
      %dma_start3A_181 = tpu.memref_squeeze %dma_start3A_180 : memref<1x640xf32, #tpu.memory_space<vmem_shared>> -> memref<640xf32, #tpu.memory_space<vmem_shared>>
      tpu.enqueue_dma source(%dma_start3A_181 : memref<640xf32, #tpu.memory_space<vmem_shared>>) target(%arg10 : memref<640xf32, #tpu.memory_space<vmem>>) target_semaphore(%run_scoped3A_177 : memref<!tpu.dma_semaphore, #tpu.memory_space<semaphore_mem>>)
      %dma_wait3A_182 = tpu.memref_slice %arg11[%run_scoped3A_81, %multiple_of3A_42] : memref<16x10240xf32, #tpu.memory_space<vmem_shared>> -> memref<1x640xf32, #tpu.memory_space<vmem_shared>>
      %dma_wait3A_183 = tpu.memref_squeeze %dma_wait3A_182 : memref<1x640xf32, #tpu.memory_space<vmem_shared>> -> memref<640xf32, #tpu.memory_space<vmem_shared>>
      %dma_wait3A_184 = tpu.memref_slice %arg11[%run_scoped3A_81, %multiple_of3A_42] : memref<16x10240xf32, #tpu.memory_space<vmem_shared>> -> memref<1x640xf32, #tpu.memory_space<vmem_shared>>
      %dma_wait3A_185 = tpu.memref_squeeze %dma_wait3A_184 : memref<1x640xf32, #tpu.memory_space<vmem_shared>> -> memref<640xf32, #tpu.memory_space<vmem_shared>>
      tpu.wait_dma2 semaphore(%run_scoped3A_177 : memref<!tpu.dma_semaphore, #tpu.memory_space<semaphore_mem>>) src(%dma_wait3A_185 : memref<640xf32, #tpu.memory_space<vmem_shared>>) dst(%arg10 : memref<640xf32, #tpu.memory_space<vmem>>)
      tpu.yield
    }) : () -> ()
    %scan3A_82 = arith.constant 0 : i32
    %scan3A_83 = arith.constant 0 : i32
    %scan3A_84 = arith.constant 40 : i32
    %scan3A_85 = arith.addi %scan3A_83, %scan3A_84 : i32
    %scan3A_86 = arith.constant 1 : i32
    %scan3A_87 = scf.for %scan3A_177 = %scan3A_83 to %scan3A_85 step %scan3A_86 iter_args(%scan3A_178 = %scan3A_82) -> (i32)  : i32 {
      %mul3A_179 = arith.constant 16 : i32
      %mul3A_180 = arith.muli %scan3A_177, %mul3A_179 : i32
      %multiple_of3A_181 = tpu.assume_multiple %mul3A_180, 16 : i32
      %get3A = arith.index_cast %multiple_of3A_181 : i32 to index
      %get3A_182 = tpu.vector_load %arg9[%get3A] {strides = array<i32>} : memref<640xf32, #tpu.memory_space<vmem>>, vector<16xf32>,
      %get3A_183 = arith.index_cast %multiple_of3A_181 : i32 to index
      %get3A_184 = tpu.vector_load %arg10[%get3A_183] {strides = array<i32>} : memref<640xf32, #tpu.memory_space<vmem>>, vector<16xf32>,
      %add3A_185 = arith.addf %get3A_182, %get3A_184 : vector<16xf32>
      %swap3A = arith.index_cast %multiple_of3A_181 : i32 to index
      %swap3A_186 = tpu.vector_load %arg9[%swap3A] {strides = array<i32>} : memref<640xf32, #tpu.memory_space<vmem>>, vector<16xf32>,
      tpu.vector_store %arg9[%swap3A], %add3A_185 {strides = array<i32>} : memref<640xf32, #tpu.memory_space<vmem>>, vector<16xf32>,
      %scan3A_187 = arith.constant 0 : i32
      scf.yield %scan3A_187 : i32
    }
    %scan3A_88 = arith.constant 40 : i32
    %run_scoped3A_89 = arith.constant 5 : i32
    "tpu.region"() ({
      %run_scoped3A_177 = tpu.sem_alloc : memref<!tpu.dma_semaphore, #tpu.memory_space<semaphore_mem>>
      %dma_start3A_178 = tpu.memref_slice %arg11[%run_scoped3A_89, %multiple_of3A_42] : memref<16x10240xf32, #tpu.memory_space<vmem_shared>> -> memref<1x640xf32, #tpu.memory_space<vmem_shared>>
      %dma_start3A_179 = tpu.memref_squeeze %dma_start3A_178 : memref<1x640xf32, #tpu.memory_space<vmem_shared>> -> memref<640xf32, #tpu.memory_space<vmem_shared>>
      %dma_start3A_180 = tpu.memref_slice %arg11[%run_scoped3A_89, %multiple_of3A_42] : memref<16x10240xf32, #tpu.memory_space<vmem_shared>> -> memref<1x640xf32, #tpu.memory_space<vmem_shared>>
      %dma_start3A_181 = tpu.memref_squeeze %dma_start3A_180 : memref<1x640xf32, #tpu.memory_space<vmem_shared>> -> memref<640xf32, #tpu.memory_space<vmem_shared>>
      tpu.enqueue_dma source(%dma_start3A_181 : memref<640xf32, #tpu.memory_space<vmem_shared>>) target(%arg10 : memref<640xf32, #tpu.memory_space<vmem>>) target_semaphore(%run_scoped3A_177 : memref<!tpu.dma_semaphore, #tpu.memory_space<semaphore_mem>>)
      %dma_wait3A_182 = tpu.memref_slice %arg11[%run_scoped3A_89, %multiple_of3A_42] : memref<16x10240xf32, #tpu.memory_space<vmem_shared>> -> memref<1x640xf32, #tpu.memory_space<vmem_shared>>
      %dma_wait3A_183 = tpu.memref_squeeze %dma_wait3A_182 : memref<1x640xf32, #tpu.memory_space<vmem_shared>> -> memref<640xf32, #tpu.memory_space<vmem_shared>>
      %dma_wait3A_184 = tpu.memref_slice %arg11[%run_scoped3A_89, %multiple_of3A_42] : memref<16x10240xf32, #tpu.memory_space<vmem_shared>> -> memref<1x640xf32, #tpu.memory_space<vmem_shared>>
      %dma_wait3A_185 = tpu.memref_squeeze %dma_wait3A_184 : memref<1x640xf32, #tpu.memory_space<vmem_shared>> -> memref<640xf32, #tpu.memory_space<vmem_shared>>
      tpu.wait_dma2 semaphore(%run_scoped3A_177 : memref<!tpu.dma_semaphore, #tpu.memory_space<semaphore_mem>>) src(%dma_wait3A_185 : memref<640xf32, #tpu.memory_space<vmem_shared>>) dst(%arg10 : memref<640xf32, #tpu.memory_space<vmem>>)
      tpu.yield
    }) : () -> ()
    %scan3A_90 = arith.constant 0 : i32
    %scan3A_91 = arith.constant 0 : i32
    %scan3A_92 = arith.constant 40 : i32
    %scan3A_93 = arith.addi %scan3A_91, %scan3A_92 : i32
    %scan3A_94 = arith.constant 1 : i32
    %scan3A_95 = scf.for %scan3A_177 = %scan3A_91 to %scan3A_93 step %scan3A_94 iter_args(%scan3A_178 = %scan3A_90) -> (i32)  : i32 {
      %mul3A_179 = arith.constant 16 : i32
      %mul3A_180 = arith.muli %scan3A_177, %mul3A_179 : i32
      %multiple_of3A_181 = tpu.assume_multiple %mul3A_180, 16 : i32
      %get3A = arith.index_cast %multiple_of3A_181 : i32 to index
      %get3A_182 = tpu.vector_load %arg9[%get3A] {strides = array<i32>} : memref<640xf32, #tpu.memory_space<vmem>>, vector<16xf32>,
      %get3A_183 = arith.index_cast %multiple_of3A_181 : i32 to index
      %get3A_184 = tpu.vector_load %arg10[%get3A_183] {strides = array<i32>} : memref<640xf32, #tpu.memory_space<vmem>>, vector<16xf32>,
      %add3A_185 = arith.addf %get3A_182, %get3A_184 : vector<16xf32>
      %swap3A = arith.index_cast %multiple_of3A_181 : i32 to index
      %swap3A_186 = tpu.vector_load %arg9[%swap3A] {strides = array<i32>} : memref<640xf32, #tpu.memory_space<vmem>>, vector<16xf32>,
      tpu.vector_store %arg9[%swap3A], %add3A_185 {strides = array<i32>} : memref<640xf32, #tpu.memory_space<vmem>>, vector<16xf32>,
      %scan3A_187 = arith.constant 0 : i32
      scf.yield %scan3A_187 : i32
    }
    %scan3A_96 = arith.constant 40 : i32
    %run_scoped3A_97 = arith.constant 6 : i32
    "tpu.region"() ({
      %run_scoped3A_177 = tpu.sem_alloc : memref<!tpu.dma_semaphore, #tpu.memory_space<semaphore_mem>>
      %dma_start3A_178 = tpu.memref_slice %arg11[%run_scoped3A_97, %multiple_of3A_42] : memref<16x10240xf32, #tpu.memory_space<vmem_shared>> -> memref<1x640xf32, #tpu.memory_space<vmem_shared>>
      %dma_start3A_179 = tpu.memref_squeeze %dma_start3A_178 : memref<1x640xf32, #tpu.memory_space<vmem_shared>> -> memref<640xf32, #tpu.memory_space<vmem_shared>>
      %dma_start3A_180 = tpu.memref_slice %arg11[%run_scoped3A_97, %multiple_of3A_42] : memref<16x10240xf32, #tpu.memory_space<vmem_shared>> -> memref<1x640xf32, #tpu.memory_space<vmem_shared>>
      %dma_start3A_181 = tpu.memref_squeeze %dma_start3A_180 : memref<1x640xf32, #tpu.memory_space<vmem_shared>> -> memref<640xf32, #tpu.memory_space<vmem_shared>>
      tpu.enqueue_dma source(%dma_start3A_181 : memref<640xf32, #tpu.memory_space<vmem_shared>>) target(%arg10 : memref<640xf32, #tpu.memory_space<vmem>>) target_semaphore(%run_scoped3A_177 : memref<!tpu.dma_semaphore, #tpu.memory_space<semaphore_mem>>)
      %dma_wait3A_182 = tpu.memref_slice %arg11[%run_scoped3A_97, %multiple_of3A_42] : memref<16x10240xf32, #tpu.memory_space<vmem_shared>> -> memref<1x640xf32, #tpu.memory_space<vmem_shared>>
      %dma_wait3A_183 = tpu.memref_squeeze %dma_wait3A_182 : memref<1x640xf32, #tpu.memory_space<vmem_shared>> -> memref<640xf32, #tpu.memory_space<vmem_shared>>
      %dma_wait3A_184 = tpu.memref_slice %arg11[%run_scoped3A_97, %multiple_of3A_42] : memref<16x10240xf32, #tpu.memory_space<vmem_shared>> -> memref<1x640xf32, #tpu.memory_space<vmem_shared>>
      %dma_wait3A_185 = tpu.memref_squeeze %dma_wait3A_184 : memref<1x640xf32, #tpu.memory_space<vmem_shared>> -> memref<640xf32, #tpu.memory_space<vmem_shared>>
      tpu.wait_dma2 semaphore(%run_scoped3A_177 : memref<!tpu.dma_semaphore, #tpu.memory_space<semaphore_mem>>) src(%dma_wait3A_185 : memref<640xf32, #tpu.memory_space<vmem_shared>>) dst(%arg10 : memref<640xf32, #tpu.memory_space<vmem>>)
      tpu.yield
    }) : () -> ()
    %scan3A_98 = arith.constant 0 : i32
    %scan3A_99 = arith.constant 0 : i32
    %scan3A_100 = arith.constant 40 : i32
    %scan3A_101 = arith.addi %scan3A_99, %scan3A_100 : i32
    %scan3A_102 = arith.constant 1 : i32
    %scan3A_103 = scf.for %scan3A_177 = %scan3A_99 to %scan3A_101 step %scan3A_102 iter_args(%scan3A_178 = %scan3A_98) -> (i32)  : i32 {
      %mul3A_179 = arith.constant 16 : i32
      %mul3A_180 = arith.muli %scan3A_177, %mul3A_179 : i32
      %multiple_of3A_181 = tpu.assume_multiple %mul3A_180, 16 : i32
      %get3A = arith.index_cast %multiple_of3A_181 : i32 to index
      %get3A_182 = tpu.vector_load %arg9[%get3A] {strides = array<i32>} : memref<640xf32, #tpu.memory_space<vmem>>, vector<16xf32>,
      %get3A_183 = arith.index_cast %multiple_of3A_181 : i32 to index
      %get3A_184 = tpu.vector_load %arg10[%get3A_183] {strides = array<i32>} : memref<640xf32, #tpu.memory_space<vmem>>, vector<16xf32>,
      %add3A_185 = arith.addf %get3A_182, %get3A_184 : vector<16xf32>
      %swap3A = arith.index_cast %multiple_of3A_181 : i32 to index
      %swap3A_186 = tpu.vector_load %arg9[%swap3A] {strides = array<i32>} : memref<640xf32, #tpu.memory_space<vmem>>, vector<16xf32>,
      tpu.vector_store %arg9[%swap3A], %add3A_185 {strides = array<i32>} : memref<640xf32, #tpu.memory_space<vmem>>, vector<16xf32>,
      %scan3A_187 = arith.constant 0 : i32
      scf.yield %scan3A_187 : i32
    }
    %scan3A_104 = arith.constant 40 : i32
    %run_scoped3A_105 = arith.constant 7 : i32
    "tpu.region"() ({
      %run_scoped3A_177 = tpu.sem_alloc : memref<!tpu.dma_semaphore, #tpu.memory_space<semaphore_mem>>
      %dma_start3A_178 = tpu.memref_slice %arg11[%run_scoped3A_105, %multiple_of3A_42] : memref<16x10240xf32, #tpu.memory_space<vmem_shared>> -> memref<1x640xf32, #tpu.memory_space<vmem_shared>>
      %dma_start3A_179 = tpu.memref_squeeze %dma_start3A_178 : memref<1x640xf32, #tpu.memory_space<vmem_shared>> -> memref<640xf32, #tpu.memory_space<vmem_shared>>
      %dma_start3A_180 = tpu.memref_slice %arg11[%run_scoped3A_105, %multiple_of3A_42] : memref<16x10240xf32, #tpu.memory_space<vmem_shared>> -> memref<1x640xf32, #tpu.memory_space<vmem_shared>>
      %dma_start3A_181 = tpu.memref_squeeze %dma_start3A_180 : memref<1x640xf32, #tpu.memory_space<vmem_shared>> -> memref<640xf32, #tpu.memory_space<vmem_shared>>
      tpu.enqueue_dma source(%dma_start3A_181 : memref<640xf32, #tpu.memory_space<vmem_shared>>) target(%arg10 : memref<640xf32, #tpu.memory_space<vmem>>) target_semaphore(%run_scoped3A_177 : memref<!tpu.dma_semaphore, #tpu.memory_space<semaphore_mem>>)
      %dma_wait3A_182 = tpu.memref_slice %arg11[%run_scoped3A_105, %multiple_of3A_42] : memref<16x10240xf32, #tpu.memory_space<vmem_shared>> -> memref<1x640xf32, #tpu.memory_space<vmem_shared>>
      %dma_wait3A_183 = tpu.memref_squeeze %dma_wait3A_182 : memref<1x640xf32, #tpu.memory_space<vmem_shared>> -> memref<640xf32, #tpu.memory_space<vmem_shared>>
      %dma_wait3A_184 = tpu.memref_slice %arg11[%run_scoped3A_105, %multiple_of3A_42] : memref<16x10240xf32, #tpu.memory_space<vmem_shared>> -> memref<1x640xf32, #tpu.memory_space<vmem_shared>>
      %dma_wait3A_185 = tpu.memref_squeeze %dma_wait3A_184 : memref<1x640xf32, #tpu.memory_space<vmem_shared>> -> memref<640xf32, #tpu.memory_space<vmem_shared>>
      tpu.wait_dma2 semaphore(%run_scoped3A_177 : memref<!tpu.dma_semaphore, #tpu.memory_space<semaphore_mem>>) src(%dma_wait3A_185 : memref<640xf32, #tpu.memory_space<vmem_shared>>) dst(%arg10 : memref<640xf32, #tpu.memory_space<vmem>>)
      tpu.yield
    }) : () -> ()
    %scan3A_106 = arith.constant 0 : i32
    %scan3A_107 = arith.constant 0 : i32
    %scan3A_108 = arith.constant 40 : i32
    %scan3A_109 = arith.addi %scan3A_107, %scan3A_108 : i32
    %scan3A_110 = arith.constant 1 : i32
    %scan3A_111 = scf.for %scan3A_177 = %scan3A_107 to %scan3A_109 step %scan3A_110 iter_args(%scan3A_178 = %scan3A_106) -> (i32)  : i32 {
      %mul3A_179 = arith.constant 16 : i32
      %mul3A_180 = arith.muli %scan3A_177, %mul3A_179 : i32
      %multiple_of3A_181 = tpu.assume_multiple %mul3A_180, 16 : i32
      %get3A = arith.index_cast %multiple_of3A_181 : i32 to index
      %get3A_182 = tpu.vector_load %arg9[%get3A] {strides = array<i32>} : memref<640xf32, #tpu.memory_space<vmem>>, vector<16xf32>,
      %get3A_183 = arith.index_cast %multiple_of3A_181 : i32 to index
      %get3A_184 = tpu.vector_load %arg10[%get3A_183] {strides = array<i32>} : memref<640xf32, #tpu.memory_space<vmem>>, vector<16xf32>,
      %add3A_185 = arith.addf %get3A_182, %get3A_184 : vector<16xf32>
      %swap3A = arith.index_cast %multiple_of3A_181 : i32 to index
      %swap3A_186 = tpu.vector_load %arg9[%swap3A] {strides = array<i32>} : memref<640xf32, #tpu.memory_space<vmem>>, vector<16xf32>,
      tpu.vector_store %arg9[%swap3A], %add3A_185 {strides = array<i32>} : memref<640xf32, #tpu.memory_space<vmem>>, vector<16xf32>,
      %scan3A_187 = arith.constant 0 : i32
      scf.yield %scan3A_187 : i32
    }
    %scan3A_112 = arith.constant 40 : i32
    %run_scoped3A_113 = arith.constant 8 : i32
    "tpu.region"() ({
      %run_scoped3A_177 = tpu.sem_alloc : memref<!tpu.dma_semaphore, #tpu.memory_space<semaphore_mem>>
      %dma_start3A_178 = tpu.memref_slice %arg11[%run_scoped3A_113, %multiple_of3A_42] : memref<16x10240xf32, #tpu.memory_space<vmem_shared>> -> memref<1x640xf32, #tpu.memory_space<vmem_shared>>
      %dma_start3A_179 = tpu.memref_squeeze %dma_start3A_178 : memref<1x640xf32, #tpu.memory_space<vmem_shared>> -> memref<640xf32, #tpu.memory_space<vmem_shared>>
      %dma_start3A_180 = tpu.memref_slice %arg11[%run_scoped3A_113, %multiple_of3A_42] : memref<16x10240xf32, #tpu.memory_space<vmem_shared>> -> memref<1x640xf32, #tpu.memory_space<vmem_shared>>
      %dma_start3A_181 = tpu.memref_squeeze %dma_start3A_180 : memref<1x640xf32, #tpu.memory_space<vmem_shared>> -> memref<640xf32, #tpu.memory_space<vmem_shared>>
      tpu.enqueue_dma source(%dma_start3A_181 : memref<640xf32, #tpu.memory_space<vmem_shared>>) target(%arg10 : memref<640xf32, #tpu.memory_space<vmem>>) target_semaphore(%run_scoped3A_177 : memref<!tpu.dma_semaphore, #tpu.memory_space<semaphore_mem>>)
      %dma_wait3A_182 = tpu.memref_slice %arg11[%run_scoped3A_113, %multiple_of3A_42] : memref<16x10240xf32, #tpu.memory_space<vmem_shared>> -> memref<1x640xf32, #tpu.memory_space<vmem_shared>>
      %dma_wait3A_183 = tpu.memref_squeeze %dma_wait3A_182 : memref<1x640xf32, #tpu.memory_space<vmem_shared>> -> memref<640xf32, #tpu.memory_space<vmem_shared>>
      %dma_wait3A_184 = tpu.memref_slice %arg11[%run_scoped3A_113, %multiple_of3A_42] : memref<16x10240xf32, #tpu.memory_space<vmem_shared>> -> memref<1x640xf32, #tpu.memory_space<vmem_shared>>
      %dma_wait3A_185 = tpu.memref_squeeze %dma_wait3A_184 : memref<1x640xf32, #tpu.memory_space<vmem_shared>> -> memref<640xf32, #tpu.memory_space<vmem_shared>>
      tpu.wait_dma2 semaphore(%run_scoped3A_177 : memref<!tpu.dma_semaphore, #tpu.memory_space<semaphore_mem>>) src(%dma_wait3A_185 : memref<640xf32, #tpu.memory_space<vmem_shared>>) dst(%arg10 : memref<640xf32, #tpu.memory_space<vmem>>)
      tpu.yield
    }) : () -> ()
    %scan3A_114 = arith.constant 0 : i32
    %scan3A_115 = arith.constant 0 : i32
    %scan3A_116 = arith.constant 40 : i32
    %scan3A_117 = arith.addi %scan3A_115, %scan3A_116 : i32
    %scan3A_118 = arith.constant 1 : i32
    %scan3A_119 = scf.for %scan3A_177 = %scan3A_115 to %scan3A_117 step %scan3A_118 iter_args(%scan3A_178 = %scan3A_114) -> (i32)  : i32 {
      %mul3A_179 = arith.constant 16 : i32
      %mul3A_180 = arith.muli %scan3A_177, %mul3A_179 : i32
      %multiple_of3A_181 = tpu.assume_multiple %mul3A_180, 16 : i32
      %get3A = arith.index_cast %multiple_of3A_181 : i32 to index
      %get3A_182 = tpu.vector_load %arg9[%get3A] {strides = array<i32>} : memref<640xf32, #tpu.memory_space<vmem>>, vector<16xf32>,
      %get3A_183 = arith.index_cast %multiple_of3A_181 : i32 to index
      %get3A_184 = tpu.vector_load %arg10[%get3A_183] {strides = array<i32>} : memref<640xf32, #tpu.memory_space<vmem>>, vector<16xf32>,
      %add3A_185 = arith.addf %get3A_182, %get3A_184 : vector<16xf32>
      %swap3A = arith.index_cast %multiple_of3A_181 : i32 to index
      %swap3A_186 = tpu.vector_load %arg9[%swap3A] {strides = array<i32>} : memref<640xf32, #tpu.memory_space<vmem>>, vector<16xf32>,
      tpu.vector_store %arg9[%swap3A], %add3A_185 {strides = array<i32>} : memref<640xf32, #tpu.memory_space<vmem>>, vector<16xf32>,
      %scan3A_187 = arith.constant 0 : i32
      scf.yield %scan3A_187 : i32
    }
    %scan3A_120 = arith.constant 40 : i32
    %run_scoped3A_121 = arith.constant 9 : i32
    "tpu.region"() ({
      %run_scoped3A_177 = tpu.sem_alloc : memref<!tpu.dma_semaphore, #tpu.memory_space<semaphore_mem>>
      %dma_start3A_178 = tpu.memref_slice %arg11[%run_scoped3A_121, %multiple_of3A_42] : memref<16x10240xf32, #tpu.memory_space<vmem_shared>> -> memref<1x640xf32, #tpu.memory_space<vmem_shared>>
      %dma_start3A_179 = tpu.memref_squeeze %dma_start3A_178 : memref<1x640xf32, #tpu.memory_space<vmem_shared>> -> memref<640xf32, #tpu.memory_space<vmem_shared>>
      %dma_start3A_180 = tpu.memref_slice %arg11[%run_scoped3A_121, %multiple_of3A_42] : memref<16x10240xf32, #tpu.memory_space<vmem_shared>> -> memref<1x640xf32, #tpu.memory_space<vmem_shared>>
      %dma_start3A_181 = tpu.memref_squeeze %dma_start3A_180 : memref<1x640xf32, #tpu.memory_space<vmem_shared>> -> memref<640xf32, #tpu.memory_space<vmem_shared>>
      tpu.enqueue_dma source(%dma_start3A_181 : memref<640xf32, #tpu.memory_space<vmem_shared>>) target(%arg10 : memref<640xf32, #tpu.memory_space<vmem>>) target_semaphore(%run_scoped3A_177 : memref<!tpu.dma_semaphore, #tpu.memory_space<semaphore_mem>>)
      %dma_wait3A_182 = tpu.memref_slice %arg11[%run_scoped3A_121, %multiple_of3A_42] : memref<16x10240xf32, #tpu.memory_space<vmem_shared>> -> memref<1x640xf32, #tpu.memory_space<vmem_shared>>
      %dma_wait3A_183 = tpu.memref_squeeze %dma_wait3A_182 : memref<1x640xf32, #tpu.memory_space<vmem_shared>> -> memref<640xf32, #tpu.memory_space<vmem_shared>>
      %dma_wait3A_184 = tpu.memref_slice %arg11[%run_scoped3A_121, %multiple_of3A_42] : memref<16x10240xf32, #tpu.memory_space<vmem_shared>> -> memref<1x640xf32, #tpu.memory_space<vmem_shared>>
      %dma_wait3A_185 = tpu.memref_squeeze %dma_wait3A_184 : memref<1x640xf32, #tpu.memory_space<vmem_shared>> -> memref<640xf32, #tpu.memory_space<vmem_shared>>
      tpu.wait_dma2 semaphore(%run_scoped3A_177 : memref<!tpu.dma_semaphore, #tpu.memory_space<semaphore_mem>>) src(%dma_wait3A_185 : memref<640xf32, #tpu.memory_space<vmem_shared>>) dst(%arg10 : memref<640xf32, #tpu.memory_space<vmem>>)
      tpu.yield
    }) : () -> ()
    %scan3A_122 = arith.constant 0 : i32
    %scan3A_123 = arith.constant 0 : i32
    %scan3A_124 = arith.constant 40 : i32
    %scan3A_125 = arith.addi %scan3A_123, %scan3A_124 : i32
    %scan3A_126 = arith.constant 1 : i32
    %scan3A_127 = scf.for %scan3A_177 = %scan3A_123 to %scan3A_125 step %scan3A_126 iter_args(%scan3A_178 = %scan3A_122) -> (i32)  : i32 {
      %mul3A_179 = arith.constant 16 : i32
      %mul3A_180 = arith.muli %scan3A_177, %mul3A_179 : i32
      %multiple_of3A_181 = tpu.assume_multiple %mul3A_180, 16 : i32
      %get3A = arith.index_cast %multiple_of3A_181 : i32 to index
      %get3A_182 = tpu.vector_load %arg9[%get3A] {strides = array<i32>} : memref<640xf32, #tpu.memory_space<vmem>>, vector<16xf32>,
      %get3A_183 = arith.index_cast %multiple_of3A_181 : i32 to index
      %get3A_184 = tpu.vector_load %arg10[%get3A_183] {strides = array<i32>} : memref<640xf32, #tpu.memory_space<vmem>>, vector<16xf32>,
      %add3A_185 = arith.addf %get3A_182, %get3A_184 : vector<16xf32>
      %swap3A = arith.index_cast %multiple_of3A_181 : i32 to index
      %swap3A_186 = tpu.vector_load %arg9[%swap3A] {strides = array<i32>} : memref<640xf32, #tpu.memory_space<vmem>>, vector<16xf32>,
      tpu.vector_store %arg9[%swap3A], %add3A_185 {strides = array<i32>} : memref<640xf32, #tpu.memory_space<vmem>>, vector<16xf32>,
      %scan3A_187 = arith.constant 0 : i32
      scf.yield %scan3A_187 : i32
    }
    %scan3A_128 = arith.constant 40 : i32
    %run_scoped3A_129 = arith.constant 10 : i32
    "tpu.region"() ({
      %run_scoped3A_177 = tpu.sem_alloc : memref<!tpu.dma_semaphore, #tpu.memory_space<semaphore_mem>>
      %dma_start3A_178 = tpu.memref_slice %arg11[%run_scoped3A_129, %multiple_of3A_42] : memref<16x10240xf32, #tpu.memory_space<vmem_shared>> -> memref<1x640xf32, #tpu.memory_space<vmem_shared>>
      %dma_start3A_179 = tpu.memref_squeeze %dma_start3A_178 : memref<1x640xf32, #tpu.memory_space<vmem_shared>> -> memref<640xf32, #tpu.memory_space<vmem_shared>>
      %dma_start3A_180 = tpu.memref_slice %arg11[%run_scoped3A_129, %multiple_of3A_42] : memref<16x10240xf32, #tpu.memory_space<vmem_shared>> -> memref<1x640xf32, #tpu.memory_space<vmem_shared>>
      %dma_start3A_181 = tpu.memref_squeeze %dma_start3A_180 : memref<1x640xf32, #tpu.memory_space<vmem_shared>> -> memref<640xf32, #tpu.memory_space<vmem_shared>>
      tpu.enqueue_dma source(%dma_start3A_181 : memref<640xf32, #tpu.memory_space<vmem_shared>>) target(%arg10 : memref<640xf32, #tpu.memory_space<vmem>>) target_semaphore(%run_scoped3A_177 : memref<!tpu.dma_semaphore, #tpu.memory_space<semaphore_mem>>)
      %dma_wait3A_182 = tpu.memref_slice %arg11[%run_scoped3A_129, %multiple_of3A_42] : memref<16x10240xf32, #tpu.memory_space<vmem_shared>> -> memref<1x640xf32, #tpu.memory_space<vmem_shared>>
      %dma_wait3A_183 = tpu.memref_squeeze %dma_wait3A_182 : memref<1x640xf32, #tpu.memory_space<vmem_shared>> -> memref<640xf32, #tpu.memory_space<vmem_shared>>
      %dma_wait3A_184 = tpu.memref_slice %arg11[%run_scoped3A_129, %multiple_of3A_42] : memref<16x10240xf32, #tpu.memory_space<vmem_shared>> -> memref<1x640xf32, #tpu.memory_space<vmem_shared>>
      %dma_wait3A_185 = tpu.memref_squeeze %dma_wait3A_184 : memref<1x640xf32, #tpu.memory_space<vmem_shared>> -> memref<640xf32, #tpu.memory_space<vmem_shared>>
      tpu.wait_dma2 semaphore(%run_scoped3A_177 : memref<!tpu.dma_semaphore, #tpu.memory_space<semaphore_mem>>) src(%dma_wait3A_185 : memref<640xf32, #tpu.memory_space<vmem_shared>>) dst(%arg10 : memref<640xf32, #tpu.memory_space<vmem>>)
      tpu.yield
    }) : () -> ()
    %scan3A_130 = arith.constant 0 : i32
    %scan3A_131 = arith.constant 0 : i32
    %scan3A_132 = arith.constant 40 : i32
    %scan3A_133 = arith.addi %scan3A_131, %scan3A_132 : i32
    %scan3A_134 = arith.constant 1 : i32
    %scan3A_135 = scf.for %scan3A_177 = %scan3A_131 to %scan3A_133 step %scan3A_134 iter_args(%scan3A_178 = %scan3A_130) -> (i32)  : i32 {
      %mul3A_179 = arith.constant 16 : i32
      %mul3A_180 = arith.muli %scan3A_177, %mul3A_179 : i32
      %multiple_of3A_181 = tpu.assume_multiple %mul3A_180, 16 : i32
      %get3A = arith.index_cast %multiple_of3A_181 : i32 to index
      %get3A_182 = tpu.vector_load %arg9[%get3A] {strides = array<i32>} : memref<640xf32, #tpu.memory_space<vmem>>, vector<16xf32>,
      %get3A_183 = arith.index_cast %multiple_of3A_181 : i32 to index
      %get3A_184 = tpu.vector_load %arg10[%get3A_183] {strides = array<i32>} : memref<640xf32, #tpu.memory_space<vmem>>, vector<16xf32>,
      %add3A_185 = arith.addf %get3A_182, %get3A_184 : vector<16xf32>
      %swap3A = arith.index_cast %multiple_of3A_181 : i32 to index
      %swap3A_186 = tpu.vector_load %arg9[%swap3A] {strides = array<i32>} : memref<640xf32, #tpu.memory_space<vmem>>, vector<16xf32>,
      tpu.vector_store %arg9[%swap3A], %add3A_185 {strides = array<i32>} : memref<640xf32, #tpu.memory_space<vmem>>, vector<16xf32>,
      %scan3A_187 = arith.constant 0 : i32
      scf.yield %scan3A_187 : i32
    }
    %scan3A_136 = arith.constant 40 : i32
    %run_scoped3A_137 = arith.constant 11 : i32
    "tpu.region"() ({
      %run_scoped3A_177 = tpu.sem_alloc : memref<!tpu.dma_semaphore, #tpu.memory_space<semaphore_mem>>
      %dma_start3A_178 = tpu.memref_slice %arg11[%run_scoped3A_137, %multiple_of3A_42] : memref<16x10240xf32, #tpu.memory_space<vmem_shared>> -> memref<1x640xf32, #tpu.memory_space<vmem_shared>>
      %dma_start3A_179 = tpu.memref_squeeze %dma_start3A_178 : memref<1x640xf32, #tpu.memory_space<vmem_shared>> -> memref<640xf32, #tpu.memory_space<vmem_shared>>
      %dma_start3A_180 = tpu.memref_slice %arg11[%run_scoped3A_137, %multiple_of3A_42] : memref<16x10240xf32, #tpu.memory_space<vmem_shared>> -> memref<1x640xf32, #tpu.memory_space<vmem_shared>>
      %dma_start3A_181 = tpu.memref_squeeze %dma_start3A_180 : memref<1x640xf32, #tpu.memory_space<vmem_shared>> -> memref<640xf32, #tpu.memory_space<vmem_shared>>
      tpu.enqueue_dma source(%dma_start3A_181 : memref<640xf32, #tpu.memory_space<vmem_shared>>) target(%arg10 : memref<640xf32, #tpu.memory_space<vmem>>) target_semaphore(%run_scoped3A_177 : memref<!tpu.dma_semaphore, #tpu.memory_space<semaphore_mem>>)
      %dma_wait3A_182 = tpu.memref_slice %arg11[%run_scoped3A_137, %multiple_of3A_42] : memref<16x10240xf32, #tpu.memory_space<vmem_shared>> -> memref<1x640xf32, #tpu.memory_space<vmem_shared>>
      %dma_wait3A_183 = tpu.memref_squeeze %dma_wait3A_182 : memref<1x640xf32, #tpu.memory_space<vmem_shared>> -> memref<640xf32, #tpu.memory_space<vmem_shared>>
      %dma_wait3A_184 = tpu.memref_slice %arg11[%run_scoped3A_137, %multiple_of3A_42] : memref<16x10240xf32, #tpu.memory_space<vmem_shared>> -> memref<1x640xf32, #tpu.memory_space<vmem_shared>>
      %dma_wait3A_185 = tpu.memref_squeeze %dma_wait3A_184 : memref<1x640xf32, #tpu.memory_space<vmem_shared>> -> memref<640xf32, #tpu.memory_space<vmem_shared>>
      tpu.wait_dma2 semaphore(%run_scoped3A_177 : memref<!tpu.dma_semaphore, #tpu.memory_space<semaphore_mem>>) src(%dma_wait3A_185 : memref<640xf32, #tpu.memory_space<vmem_shared>>) dst(%arg10 : memref<640xf32, #tpu.memory_space<vmem>>)
      tpu.yield
    }) : () -> ()
    %scan3A_138 = arith.constant 0 : i32
    %scan3A_139 = arith.constant 0 : i32
    %scan3A_140 = arith.constant 40 : i32
    %scan3A_141 = arith.addi %scan3A_139, %scan3A_140 : i32
    %scan3A_142 = arith.constant 1 : i32
    %scan3A_143 = scf.for %scan3A_177 = %scan3A_139 to %scan3A_141 step %scan3A_142 iter_args(%scan3A_178 = %scan3A_138) -> (i32)  : i32 {
      %mul3A_179 = arith.constant 16 : i32
      %mul3A_180 = arith.muli %scan3A_177, %mul3A_179 : i32
      %multiple_of3A_181 = tpu.assume_multiple %mul3A_180, 16 : i32
      %get3A = arith.index_cast %multiple_of3A_181 : i32 to index
      %get3A_182 = tpu.vector_load %arg9[%get3A] {strides = array<i32>} : memref<640xf32, #tpu.memory_space<vmem>>, vector<16xf32>,
      %get3A_183 = arith.index_cast %multiple_of3A_181 : i32 to index
      %get3A_184 = tpu.vector_load %arg10[%get3A_183] {strides = array<i32>} : memref<640xf32, #tpu.memory_space<vmem>>, vector<16xf32>,
      %add3A_185 = arith.addf %get3A_182, %get3A_184 : vector<16xf32>
      %swap3A = arith.index_cast %multiple_of3A_181 : i32 to index
      %swap3A_186 = tpu.vector_load %arg9[%swap3A] {strides = array<i32>} : memref<640xf32, #tpu.memory_space<vmem>>, vector<16xf32>,
      tpu.vector_store %arg9[%swap3A], %add3A_185 {strides = array<i32>} : memref<640xf32, #tpu.memory_space<vmem>>, vector<16xf32>,
      %scan3A_187 = arith.constant 0 : i32
      scf.yield %scan3A_187 : i32
    }
    %scan3A_144 = arith.constant 40 : i32
    %run_scoped3A_145 = arith.constant 12 : i32
    "tpu.region"() ({
      %run_scoped3A_177 = tpu.sem_alloc : memref<!tpu.dma_semaphore, #tpu.memory_space<semaphore_mem>>
      %dma_start3A_178 = tpu.memref_slice %arg11[%run_scoped3A_145, %multiple_of3A_42] : memref<16x10240xf32, #tpu.memory_space<vmem_shared>> -> memref<1x640xf32, #tpu.memory_space<vmem_shared>>
      %dma_start3A_179 = tpu.memref_squeeze %dma_start3A_178 : memref<1x640xf32, #tpu.memory_space<vmem_shared>> -> memref<640xf32, #tpu.memory_space<vmem_shared>>
      %dma_start3A_180 = tpu.memref_slice %arg11[%run_scoped3A_145, %multiple_of3A_42] : memref<16x10240xf32, #tpu.memory_space<vmem_shared>> -> memref<1x640xf32, #tpu.memory_space<vmem_shared>>
      %dma_start3A_181 = tpu.memref_squeeze %dma_start3A_180 : memref<1x640xf32, #tpu.memory_space<vmem_shared>> -> memref<640xf32, #tpu.memory_space<vmem_shared>>
      tpu.enqueue_dma source(%dma_start3A_181 : memref<640xf32, #tpu.memory_space<vmem_shared>>) target(%arg10 : memref<640xf32, #tpu.memory_space<vmem>>) target_semaphore(%run_scoped3A_177 : memref<!tpu.dma_semaphore, #tpu.memory_space<semaphore_mem>>)
      %dma_wait3A_182 = tpu.memref_slice %arg11[%run_scoped3A_145, %multiple_of3A_42] : memref<16x10240xf32, #tpu.memory_space<vmem_shared>> -> memref<1x640xf32, #tpu.memory_space<vmem_shared>>
      %dma_wait3A_183 = tpu.memref_squeeze %dma_wait3A_182 : memref<1x640xf32, #tpu.memory_space<vmem_shared>> -> memref<640xf32, #tpu.memory_space<vmem_shared>>
      %dma_wait3A_184 = tpu.memref_slice %arg11[%run_scoped3A_145, %multiple_of3A_42] : memref<16x10240xf32, #tpu.memory_space<vmem_shared>> -> memref<1x640xf32, #tpu.memory_space<vmem_shared>>
      %dma_wait3A_185 = tpu.memref_squeeze %dma_wait3A_184 : memref<1x640xf32, #tpu.memory_space<vmem_shared>> -> memref<640xf32, #tpu.memory_space<vmem_shared>>
      tpu.wait_dma2 semaphore(%run_scoped3A_177 : memref<!tpu.dma_semaphore, #tpu.memory_space<semaphore_mem>>) src(%dma_wait3A_185 : memref<640xf32, #tpu.memory_space<vmem_shared>>) dst(%arg10 : memref<640xf32, #tpu.memory_space<vmem>>)
      tpu.yield
    }) : () -> ()
    %scan3A_146 = arith.constant 0 : i32
    %scan3A_147 = arith.constant 0 : i32
    %scan3A_148 = arith.constant 40 : i32
    %scan3A_149 = arith.addi %scan3A_147, %scan3A_148 : i32
    %scan3A_150 = arith.constant 1 : i32
    %scan3A_151 = scf.for %scan3A_177 = %scan3A_147 to %scan3A_149 step %scan3A_150 iter_args(%scan3A_178 = %scan3A_146) -> (i32)  : i32 {
      %mul3A_179 = arith.constant 16 : i32
      %mul3A_180 = arith.muli %scan3A_177, %mul3A_179 : i32
      %multiple_of3A_181 = tpu.assume_multiple %mul3A_180, 16 : i32
      %get3A = arith.index_cast %multiple_of3A_181 : i32 to index
      %get3A_182 = tpu.vector_load %arg9[%get3A] {strides = array<i32>} : memref<640xf32, #tpu.memory_space<vmem>>, vector<16xf32>,
      %get3A_183 = arith.index_cast %multiple_of3A_181 : i32 to index
      %get3A_184 = tpu.vector_load %arg10[%get3A_183] {strides = array<i32>} : memref<640xf32, #tpu.memory_space<vmem>>, vector<16xf32>,
      %add3A_185 = arith.addf %get3A_182, %get3A_184 : vector<16xf32>
      %swap3A = arith.index_cast %multiple_of3A_181 : i32 to index
      %swap3A_186 = tpu.vector_load %arg9[%swap3A] {strides = array<i32>} : memref<640xf32, #tpu.memory_space<vmem>>, vector<16xf32>,
      tpu.vector_store %arg9[%swap3A], %add3A_185 {strides = array<i32>} : memref<640xf32, #tpu.memory_space<vmem>>, vector<16xf32>,
      %scan3A_187 = arith.constant 0 : i32
      scf.yield %scan3A_187 : i32
    }
    %scan3A_152 = arith.constant 40 : i32
    %run_scoped3A_153 = arith.constant 13 : i32
    "tpu.region"() ({
      %run_scoped3A_177 = tpu.sem_alloc : memref<!tpu.dma_semaphore, #tpu.memory_space<semaphore_mem>>
      %dma_start3A_178 = tpu.memref_slice %arg11[%run_scoped3A_153, %multiple_of3A_42] : memref<16x10240xf32, #tpu.memory_space<vmem_shared>> -> memref<1x640xf32, #tpu.memory_space<vmem_shared>>
      %dma_start3A_179 = tpu.memref_squeeze %dma_start3A_178 : memref<1x640xf32, #tpu.memory_space<vmem_shared>> -> memref<640xf32, #tpu.memory_space<vmem_shared>>
      %dma_start3A_180 = tpu.memref_slice %arg11[%run_scoped3A_153, %multiple_of3A_42] : memref<16x10240xf32, #tpu.memory_space<vmem_shared>> -> memref<1x640xf32, #tpu.memory_space<vmem_shared>>
      %dma_start3A_181 = tpu.memref_squeeze %dma_start3A_180 : memref<1x640xf32, #tpu.memory_space<vmem_shared>> -> memref<640xf32, #tpu.memory_space<vmem_shared>>
      tpu.enqueue_dma source(%dma_start3A_181 : memref<640xf32, #tpu.memory_space<vmem_shared>>) target(%arg10 : memref<640xf32, #tpu.memory_space<vmem>>) target_semaphore(%run_scoped3A_177 : memref<!tpu.dma_semaphore, #tpu.memory_space<semaphore_mem>>)
      %dma_wait3A_182 = tpu.memref_slice %arg11[%run_scoped3A_153, %multiple_of3A_42] : memref<16x10240xf32, #tpu.memory_space<vmem_shared>> -> memref<1x640xf32, #tpu.memory_space<vmem_shared>>
      %dma_wait3A_183 = tpu.memref_squeeze %dma_wait3A_182 : memref<1x640xf32, #tpu.memory_space<vmem_shared>> -> memref<640xf32, #tpu.memory_space<vmem_shared>>
      %dma_wait3A_184 = tpu.memref_slice %arg11[%run_scoped3A_153, %multiple_of3A_42] : memref<16x10240xf32, #tpu.memory_space<vmem_shared>> -> memref<1x640xf32, #tpu.memory_space<vmem_shared>>
      %dma_wait3A_185 = tpu.memref_squeeze %dma_wait3A_184 : memref<1x640xf32, #tpu.memory_space<vmem_shared>> -> memref<640xf32, #tpu.memory_space<vmem_shared>>
      tpu.wait_dma2 semaphore(%run_scoped3A_177 : memref<!tpu.dma_semaphore, #tpu.memory_space<semaphore_mem>>) src(%dma_wait3A_185 : memref<640xf32, #tpu.memory_space<vmem_shared>>) dst(%arg10 : memref<640xf32, #tpu.memory_space<vmem>>)
      tpu.yield
    }) : () -> ()
    %scan3A_154 = arith.constant 0 : i32
    %scan3A_155 = arith.constant 0 : i32
    %scan3A_156 = arith.constant 40 : i32
    %scan3A_157 = arith.addi %scan3A_155, %scan3A_156 : i32
    %scan3A_158 = arith.constant 1 : i32
    %scan3A_159 = scf.for %scan3A_177 = %scan3A_155 to %scan3A_157 step %scan3A_158 iter_args(%scan3A_178 = %scan3A_154) -> (i32)  : i32 {
      %mul3A_179 = arith.constant 16 : i32
      %mul3A_180 = arith.muli %scan3A_177, %mul3A_179 : i32
      %multiple_of3A_181 = tpu.assume_multiple %mul3A_180, 16 : i32
      %get3A = arith.index_cast %multiple_of3A_181 : i32 to index
      %get3A_182 = tpu.vector_load %arg9[%get3A] {strides = array<i32>} : memref<640xf32, #tpu.memory_space<vmem>>, vector<16xf32>,
      %get3A_183 = arith.index_cast %multiple_of3A_181 : i32 to index
      %get3A_184 = tpu.vector_load %arg10[%get3A_183] {strides = array<i32>} : memref<640xf32, #tpu.memory_space<vmem>>, vector<16xf32>,
      %add3A_185 = arith.addf %get3A_182, %get3A_184 : vector<16xf32>
      %swap3A = arith.index_cast %multiple_of3A_181 : i32 to index
      %swap3A_186 = tpu.vector_load %arg9[%swap3A] {strides = array<i32>} : memref<640xf32, #tpu.memory_space<vmem>>, vector<16xf32>,
      tpu.vector_store %arg9[%swap3A], %add3A_185 {strides = array<i32>} : memref<640xf32, #tpu.memory_space<vmem>>, vector<16xf32>,
      %scan3A_187 = arith.constant 0 : i32
      scf.yield %scan3A_187 : i32
    }
    %scan3A_160 = arith.constant 40 : i32
    %run_scoped3A_161 = arith.constant 14 : i32
    "tpu.region"() ({
      %run_scoped3A_177 = tpu.sem_alloc : memref<!tpu.dma_semaphore, #tpu.memory_space<semaphore_mem>>
      %dma_start3A_178 = tpu.memref_slice %arg11[%run_scoped3A_161, %multiple_of3A_42] : memref<16x10240xf32, #tpu.memory_space<vmem_shared>> -> memref<1x640xf32, #tpu.memory_space<vmem_shared>>
      %dma_start3A_179 = tpu.memref_squeeze %dma_start3A_178 : memref<1x640xf32, #tpu.memory_space<vmem_shared>> -> memref<640xf32, #tpu.memory_space<vmem_shared>>
      %dma_start3A_180 = tpu.memref_slice %arg11[%run_scoped3A_161, %multiple_of3A_42] : memref<16x10240xf32, #tpu.memory_space<vmem_shared>> -> memref<1x640xf32, #tpu.memory_space<vmem_shared>>
      %dma_start3A_181 = tpu.memref_squeeze %dma_start3A_180 : memref<1x640xf32, #tpu.memory_space<vmem_shared>> -> memref<640xf32, #tpu.memory_space<vmem_shared>>
      tpu.enqueue_dma source(%dma_start3A_181 : memref<640xf32, #tpu.memory_space<vmem_shared>>) target(%arg10 : memref<640xf32, #tpu.memory_space<vmem>>) target_semaphore(%run_scoped3A_177 : memref<!tpu.dma_semaphore, #tpu.memory_space<semaphore_mem>>)
      %dma_wait3A_182 = tpu.memref_slice %arg11[%run_scoped3A_161, %multiple_of3A_42] : memref<16x10240xf32, #tpu.memory_space<vmem_shared>> -> memref<1x640xf32, #tpu.memory_space<vmem_shared>>
      %dma_wait3A_183 = tpu.memref_squeeze %dma_wait3A_182 : memref<1x640xf32, #tpu.memory_space<vmem_shared>> -> memref<640xf32, #tpu.memory_space<vmem_shared>>
      %dma_wait3A_184 = tpu.memref_slice %arg11[%run_scoped3A_161, %multiple_of3A_42] : memref<16x10240xf32, #tpu.memory_space<vmem_shared>> -> memref<1x640xf32, #tpu.memory_space<vmem_shared>>
      %dma_wait3A_185 = tpu.memref_squeeze %dma_wait3A_184 : memref<1x640xf32, #tpu.memory_space<vmem_shared>> -> memref<640xf32, #tpu.memory_space<vmem_shared>>
      tpu.wait_dma2 semaphore(%run_scoped3A_177 : memref<!tpu.dma_semaphore, #tpu.memory_space<semaphore_mem>>) src(%dma_wait3A_185 : memref<640xf32, #tpu.memory_space<vmem_shared>>) dst(%arg10 : memref<640xf32, #tpu.memory_space<vmem>>)
      tpu.yield
    }) : () -> ()
    %scan3A_162 = arith.constant 0 : i32
    %scan3A_163 = arith.constant 0 : i32
    %scan3A_164 = arith.constant 40 : i32
    %scan3A_165 = arith.addi %scan3A_163, %scan3A_164 : i32
    %scan3A_166 = arith.constant 1 : i32
    %scan3A_167 = scf.for %scan3A_177 = %scan3A_163 to %scan3A_165 step %scan3A_166 iter_args(%scan3A_178 = %scan3A_162) -> (i32)  : i32 {
      %mul3A_179 = arith.constant 16 : i32
      %mul3A_180 = arith.muli %scan3A_177, %mul3A_179 : i32
      %multiple_of3A_181 = tpu.assume_multiple %mul3A_180, 16 : i32
      %get3A = arith.index_cast %multiple_of3A_181 : i32 to index
      %get3A_182 = tpu.vector_load %arg9[%get3A] {strides = array<i32>} : memref<640xf32, #tpu.memory_space<vmem>>, vector<16xf32>,
      %get3A_183 = arith.index_cast %multiple_of3A_181 : i32 to index
      %get3A_184 = tpu.vector_load %arg10[%get3A_183] {strides = array<i32>} : memref<640xf32, #tpu.memory_space<vmem>>, vector<16xf32>,
      %add3A_185 = arith.addf %get3A_182, %get3A_184 : vector<16xf32>
      %swap3A = arith.index_cast %multiple_of3A_181 : i32 to index
      %swap3A_186 = tpu.vector_load %arg9[%swap3A] {strides = array<i32>} : memref<640xf32, #tpu.memory_space<vmem>>, vector<16xf32>,
      tpu.vector_store %arg9[%swap3A], %add3A_185 {strides = array<i32>} : memref<640xf32, #tpu.memory_space<vmem>>, vector<16xf32>,
      %scan3A_187 = arith.constant 0 : i32
      scf.yield %scan3A_187 : i32
    }
    %scan3A_168 = arith.constant 40 : i32
    %run_scoped3A_169 = arith.constant 15 : i32
    "tpu.region"() ({
      %run_scoped3A_177 = tpu.sem_alloc : memref<!tpu.dma_semaphore, #tpu.memory_space<semaphore_mem>>
      %dma_start3A_178 = tpu.memref_slice %arg11[%run_scoped3A_169, %multiple_of3A_42] : memref<16x10240xf32, #tpu.memory_space<vmem_shared>> -> memref<1x640xf32, #tpu.memory_space<vmem_shared>>
      %dma_start3A_179 = tpu.memref_squeeze %dma_start3A_178 : memref<1x640xf32, #tpu.memory_space<vmem_shared>> -> memref<640xf32, #tpu.memory_space<vmem_shared>>
      %dma_start3A_180 = tpu.memref_slice %arg11[%run_scoped3A_169, %multiple_of3A_42] : memref<16x10240xf32, #tpu.memory_space<vmem_shared>> -> memref<1x640xf32, #tpu.memory_space<vmem_shared>>
      %dma_start3A_181 = tpu.memref_squeeze %dma_start3A_180 : memref<1x640xf32, #tpu.memory_space<vmem_shared>> -> memref<640xf32, #tpu.memory_space<vmem_shared>>
      tpu.enqueue_dma source(%dma_start3A_181 : memref<640xf32, #tpu.memory_space<vmem_shared>>) target(%arg10 : memref<640xf32, #tpu.memory_space<vmem>>) target_semaphore(%run_scoped3A_177 : memref<!tpu.dma_semaphore, #tpu.memory_space<semaphore_mem>>)
      %dma_wait3A_182 = tpu.memref_slice %arg11[%run_scoped3A_169, %multiple_of3A_42] : memref<16x10240xf32, #tpu.memory_space<vmem_shared>> -> memref<1x640xf32, #tpu.memory_space<vmem_shared>>
      %dma_wait3A_183 = tpu.memref_squeeze %dma_wait3A_182 : memref<1x640xf32, #tpu.memory_space<vmem_shared>> -> memref<640xf32, #tpu.memory_space<vmem_shared>>
      %dma_wait3A_184 = tpu.memref_slice %arg11[%run_scoped3A_169, %multiple_of3A_42] : memref<16x10240xf32, #tpu.memory_space<vmem_shared>> -> memref<1x640xf32, #tpu.memory_space<vmem_shared>>
      %dma_wait3A_185 = tpu.memref_squeeze %dma_wait3A_184 : memref<1x640xf32, #tpu.memory_space<vmem_shared>> -> memref<640xf32, #tpu.memory_space<vmem_shared>>
      tpu.wait_dma2 semaphore(%run_scoped3A_177 : memref<!tpu.dma_semaphore, #tpu.memory_space<semaphore_mem>>) src(%dma_wait3A_185 : memref<640xf32, #tpu.memory_space<vmem_shared>>) dst(%arg10 : memref<640xf32, #tpu.memory_space<vmem>>)
      tpu.yield
    }) : () -> ()
    %scan3A_170 = arith.constant 0 : i32
    %scan3A_171 = arith.constant 0 : i32
    %scan3A_172 = arith.constant 40 : i32
    %scan3A_173 = arith.addi %scan3A_171, %scan3A_172 : i32
    %scan3A_174 = arith.constant 1 : i32
    %scan3A_175 = scf.for %scan3A_177 = %scan3A_171 to %scan3A_173 step %scan3A_174 iter_args(%scan3A_178 = %scan3A_170) -> (i32)  : i32 {
      %mul3A_179 = arith.constant 16 : i32
      %mul3A_180 = arith.muli %scan3A_177, %mul3A_179 : i32
      %multiple_of3A_181 = tpu.assume_multiple %mul3A_180, 16 : i32
      %get3A = arith.index_cast %multiple_of3A_181 : i32 to index
      %get3A_182 = tpu.vector_load %arg9[%get3A] {strides = array<i32>} : memref<640xf32, #tpu.memory_space<vmem>>, vector<16xf32>,
      %get3A_183 = arith.index_cast %multiple_of3A_181 : i32 to index
      %get3A_184 = tpu.vector_load %arg10[%get3A_183] {strides = array<i32>} : memref<640xf32, #tpu.memory_space<vmem>>, vector<16xf32>,
      %add3A_185 = arith.addf %get3A_182, %get3A_184 : vector<16xf32>
      %swap3A = arith.index_cast %multiple_of3A_181 : i32 to index
      %swap3A_186 = tpu.vector_load %arg9[%swap3A] {strides = array<i32>} : memref<640xf32, #tpu.memory_space<vmem>>, vector<16xf32>,
      tpu.vector_store %arg9[%swap3A], %add3A_185 {strides = array<i32>} : memref<640xf32, #tpu.memory_space<vmem>>, vector<16xf32>,
      %scan3A_187 = arith.constant 0 : i32
      scf.yield %scan3A_187 : i32
    }
    %scan3A_176 = arith.constant 40 : i32
    "tpu.region"() ({
      %run_scoped3A_177 = tpu.sem_alloc : memref<!tpu.dma_semaphore, #tpu.memory_space<semaphore_mem>>
      %dma_start3A_178 = tpu.memref_slice %arg3[%arg0, %multiple_of3A_42] : memref<2x10240xf32, #tpu.memory_space<hbm>> -> memref<1x640xf32, #tpu.memory_space<hbm>>
      %dma_start3A_179 = tpu.memref_squeeze %dma_start3A_178 : memref<1x640xf32, #tpu.memory_space<hbm>> -> memref<640xf32, #tpu.memory_space<hbm>>
      %dma_start3A_180 = tpu.memref_slice %arg3[%arg0, %multiple_of3A_42] : memref<2x10240xf32, #tpu.memory_space<hbm>> -> memref<1x640xf32, #tpu.memory_space<hbm>>
      %dma_start3A_181 = tpu.memref_squeeze %dma_start3A_180 : memref<1x640xf32, #tpu.memory_space<hbm>> -> memref<640xf32, #tpu.memory_space<hbm>>
      tpu.enqueue_dma source(%arg9 : memref<640xf32, #tpu.memory_space<vmem>>) target(%dma_start3A_181 : memref<640xf32, #tpu.memory_space<hbm>>) target_semaphore(%run_scoped3A_177 : memref<!tpu.dma_semaphore, #tpu.memory_space<semaphore_mem>>)
      %dma_wait3A_182 = tpu.memref_slice %arg3[%arg0, %multiple_of3A_42] : memref<2x10240xf32, #tpu.memory_space<hbm>> -> memref<1x640xf32, #tpu.memory_space<hbm>>
      %dma_wait3A_183 = tpu.memref_squeeze %dma_wait3A_182 : memref<1x640xf32, #tpu.memory_space<hbm>> -> memref<640xf32, #tpu.memory_space<hbm>>
      %dma_wait3A_184 = tpu.memref_slice %arg3[%arg0, %multiple_of3A_42] : memref<2x10240xf32, #tpu.memory_space<hbm>> -> memref<1x640xf32, #tpu.memory_space<hbm>>
      %dma_wait3A_185 = tpu.memref_squeeze %dma_wait3A_184 : memref<1x640xf32, #tpu.memory_space<hbm>> -> memref<640xf32, #tpu.memory_space<hbm>>
      tpu.wait_dma2 semaphore(%run_scoped3A_177 : memref<!tpu.dma_semaphore, #tpu.memory_space<semaphore_mem>>) src(%arg9 : memref<640xf32, #tpu.memory_space<vmem>>) dst(%dma_wait3A_185 : memref<640xf32, #tpu.memory_space<hbm>>)
      tpu.yield
    }) : () -> ()
    return
  }
}

#map = affine_map<(d0, d1) -> (0, 0)>
#map1 = affine_map<(d0, d1) -> (0, 0, 0)>
module attributes {stable_mosaic.version = 14 : i64} {
  func.func @_agg_body(%arg0: i32, %arg1: i32, %arg2: memref<10240x128xf32, #tpu.memory_space<hbm>>, %arg3: memref<32x160x64xi32, #tpu.memory_space<hbm>>, %arg4: memref<32x160x64xi32, #tpu.memory_space<hbm>>, %arg5: memref<2x10240x128xf32, #tpu.memory_space<hbm>>, %arg6: memref<160x64xi32, #tpu.memory_space<vmem>>, %arg7: memref<64xi32, #tpu.memory_space<vmem>>, %arg8: memref<64xi32, #tpu.memory_space<vmem>>, %arg9: memref<64x128xf32, #tpu.memory_space<vmem>>, %arg10: memref<64x128xf32, #tpu.memory_space<vmem>>, %arg11: memref<10240x128xf32, #tpu.memory_space<vmem_shared>>, %arg12: memref<!tpu.dma_semaphore, #tpu.memory_space<semaphore_mem>>, %arg13: memref<!tpu.dma_semaphore, #tpu.memory_space<semaphore_mem>>, %arg14: memref<!tpu.dma_semaphore, #tpu.memory_space<semaphore_mem>>, %arg15: memref<!tpu.dma_semaphore, #tpu.memory_space<semaphore_mem>>) attributes {dimension_semantics = [#tpu.dimension_semantics<core_parallel>, #tpu.dimension_semantics<subcore_parallel>], iteration_bounds = array<i64: 2, 16>, scalar_prefetch = 0 : i64, scratch_operands = 10 : i64, tpu.core_type = #tpu.core_type<sc_vector_subcore>, window_params = [{transform_indices = #map}, {transform_indices = #map1}, {transform_indices = #map1}, {transform_indices = #map1}]} {
    %mul3A = arith.constant 2 : i32
    %mul3A_0 = arith.muli %arg1, %mul3A : i32
    %add3A = arith.addi %mul3A_0, %arg0 : i32
    "tpu.region"() ({
      %run_scoped3A = tpu.sem_alloc : memref<!tpu.dma_semaphore, #tpu.memory_space<semaphore_mem>>
      %dma_start3A_146 = arith.constant 0 : i32
      %dma_start3A_147 = arith.constant 0 : i32
      %dma_start3A_148 = tpu.memref_slice %arg3[%add3A, %dma_start3A_146, %dma_start3A_147] : memref<32x160x64xi32, #tpu.memory_space<hbm>> -> memref<1x160x64xi32, #tpu.memory_space<hbm>>
      %dma_start3A_149 = tpu.memref_squeeze %dma_start3A_148 : memref<1x160x64xi32, #tpu.memory_space<hbm>> -> memref<160x64xi32, #tpu.memory_space<hbm>>
      %dma_start3A_150 = arith.constant 0 : i32
      %dma_start3A_151 = arith.constant 0 : i32
      %dma_start3A_152 = tpu.memref_slice %arg3[%add3A, %dma_start3A_150, %dma_start3A_151] : memref<32x160x64xi32, #tpu.memory_space<hbm>> -> memref<1x160x64xi32, #tpu.memory_space<hbm>>
      %dma_start3A_153 = tpu.memref_squeeze %dma_start3A_152 : memref<1x160x64xi32, #tpu.memory_space<hbm>> -> memref<160x64xi32, #tpu.memory_space<hbm>>
      tpu.enqueue_dma source(%dma_start3A_153 : memref<160x64xi32, #tpu.memory_space<hbm>>) target(%arg6 : memref<160x64xi32, #tpu.memory_space<vmem>>) target_semaphore(%run_scoped3A : memref<!tpu.dma_semaphore, #tpu.memory_space<semaphore_mem>>)
      %dma_wait3A_154 = arith.constant 0 : i32
      %dma_wait3A_155 = arith.constant 0 : i32
      %dma_wait3A_156 = tpu.memref_slice %arg3[%add3A, %dma_wait3A_154, %dma_wait3A_155] : memref<32x160x64xi32, #tpu.memory_space<hbm>> -> memref<1x160x64xi32, #tpu.memory_space<hbm>>
      %dma_wait3A_157 = tpu.memref_squeeze %dma_wait3A_156 : memref<1x160x64xi32, #tpu.memory_space<hbm>> -> memref<160x64xi32, #tpu.memory_space<hbm>>
      %dma_wait3A_158 = arith.constant 0 : i32
      %dma_wait3A_159 = arith.constant 0 : i32
      %dma_wait3A_160 = tpu.memref_slice %arg3[%add3A, %dma_wait3A_158, %dma_wait3A_159] : memref<32x160x64xi32, #tpu.memory_space<hbm>> -> memref<1x160x64xi32, #tpu.memory_space<hbm>>
      %dma_wait3A_161 = tpu.memref_squeeze %dma_wait3A_160 : memref<1x160x64xi32, #tpu.memory_space<hbm>> -> memref<160x64xi32, #tpu.memory_space<hbm>>
      tpu.wait_dma2 semaphore(%run_scoped3A : memref<!tpu.dma_semaphore, #tpu.memory_space<semaphore_mem>>) src(%dma_wait3A_161 : memref<160x64xi32, #tpu.memory_space<hbm>>) dst(%arg6 : memref<160x64xi32, #tpu.memory_space<vmem>>)
      tpu.yield
    }) : () -> ()
    %broadcast_in_dim3A = arith.constant 0.000000e+00 : f32
    %broadcast_in_dim3A_1 = vector.broadcast %broadcast_in_dim3A : f32 to vector<16xf32>
    %scan3A = arith.constant 0 : i32
    %scan3A_2 = arith.constant 0 : i32
    %scan3A_3 = arith.constant 64 : i32
    %scan3A_4 = arith.addi %scan3A_2, %scan3A_3 : i32
    %scan3A_5 = arith.constant 1 : i32
    %scan3A_6 = scf.for %scan3A_146 = %scan3A_2 to %scan3A_4 step %scan3A_5 iter_args(%scan3A_147 = %scan3A) -> (i32)  : i32 {
      %swap3A = arith.index_cast %scan3A_146 : i32 to index
      %swap3A_148 = arith.constant 0 : index
      %swap3A_149 = tpu.vector_load %arg9[%swap3A, %swap3A_148] {strides = array<i32>} : memref<64x128xf32, #tpu.memory_space<vmem>>, vector<1x16xf32>,
      %swap3A_150 = vector.shape_cast %swap3A_149 : vector<1x16xf32> to vector<16xf32>
      %swap3A_151 = vector.shape_cast %broadcast_in_dim3A_1 : vector<16xf32> to vector<1x16xf32>
      tpu.vector_store %arg9[%swap3A, %swap3A_148], %swap3A_151 {strides = array<i32>} : memref<64x128xf32, #tpu.memory_space<vmem>>, vector<1x16xf32>,
      %swap3A_152 = arith.index_cast %scan3A_146 : i32 to index
      %swap3A_153 = arith.constant 16 : index
      %swap3A_154 = tpu.vector_load %arg9[%swap3A_152, %swap3A_153] {strides = array<i32>} : memref<64x128xf32, #tpu.memory_space<vmem>>, vector<1x16xf32>,
      %swap3A_155 = vector.shape_cast %swap3A_154 : vector<1x16xf32> to vector<16xf32>
      %swap3A_156 = vector.shape_cast %broadcast_in_dim3A_1 : vector<16xf32> to vector<1x16xf32>
      tpu.vector_store %arg9[%swap3A_152, %swap3A_153], %swap3A_156 {strides = array<i32>} : memref<64x128xf32, #tpu.memory_space<vmem>>, vector<1x16xf32>,
      %swap3A_157 = arith.index_cast %scan3A_146 : i32 to index
      %swap3A_158 = arith.constant 32 : index
      %swap3A_159 = tpu.vector_load %arg9[%swap3A_157, %swap3A_158] {strides = array<i32>} : memref<64x128xf32, #tpu.memory_space<vmem>>, vector<1x16xf32>,
      %swap3A_160 = vector.shape_cast %swap3A_159 : vector<1x16xf32> to vector<16xf32>
      %swap3A_161 = vector.shape_cast %broadcast_in_dim3A_1 : vector<16xf32> to vector<1x16xf32>
      tpu.vector_store %arg9[%swap3A_157, %swap3A_158], %swap3A_161 {strides = array<i32>} : memref<64x128xf32, #tpu.memory_space<vmem>>, vector<1x16xf32>,
      %swap3A_162 = arith.index_cast %scan3A_146 : i32 to index
      %swap3A_163 = arith.constant 48 : index
      %swap3A_164 = tpu.vector_load %arg9[%swap3A_162, %swap3A_163] {strides = array<i32>} : memref<64x128xf32, #tpu.memory_space<vmem>>, vector<1x16xf32>,
      %swap3A_165 = vector.shape_cast %swap3A_164 : vector<1x16xf32> to vector<16xf32>
      %swap3A_166 = vector.shape_cast %broadcast_in_dim3A_1 : vector<16xf32> to vector<1x16xf32>
      tpu.vector_store %arg9[%swap3A_162, %swap3A_163], %swap3A_166 {strides = array<i32>} : memref<64x128xf32, #tpu.memory_space<vmem>>, vector<1x16xf32>,
      %swap3A_167 = arith.index_cast %scan3A_146 : i32 to index
      %swap3A_168 = arith.constant 64 : index
      %swap3A_169 = tpu.vector_load %arg9[%swap3A_167, %swap3A_168] {strides = array<i32>} : memref<64x128xf32, #tpu.memory_space<vmem>>, vector<1x16xf32>,
      %swap3A_170 = vector.shape_cast %swap3A_169 : vector<1x16xf32> to vector<16xf32>
      %swap3A_171 = vector.shape_cast %broadcast_in_dim3A_1 : vector<16xf32> to vector<1x16xf32>
      tpu.vector_store %arg9[%swap3A_167, %swap3A_168], %swap3A_171 {strides = array<i32>} : memref<64x128xf32, #tpu.memory_space<vmem>>, vector<1x16xf32>,
      %swap3A_172 = arith.index_cast %scan3A_146 : i32 to index
      %swap3A_173 = arith.constant 80 : index
      %swap3A_174 = tpu.vector_load %arg9[%swap3A_172, %swap3A_173] {strides = array<i32>} : memref<64x128xf32, #tpu.memory_space<vmem>>, vector<1x16xf32>,
      %swap3A_175 = vector.shape_cast %swap3A_174 : vector<1x16xf32> to vector<16xf32>
      %swap3A_176 = vector.shape_cast %broadcast_in_dim3A_1 : vector<16xf32> to vector<1x16xf32>
      tpu.vector_store %arg9[%swap3A_172, %swap3A_173], %swap3A_176 {strides = array<i32>} : memref<64x128xf32, #tpu.memory_space<vmem>>, vector<1x16xf32>,
      %swap3A_177 = arith.index_cast %scan3A_146 : i32 to index
      %swap3A_178 = arith.constant 96 : index
      %swap3A_179 = tpu.vector_load %arg9[%swap3A_177, %swap3A_178] {strides = array<i32>} : memref<64x128xf32, #tpu.memory_space<vmem>>, vector<1x16xf32>,
      %swap3A_180 = vector.shape_cast %swap3A_179 : vector<1x16xf32> to vector<16xf32>
      %swap3A_181 = vector.shape_cast %broadcast_in_dim3A_1 : vector<16xf32> to vector<1x16xf32>
      tpu.vector_store %arg9[%swap3A_177, %swap3A_178], %swap3A_181 {strides = array<i32>} : memref<64x128xf32, #tpu.memory_space<vmem>>, vector<1x16xf32>,
      %swap3A_182 = arith.index_cast %scan3A_146 : i32 to index
      %swap3A_183 = arith.constant 112 : index
      %swap3A_184 = tpu.vector_load %arg9[%swap3A_182, %swap3A_183] {strides = array<i32>} : memref<64x128xf32, #tpu.memory_space<vmem>>, vector<1x16xf32>,
      %swap3A_185 = vector.shape_cast %swap3A_184 : vector<1x16xf32> to vector<16xf32>
      %swap3A_186 = vector.shape_cast %broadcast_in_dim3A_1 : vector<16xf32> to vector<1x16xf32>
      tpu.vector_store %arg9[%swap3A_182, %swap3A_183], %swap3A_186 {strides = array<i32>} : memref<64x128xf32, #tpu.memory_space<vmem>>, vector<1x16xf32>,
      %scan3A_187 = arith.constant 0 : i32
      scf.yield %scan3A_187 : i32
    }
    %scan3A_7 = arith.constant 64 : i32
    %mul3A_8 = arith.constant 640 : i32
    %mul3A_9 = arith.muli %arg1, %mul3A_8 : i32
    %add3A_10 = arith.constant 0 : i32
    %add3A_11 = arith.addi %mul3A_9, %add3A_10 : i32
    "tpu.region"() ({
      %run_scoped3A = tpu.sem_alloc : memref<!tpu.dma_semaphore, #tpu.memory_space<semaphore_mem>>
      %dma_start3A_146 = arith.constant 0 : i32
      %dma_start3A_147 = tpu.memref_slice %arg11[%add3A_11, %dma_start3A_146] : memref<10240x128xf32, #tpu.memory_space<vmem_shared>> -> memref<64x128xf32, #tpu.memory_space<vmem_shared>>
      %dma_start3A_148 = arith.constant 0 : i32
      %dma_start3A_149 = tpu.memref_slice %arg11[%add3A_11, %dma_start3A_148] : memref<10240x128xf32, #tpu.memory_space<vmem_shared>> -> memref<64x128xf32, #tpu.memory_space<vmem_shared>>
      tpu.enqueue_dma source(%arg9 : memref<64x128xf32, #tpu.memory_space<vmem>>) target(%dma_start3A_149 : memref<64x128xf32, #tpu.memory_space<vmem_shared>>) target_semaphore(%run_scoped3A : memref<!tpu.dma_semaphore, #tpu.memory_space<semaphore_mem>>)
      %dma_wait3A_150 = arith.constant 0 : i32
      %dma_wait3A_151 = tpu.memref_slice %arg11[%add3A_11, %dma_wait3A_150] : memref<10240x128xf32, #tpu.memory_space<vmem_shared>> -> memref<64x128xf32, #tpu.memory_space<vmem_shared>>
      %dma_wait3A_152 = arith.constant 0 : i32
      %dma_wait3A_153 = tpu.memref_slice %arg11[%add3A_11, %dma_wait3A_152] : memref<10240x128xf32, #tpu.memory_space<vmem_shared>> -> memref<64x128xf32, #tpu.memory_space<vmem_shared>>
      tpu.wait_dma2 semaphore(%run_scoped3A : memref<!tpu.dma_semaphore, #tpu.memory_space<semaphore_mem>>) src(%arg9 : memref<64x128xf32, #tpu.memory_space<vmem>>) dst(%dma_wait3A_153 : memref<64x128xf32, #tpu.memory_space<vmem_shared>>)
      tpu.yield
    }) : () -> ()
    %mul3A_12 = arith.constant 640 : i32
    %mul3A_13 = arith.muli %arg1, %mul3A_12 : i32
    %add3A_14 = arith.constant 64 : i32
    %add3A_15 = arith.addi %mul3A_13, %add3A_14 : i32
    "tpu.region"() ({
      %run_scoped3A = tpu.sem_alloc : memref<!tpu.dma_semaphore, #tpu.memory_space<semaphore_mem>>
      %dma_start3A_146 = arith.constant 0 : i32
      %dma_start3A_147 = tpu.memref_slice %arg11[%add3A_15, %dma_start3A_146] : memref<10240x128xf32, #tpu.memory_space<vmem_shared>> -> memref<64x128xf32, #tpu.memory_space<vmem_shared>>
      %dma_start3A_148 = arith.constant 0 : i32
      %dma_start3A_149 = tpu.memref_slice %arg11[%add3A_15, %dma_start3A_148] : memref<10240x128xf32, #tpu.memory_space<vmem_shared>> -> memref<64x128xf32, #tpu.memory_space<vmem_shared>>
      tpu.enqueue_dma source(%arg9 : memref<64x128xf32, #tpu.memory_space<vmem>>) target(%dma_start3A_149 : memref<64x128xf32, #tpu.memory_space<vmem_shared>>) target_semaphore(%run_scoped3A : memref<!tpu.dma_semaphore, #tpu.memory_space<semaphore_mem>>)
      %dma_wait3A_150 = arith.constant 0 : i32
      %dma_wait3A_151 = tpu.memref_slice %arg11[%add3A_15, %dma_wait3A_150] : memref<10240x128xf32, #tpu.memory_space<vmem_shared>> -> memref<64x128xf32, #tpu.memory_space<vmem_shared>>
      %dma_wait3A_152 = arith.constant 0 : i32
      %dma_wait3A_153 = tpu.memref_slice %arg11[%add3A_15, %dma_wait3A_152] : memref<10240x128xf32, #tpu.memory_space<vmem_shared>> -> memref<64x128xf32, #tpu.memory_space<vmem_shared>>
      tpu.wait_dma2 semaphore(%run_scoped3A : memref<!tpu.dma_semaphore, #tpu.memory_space<semaphore_mem>>) src(%arg9 : memref<64x128xf32, #tpu.memory_space<vmem>>) dst(%dma_wait3A_153 : memref<64x128xf32, #tpu.memory_space<vmem_shared>>)
      tpu.yield
    }) : () -> ()
    %mul3A_16 = arith.constant 640 : i32
    %mul3A_17 = arith.muli %arg1, %mul3A_16 : i32
    %add3A_18 = arith.constant 128 : i32
    %add3A_19 = arith.addi %mul3A_17, %add3A_18 : i32
    "tpu.region"() ({
      %run_scoped3A = tpu.sem_alloc : memref<!tpu.dma_semaphore, #tpu.memory_space<semaphore_mem>>
      %dma_start3A_146 = arith.constant 0 : i32
      %dma_start3A_147 = tpu.memref_slice %arg11[%add3A_19, %dma_start3A_146] : memref<10240x128xf32, #tpu.memory_space<vmem_shared>> -> memref<64x128xf32, #tpu.memory_space<vmem_shared>>
      %dma_start3A_148 = arith.constant 0 : i32
      %dma_start3A_149 = tpu.memref_slice %arg11[%add3A_19, %dma_start3A_148] : memref<10240x128xf32, #tpu.memory_space<vmem_shared>> -> memref<64x128xf32, #tpu.memory_space<vmem_shared>>
      tpu.enqueue_dma source(%arg9 : memref<64x128xf32, #tpu.memory_space<vmem>>) target(%dma_start3A_149 : memref<64x128xf32, #tpu.memory_space<vmem_shared>>) target_semaphore(%run_scoped3A : memref<!tpu.dma_semaphore, #tpu.memory_space<semaphore_mem>>)
      %dma_wait3A_150 = arith.constant 0 : i32
      %dma_wait3A_151 = tpu.memref_slice %arg11[%add3A_19, %dma_wait3A_150] : memref<10240x128xf32, #tpu.memory_space<vmem_shared>> -> memref<64x128xf32, #tpu.memory_space<vmem_shared>>
      %dma_wait3A_152 = arith.constant 0 : i32
      %dma_wait3A_153 = tpu.memref_slice %arg11[%add3A_19, %dma_wait3A_152] : memref<10240x128xf32, #tpu.memory_space<vmem_shared>> -> memref<64x128xf32, #tpu.memory_space<vmem_shared>>
      tpu.wait_dma2 semaphore(%run_scoped3A : memref<!tpu.dma_semaphore, #tpu.memory_space<semaphore_mem>>) src(%arg9 : memref<64x128xf32, #tpu.memory_space<vmem>>) dst(%dma_wait3A_153 : memref<64x128xf32, #tpu.memory_space<vmem_shared>>)
      tpu.yield
    }) : () -> ()
    %mul3A_20 = arith.constant 640 : i32
    %mul3A_21 = arith.muli %arg1, %mul3A_20 : i32
    %add3A_22 = arith.constant 192 : i32
    %add3A_23 = arith.addi %mul3A_21, %add3A_22 : i32
    "tpu.region"() ({
      %run_scoped3A = tpu.sem_alloc : memref<!tpu.dma_semaphore, #tpu.memory_space<semaphore_mem>>
      %dma_start3A_146 = arith.constant 0 : i32
      %dma_start3A_147 = tpu.memref_slice %arg11[%add3A_23, %dma_start3A_146] : memref<10240x128xf32, #tpu.memory_space<vmem_shared>> -> memref<64x128xf32, #tpu.memory_space<vmem_shared>>
      %dma_start3A_148 = arith.constant 0 : i32
      %dma_start3A_149 = tpu.memref_slice %arg11[%add3A_23, %dma_start3A_148] : memref<10240x128xf32, #tpu.memory_space<vmem_shared>> -> memref<64x128xf32, #tpu.memory_space<vmem_shared>>
      tpu.enqueue_dma source(%arg9 : memref<64x128xf32, #tpu.memory_space<vmem>>) target(%dma_start3A_149 : memref<64x128xf32, #tpu.memory_space<vmem_shared>>) target_semaphore(%run_scoped3A : memref<!tpu.dma_semaphore, #tpu.memory_space<semaphore_mem>>)
      %dma_wait3A_150 = arith.constant 0 : i32
      %dma_wait3A_151 = tpu.memref_slice %arg11[%add3A_23, %dma_wait3A_150] : memref<10240x128xf32, #tpu.memory_space<vmem_shared>> -> memref<64x128xf32, #tpu.memory_space<vmem_shared>>
      %dma_wait3A_152 = arith.constant 0 : i32
      %dma_wait3A_153 = tpu.memref_slice %arg11[%add3A_23, %dma_wait3A_152] : memref<10240x128xf32, #tpu.memory_space<vmem_shared>> -> memref<64x128xf32, #tpu.memory_space<vmem_shared>>
      tpu.wait_dma2 semaphore(%run_scoped3A : memref<!tpu.dma_semaphore, #tpu.memory_space<semaphore_mem>>) src(%arg9 : memref<64x128xf32, #tpu.memory_space<vmem>>) dst(%dma_wait3A_153 : memref<64x128xf32, #tpu.memory_space<vmem_shared>>)
      tpu.yield
    }) : () -> ()
    %mul3A_24 = arith.constant 640 : i32
    %mul3A_25 = arith.muli %arg1, %mul3A_24 : i32
    %add3A_26 = arith.constant 256 : i32
    %add3A_27 = arith.addi %mul3A_25, %add3A_26 : i32
    "tpu.region"() ({
      %run_scoped3A = tpu.sem_alloc : memref<!tpu.dma_semaphore, #tpu.memory_space<semaphore_mem>>
      %dma_start3A_146 = arith.constant 0 : i32
      %dma_start3A_147 = tpu.memref_slice %arg11[%add3A_27, %dma_start3A_146] : memref<10240x128xf32, #tpu.memory_space<vmem_shared>> -> memref<64x128xf32, #tpu.memory_space<vmem_shared>>
      %dma_start3A_148 = arith.constant 0 : i32
      %dma_start3A_149 = tpu.memref_slice %arg11[%add3A_27, %dma_start3A_148] : memref<10240x128xf32, #tpu.memory_space<vmem_shared>> -> memref<64x128xf32, #tpu.memory_space<vmem_shared>>
      tpu.enqueue_dma source(%arg9 : memref<64x128xf32, #tpu.memory_space<vmem>>) target(%dma_start3A_149 : memref<64x128xf32, #tpu.memory_space<vmem_shared>>) target_semaphore(%run_scoped3A : memref<!tpu.dma_semaphore, #tpu.memory_space<semaphore_mem>>)
      %dma_wait3A_150 = arith.constant 0 : i32
      %dma_wait3A_151 = tpu.memref_slice %arg11[%add3A_27, %dma_wait3A_150] : memref<10240x128xf32, #tpu.memory_space<vmem_shared>> -> memref<64x128xf32, #tpu.memory_space<vmem_shared>>
      %dma_wait3A_152 = arith.constant 0 : i32
      %dma_wait3A_153 = tpu.memref_slice %arg11[%add3A_27, %dma_wait3A_152] : memref<10240x128xf32, #tpu.memory_space<vmem_shared>> -> memref<64x128xf32, #tpu.memory_space<vmem_shared>>
      tpu.wait_dma2 semaphore(%run_scoped3A : memref<!tpu.dma_semaphore, #tpu.memory_space<semaphore_mem>>) src(%arg9 : memref<64x128xf32, #tpu.memory_space<vmem>>) dst(%dma_wait3A_153 : memref<64x128xf32, #tpu.memory_space<vmem_shared>>)
      tpu.yield
    }) : () -> ()
    %mul3A_28 = arith.constant 640 : i32
    %mul3A_29 = arith.muli %arg1, %mul3A_28 : i32
    %add3A_30 = arith.constant 320 : i32
    %add3A_31 = arith.addi %mul3A_29, %add3A_30 : i32
    "tpu.region"() ({
      %run_scoped3A = tpu.sem_alloc : memref<!tpu.dma_semaphore, #tpu.memory_space<semaphore_mem>>
      %dma_start3A_146 = arith.constant 0 : i32
      %dma_start3A_147 = tpu.memref_slice %arg11[%add3A_31, %dma_start3A_146] : memref<10240x128xf32, #tpu.memory_space<vmem_shared>> -> memref<64x128xf32, #tpu.memory_space<vmem_shared>>
      %dma_start3A_148 = arith.constant 0 : i32
      %dma_start3A_149 = tpu.memref_slice %arg11[%add3A_31, %dma_start3A_148] : memref<10240x128xf32, #tpu.memory_space<vmem_shared>> -> memref<64x128xf32, #tpu.memory_space<vmem_shared>>
      tpu.enqueue_dma source(%arg9 : memref<64x128xf32, #tpu.memory_space<vmem>>) target(%dma_start3A_149 : memref<64x128xf32, #tpu.memory_space<vmem_shared>>) target_semaphore(%run_scoped3A : memref<!tpu.dma_semaphore, #tpu.memory_space<semaphore_mem>>)
      %dma_wait3A_150 = arith.constant 0 : i32
      %dma_wait3A_151 = tpu.memref_slice %arg11[%add3A_31, %dma_wait3A_150] : memref<10240x128xf32, #tpu.memory_space<vmem_shared>> -> memref<64x128xf32, #tpu.memory_space<vmem_shared>>
      %dma_wait3A_152 = arith.constant 0 : i32
      %dma_wait3A_153 = tpu.memref_slice %arg11[%add3A_31, %dma_wait3A_152] : memref<10240x128xf32, #tpu.memory_space<vmem_shared>> -> memref<64x128xf32, #tpu.memory_space<vmem_shared>>
      tpu.wait_dma2 semaphore(%run_scoped3A : memref<!tpu.dma_semaphore, #tpu.memory_space<semaphore_mem>>) src(%arg9 : memref<64x128xf32, #tpu.memory_space<vmem>>) dst(%dma_wait3A_153 : memref<64x128xf32, #tpu.memory_space<vmem_shared>>)
      tpu.yield
    }) : () -> ()
    %mul3A_32 = arith.constant 640 : i32
    %mul3A_33 = arith.muli %arg1, %mul3A_32 : i32
    %add3A_34 = arith.constant 384 : i32
    %add3A_35 = arith.addi %mul3A_33, %add3A_34 : i32
    "tpu.region"() ({
      %run_scoped3A = tpu.sem_alloc : memref<!tpu.dma_semaphore, #tpu.memory_space<semaphore_mem>>
      %dma_start3A_146 = arith.constant 0 : i32
      %dma_start3A_147 = tpu.memref_slice %arg11[%add3A_35, %dma_start3A_146] : memref<10240x128xf32, #tpu.memory_space<vmem_shared>> -> memref<64x128xf32, #tpu.memory_space<vmem_shared>>
      %dma_start3A_148 = arith.constant 0 : i32
      %dma_start3A_149 = tpu.memref_slice %arg11[%add3A_35, %dma_start3A_148] : memref<10240x128xf32, #tpu.memory_space<vmem_shared>> -> memref<64x128xf32, #tpu.memory_space<vmem_shared>>
      tpu.enqueue_dma source(%arg9 : memref<64x128xf32, #tpu.memory_space<vmem>>) target(%dma_start3A_149 : memref<64x128xf32, #tpu.memory_space<vmem_shared>>) target_semaphore(%run_scoped3A : memref<!tpu.dma_semaphore, #tpu.memory_space<semaphore_mem>>)
      %dma_wait3A_150 = arith.constant 0 : i32
      %dma_wait3A_151 = tpu.memref_slice %arg11[%add3A_35, %dma_wait3A_150] : memref<10240x128xf32, #tpu.memory_space<vmem_shared>> -> memref<64x128xf32, #tpu.memory_space<vmem_shared>>
      %dma_wait3A_152 = arith.constant 0 : i32
      %dma_wait3A_153 = tpu.memref_slice %arg11[%add3A_35, %dma_wait3A_152] : memref<10240x128xf32, #tpu.memory_space<vmem_shared>> -> memref<64x128xf32, #tpu.memory_space<vmem_shared>>
      tpu.wait_dma2 semaphore(%run_scoped3A : memref<!tpu.dma_semaphore, #tpu.memory_space<semaphore_mem>>) src(%arg9 : memref<64x128xf32, #tpu.memory_space<vmem>>) dst(%dma_wait3A_153 : memref<64x128xf32, #tpu.memory_space<vmem_shared>>)
      tpu.yield
    }) : () -> ()
    %mul3A_36 = arith.constant 640 : i32
    %mul3A_37 = arith.muli %arg1, %mul3A_36 : i32
    %add3A_38 = arith.constant 448 : i32
    %add3A_39 = arith.addi %mul3A_37, %add3A_38 : i32
    "tpu.region"() ({
      %run_scoped3A = tpu.sem_alloc : memref<!tpu.dma_semaphore, #tpu.memory_space<semaphore_mem>>
      %dma_start3A_146 = arith.constant 0 : i32
      %dma_start3A_147 = tpu.memref_slice %arg11[%add3A_39, %dma_start3A_146] : memref<10240x128xf32, #tpu.memory_space<vmem_shared>> -> memref<64x128xf32, #tpu.memory_space<vmem_shared>>
      %dma_start3A_148 = arith.constant 0 : i32
      %dma_start3A_149 = tpu.memref_slice %arg11[%add3A_39, %dma_start3A_148] : memref<10240x128xf32, #tpu.memory_space<vmem_shared>> -> memref<64x128xf32, #tpu.memory_space<vmem_shared>>
      tpu.enqueue_dma source(%arg9 : memref<64x128xf32, #tpu.memory_space<vmem>>) target(%dma_start3A_149 : memref<64x128xf32, #tpu.memory_space<vmem_shared>>) target_semaphore(%run_scoped3A : memref<!tpu.dma_semaphore, #tpu.memory_space<semaphore_mem>>)
      %dma_wait3A_150 = arith.constant 0 : i32
      %dma_wait3A_151 = tpu.memref_slice %arg11[%add3A_39, %dma_wait3A_150] : memref<10240x128xf32, #tpu.memory_space<vmem_shared>> -> memref<64x128xf32, #tpu.memory_space<vmem_shared>>
      %dma_wait3A_152 = arith.constant 0 : i32
      %dma_wait3A_153 = tpu.memref_slice %arg11[%add3A_39, %dma_wait3A_152] : memref<10240x128xf32, #tpu.memory_space<vmem_shared>> -> memref<64x128xf32, #tpu.memory_space<vmem_shared>>
      tpu.wait_dma2 semaphore(%run_scoped3A : memref<!tpu.dma_semaphore, #tpu.memory_space<semaphore_mem>>) src(%arg9 : memref<64x128xf32, #tpu.memory_space<vmem>>) dst(%dma_wait3A_153 : memref<64x128xf32, #tpu.memory_space<vmem_shared>>)
      tpu.yield
    }) : () -> ()
    %mul3A_40 = arith.constant 640 : i32
    %mul3A_41 = arith.muli %arg1, %mul3A_40 : i32
    %add3A_42 = arith.constant 512 : i32
    %add3A_43 = arith.addi %mul3A_41, %add3A_42 : i32
    "tpu.region"() ({
      %run_scoped3A = tpu.sem_alloc : memref<!tpu.dma_semaphore, #tpu.memory_space<semaphore_mem>>
      %dma_start3A_146 = arith.constant 0 : i32
      %dma_start3A_147 = tpu.memref_slice %arg11[%add3A_43, %dma_start3A_146] : memref<10240x128xf32, #tpu.memory_space<vmem_shared>> -> memref<64x128xf32, #tpu.memory_space<vmem_shared>>
      %dma_start3A_148 = arith.constant 0 : i32
      %dma_start3A_149 = tpu.memref_slice %arg11[%add3A_43, %dma_start3A_148] : memref<10240x128xf32, #tpu.memory_space<vmem_shared>> -> memref<64x128xf32, #tpu.memory_space<vmem_shared>>
      tpu.enqueue_dma source(%arg9 : memref<64x128xf32, #tpu.memory_space<vmem>>) target(%dma_start3A_149 : memref<64x128xf32, #tpu.memory_space<vmem_shared>>) target_semaphore(%run_scoped3A : memref<!tpu.dma_semaphore, #tpu.memory_space<semaphore_mem>>)
      %dma_wait3A_150 = arith.constant 0 : i32
      %dma_wait3A_151 = tpu.memref_slice %arg11[%add3A_43, %dma_wait3A_150] : memref<10240x128xf32, #tpu.memory_space<vmem_shared>> -> memref<64x128xf32, #tpu.memory_space<vmem_shared>>
      %dma_wait3A_152 = arith.constant 0 : i32
      %dma_wait3A_153 = tpu.memref_slice %arg11[%add3A_43, %dma_wait3A_152] : memref<10240x128xf32, #tpu.memory_space<vmem_shared>> -> memref<64x128xf32, #tpu.memory_space<vmem_shared>>
      tpu.wait_dma2 semaphore(%run_scoped3A : memref<!tpu.dma_semaphore, #tpu.memory_space<semaphore_mem>>) src(%arg9 : memref<64x128xf32, #tpu.memory_space<vmem>>) dst(%dma_wait3A_153 : memref<64x128xf32, #tpu.memory_space<vmem_shared>>)
      tpu.yield
    }) : () -> ()
    %mul3A_44 = arith.constant 640 : i32
    %mul3A_45 = arith.muli %arg1, %mul3A_44 : i32
    %add3A_46 = arith.constant 576 : i32
    %add3A_47 = arith.addi %mul3A_45, %add3A_46 : i32
    "tpu.region"() ({
      %run_scoped3A = tpu.sem_alloc : memref<!tpu.dma_semaphore, #tpu.memory_space<semaphore_mem>>
      %dma_start3A_146 = arith.constant 0 : i32
      %dma_start3A_147 = tpu.memref_slice %arg11[%add3A_47, %dma_start3A_146] : memref<10240x128xf32, #tpu.memory_space<vmem_shared>> -> memref<64x128xf32, #tpu.memory_space<vmem_shared>>
      %dma_start3A_148 = arith.constant 0 : i32
      %dma_start3A_149 = tpu.memref_slice %arg11[%add3A_47, %dma_start3A_148] : memref<10240x128xf32, #tpu.memory_space<vmem_shared>> -> memref<64x128xf32, #tpu.memory_space<vmem_shared>>
      tpu.enqueue_dma source(%arg9 : memref<64x128xf32, #tpu.memory_space<vmem>>) target(%dma_start3A_149 : memref<64x128xf32, #tpu.memory_space<vmem_shared>>) target_semaphore(%run_scoped3A : memref<!tpu.dma_semaphore, #tpu.memory_space<semaphore_mem>>)
      %dma_wait3A_150 = arith.constant 0 : i32
      %dma_wait3A_151 = tpu.memref_slice %arg11[%add3A_47, %dma_wait3A_150] : memref<10240x128xf32, #tpu.memory_space<vmem_shared>> -> memref<64x128xf32, #tpu.memory_space<vmem_shared>>
      %dma_wait3A_152 = arith.constant 0 : i32
      %dma_wait3A_153 = tpu.memref_slice %arg11[%add3A_47, %dma_wait3A_152] : memref<10240x128xf32, #tpu.memory_space<vmem_shared>> -> memref<64x128xf32, #tpu.memory_space<vmem_shared>>
      tpu.wait_dma2 semaphore(%run_scoped3A : memref<!tpu.dma_semaphore, #tpu.memory_space<semaphore_mem>>) src(%arg9 : memref<64x128xf32, #tpu.memory_space<vmem>>) dst(%dma_wait3A_153 : memref<64x128xf32, #tpu.memory_space<vmem_shared>>)
      tpu.yield
    }) : () -> ()
    %barrier3A = arith.constant 0 : index
    tpu.barrier barrier_id(%barrier3A)
    %dma_start3A = arith.constant 0 : i32
    %dma_start3A_48 = arith.constant 0 : i32
    %dma_start3A_49 = arith.constant 0 : i32
    %dma_start3A_50 = tpu.memref_slice %arg4[%add3A, %dma_start3A_48, %dma_start3A_49] : memref<32x160x64xi32, #tpu.memory_space<hbm>> -> memref<1x160x64xi32, #tpu.memory_space<hbm>>
    %dma_start3A_51 = tpu.memref_squeeze %dma_start3A_50 : memref<1x160x64xi32, #tpu.memory_space<hbm>> -> memref<160x64xi32, #tpu.memory_space<hbm>>
    %dma_start3A_52 = arith.constant 0 : i32
    %dma_start3A_53 = tpu.memref_slice %dma_start3A_51[%dma_start3A, %dma_start3A_52] : memref<160x64xi32, #tpu.memory_space<hbm>> -> memref<1x64xi32, #tpu.memory_space<hbm>>
    %dma_start3A_54 = tpu.memref_squeeze %dma_start3A_53 : memref<1x64xi32, #tpu.memory_space<hbm>> -> memref<64xi32, #tpu.memory_space<hbm>>
    %dma_start3A_55 = arith.constant 0 : i32
    %dma_start3A_56 = arith.constant 0 : i32
    %dma_start3A_57 = tpu.memref_slice %arg4[%add3A, %dma_start3A_55, %dma_start3A_56] : memref<32x160x64xi32, #tpu.memory_space<hbm>> -> memref<1x160x64xi32, #tpu.memory_space<hbm>>
    %dma_start3A_58 = tpu.memref_squeeze %dma_start3A_57 : memref<1x160x64xi32, #tpu.memory_space<hbm>> -> memref<160x64xi32, #tpu.memory_space<hbm>>
    %dma_start3A_59 = arith.constant 0 : i32
    %dma_start3A_60 = tpu.memref_slice %dma_start3A_58[%dma_start3A, %dma_start3A_59] : memref<160x64xi32, #tpu.memory_space<hbm>> -> memref<1x64xi32, #tpu.memory_space<hbm>>
    %dma_start3A_61 = tpu.memref_squeeze %dma_start3A_60 : memref<1x64xi32, #tpu.memory_space<hbm>> -> memref<64xi32, #tpu.memory_space<hbm>>
    tpu.enqueue_dma source(%dma_start3A_61 : memref<64xi32, #tpu.memory_space<hbm>>) target(%arg7 : memref<64xi32, #tpu.memory_space<vmem>>) target_semaphore(%arg14 : memref<!tpu.dma_semaphore, #tpu.memory_space<semaphore_mem>>)
    %dma_start3A_62 = arith.constant 1 : i32
    %dma_start3A_63 = arith.constant 0 : i32
    %dma_start3A_64 = arith.constant 0 : i32
    %dma_start3A_65 = tpu.memref_slice %arg4[%add3A, %dma_start3A_63, %dma_start3A_64] : memref<32x160x64xi32, #tpu.memory_space<hbm>> -> memref<1x160x64xi32, #tpu.memory_space<hbm>>
    %dma_start3A_66 = tpu.memref_squeeze %dma_start3A_65 : memref<1x160x64xi32, #tpu.memory_space<hbm>> -> memref<160x64xi32, #tpu.memory_space<hbm>>
    %dma_start3A_67 = arith.constant 0 : i32
    %dma_start3A_68 = tpu.memref_slice %dma_start3A_66[%dma_start3A_62, %dma_start3A_67] : memref<160x64xi32, #tpu.memory_space<hbm>> -> memref<1x64xi32, #tpu.memory_space<hbm>>
    %dma_start3A_69 = tpu.memref_squeeze %dma_start3A_68 : memref<1x64xi32, #tpu.memory_space<hbm>> -> memref<64xi32, #tpu.memory_space<hbm>>
    %dma_start3A_70 = arith.constant 0 : i32
    %dma_start3A_71 = arith.constant 0 : i32
    %dma_start3A_72 = tpu.memref_slice %arg4[%add3A, %dma_start3A_70, %dma_start3A_71] : memref<32x160x64xi32, #tpu.memory_space<hbm>> -> memref<1x160x64xi32, #tpu.memory_space<hbm>>
    %dma_start3A_73 = tpu.memref_squeeze %dma_start3A_72 : memref<1x160x64xi32, #tpu.memory_space<hbm>> -> memref<160x64xi32, #tpu.memory_space<hbm>>
    %dma_start3A_74 = arith.constant 0 : i32
    %dma_start3A_75 = tpu.memref_slice %dma_start3A_73[%dma_start3A_62, %dma_start3A_74] : memref<160x64xi32, #tpu.memory_space<hbm>> -> memref<1x64xi32, #tpu.memory_space<hbm>>
    %dma_start3A_76 = tpu.memref_squeeze %dma_start3A_75 : memref<1x64xi32, #tpu.memory_space<hbm>> -> memref<64xi32, #tpu.memory_space<hbm>>
    tpu.enqueue_dma source(%dma_start3A_76 : memref<64xi32, #tpu.memory_space<hbm>>) target(%arg8 : memref<64xi32, #tpu.memory_space<vmem>>) target_semaphore(%arg15 : memref<!tpu.dma_semaphore, #tpu.memory_space<semaphore_mem>>)
    %scan3A_77 = arith.constant 0 : i32
    %scan3A_78 = arith.constant 0 : i32
    %scan3A_79 = arith.constant 80 : i32
    %scan3A_80 = arith.addi %scan3A_78, %scan3A_79 : i32
    %scan3A_81 = arith.constant 1 : i32
    %scan3A_82 = scf.for %scan3A_146 = %scan3A_78 to %scan3A_80 step %scan3A_81 iter_args(%scan3A_147 = %scan3A_77) -> (i32)  : i32 {
      %mul3A_148 = arith.constant 2 : i32
      %mul3A_149 = arith.muli %scan3A_146, %mul3A_148 : i32
      %dma_start3A_150 = arith.constant 0 : i32
      %dma_start3A_151 = tpu.memref_slice %arg6[%mul3A_149, %dma_start3A_150] : memref<160x64xi32, #tpu.memory_space<vmem>> -> memref<1x64xi32, #tpu.memory_space<vmem>>
      %dma_start3A_152 = tpu.memref_squeeze %dma_start3A_151 : memref<1x64xi32, #tpu.memory_space<vmem>> -> memref<64xi32, #tpu.memory_space<vmem>>
      %dma_start3A_153 = arith.constant 0 : i32
      %dma_start3A_154 = arith.constant 0 : i32
      %dma_start3A_155 = tpu.memref_slice %arg2[%dma_start3A_153, %dma_start3A_154] : memref<10240x128xf32, #tpu.memory_space<hbm>> -> memref<10240x128xf32, #tpu.memory_space<hbm>>
      tpu.enqueue_indirect_dma source(%dma_start3A_155 : memref<10240x128xf32, #tpu.memory_space<hbm>>) target(%arg9 : memref<64x128xf32, #tpu.memory_space<vmem>>) offsets(%dma_start3A_152 : memref<64xi32, #tpu.memory_space<vmem>>) semaphore(%arg12 : memref<!tpu.dma_semaphore, #tpu.memory_space<semaphore_mem>>)
      %gt3A = arith.constant 0 : i32
      %gt3A_156 = arith.cmpi sgt, %scan3A_146, %gt3A : i32
      %convert_element_type3A = arith.extui %gt3A_156 : i1 to i32
      %cond3A = arith.constant 0 : i32
      %cond3A_157 = arith.cmpi ne, %convert_element_type3A, %cond3A : i32
      scf.if %cond3A_157 {
        %sub3A = arith.constant 1 : i32
        %sub3A_193 = arith.subi %mul3A_149, %sub3A : i32
        %dma_wait3A_194 = arith.constant 0 : i32
        %dma_wait3A_195 = tpu.memref_slice %arg6[%sub3A_193, %dma_wait3A_194] : memref<160x64xi32, #tpu.memory_space<vmem>> -> memref<1x64xi32, #tpu.memory_space<vmem>>
        %dma_wait3A_196 = tpu.memref_squeeze %dma_wait3A_195 : memref<1x64xi32, #tpu.memory_space<vmem>> -> memref<64xi32, #tpu.memory_space<vmem>>
        %dma_wait3A_197 = arith.constant 0 : i32
        %dma_wait3A_198 = arith.constant 0 : i32
        %dma_wait3A_199 = tpu.memref_slice %arg2[%dma_wait3A_197, %dma_wait3A_198] : memref<10240x128xf32, #tpu.memory_space<hbm>> -> memref<10240x128xf32, #tpu.memory_space<hbm>>
        tpu.wait_indirect_dma semaphore(%arg13 : memref<!tpu.dma_semaphore, #tpu.memory_space<semaphore_mem>>) src(%dma_wait3A_199 : memref<10240x128xf32, #tpu.memory_space<hbm>>) dst(%arg10 : memref<64x128xf32, #tpu.memory_space<vmem>>)
        %sub3A_200 = arith.constant 1 : i32
        %sub3A_201 = arith.subi %mul3A_149, %sub3A_200 : i32
        %dma_wait3A_202 = arith.constant 0 : i32
        %dma_wait3A_203 = arith.constant 0 : i32
        %dma_wait3A_204 = tpu.memref_slice %arg4[%add3A, %dma_wait3A_202, %dma_wait3A_203] : memref<32x160x64xi32, #tpu.memory_space<hbm>> -> memref<1x160x64xi32, #tpu.memory_space<hbm>>
        %dma_wait3A_205 = tpu.memref_squeeze %dma_wait3A_204 : memref<1x160x64xi32, #tpu.memory_space<hbm>> -> memref<160x64xi32, #tpu.memory_space<hbm>>
        %dma_wait3A_206 = arith.constant 0 : i32
        %dma_wait3A_207 = tpu.memref_slice %dma_wait3A_205[%sub3A_201, %dma_wait3A_206] : memref<160x64xi32, #tpu.memory_space<hbm>> -> memref<1x64xi32, #tpu.memory_space<hbm>>
        %dma_wait3A_208 = tpu.memref_squeeze %dma_wait3A_207 : memref<1x64xi32, #tpu.memory_space<hbm>> -> memref<64xi32, #tpu.memory_space<hbm>>
        %dma_wait3A_209 = arith.constant 0 : i32
        %dma_wait3A_210 = arith.constant 0 : i32
        %dma_wait3A_211 = tpu.memref_slice %arg4[%add3A, %dma_wait3A_209, %dma_wait3A_210] : memref<32x160x64xi32, #tpu.memory_space<hbm>> -> memref<1x160x64xi32, #tpu.memory_space<hbm>>
        %dma_wait3A_212 = tpu.memref_squeeze %dma_wait3A_211 : memref<1x160x64xi32, #tpu.memory_space<hbm>> -> memref<160x64xi32, #tpu.memory_space<hbm>>
        %dma_wait3A_213 = arith.constant 0 : i32
        %dma_wait3A_214 = tpu.memref_slice %dma_wait3A_212[%sub3A_201, %dma_wait3A_213] : memref<160x64xi32, #tpu.memory_space<hbm>> -> memref<1x64xi32, #tpu.memory_space<hbm>>
        %dma_wait3A_215 = tpu.memref_squeeze %dma_wait3A_214 : memref<1x64xi32, #tpu.memory_space<hbm>> -> memref<64xi32, #tpu.memory_space<hbm>>
        tpu.wait_dma2 semaphore(%arg15 : memref<!tpu.dma_semaphore, #tpu.memory_space<semaphore_mem>>) src(%dma_wait3A_215 : memref<64xi32, #tpu.memory_space<hbm>>) dst(%arg8 : memref<64xi32, #tpu.memory_space<vmem>>)
        "tpu.region"() ({
          %run_scoped3A = tpu.sem_alloc : memref<!tpu.dma_semaphore, #tpu.memory_space<semaphore_mem>>
          %dma_start3A_232 = arith.constant 0 : i32
          %dma_start3A_233 = arith.constant 0 : i32
          %dma_start3A_234 = tpu.memref_slice %arg11[%dma_start3A_232, %dma_start3A_233] : memref<10240x128xf32, #tpu.memory_space<vmem_shared>> -> memref<10240x128xf32, #tpu.memory_space<vmem_shared>>
          tpu.enqueue_indirect_dma source(%arg10 : memref<64x128xf32, #tpu.memory_space<vmem>>) target(%dma_start3A_234 : memref<10240x128xf32, #tpu.memory_space<vmem_shared>>) offsets(%arg8 : memref<64xi32, #tpu.memory_space<vmem>>) semaphore(%run_scoped3A : memref<!tpu.dma_semaphore, #tpu.memory_space<semaphore_mem>>) {add = true}
          %dma_wait3A_235 = arith.constant 0 : i32
          %dma_wait3A_236 = arith.constant 0 : i32
          %dma_wait3A_237 = tpu.memref_slice %arg11[%dma_wait3A_235, %dma_wait3A_236] : memref<10240x128xf32, #tpu.memory_space<vmem_shared>> -> memref<10240x128xf32, #tpu.memory_space<vmem_shared>>
          tpu.wait_indirect_dma semaphore(%run_scoped3A : memref<!tpu.dma_semaphore, #tpu.memory_space<semaphore_mem>>) src(%arg10 : memref<64x128xf32, #tpu.memory_space<vmem>>) dst(%dma_wait3A_237 : memref<10240x128xf32, #tpu.memory_space<vmem_shared>>)
          tpu.yield
        }) : () -> ()
        %add3A_216 = arith.constant 1 : i32
        %add3A_217 = arith.addi %mul3A_149, %add3A_216 : i32
        %dma_start3A_218 = arith.constant 0 : i32
        %dma_start3A_219 = arith.constant 0 : i32
        %dma_start3A_220 = tpu.memref_slice %arg4[%add3A, %dma_start3A_218, %dma_start3A_219] : memref<32x160x64xi32, #tpu.memory_space<hbm>> -> memref<1x160x64xi32, #tpu.memory_space<hbm>>
        %dma_start3A_221 = tpu.memref_squeeze %dma_start3A_220 : memref<1x160x64xi32, #tpu.memory_space<hbm>> -> memref<160x64xi32, #tpu.memory_space<hbm>>
        %dma_start3A_222 = arith.constant 0 : i32
        %dma_start3A_223 = tpu.memref_slice %dma_start3A_221[%add3A_217, %dma_start3A_222] : memref<160x64xi32, #tpu.memory_space<hbm>> -> memref<1x64xi32, #tpu.memory_space<hbm>>
        %dma_start3A_224 = tpu.memref_squeeze %dma_start3A_223 : memref<1x64xi32, #tpu.memory_space<hbm>> -> memref<64xi32, #tpu.memory_space<hbm>>
        %dma_start3A_225 = arith.constant 0 : i32
        %dma_start3A_226 = arith.constant 0 : i32
        %dma_start3A_227 = tpu.memref_slice %arg4[%add3A, %dma_start3A_225, %dma_start3A_226] : memref<32x160x64xi32, #tpu.memory_space<hbm>> -> memref<1x160x64xi32, #tpu.memory_space<hbm>>
        %dma_start3A_228 = tpu.memref_squeeze %dma_start3A_227 : memref<1x160x64xi32, #tpu.memory_space<hbm>> -> memref<160x64xi32, #tpu.memory_space<hbm>>
        %dma_start3A_229 = arith.constant 0 : i32
        %dma_start3A_230 = tpu.memref_slice %dma_start3A_228[%add3A_217, %dma_start3A_229] : memref<160x64xi32, #tpu.memory_space<hbm>> -> memref<1x64xi32, #tpu.memory_space<hbm>>
        %dma_start3A_231 = tpu.memref_squeeze %dma_start3A_230 : memref<1x64xi32, #tpu.memory_space<hbm>> -> memref<64xi32, #tpu.memory_space<hbm>>
        tpu.enqueue_dma source(%dma_start3A_231 : memref<64xi32, #tpu.memory_space<hbm>>) target(%arg8 : memref<64xi32, #tpu.memory_space<vmem>>) target_semaphore(%arg15 : memref<!tpu.dma_semaphore, #tpu.memory_space<semaphore_mem>>)
      } else {
      }
      %add3A_158 = arith.constant 1 : i32
      %add3A_159 = arith.addi %mul3A_149, %add3A_158 : i32
      %dma_start3A_160 = arith.constant 0 : i32
      %dma_start3A_161 = tpu.memref_slice %arg6[%add3A_159, %dma_start3A_160] : memref<160x64xi32, #tpu.memory_space<vmem>> -> memref<1x64xi32, #tpu.memory_space<vmem>>
      %dma_start3A_162 = tpu.memref_squeeze %dma_start3A_161 : memref<1x64xi32, #tpu.memory_space<vmem>> -> memref<64xi32, #tpu.memory_space<vmem>>
      %dma_start3A_163 = arith.constant 0 : i32
      %dma_start3A_164 = arith.constant 0 : i32
      %dma_start3A_165 = tpu.memref_slice %arg2[%dma_start3A_163, %dma_start3A_164] : memref<10240x128xf32, #tpu.memory_space<hbm>> -> memref<10240x128xf32, #tpu.memory_space<hbm>>
      tpu.enqueue_indirect_dma source(%dma_start3A_165 : memref<10240x128xf32, #tpu.memory_space<hbm>>) target(%arg10 : memref<64x128xf32, #tpu.memory_space<vmem>>) offsets(%dma_start3A_162 : memref<64xi32, #tpu.memory_space<vmem>>) semaphore(%arg13 : memref<!tpu.dma_semaphore, #tpu.memory_space<semaphore_mem>>)
      %dma_wait3A_166 = arith.constant 0 : i32
      %dma_wait3A_167 = tpu.memref_slice %arg6[%mul3A_149, %dma_wait3A_166] : memref<160x64xi32, #tpu.memory_space<vmem>> -> memref<1x64xi32, #tpu.memory_space<vmem>>
      %dma_wait3A_168 = tpu.memref_squeeze %dma_wait3A_167 : memref<1x64xi32, #tpu.memory_space<vmem>> -> memref<64xi32, #tpu.memory_space<vmem>>
      %dma_wait3A_169 = arith.constant 0 : i32
      %dma_wait3A_170 = arith.constant 0 : i32
      %dma_wait3A_171 = tpu.memref_slice %arg2[%dma_wait3A_169, %dma_wait3A_170] : memref<10240x128xf32, #tpu.memory_space<hbm>> -> memref<10240x128xf32, #tpu.memory_space<hbm>>
      tpu.wait_indirect_dma semaphore(%arg12 : memref<!tpu.dma_semaphore, #tpu.memory_space<semaphore_mem>>) src(%dma_wait3A_171 : memref<10240x128xf32, #tpu.memory_space<hbm>>) dst(%arg9 : memref<64x128xf32, #tpu.memory_space<vmem>>)
      %dma_wait3A_172 = arith.constant 0 : i32
      %dma_wait3A_173 = arith.constant 0 : i32
      %dma_wait3A_174 = tpu.memref_slice %arg4[%add3A, %dma_wait3A_172, %dma_wait3A_173] : memref<32x160x64xi32, #tpu.memory_space<hbm>> -> memref<1x160x64xi32, #tpu.memory_space<hbm>>
      %dma_wait3A_175 = tpu.memref_squeeze %dma_wait3A_174 : memref<1x160x64xi32, #tpu.memory_space<hbm>> -> memref<160x64xi32, #tpu.memory_space<hbm>>
      %dma_wait3A_176 = arith.constant 0 : i32
      %dma_wait3A_177 = tpu.memref_slice %dma_wait3A_175[%mul3A_149, %dma_wait3A_176] : memref<160x64xi32, #tpu.memory_space<hbm>> -> memref<1x64xi32, #tpu.memory_space<hbm>>
      %dma_wait3A_178 = tpu.memref_squeeze %dma_wait3A_177 : memref<1x64xi32, #tpu.memory_space<hbm>> -> memref<64xi32, #tpu.memory_space<hbm>>
      %dma_wait3A_179 = arith.constant 0 : i32
      %dma_wait3A_180 = arith.constant 0 : i32
      %dma_wait3A_181 = tpu.memref_slice %arg4[%add3A, %dma_wait3A_179, %dma_wait3A_180] : memref<32x160x64xi32, #tpu.memory_space<hbm>> -> memref<1x160x64xi32, #tpu.memory_space<hbm>>
      %dma_wait3A_182 = tpu.memref_squeeze %dma_wait3A_181 : memref<1x160x64xi32, #tpu.memory_space<hbm>> -> memref<160x64xi32, #tpu.memory_space<hbm>>
      %dma_wait3A_183 = arith.constant 0 : i32
      %dma_wait3A_184 = tpu.memref_slice %dma_wait3A_182[%mul3A_149, %dma_wait3A_183] : memref<160x64xi32, #tpu.memory_space<hbm>> -> memref<1x64xi32, #tpu.memory_space<hbm>>
      %dma_wait3A_185 = tpu.memref_squeeze %dma_wait3A_184 : memref<1x64xi32, #tpu.memory_space<hbm>> -> memref<64xi32, #tpu.memory_space<hbm>>
      tpu.wait_dma2 semaphore(%arg14 : memref<!tpu.dma_semaphore, #tpu.memory_space<semaphore_mem>>) src(%dma_wait3A_185 : memref<64xi32, #tpu.memory_space<hbm>>) dst(%arg7 : memref<64xi32, #tpu.memory_space<vmem>>)
      "tpu.region"() ({
        %run_scoped3A = tpu.sem_alloc : memref<!tpu.dma_semaphore, #tpu.memory_space<semaphore_mem>>
        %dma_start3A_193 = arith.constant 0 : i32
        %dma_start3A_194 = arith.constant 0 : i32
        %dma_start3A_195 = tpu.memref_slice %arg11[%dma_start3A_193, %dma_start3A_194] : memref<10240x128xf32, #tpu.memory_space<vmem_shared>> -> memref<10240x128xf32, #tpu.memory_space<vmem_shared>>
        tpu.enqueue_indirect_dma source(%arg9 : memref<64x128xf32, #tpu.memory_space<vmem>>) target(%dma_start3A_195 : memref<10240x128xf32, #tpu.memory_space<vmem_shared>>) offsets(%arg7 : memref<64xi32, #tpu.memory_space<vmem>>) semaphore(%run_scoped3A : memref<!tpu.dma_semaphore, #tpu.memory_space<semaphore_mem>>) {add = true}
        %dma_wait3A_196 = arith.constant 0 : i32
        %dma_wait3A_197 = arith.constant 0 : i32
        %dma_wait3A_198 = tpu.memref_slice %arg11[%dma_wait3A_196, %dma_wait3A_197] : memref<10240x128xf32, #tpu.memory_space<vmem_shared>> -> memref<10240x128xf32, #tpu.memory_space<vmem_shared>>
        tpu.wait_indirect_dma semaphore(%run_scoped3A : memref<!tpu.dma_semaphore, #tpu.memory_space<semaphore_mem>>) src(%arg9 : memref<64x128xf32, #tpu.memory_space<vmem>>) dst(%dma_wait3A_198 : memref<10240x128xf32, #tpu.memory_space<vmem_shared>>)
        tpu.yield
      }) : () -> ()
      %add3A_186 = arith.constant 2 : i32
      %add3A_187 = arith.addi %mul3A_149, %add3A_186 : i32
      %lt3A = arith.constant 160 : i32
      %lt3A_188 = arith.cmpi slt, %add3A_187, %lt3A : i32
      %convert_element_type3A_189 = arith.extui %lt3A_188 : i1 to i32
      %cond3A_190 = arith.constant 0 : i32
      %cond3A_191 = arith.cmpi ne, %convert_element_type3A_189, %cond3A_190 : i32
      scf.if %cond3A_191 {
        %add3A_193 = arith.constant 2 : i32
        %add3A_194 = arith.addi %mul3A_149, %add3A_193 : i32
        %dma_start3A_195 = arith.constant 0 : i32
        %dma_start3A_196 = arith.constant 0 : i32
        %dma_start3A_197 = tpu.memref_slice %arg4[%add3A, %dma_start3A_195, %dma_start3A_196] : memref<32x160x64xi32, #tpu.memory_space<hbm>> -> memref<1x160x64xi32, #tpu.memory_space<hbm>>
        %dma_start3A_198 = tpu.memref_squeeze %dma_start3A_197 : memref<1x160x64xi32, #tpu.memory_space<hbm>> -> memref<160x64xi32, #tpu.memory_space<hbm>>
        %dma_start3A_199 = arith.constant 0 : i32
        %dma_start3A_200 = tpu.memref_slice %dma_start3A_198[%add3A_194, %dma_start3A_199] : memref<160x64xi32, #tpu.memory_space<hbm>> -> memref<1x64xi32, #tpu.memory_space<hbm>>
        %dma_start3A_201 = tpu.memref_squeeze %dma_start3A_200 : memref<1x64xi32, #tpu.memory_space<hbm>> -> memref<64xi32, #tpu.memory_space<hbm>>
        %dma_start3A_202 = arith.constant 0 : i32
        %dma_start3A_203 = arith.constant 0 : i32
        %dma_start3A_204 = tpu.memref_slice %arg4[%add3A, %dma_start3A_202, %dma_start3A_203] : memref<32x160x64xi32, #tpu.memory_space<hbm>> -> memref<1x160x64xi32, #tpu.memory_space<hbm>>
        %dma_start3A_205 = tpu.memref_squeeze %dma_start3A_204 : memref<1x160x64xi32, #tpu.memory_space<hbm>> -> memref<160x64xi32, #tpu.memory_space<hbm>>
        %dma_start3A_206 = arith.constant 0 : i32
        %dma_start3A_207 = tpu.memref_slice %dma_start3A_205[%add3A_194, %dma_start3A_206] : memref<160x64xi32, #tpu.memory_space<hbm>> -> memref<1x64xi32, #tpu.memory_space<hbm>>
        %dma_start3A_208 = tpu.memref_squeeze %dma_start3A_207 : memref<1x64xi32, #tpu.memory_space<hbm>> -> memref<64xi32, #tpu.memory_space<hbm>>
        tpu.enqueue_dma source(%dma_start3A_208 : memref<64xi32, #tpu.memory_space<hbm>>) target(%arg7 : memref<64xi32, #tpu.memory_space<vmem>>) target_semaphore(%arg14 : memref<!tpu.dma_semaphore, #tpu.memory_space<semaphore_mem>>)
      } else {
      }
      %scan3A_192 = arith.constant 0 : i32
      scf.yield %scan3A_192 : i32
    }
    %scan3A_83 = arith.constant 80 : i32
    %dma_wait3A = arith.constant 159 : i32
    %dma_wait3A_84 = arith.constant 0 : i32
    %dma_wait3A_85 = tpu.memref_slice %arg6[%dma_wait3A, %dma_wait3A_84] : memref<160x64xi32, #tpu.memory_space<vmem>> -> memref<1x64xi32, #tpu.memory_space<vmem>>
    %dma_wait3A_86 = tpu.memref_squeeze %dma_wait3A_85 : memref<1x64xi32, #tpu.memory_space<vmem>> -> memref<64xi32, #tpu.memory_space<vmem>>
    %dma_wait3A_87 = arith.constant 0 : i32
    %dma_wait3A_88 = arith.constant 0 : i32
    %dma_wait3A_89 = tpu.memref_slice %arg2[%dma_wait3A_87, %dma_wait3A_88] : memref<10240x128xf32, #tpu.memory_space<hbm>> -> memref<10240x128xf32, #tpu.memory_space<hbm>>
    tpu.wait_indirect_dma semaphore(%arg13 : memref<!tpu.dma_semaphore, #tpu.memory_space<semaphore_mem>>) src(%dma_wait3A_89 : memref<10240x128xf32, #tpu.memory_space<hbm>>) dst(%arg10 : memref<64x128xf32, #tpu.memory_space<vmem>>)
    %dma_wait3A_90 = arith.constant 159 : i32
    %dma_wait3A_91 = arith.constant 0 : i32
    %dma_wait3A_92 = arith.constant 0 : i32
    %dma_wait3A_93 = tpu.memref_slice %arg4[%add3A, %dma_wait3A_91, %dma_wait3A_92] : memref<32x160x64xi32, #tpu.memory_space<hbm>> -> memref<1x160x64xi32, #tpu.memory_space<hbm>>
    %dma_wait3A_94 = tpu.memref_squeeze %dma_wait3A_93 : memref<1x160x64xi32, #tpu.memory_space<hbm>> -> memref<160x64xi32, #tpu.memory_space<hbm>>
    %dma_wait3A_95 = arith.constant 0 : i32
    %dma_wait3A_96 = tpu.memref_slice %dma_wait3A_94[%dma_wait3A_90, %dma_wait3A_95] : memref<160x64xi32, #tpu.memory_space<hbm>> -> memref<1x64xi32, #tpu.memory_space<hbm>>
    %dma_wait3A_97 = tpu.memref_squeeze %dma_wait3A_96 : memref<1x64xi32, #tpu.memory_space<hbm>> -> memref<64xi32, #tpu.memory_space<hbm>>
    %dma_wait3A_98 = arith.constant 0 : i32
    %dma_wait3A_99 = arith.constant 0 : i32
    %dma_wait3A_100 = tpu.memref_slice %arg4[%add3A, %dma_wait3A_98, %dma_wait3A_99] : memref<32x160x64xi32, #tpu.memory_space<hbm>> -> memref<1x160x64xi32, #tpu.memory_space<hbm>>
    %dma_wait3A_101 = tpu.memref_squeeze %dma_wait3A_100 : memref<1x160x64xi32, #tpu.memory_space<hbm>> -> memref<160x64xi32, #tpu.memory_space<hbm>>
    %dma_wait3A_102 = arith.constant 0 : i32
    %dma_wait3A_103 = tpu.memref_slice %dma_wait3A_101[%dma_wait3A_90, %dma_wait3A_102] : memref<160x64xi32, #tpu.memory_space<hbm>> -> memref<1x64xi32, #tpu.memory_space<hbm>>
    %dma_wait3A_104 = tpu.memref_squeeze %dma_wait3A_103 : memref<1x64xi32, #tpu.memory_space<hbm>> -> memref<64xi32, #tpu.memory_space<hbm>>
    tpu.wait_dma2 semaphore(%arg15 : memref<!tpu.dma_semaphore, #tpu.memory_space<semaphore_mem>>) src(%dma_wait3A_104 : memref<64xi32, #tpu.memory_space<hbm>>) dst(%arg8 : memref<64xi32, #tpu.memory_space<vmem>>)
    "tpu.region"() ({
      %run_scoped3A = tpu.sem_alloc : memref<!tpu.dma_semaphore, #tpu.memory_space<semaphore_mem>>
      %dma_start3A_146 = arith.constant 0 : i32
      %dma_start3A_147 = arith.constant 0 : i32
      %dma_start3A_148 = tpu.memref_slice %arg11[%dma_start3A_146, %dma_start3A_147] : memref<10240x128xf32, #tpu.memory_space<vmem_shared>> -> memref<10240x128xf32, #tpu.memory_space<vmem_shared>>
      tpu.enqueue_indirect_dma source(%arg10 : memref<64x128xf32, #tpu.memory_space<vmem>>) target(%dma_start3A_148 : memref<10240x128xf32, #tpu.memory_space<vmem_shared>>) offsets(%arg8 : memref<64xi32, #tpu.memory_space<vmem>>) semaphore(%run_scoped3A : memref<!tpu.dma_semaphore, #tpu.memory_space<semaphore_mem>>) {add = true}
      %dma_wait3A_149 = arith.constant 0 : i32
      %dma_wait3A_150 = arith.constant 0 : i32
      %dma_wait3A_151 = tpu.memref_slice %arg11[%dma_wait3A_149, %dma_wait3A_150] : memref<10240x128xf32, #tpu.memory_space<vmem_shared>> -> memref<10240x128xf32, #tpu.memory_space<vmem_shared>>
      tpu.wait_indirect_dma semaphore(%run_scoped3A : memref<!tpu.dma_semaphore, #tpu.memory_space<semaphore_mem>>) src(%arg10 : memref<64x128xf32, #tpu.memory_space<vmem>>) dst(%dma_wait3A_151 : memref<10240x128xf32, #tpu.memory_space<vmem_shared>>)
      tpu.yield
    }) : () -> ()
    %barrier3A_105 = arith.constant 0 : index
    tpu.barrier barrier_id(%barrier3A_105)
    %mul3A_106 = arith.constant 640 : i32
    %mul3A_107 = arith.muli %arg1, %mul3A_106 : i32
    %add3A_108 = arith.constant 0 : i32
    %add3A_109 = arith.addi %mul3A_107, %add3A_108 : i32
    "tpu.region"() ({
      %run_scoped3A = tpu.sem_alloc : memref<!tpu.dma_semaphore, #tpu.memory_space<semaphore_mem>>
      %dma_start3A_146 = arith.constant 0 : i32
      %dma_start3A_147 = tpu.memref_slice %arg11[%add3A_109, %dma_start3A_146] : memref<10240x128xf32, #tpu.memory_space<vmem_shared>> -> memref<64x128xf32, #tpu.memory_space<vmem_shared>>
      %dma_start3A_148 = arith.constant 0 : i32
      %dma_start3A_149 = tpu.memref_slice %arg11[%add3A_109, %dma_start3A_148] : memref<10240x128xf32, #tpu.memory_space<vmem_shared>> -> memref<64x128xf32, #tpu.memory_space<vmem_shared>>
      tpu.enqueue_dma source(%dma_start3A_149 : memref<64x128xf32, #tpu.memory_space<vmem_shared>>) target(%arg9 : memref<64x128xf32, #tpu.memory_space<vmem>>) target_semaphore(%run_scoped3A : memref<!tpu.dma_semaphore, #tpu.memory_space<semaphore_mem>>)
      %dma_wait3A_150 = arith.constant 0 : i32
      %dma_wait3A_151 = tpu.memref_slice %arg11[%add3A_109, %dma_wait3A_150] : memref<10240x128xf32, #tpu.memory_space<vmem_shared>> -> memref<64x128xf32, #tpu.memory_space<vmem_shared>>
      %dma_wait3A_152 = arith.constant 0 : i32
      %dma_wait3A_153 = tpu.memref_slice %arg11[%add3A_109, %dma_wait3A_152] : memref<10240x128xf32, #tpu.memory_space<vmem_shared>> -> memref<64x128xf32, #tpu.memory_space<vmem_shared>>
      tpu.wait_dma2 semaphore(%run_scoped3A : memref<!tpu.dma_semaphore, #tpu.memory_space<semaphore_mem>>) src(%dma_wait3A_153 : memref<64x128xf32, #tpu.memory_space<vmem_shared>>) dst(%arg9 : memref<64x128xf32, #tpu.memory_space<vmem>>)
      tpu.yield
    }) : () -> ()
    "tpu.region"() ({
      %run_scoped3A = tpu.sem_alloc : memref<!tpu.dma_semaphore, #tpu.memory_space<semaphore_mem>>
      %dma_start3A_146 = arith.constant 0 : i32
      %dma_start3A_147 = tpu.memref_slice %arg5[%arg0, %add3A_109, %dma_start3A_146] : memref<2x10240x128xf32, #tpu.memory_space<hbm>> -> memref<1x64x128xf32, #tpu.memory_space<hbm>>
      %dma_start3A_148 = tpu.memref_squeeze %dma_start3A_147 : memref<1x64x128xf32, #tpu.memory_space<hbm>> -> memref<64x128xf32, #tpu.memory_space<hbm>>
      %dma_start3A_149 = arith.constant 0 : i32
      %dma_start3A_150 = tpu.memref_slice %arg5[%arg0, %add3A_109, %dma_start3A_149] : memref<2x10240x128xf32, #tpu.memory_space<hbm>> -> memref<1x64x128xf32, #tpu.memory_space<hbm>>
      %dma_start3A_151 = tpu.memref_squeeze %dma_start3A_150 : memref<1x64x128xf32, #tpu.memory_space<hbm>> -> memref<64x128xf32, #tpu.memory_space<hbm>>
      tpu.enqueue_dma source(%arg9 : memref<64x128xf32, #tpu.memory_space<vmem>>) target(%dma_start3A_151 : memref<64x128xf32, #tpu.memory_space<hbm>>) target_semaphore(%run_scoped3A : memref<!tpu.dma_semaphore, #tpu.memory_space<semaphore_mem>>)
      %dma_wait3A_152 = arith.constant 0 : i32
      %dma_wait3A_153 = tpu.memref_slice %arg5[%arg0, %add3A_109, %dma_wait3A_152] : memref<2x10240x128xf32, #tpu.memory_space<hbm>> -> memref<1x64x128xf32, #tpu.memory_space<hbm>>
      %dma_wait3A_154 = tpu.memref_squeeze %dma_wait3A_153 : memref<1x64x128xf32, #tpu.memory_space<hbm>> -> memref<64x128xf32, #tpu.memory_space<hbm>>
      %dma_wait3A_155 = arith.constant 0 : i32
      %dma_wait3A_156 = tpu.memref_slice %arg5[%arg0, %add3A_109, %dma_wait3A_155] : memref<2x10240x128xf32, #tpu.memory_space<hbm>> -> memref<1x64x128xf32, #tpu.memory_space<hbm>>
      %dma_wait3A_157 = tpu.memref_squeeze %dma_wait3A_156 : memref<1x64x128xf32, #tpu.memory_space<hbm>> -> memref<64x128xf32, #tpu.memory_space<hbm>>
      tpu.wait_dma2 semaphore(%run_scoped3A : memref<!tpu.dma_semaphore, #tpu.memory_space<semaphore_mem>>) src(%arg9 : memref<64x128xf32, #tpu.memory_space<vmem>>) dst(%dma_wait3A_157 : memref<64x128xf32, #tpu.memory_space<hbm>>)
      tpu.yield
    }) : () -> ()
    %mul3A_110 = arith.constant 640 : i32
    %mul3A_111 = arith.muli %arg1, %mul3A_110 : i32
    %add3A_112 = arith.constant 64 : i32
    %add3A_113 = arith.addi %mul3A_111, %add3A_112 : i32
    "tpu.region"() ({
      %run_scoped3A = tpu.sem_alloc : memref<!tpu.dma_semaphore, #tpu.memory_space<semaphore_mem>>
      %dma_start3A_146 = arith.constant 0 : i32
      %dma_start3A_147 = tpu.memref_slice %arg11[%add3A_113, %dma_start3A_146] : memref<10240x128xf32, #tpu.memory_space<vmem_shared>> -> memref<64x128xf32, #tpu.memory_space<vmem_shared>>
      %dma_start3A_148 = arith.constant 0 : i32
      %dma_start3A_149 = tpu.memref_slice %arg11[%add3A_113, %dma_start3A_148] : memref<10240x128xf32, #tpu.memory_space<vmem_shared>> -> memref<64x128xf32, #tpu.memory_space<vmem_shared>>
      tpu.enqueue_dma source(%dma_start3A_149 : memref<64x128xf32, #tpu.memory_space<vmem_shared>>) target(%arg9 : memref<64x128xf32, #tpu.memory_space<vmem>>) target_semaphore(%run_scoped3A : memref<!tpu.dma_semaphore, #tpu.memory_space<semaphore_mem>>)
      %dma_wait3A_150 = arith.constant 0 : i32
      %dma_wait3A_151 = tpu.memref_slice %arg11[%add3A_113, %dma_wait3A_150] : memref<10240x128xf32, #tpu.memory_space<vmem_shared>> -> memref<64x128xf32, #tpu.memory_space<vmem_shared>>
      %dma_wait3A_152 = arith.constant 0 : i32
      %dma_wait3A_153 = tpu.memref_slice %arg11[%add3A_113, %dma_wait3A_152] : memref<10240x128xf32, #tpu.memory_space<vmem_shared>> -> memref<64x128xf32, #tpu.memory_space<vmem_shared>>
      tpu.wait_dma2 semaphore(%run_scoped3A : memref<!tpu.dma_semaphore, #tpu.memory_space<semaphore_mem>>) src(%dma_wait3A_153 : memref<64x128xf32, #tpu.memory_space<vmem_shared>>) dst(%arg9 : memref<64x128xf32, #tpu.memory_space<vmem>>)
      tpu.yield
    }) : () -> ()
    "tpu.region"() ({
      %run_scoped3A = tpu.sem_alloc : memref<!tpu.dma_semaphore, #tpu.memory_space<semaphore_mem>>
      %dma_start3A_146 = arith.constant 0 : i32
      %dma_start3A_147 = tpu.memref_slice %arg5[%arg0, %add3A_113, %dma_start3A_146] : memref<2x10240x128xf32, #tpu.memory_space<hbm>> -> memref<1x64x128xf32, #tpu.memory_space<hbm>>
      %dma_start3A_148 = tpu.memref_squeeze %dma_start3A_147 : memref<1x64x128xf32, #tpu.memory_space<hbm>> -> memref<64x128xf32, #tpu.memory_space<hbm>>
      %dma_start3A_149 = arith.constant 0 : i32
      %dma_start3A_150 = tpu.memref_slice %arg5[%arg0, %add3A_113, %dma_start3A_149] : memref<2x10240x128xf32, #tpu.memory_space<hbm>> -> memref<1x64x128xf32, #tpu.memory_space<hbm>>
      %dma_start3A_151 = tpu.memref_squeeze %dma_start3A_150 : memref<1x64x128xf32, #tpu.memory_space<hbm>> -> memref<64x128xf32, #tpu.memory_space<hbm>>
      tpu.enqueue_dma source(%arg9 : memref<64x128xf32, #tpu.memory_space<vmem>>) target(%dma_start3A_151 : memref<64x128xf32, #tpu.memory_space<hbm>>) target_semaphore(%run_scoped3A : memref<!tpu.dma_semaphore, #tpu.memory_space<semaphore_mem>>)
      %dma_wait3A_152 = arith.constant 0 : i32
      %dma_wait3A_153 = tpu.memref_slice %arg5[%arg0, %add3A_113, %dma_wait3A_152] : memref<2x10240x128xf32, #tpu.memory_space<hbm>> -> memref<1x64x128xf32, #tpu.memory_space<hbm>>
      %dma_wait3A_154 = tpu.memref_squeeze %dma_wait3A_153 : memref<1x64x128xf32, #tpu.memory_space<hbm>> -> memref<64x128xf32, #tpu.memory_space<hbm>>
      %dma_wait3A_155 = arith.constant 0 : i32
      %dma_wait3A_156 = tpu.memref_slice %arg5[%arg0, %add3A_113, %dma_wait3A_155] : memref<2x10240x128xf32, #tpu.memory_space<hbm>> -> memref<1x64x128xf32, #tpu.memory_space<hbm>>
      %dma_wait3A_157 = tpu.memref_squeeze %dma_wait3A_156 : memref<1x64x128xf32, #tpu.memory_space<hbm>> -> memref<64x128xf32, #tpu.memory_space<hbm>>
      tpu.wait_dma2 semaphore(%run_scoped3A : memref<!tpu.dma_semaphore, #tpu.memory_space<semaphore_mem>>) src(%arg9 : memref<64x128xf32, #tpu.memory_space<vmem>>) dst(%dma_wait3A_157 : memref<64x128xf32, #tpu.memory_space<hbm>>)
      tpu.yield
    }) : () -> ()
    %mul3A_114 = arith.constant 640 : i32
    %mul3A_115 = arith.muli %arg1, %mul3A_114 : i32
    %add3A_116 = arith.constant 128 : i32
    %add3A_117 = arith.addi %mul3A_115, %add3A_116 : i32
    "tpu.region"() ({
      %run_scoped3A = tpu.sem_alloc : memref<!tpu.dma_semaphore, #tpu.memory_space<semaphore_mem>>
      %dma_start3A_146 = arith.constant 0 : i32
      %dma_start3A_147 = tpu.memref_slice %arg11[%add3A_117, %dma_start3A_146] : memref<10240x128xf32, #tpu.memory_space<vmem_shared>> -> memref<64x128xf32, #tpu.memory_space<vmem_shared>>
      %dma_start3A_148 = arith.constant 0 : i32
      %dma_start3A_149 = tpu.memref_slice %arg11[%add3A_117, %dma_start3A_148] : memref<10240x128xf32, #tpu.memory_space<vmem_shared>> -> memref<64x128xf32, #tpu.memory_space<vmem_shared>>
      tpu.enqueue_dma source(%dma_start3A_149 : memref<64x128xf32, #tpu.memory_space<vmem_shared>>) target(%arg9 : memref<64x128xf32, #tpu.memory_space<vmem>>) target_semaphore(%run_scoped3A : memref<!tpu.dma_semaphore, #tpu.memory_space<semaphore_mem>>)
      %dma_wait3A_150 = arith.constant 0 : i32
      %dma_wait3A_151 = tpu.memref_slice %arg11[%add3A_117, %dma_wait3A_150] : memref<10240x128xf32, #tpu.memory_space<vmem_shared>> -> memref<64x128xf32, #tpu.memory_space<vmem_shared>>
      %dma_wait3A_152 = arith.constant 0 : i32
      %dma_wait3A_153 = tpu.memref_slice %arg11[%add3A_117, %dma_wait3A_152] : memref<10240x128xf32, #tpu.memory_space<vmem_shared>> -> memref<64x128xf32, #tpu.memory_space<vmem_shared>>
      tpu.wait_dma2 semaphore(%run_scoped3A : memref<!tpu.dma_semaphore, #tpu.memory_space<semaphore_mem>>) src(%dma_wait3A_153 : memref<64x128xf32, #tpu.memory_space<vmem_shared>>) dst(%arg9 : memref<64x128xf32, #tpu.memory_space<vmem>>)
      tpu.yield
    }) : () -> ()
    "tpu.region"() ({
      %run_scoped3A = tpu.sem_alloc : memref<!tpu.dma_semaphore, #tpu.memory_space<semaphore_mem>>
      %dma_start3A_146 = arith.constant 0 : i32
      %dma_start3A_147 = tpu.memref_slice %arg5[%arg0, %add3A_117, %dma_start3A_146] : memref<2x10240x128xf32, #tpu.memory_space<hbm>> -> memref<1x64x128xf32, #tpu.memory_space<hbm>>
      %dma_start3A_148 = tpu.memref_squeeze %dma_start3A_147 : memref<1x64x128xf32, #tpu.memory_space<hbm>> -> memref<64x128xf32, #tpu.memory_space<hbm>>
      %dma_start3A_149 = arith.constant 0 : i32
      %dma_start3A_150 = tpu.memref_slice %arg5[%arg0, %add3A_117, %dma_start3A_149] : memref<2x10240x128xf32, #tpu.memory_space<hbm>> -> memref<1x64x128xf32, #tpu.memory_space<hbm>>
      %dma_start3A_151 = tpu.memref_squeeze %dma_start3A_150 : memref<1x64x128xf32, #tpu.memory_space<hbm>> -> memref<64x128xf32, #tpu.memory_space<hbm>>
      tpu.enqueue_dma source(%arg9 : memref<64x128xf32, #tpu.memory_space<vmem>>) target(%dma_start3A_151 : memref<64x128xf32, #tpu.memory_space<hbm>>) target_semaphore(%run_scoped3A : memref<!tpu.dma_semaphore, #tpu.memory_space<semaphore_mem>>)
      %dma_wait3A_152 = arith.constant 0 : i32
      %dma_wait3A_153 = tpu.memref_slice %arg5[%arg0, %add3A_117, %dma_wait3A_152] : memref<2x10240x128xf32, #tpu.memory_space<hbm>> -> memref<1x64x128xf32, #tpu.memory_space<hbm>>
      %dma_wait3A_154 = tpu.memref_squeeze %dma_wait3A_153 : memref<1x64x128xf32, #tpu.memory_space<hbm>> -> memref<64x128xf32, #tpu.memory_space<hbm>>
      %dma_wait3A_155 = arith.constant 0 : i32
      %dma_wait3A_156 = tpu.memref_slice %arg5[%arg0, %add3A_117, %dma_wait3A_155] : memref<2x10240x128xf32, #tpu.memory_space<hbm>> -> memref<1x64x128xf32, #tpu.memory_space<hbm>>
      %dma_wait3A_157 = tpu.memref_squeeze %dma_wait3A_156 : memref<1x64x128xf32, #tpu.memory_space<hbm>> -> memref<64x128xf32, #tpu.memory_space<hbm>>
      tpu.wait_dma2 semaphore(%run_scoped3A : memref<!tpu.dma_semaphore, #tpu.memory_space<semaphore_mem>>) src(%arg9 : memref<64x128xf32, #tpu.memory_space<vmem>>) dst(%dma_wait3A_157 : memref<64x128xf32, #tpu.memory_space<hbm>>)
      tpu.yield
    }) : () -> ()
    %mul3A_118 = arith.constant 640 : i32
    %mul3A_119 = arith.muli %arg1, %mul3A_118 : i32
    %add3A_120 = arith.constant 192 : i32
    %add3A_121 = arith.addi %mul3A_119, %add3A_120 : i32
    "tpu.region"() ({
      %run_scoped3A = tpu.sem_alloc : memref<!tpu.dma_semaphore, #tpu.memory_space<semaphore_mem>>
      %dma_start3A_146 = arith.constant 0 : i32
      %dma_start3A_147 = tpu.memref_slice %arg11[%add3A_121, %dma_start3A_146] : memref<10240x128xf32, #tpu.memory_space<vmem_shared>> -> memref<64x128xf32, #tpu.memory_space<vmem_shared>>
      %dma_start3A_148 = arith.constant 0 : i32
      %dma_start3A_149 = tpu.memref_slice %arg11[%add3A_121, %dma_start3A_148] : memref<10240x128xf32, #tpu.memory_space<vmem_shared>> -> memref<64x128xf32, #tpu.memory_space<vmem_shared>>
      tpu.enqueue_dma source(%dma_start3A_149 : memref<64x128xf32, #tpu.memory_space<vmem_shared>>) target(%arg9 : memref<64x128xf32, #tpu.memory_space<vmem>>) target_semaphore(%run_scoped3A : memref<!tpu.dma_semaphore, #tpu.memory_space<semaphore_mem>>)
      %dma_wait3A_150 = arith.constant 0 : i32
      %dma_wait3A_151 = tpu.memref_slice %arg11[%add3A_121, %dma_wait3A_150] : memref<10240x128xf32, #tpu.memory_space<vmem_shared>> -> memref<64x128xf32, #tpu.memory_space<vmem_shared>>
      %dma_wait3A_152 = arith.constant 0 : i32
      %dma_wait3A_153 = tpu.memref_slice %arg11[%add3A_121, %dma_wait3A_152] : memref<10240x128xf32, #tpu.memory_space<vmem_shared>> -> memref<64x128xf32, #tpu.memory_space<vmem_shared>>
      tpu.wait_dma2 semaphore(%run_scoped3A : memref<!tpu.dma_semaphore, #tpu.memory_space<semaphore_mem>>) src(%dma_wait3A_153 : memref<64x128xf32, #tpu.memory_space<vmem_shared>>) dst(%arg9 : memref<64x128xf32, #tpu.memory_space<vmem>>)
      tpu.yield
    }) : () -> ()
    "tpu.region"() ({
      %run_scoped3A = tpu.sem_alloc : memref<!tpu.dma_semaphore, #tpu.memory_space<semaphore_mem>>
      %dma_start3A_146 = arith.constant 0 : i32
      %dma_start3A_147 = tpu.memref_slice %arg5[%arg0, %add3A_121, %dma_start3A_146] : memref<2x10240x128xf32, #tpu.memory_space<hbm>> -> memref<1x64x128xf32, #tpu.memory_space<hbm>>
      %dma_start3A_148 = tpu.memref_squeeze %dma_start3A_147 : memref<1x64x128xf32, #tpu.memory_space<hbm>> -> memref<64x128xf32, #tpu.memory_space<hbm>>
      %dma_start3A_149 = arith.constant 0 : i32
      %dma_start3A_150 = tpu.memref_slice %arg5[%arg0, %add3A_121, %dma_start3A_149] : memref<2x10240x128xf32, #tpu.memory_space<hbm>> -> memref<1x64x128xf32, #tpu.memory_space<hbm>>
      %dma_start3A_151 = tpu.memref_squeeze %dma_start3A_150 : memref<1x64x128xf32, #tpu.memory_space<hbm>> -> memref<64x128xf32, #tpu.memory_space<hbm>>
      tpu.enqueue_dma source(%arg9 : memref<64x128xf32, #tpu.memory_space<vmem>>) target(%dma_start3A_151 : memref<64x128xf32, #tpu.memory_space<hbm>>) target_semaphore(%run_scoped3A : memref<!tpu.dma_semaphore, #tpu.memory_space<semaphore_mem>>)
      %dma_wait3A_152 = arith.constant 0 : i32
      %dma_wait3A_153 = tpu.memref_slice %arg5[%arg0, %add3A_121, %dma_wait3A_152] : memref<2x10240x128xf32, #tpu.memory_space<hbm>> -> memref<1x64x128xf32, #tpu.memory_space<hbm>>
      %dma_wait3A_154 = tpu.memref_squeeze %dma_wait3A_153 : memref<1x64x128xf32, #tpu.memory_space<hbm>> -> memref<64x128xf32, #tpu.memory_space<hbm>>
      %dma_wait3A_155 = arith.constant 0 : i32
      %dma_wait3A_156 = tpu.memref_slice %arg5[%arg0, %add3A_121, %dma_wait3A_155] : memref<2x10240x128xf32, #tpu.memory_space<hbm>> -> memref<1x64x128xf32, #tpu.memory_space<hbm>>
      %dma_wait3A_157 = tpu.memref_squeeze %dma_wait3A_156 : memref<1x64x128xf32, #tpu.memory_space<hbm>> -> memref<64x128xf32, #tpu.memory_space<hbm>>
      tpu.wait_dma2 semaphore(%run_scoped3A : memref<!tpu.dma_semaphore, #tpu.memory_space<semaphore_mem>>) src(%arg9 : memref<64x128xf32, #tpu.memory_space<vmem>>) dst(%dma_wait3A_157 : memref<64x128xf32, #tpu.memory_space<hbm>>)
      tpu.yield
    }) : () -> ()
    %mul3A_122 = arith.constant 640 : i32
    %mul3A_123 = arith.muli %arg1, %mul3A_122 : i32
    %add3A_124 = arith.constant 256 : i32
    %add3A_125 = arith.addi %mul3A_123, %add3A_124 : i32
    "tpu.region"() ({
      %run_scoped3A = tpu.sem_alloc : memref<!tpu.dma_semaphore, #tpu.memory_space<semaphore_mem>>
      %dma_start3A_146 = arith.constant 0 : i32
      %dma_start3A_147 = tpu.memref_slice %arg11[%add3A_125, %dma_start3A_146] : memref<10240x128xf32, #tpu.memory_space<vmem_shared>> -> memref<64x128xf32, #tpu.memory_space<vmem_shared>>
      %dma_start3A_148 = arith.constant 0 : i32
      %dma_start3A_149 = tpu.memref_slice %arg11[%add3A_125, %dma_start3A_148] : memref<10240x128xf32, #tpu.memory_space<vmem_shared>> -> memref<64x128xf32, #tpu.memory_space<vmem_shared>>
      tpu.enqueue_dma source(%dma_start3A_149 : memref<64x128xf32, #tpu.memory_space<vmem_shared>>) target(%arg9 : memref<64x128xf32, #tpu.memory_space<vmem>>) target_semaphore(%run_scoped3A : memref<!tpu.dma_semaphore, #tpu.memory_space<semaphore_mem>>)
      %dma_wait3A_150 = arith.constant 0 : i32
      %dma_wait3A_151 = tpu.memref_slice %arg11[%add3A_125, %dma_wait3A_150] : memref<10240x128xf32, #tpu.memory_space<vmem_shared>> -> memref<64x128xf32, #tpu.memory_space<vmem_shared>>
      %dma_wait3A_152 = arith.constant 0 : i32
      %dma_wait3A_153 = tpu.memref_slice %arg11[%add3A_125, %dma_wait3A_152] : memref<10240x128xf32, #tpu.memory_space<vmem_shared>> -> memref<64x128xf32, #tpu.memory_space<vmem_shared>>
      tpu.wait_dma2 semaphore(%run_scoped3A : memref<!tpu.dma_semaphore, #tpu.memory_space<semaphore_mem>>) src(%dma_wait3A_153 : memref<64x128xf32, #tpu.memory_space<vmem_shared>>) dst(%arg9 : memref<64x128xf32, #tpu.memory_space<vmem>>)
      tpu.yield
    }) : () -> ()
    "tpu.region"() ({
      %run_scoped3A = tpu.sem_alloc : memref<!tpu.dma_semaphore, #tpu.memory_space<semaphore_mem>>
      %dma_start3A_146 = arith.constant 0 : i32
      %dma_start3A_147 = tpu.memref_slice %arg5[%arg0, %add3A_125, %dma_start3A_146] : memref<2x10240x128xf32, #tpu.memory_space<hbm>> -> memref<1x64x128xf32, #tpu.memory_space<hbm>>
      %dma_start3A_148 = tpu.memref_squeeze %dma_start3A_147 : memref<1x64x128xf32, #tpu.memory_space<hbm>> -> memref<64x128xf32, #tpu.memory_space<hbm>>
      %dma_start3A_149 = arith.constant 0 : i32
      %dma_start3A_150 = tpu.memref_slice %arg5[%arg0, %add3A_125, %dma_start3A_149] : memref<2x10240x128xf32, #tpu.memory_space<hbm>> -> memref<1x64x128xf32, #tpu.memory_space<hbm>>
      %dma_start3A_151 = tpu.memref_squeeze %dma_start3A_150 : memref<1x64x128xf32, #tpu.memory_space<hbm>> -> memref<64x128xf32, #tpu.memory_space<hbm>>
      tpu.enqueue_dma source(%arg9 : memref<64x128xf32, #tpu.memory_space<vmem>>) target(%dma_start3A_151 : memref<64x128xf32, #tpu.memory_space<hbm>>) target_semaphore(%run_scoped3A : memref<!tpu.dma_semaphore, #tpu.memory_space<semaphore_mem>>)
      %dma_wait3A_152 = arith.constant 0 : i32
      %dma_wait3A_153 = tpu.memref_slice %arg5[%arg0, %add3A_125, %dma_wait3A_152] : memref<2x10240x128xf32, #tpu.memory_space<hbm>> -> memref<1x64x128xf32, #tpu.memory_space<hbm>>
      %dma_wait3A_154 = tpu.memref_squeeze %dma_wait3A_153 : memref<1x64x128xf32, #tpu.memory_space<hbm>> -> memref<64x128xf32, #tpu.memory_space<hbm>>
      %dma_wait3A_155 = arith.constant 0 : i32
      %dma_wait3A_156 = tpu.memref_slice %arg5[%arg0, %add3A_125, %dma_wait3A_155] : memref<2x10240x128xf32, #tpu.memory_space<hbm>> -> memref<1x64x128xf32, #tpu.memory_space<hbm>>
      %dma_wait3A_157 = tpu.memref_squeeze %dma_wait3A_156 : memref<1x64x128xf32, #tpu.memory_space<hbm>> -> memref<64x128xf32, #tpu.memory_space<hbm>>
      tpu.wait_dma2 semaphore(%run_scoped3A : memref<!tpu.dma_semaphore, #tpu.memory_space<semaphore_mem>>) src(%arg9 : memref<64x128xf32, #tpu.memory_space<vmem>>) dst(%dma_wait3A_157 : memref<64x128xf32, #tpu.memory_space<hbm>>)
      tpu.yield
    }) : () -> ()
    %mul3A_126 = arith.constant 640 : i32
    %mul3A_127 = arith.muli %arg1, %mul3A_126 : i32
    %add3A_128 = arith.constant 320 : i32
    %add3A_129 = arith.addi %mul3A_127, %add3A_128 : i32
    "tpu.region"() ({
      %run_scoped3A = tpu.sem_alloc : memref<!tpu.dma_semaphore, #tpu.memory_space<semaphore_mem>>
      %dma_start3A_146 = arith.constant 0 : i32
      %dma_start3A_147 = tpu.memref_slice %arg11[%add3A_129, %dma_start3A_146] : memref<10240x128xf32, #tpu.memory_space<vmem_shared>> -> memref<64x128xf32, #tpu.memory_space<vmem_shared>>
      %dma_start3A_148 = arith.constant 0 : i32
      %dma_start3A_149 = tpu.memref_slice %arg11[%add3A_129, %dma_start3A_148] : memref<10240x128xf32, #tpu.memory_space<vmem_shared>> -> memref<64x128xf32, #tpu.memory_space<vmem_shared>>
      tpu.enqueue_dma source(%dma_start3A_149 : memref<64x128xf32, #tpu.memory_space<vmem_shared>>) target(%arg9 : memref<64x128xf32, #tpu.memory_space<vmem>>) target_semaphore(%run_scoped3A : memref<!tpu.dma_semaphore, #tpu.memory_space<semaphore_mem>>)
      %dma_wait3A_150 = arith.constant 0 : i32
      %dma_wait3A_151 = tpu.memref_slice %arg11[%add3A_129, %dma_wait3A_150] : memref<10240x128xf32, #tpu.memory_space<vmem_shared>> -> memref<64x128xf32, #tpu.memory_space<vmem_shared>>
      %dma_wait3A_152 = arith.constant 0 : i32
      %dma_wait3A_153 = tpu.memref_slice %arg11[%add3A_129, %dma_wait3A_152] : memref<10240x128xf32, #tpu.memory_space<vmem_shared>> -> memref<64x128xf32, #tpu.memory_space<vmem_shared>>
      tpu.wait_dma2 semaphore(%run_scoped3A : memref<!tpu.dma_semaphore, #tpu.memory_space<semaphore_mem>>) src(%dma_wait3A_153 : memref<64x128xf32, #tpu.memory_space<vmem_shared>>) dst(%arg9 : memref<64x128xf32, #tpu.memory_space<vmem>>)
      tpu.yield
    }) : () -> ()
    "tpu.region"() ({
      %run_scoped3A = tpu.sem_alloc : memref<!tpu.dma_semaphore, #tpu.memory_space<semaphore_mem>>
      %dma_start3A_146 = arith.constant 0 : i32
      %dma_start3A_147 = tpu.memref_slice %arg5[%arg0, %add3A_129, %dma_start3A_146] : memref<2x10240x128xf32, #tpu.memory_space<hbm>> -> memref<1x64x128xf32, #tpu.memory_space<hbm>>
      %dma_start3A_148 = tpu.memref_squeeze %dma_start3A_147 : memref<1x64x128xf32, #tpu.memory_space<hbm>> -> memref<64x128xf32, #tpu.memory_space<hbm>>
      %dma_start3A_149 = arith.constant 0 : i32
      %dma_start3A_150 = tpu.memref_slice %arg5[%arg0, %add3A_129, %dma_start3A_149] : memref<2x10240x128xf32, #tpu.memory_space<hbm>> -> memref<1x64x128xf32, #tpu.memory_space<hbm>>
      %dma_start3A_151 = tpu.memref_squeeze %dma_start3A_150 : memref<1x64x128xf32, #tpu.memory_space<hbm>> -> memref<64x128xf32, #tpu.memory_space<hbm>>
      tpu.enqueue_dma source(%arg9 : memref<64x128xf32, #tpu.memory_space<vmem>>) target(%dma_start3A_151 : memref<64x128xf32, #tpu.memory_space<hbm>>) target_semaphore(%run_scoped3A : memref<!tpu.dma_semaphore, #tpu.memory_space<semaphore_mem>>)
      %dma_wait3A_152 = arith.constant 0 : i32
      %dma_wait3A_153 = tpu.memref_slice %arg5[%arg0, %add3A_129, %dma_wait3A_152] : memref<2x10240x128xf32, #tpu.memory_space<hbm>> -> memref<1x64x128xf32, #tpu.memory_space<hbm>>
      %dma_wait3A_154 = tpu.memref_squeeze %dma_wait3A_153 : memref<1x64x128xf32, #tpu.memory_space<hbm>> -> memref<64x128xf32, #tpu.memory_space<hbm>>
      %dma_wait3A_155 = arith.constant 0 : i32
      %dma_wait3A_156 = tpu.memref_slice %arg5[%arg0, %add3A_129, %dma_wait3A_155] : memref<2x10240x128xf32, #tpu.memory_space<hbm>> -> memref<1x64x128xf32, #tpu.memory_space<hbm>>
      %dma_wait3A_157 = tpu.memref_squeeze %dma_wait3A_156 : memref<1x64x128xf32, #tpu.memory_space<hbm>> -> memref<64x128xf32, #tpu.memory_space<hbm>>
      tpu.wait_dma2 semaphore(%run_scoped3A : memref<!tpu.dma_semaphore, #tpu.memory_space<semaphore_mem>>) src(%arg9 : memref<64x128xf32, #tpu.memory_space<vmem>>) dst(%dma_wait3A_157 : memref<64x128xf32, #tpu.memory_space<hbm>>)
      tpu.yield
    }) : () -> ()
    %mul3A_130 = arith.constant 640 : i32
    %mul3A_131 = arith.muli %arg1, %mul3A_130 : i32
    %add3A_132 = arith.constant 384 : i32
    %add3A_133 = arith.addi %mul3A_131, %add3A_132 : i32
    "tpu.region"() ({
      %run_scoped3A = tpu.sem_alloc : memref<!tpu.dma_semaphore, #tpu.memory_space<semaphore_mem>>
      %dma_start3A_146 = arith.constant 0 : i32
      %dma_start3A_147 = tpu.memref_slice %arg11[%add3A_133, %dma_start3A_146] : memref<10240x128xf32, #tpu.memory_space<vmem_shared>> -> memref<64x128xf32, #tpu.memory_space<vmem_shared>>
      %dma_start3A_148 = arith.constant 0 : i32
      %dma_start3A_149 = tpu.memref_slice %arg11[%add3A_133, %dma_start3A_148] : memref<10240x128xf32, #tpu.memory_space<vmem_shared>> -> memref<64x128xf32, #tpu.memory_space<vmem_shared>>
      tpu.enqueue_dma source(%dma_start3A_149 : memref<64x128xf32, #tpu.memory_space<vmem_shared>>) target(%arg9 : memref<64x128xf32, #tpu.memory_space<vmem>>) target_semaphore(%run_scoped3A : memref<!tpu.dma_semaphore, #tpu.memory_space<semaphore_mem>>)
      %dma_wait3A_150 = arith.constant 0 : i32
      %dma_wait3A_151 = tpu.memref_slice %arg11[%add3A_133, %dma_wait3A_150] : memref<10240x128xf32, #tpu.memory_space<vmem_shared>> -> memref<64x128xf32, #tpu.memory_space<vmem_shared>>
      %dma_wait3A_152 = arith.constant 0 : i32
      %dma_wait3A_153 = tpu.memref_slice %arg11[%add3A_133, %dma_wait3A_152] : memref<10240x128xf32, #tpu.memory_space<vmem_shared>> -> memref<64x128xf32, #tpu.memory_space<vmem_shared>>
      tpu.wait_dma2 semaphore(%run_scoped3A : memref<!tpu.dma_semaphore, #tpu.memory_space<semaphore_mem>>) src(%dma_wait3A_153 : memref<64x128xf32, #tpu.memory_space<vmem_shared>>) dst(%arg9 : memref<64x128xf32, #tpu.memory_space<vmem>>)
      tpu.yield
    }) : () -> ()
    "tpu.region"() ({
      %run_scoped3A = tpu.sem_alloc : memref<!tpu.dma_semaphore, #tpu.memory_space<semaphore_mem>>
      %dma_start3A_146 = arith.constant 0 : i32
      %dma_start3A_147 = tpu.memref_slice %arg5[%arg0, %add3A_133, %dma_start3A_146] : memref<2x10240x128xf32, #tpu.memory_space<hbm>> -> memref<1x64x128xf32, #tpu.memory_space<hbm>>
      %dma_start3A_148 = tpu.memref_squeeze %dma_start3A_147 : memref<1x64x128xf32, #tpu.memory_space<hbm>> -> memref<64x128xf32, #tpu.memory_space<hbm>>
      %dma_start3A_149 = arith.constant 0 : i32
      %dma_start3A_150 = tpu.memref_slice %arg5[%arg0, %add3A_133, %dma_start3A_149] : memref<2x10240x128xf32, #tpu.memory_space<hbm>> -> memref<1x64x128xf32, #tpu.memory_space<hbm>>
      %dma_start3A_151 = tpu.memref_squeeze %dma_start3A_150 : memref<1x64x128xf32, #tpu.memory_space<hbm>> -> memref<64x128xf32, #tpu.memory_space<hbm>>
      tpu.enqueue_dma source(%arg9 : memref<64x128xf32, #tpu.memory_space<vmem>>) target(%dma_start3A_151 : memref<64x128xf32, #tpu.memory_space<hbm>>) target_semaphore(%run_scoped3A : memref<!tpu.dma_semaphore, #tpu.memory_space<semaphore_mem>>)
      %dma_wait3A_152 = arith.constant 0 : i32
      %dma_wait3A_153 = tpu.memref_slice %arg5[%arg0, %add3A_133, %dma_wait3A_152] : memref<2x10240x128xf32, #tpu.memory_space<hbm>> -> memref<1x64x128xf32, #tpu.memory_space<hbm>>
      %dma_wait3A_154 = tpu.memref_squeeze %dma_wait3A_153 : memref<1x64x128xf32, #tpu.memory_space<hbm>> -> memref<64x128xf32, #tpu.memory_space<hbm>>
      %dma_wait3A_155 = arith.constant 0 : i32
      %dma_wait3A_156 = tpu.memref_slice %arg5[%arg0, %add3A_133, %dma_wait3A_155] : memref<2x10240x128xf32, #tpu.memory_space<hbm>> -> memref<1x64x128xf32, #tpu.memory_space<hbm>>
      %dma_wait3A_157 = tpu.memref_squeeze %dma_wait3A_156 : memref<1x64x128xf32, #tpu.memory_space<hbm>> -> memref<64x128xf32, #tpu.memory_space<hbm>>
      tpu.wait_dma2 semaphore(%run_scoped3A : memref<!tpu.dma_semaphore, #tpu.memory_space<semaphore_mem>>) src(%arg9 : memref<64x128xf32, #tpu.memory_space<vmem>>) dst(%dma_wait3A_157 : memref<64x128xf32, #tpu.memory_space<hbm>>)
      tpu.yield
    }) : () -> ()
    %mul3A_134 = arith.constant 640 : i32
    %mul3A_135 = arith.muli %arg1, %mul3A_134 : i32
    %add3A_136 = arith.constant 448 : i32
    %add3A_137 = arith.addi %mul3A_135, %add3A_136 : i32
    "tpu.region"() ({
      %run_scoped3A = tpu.sem_alloc : memref<!tpu.dma_semaphore, #tpu.memory_space<semaphore_mem>>
      %dma_start3A_146 = arith.constant 0 : i32
      %dma_start3A_147 = tpu.memref_slice %arg11[%add3A_137, %dma_start3A_146] : memref<10240x128xf32, #tpu.memory_space<vmem_shared>> -> memref<64x128xf32, #tpu.memory_space<vmem_shared>>
      %dma_start3A_148 = arith.constant 0 : i32
      %dma_start3A_149 = tpu.memref_slice %arg11[%add3A_137, %dma_start3A_148] : memref<10240x128xf32, #tpu.memory_space<vmem_shared>> -> memref<64x128xf32, #tpu.memory_space<vmem_shared>>
      tpu.enqueue_dma source(%dma_start3A_149 : memref<64x128xf32, #tpu.memory_space<vmem_shared>>) target(%arg9 : memref<64x128xf32, #tpu.memory_space<vmem>>) target_semaphore(%run_scoped3A : memref<!tpu.dma_semaphore, #tpu.memory_space<semaphore_mem>>)
      %dma_wait3A_150 = arith.constant 0 : i32
      %dma_wait3A_151 = tpu.memref_slice %arg11[%add3A_137, %dma_wait3A_150] : memref<10240x128xf32, #tpu.memory_space<vmem_shared>> -> memref<64x128xf32, #tpu.memory_space<vmem_shared>>
      %dma_wait3A_152 = arith.constant 0 : i32
      %dma_wait3A_153 = tpu.memref_slice %arg11[%add3A_137, %dma_wait3A_152] : memref<10240x128xf32, #tpu.memory_space<vmem_shared>> -> memref<64x128xf32, #tpu.memory_space<vmem_shared>>
      tpu.wait_dma2 semaphore(%run_scoped3A : memref<!tpu.dma_semaphore, #tpu.memory_space<semaphore_mem>>) src(%dma_wait3A_153 : memref<64x128xf32, #tpu.memory_space<vmem_shared>>) dst(%arg9 : memref<64x128xf32, #tpu.memory_space<vmem>>)
      tpu.yield
    }) : () -> ()
    "tpu.region"() ({
      %run_scoped3A = tpu.sem_alloc : memref<!tpu.dma_semaphore, #tpu.memory_space<semaphore_mem>>
      %dma_start3A_146 = arith.constant 0 : i32
      %dma_start3A_147 = tpu.memref_slice %arg5[%arg0, %add3A_137, %dma_start3A_146] : memref<2x10240x128xf32, #tpu.memory_space<hbm>> -> memref<1x64x128xf32, #tpu.memory_space<hbm>>
      %dma_start3A_148 = tpu.memref_squeeze %dma_start3A_147 : memref<1x64x128xf32, #tpu.memory_space<hbm>> -> memref<64x128xf32, #tpu.memory_space<hbm>>
      %dma_start3A_149 = arith.constant 0 : i32
      %dma_start3A_150 = tpu.memref_slice %arg5[%arg0, %add3A_137, %dma_start3A_149] : memref<2x10240x128xf32, #tpu.memory_space<hbm>> -> memref<1x64x128xf32, #tpu.memory_space<hbm>>
      %dma_start3A_151 = tpu.memref_squeeze %dma_start3A_150 : memref<1x64x128xf32, #tpu.memory_space<hbm>> -> memref<64x128xf32, #tpu.memory_space<hbm>>
      tpu.enqueue_dma source(%arg9 : memref<64x128xf32, #tpu.memory_space<vmem>>) target(%dma_start3A_151 : memref<64x128xf32, #tpu.memory_space<hbm>>) target_semaphore(%run_scoped3A : memref<!tpu.dma_semaphore, #tpu.memory_space<semaphore_mem>>)
      %dma_wait3A_152 = arith.constant 0 : i32
      %dma_wait3A_153 = tpu.memref_slice %arg5[%arg0, %add3A_137, %dma_wait3A_152] : memref<2x10240x128xf32, #tpu.memory_space<hbm>> -> memref<1x64x128xf32, #tpu.memory_space<hbm>>
      %dma_wait3A_154 = tpu.memref_squeeze %dma_wait3A_153 : memref<1x64x128xf32, #tpu.memory_space<hbm>> -> memref<64x128xf32, #tpu.memory_space<hbm>>
      %dma_wait3A_155 = arith.constant 0 : i32
      %dma_wait3A_156 = tpu.memref_slice %arg5[%arg0, %add3A_137, %dma_wait3A_155] : memref<2x10240x128xf32, #tpu.memory_space<hbm>> -> memref<1x64x128xf32, #tpu.memory_space<hbm>>
      %dma_wait3A_157 = tpu.memref_squeeze %dma_wait3A_156 : memref<1x64x128xf32, #tpu.memory_space<hbm>> -> memref<64x128xf32, #tpu.memory_space<hbm>>
      tpu.wait_dma2 semaphore(%run_scoped3A : memref<!tpu.dma_semaphore, #tpu.memory_space<semaphore_mem>>) src(%arg9 : memref<64x128xf32, #tpu.memory_space<vmem>>) dst(%dma_wait3A_157 : memref<64x128xf32, #tpu.memory_space<hbm>>)
      tpu.yield
    }) : () -> ()
    %mul3A_138 = arith.constant 640 : i32
    %mul3A_139 = arith.muli %arg1, %mul3A_138 : i32
    %add3A_140 = arith.constant 512 : i32
    %add3A_141 = arith.addi %mul3A_139, %add3A_140 : i32
    "tpu.region"() ({
      %run_scoped3A = tpu.sem_alloc : memref<!tpu.dma_semaphore, #tpu.memory_space<semaphore_mem>>
      %dma_start3A_146 = arith.constant 0 : i32
      %dma_start3A_147 = tpu.memref_slice %arg11[%add3A_141, %dma_start3A_146] : memref<10240x128xf32, #tpu.memory_space<vmem_shared>> -> memref<64x128xf32, #tpu.memory_space<vmem_shared>>
      %dma_start3A_148 = arith.constant 0 : i32
      %dma_start3A_149 = tpu.memref_slice %arg11[%add3A_141, %dma_start3A_148] : memref<10240x128xf32, #tpu.memory_space<vmem_shared>> -> memref<64x128xf32, #tpu.memory_space<vmem_shared>>
      tpu.enqueue_dma source(%dma_start3A_149 : memref<64x128xf32, #tpu.memory_space<vmem_shared>>) target(%arg9 : memref<64x128xf32, #tpu.memory_space<vmem>>) target_semaphore(%run_scoped3A : memref<!tpu.dma_semaphore, #tpu.memory_space<semaphore_mem>>)
      %dma_wait3A_150 = arith.constant 0 : i32
      %dma_wait3A_151 = tpu.memref_slice %arg11[%add3A_141, %dma_wait3A_150] : memref<10240x128xf32, #tpu.memory_space<vmem_shared>> -> memref<64x128xf32, #tpu.memory_space<vmem_shared>>
      %dma_wait3A_152 = arith.constant 0 : i32
      %dma_wait3A_153 = tpu.memref_slice %arg11[%add3A_141, %dma_wait3A_152] : memref<10240x128xf32, #tpu.memory_space<vmem_shared>> -> memref<64x128xf32, #tpu.memory_space<vmem_shared>>
      tpu.wait_dma2 semaphore(%run_scoped3A : memref<!tpu.dma_semaphore, #tpu.memory_space<semaphore_mem>>) src(%dma_wait3A_153 : memref<64x128xf32, #tpu.memory_space<vmem_shared>>) dst(%arg9 : memref<64x128xf32, #tpu.memory_space<vmem>>)
      tpu.yield
    }) : () -> ()
    "tpu.region"() ({
      %run_scoped3A = tpu.sem_alloc : memref<!tpu.dma_semaphore, #tpu.memory_space<semaphore_mem>>
      %dma_start3A_146 = arith.constant 0 : i32
      %dma_start3A_147 = tpu.memref_slice %arg5[%arg0, %add3A_141, %dma_start3A_146] : memref<2x10240x128xf32, #tpu.memory_space<hbm>> -> memref<1x64x128xf32, #tpu.memory_space<hbm>>
      %dma_start3A_148 = tpu.memref_squeeze %dma_start3A_147 : memref<1x64x128xf32, #tpu.memory_space<hbm>> -> memref<64x128xf32, #tpu.memory_space<hbm>>
      %dma_start3A_149 = arith.constant 0 : i32
      %dma_start3A_150 = tpu.memref_slice %arg5[%arg0, %add3A_141, %dma_start3A_149] : memref<2x10240x128xf32, #tpu.memory_space<hbm>> -> memref<1x64x128xf32, #tpu.memory_space<hbm>>
      %dma_start3A_151 = tpu.memref_squeeze %dma_start3A_150 : memref<1x64x128xf32, #tpu.memory_space<hbm>> -> memref<64x128xf32, #tpu.memory_space<hbm>>
      tpu.enqueue_dma source(%arg9 : memref<64x128xf32, #tpu.memory_space<vmem>>) target(%dma_start3A_151 : memref<64x128xf32, #tpu.memory_space<hbm>>) target_semaphore(%run_scoped3A : memref<!tpu.dma_semaphore, #tpu.memory_space<semaphore_mem>>)
      %dma_wait3A_152 = arith.constant 0 : i32
      %dma_wait3A_153 = tpu.memref_slice %arg5[%arg0, %add3A_141, %dma_wait3A_152] : memref<2x10240x128xf32, #tpu.memory_space<hbm>> -> memref<1x64x128xf32, #tpu.memory_space<hbm>>
      %dma_wait3A_154 = tpu.memref_squeeze %dma_wait3A_153 : memref<1x64x128xf32, #tpu.memory_space<hbm>> -> memref<64x128xf32, #tpu.memory_space<hbm>>
      %dma_wait3A_155 = arith.constant 0 : i32
      %dma_wait3A_156 = tpu.memref_slice %arg5[%arg0, %add3A_141, %dma_wait3A_155] : memref<2x10240x128xf32, #tpu.memory_space<hbm>> -> memref<1x64x128xf32, #tpu.memory_space<hbm>>
      %dma_wait3A_157 = tpu.memref_squeeze %dma_wait3A_156 : memref<1x64x128xf32, #tpu.memory_space<hbm>> -> memref<64x128xf32, #tpu.memory_space<hbm>>
      tpu.wait_dma2 semaphore(%run_scoped3A : memref<!tpu.dma_semaphore, #tpu.memory_space<semaphore_mem>>) src(%arg9 : memref<64x128xf32, #tpu.memory_space<vmem>>) dst(%dma_wait3A_157 : memref<64x128xf32, #tpu.memory_space<hbm>>)
      tpu.yield
    }) : () -> ()
    %mul3A_142 = arith.constant 640 : i32
    %mul3A_143 = arith.muli %arg1, %mul3A_142 : i32
    %add3A_144 = arith.constant 576 : i32
    %add3A_145 = arith.addi %mul3A_143, %add3A_144 : i32
    "tpu.region"() ({
      %run_scoped3A = tpu.sem_alloc : memref<!tpu.dma_semaphore, #tpu.memory_space<semaphore_mem>>
      %dma_start3A_146 = arith.constant 0 : i32
      %dma_start3A_147 = tpu.memref_slice %arg11[%add3A_145, %dma_start3A_146] : memref<10240x128xf32, #tpu.memory_space<vmem_shared>> -> memref<64x128xf32, #tpu.memory_space<vmem_shared>>
      %dma_start3A_148 = arith.constant 0 : i32
      %dma_start3A_149 = tpu.memref_slice %arg11[%add3A_145, %dma_start3A_148] : memref<10240x128xf32, #tpu.memory_space<vmem_shared>> -> memref<64x128xf32, #tpu.memory_space<vmem_shared>>
      tpu.enqueue_dma source(%dma_start3A_149 : memref<64x128xf32, #tpu.memory_space<vmem_shared>>) target(%arg9 : memref<64x128xf32, #tpu.memory_space<vmem>>) target_semaphore(%run_scoped3A : memref<!tpu.dma_semaphore, #tpu.memory_space<semaphore_mem>>)
      %dma_wait3A_150 = arith.constant 0 : i32
      %dma_wait3A_151 = tpu.memref_slice %arg11[%add3A_145, %dma_wait3A_150] : memref<10240x128xf32, #tpu.memory_space<vmem_shared>> -> memref<64x128xf32, #tpu.memory_space<vmem_shared>>
      %dma_wait3A_152 = arith.constant 0 : i32
      %dma_wait3A_153 = tpu.memref_slice %arg11[%add3A_145, %dma_wait3A_152] : memref<10240x128xf32, #tpu.memory_space<vmem_shared>> -> memref<64x128xf32, #tpu.memory_space<vmem_shared>>
      tpu.wait_dma2 semaphore(%run_scoped3A : memref<!tpu.dma_semaphore, #tpu.memory_space<semaphore_mem>>) src(%dma_wait3A_153 : memref<64x128xf32, #tpu.memory_space<vmem_shared>>) dst(%arg9 : memref<64x128xf32, #tpu.memory_space<vmem>>)
      tpu.yield
    }) : () -> ()
    "tpu.region"() ({
      %run_scoped3A = tpu.sem_alloc : memref<!tpu.dma_semaphore, #tpu.memory_space<semaphore_mem>>
      %dma_start3A_146 = arith.constant 0 : i32
      %dma_start3A_147 = tpu.memref_slice %arg5[%arg0, %add3A_145, %dma_start3A_146] : memref<2x10240x128xf32, #tpu.memory_space<hbm>> -> memref<1x64x128xf32, #tpu.memory_space<hbm>>
      %dma_start3A_148 = tpu.memref_squeeze %dma_start3A_147 : memref<1x64x128xf32, #tpu.memory_space<hbm>> -> memref<64x128xf32, #tpu.memory_space<hbm>>
      %dma_start3A_149 = arith.constant 0 : i32
      %dma_start3A_150 = tpu.memref_slice %arg5[%arg0, %add3A_145, %dma_start3A_149] : memref<2x10240x128xf32, #tpu.memory_space<hbm>> -> memref<1x64x128xf32, #tpu.memory_space<hbm>>
      %dma_start3A_151 = tpu.memref_squeeze %dma_start3A_150 : memref<1x64x128xf32, #tpu.memory_space<hbm>> -> memref<64x128xf32, #tpu.memory_space<hbm>>
      tpu.enqueue_dma source(%arg9 : memref<64x128xf32, #tpu.memory_space<vmem>>) target(%dma_start3A_151 : memref<64x128xf32, #tpu.memory_space<hbm>>) target_semaphore(%run_scoped3A : memref<!tpu.dma_semaphore, #tpu.memory_space<semaphore_mem>>)
      %dma_wait3A_152 = arith.constant 0 : i32
      %dma_wait3A_153 = tpu.memref_slice %arg5[%arg0, %add3A_145, %dma_wait3A_152] : memref<2x10240x128xf32, #tpu.memory_space<hbm>> -> memref<1x64x128xf32, #tpu.memory_space<hbm>>
      %dma_wait3A_154 = tpu.memref_squeeze %dma_wait3A_153 : memref<1x64x128xf32, #tpu.memory_space<hbm>> -> memref<64x128xf32, #tpu.memory_space<hbm>>
      %dma_wait3A_155 = arith.constant 0 : i32
      %dma_wait3A_156 = tpu.memref_slice %arg5[%arg0, %add3A_145, %dma_wait3A_155] : memref<2x10240x128xf32, #tpu.memory_space<hbm>> -> memref<1x64x128xf32, #tpu.memory_space<hbm>>
      %dma_wait3A_157 = tpu.memref_squeeze %dma_wait3A_156 : memref<1x64x128xf32, #tpu.memory_space<hbm>> -> memref<64x128xf32, #tpu.memory_space<hbm>>
      tpu.wait_dma2 semaphore(%run_scoped3A : memref<!tpu.dma_semaphore, #tpu.memory_space<semaphore_mem>>) src(%arg9 : memref<64x128xf32, #tpu.memory_space<vmem>>) dst(%dma_wait3A_157 : memref<64x128xf32, #tpu.memory_space<hbm>>)
      tpu.yield
    }) : () -> ()
    return
  }
}

#map = affine_map<(d0, d1) -> (0, 0)>
#map1 = affine_map<(d0, d1) -> (0, 0, 0)>
module attributes {stable_mosaic.version = 14 : i64} {
  func.func @_agg_body(%arg0: i32, %arg1: i32, %arg2: memref<10240x128xf32, #tpu.memory_space<hbm>>, %arg3: memref<32x160x64xi32, #tpu.memory_space<hbm>>, %arg4: memref<32x160x64xi32, #tpu.memory_space<hbm>>, %arg5: memref<2x10240x128xf32, #tpu.memory_space<hbm>>, %arg6: memref<160x64xi32, #tpu.memory_space<vmem>>, %arg7: memref<64xi32, #tpu.memory_space<vmem>>, %arg8: memref<64xi32, #tpu.memory_space<vmem>>, %arg9: memref<64x128xf32, #tpu.memory_space<vmem>>, %arg10: memref<64x128xf32, #tpu.memory_space<vmem>>, %arg11: memref<10240x128xf32, #tpu.memory_space<vmem_shared>>, %arg12: memref<!tpu.dma_semaphore, #tpu.memory_space<semaphore_mem>>, %arg13: memref<!tpu.dma_semaphore, #tpu.memory_space<semaphore_mem>>, %arg14: memref<!tpu.dma_semaphore, #tpu.memory_space<semaphore_mem>>, %arg15: memref<!tpu.dma_semaphore, #tpu.memory_space<semaphore_mem>>) attributes {dimension_semantics = [#tpu.dimension_semantics<core_parallel>, #tpu.dimension_semantics<subcore_parallel>], iteration_bounds = array<i64: 2, 16>, scalar_prefetch = 0 : i64, scratch_operands = 10 : i64, tpu.core_type = #tpu.core_type<sc_vector_subcore>, window_params = [{transform_indices = #map}, {transform_indices = #map1}, {transform_indices = #map1}, {transform_indices = #map1}]} {
    %mul3A = arith.constant 2 : i32
    %mul3A_0 = arith.muli %arg1, %mul3A : i32
    %add3A = arith.addi %mul3A_0, %arg0 : i32
    "tpu.region"() ({
      %run_scoped3A = tpu.sem_alloc : memref<!tpu.dma_semaphore, #tpu.memory_space<semaphore_mem>>
      %dma_start3A_146 = arith.constant 0 : i32
      %dma_start3A_147 = arith.constant 0 : i32
      %dma_start3A_148 = tpu.memref_slice %arg3[%add3A, %dma_start3A_146, %dma_start3A_147] : memref<32x160x64xi32, #tpu.memory_space<hbm>> -> memref<1x160x64xi32, #tpu.memory_space<hbm>>
      %dma_start3A_149 = tpu.memref_squeeze %dma_start3A_148 : memref<1x160x64xi32, #tpu.memory_space<hbm>> -> memref<160x64xi32, #tpu.memory_space<hbm>>
      %dma_start3A_150 = arith.constant 0 : i32
      %dma_start3A_151 = arith.constant 0 : i32
      %dma_start3A_152 = tpu.memref_slice %arg3[%add3A, %dma_start3A_150, %dma_start3A_151] : memref<32x160x64xi32, #tpu.memory_space<hbm>> -> memref<1x160x64xi32, #tpu.memory_space<hbm>>
      %dma_start3A_153 = tpu.memref_squeeze %dma_start3A_152 : memref<1x160x64xi32, #tpu.memory_space<hbm>> -> memref<160x64xi32, #tpu.memory_space<hbm>>
      tpu.enqueue_dma source(%dma_start3A_153 : memref<160x64xi32, #tpu.memory_space<hbm>>) target(%arg6 : memref<160x64xi32, #tpu.memory_space<vmem>>) target_semaphore(%run_scoped3A : memref<!tpu.dma_semaphore, #tpu.memory_space<semaphore_mem>>)
      %dma_wait3A_154 = arith.constant 0 : i32
      %dma_wait3A_155 = arith.constant 0 : i32
      %dma_wait3A_156 = tpu.memref_slice %arg3[%add3A, %dma_wait3A_154, %dma_wait3A_155] : memref<32x160x64xi32, #tpu.memory_space<hbm>> -> memref<1x160x64xi32, #tpu.memory_space<hbm>>
      %dma_wait3A_157 = tpu.memref_squeeze %dma_wait3A_156 : memref<1x160x64xi32, #tpu.memory_space<hbm>> -> memref<160x64xi32, #tpu.memory_space<hbm>>
      %dma_wait3A_158 = arith.constant 0 : i32
      %dma_wait3A_159 = arith.constant 0 : i32
      %dma_wait3A_160 = tpu.memref_slice %arg3[%add3A, %dma_wait3A_158, %dma_wait3A_159] : memref<32x160x64xi32, #tpu.memory_space<hbm>> -> memref<1x160x64xi32, #tpu.memory_space<hbm>>
      %dma_wait3A_161 = tpu.memref_squeeze %dma_wait3A_160 : memref<1x160x64xi32, #tpu.memory_space<hbm>> -> memref<160x64xi32, #tpu.memory_space<hbm>>
      tpu.wait_dma2 semaphore(%run_scoped3A : memref<!tpu.dma_semaphore, #tpu.memory_space<semaphore_mem>>) src(%dma_wait3A_161 : memref<160x64xi32, #tpu.memory_space<hbm>>) dst(%arg6 : memref<160x64xi32, #tpu.memory_space<vmem>>)
      tpu.yield
    }) : () -> ()
    %broadcast_in_dim3A = arith.constant 0.000000e+00 : f32
    %broadcast_in_dim3A_1 = vector.broadcast %broadcast_in_dim3A : f32 to vector<16xf32>
    %scan3A = arith.constant 0 : i32
    %scan3A_2 = arith.constant 0 : i32
    %scan3A_3 = arith.constant 64 : i32
    %scan3A_4 = arith.addi %scan3A_2, %scan3A_3 : i32
    %scan3A_5 = arith.constant 1 : i32
    %scan3A_6 = scf.for %scan3A_146 = %scan3A_2 to %scan3A_4 step %scan3A_5 iter_args(%scan3A_147 = %scan3A) -> (i32)  : i32 {
      %swap3A = arith.index_cast %scan3A_146 : i32 to index
      %swap3A_148 = arith.constant 0 : index
      %swap3A_149 = tpu.vector_load %arg9[%swap3A, %swap3A_148] {strides = array<i32>} : memref<64x128xf32, #tpu.memory_space<vmem>>, vector<1x16xf32>,
      %swap3A_150 = vector.shape_cast %swap3A_149 : vector<1x16xf32> to vector<16xf32>
      %swap3A_151 = vector.shape_cast %broadcast_in_dim3A_1 : vector<16xf32> to vector<1x16xf32>
      tpu.vector_store %arg9[%swap3A, %swap3A_148], %swap3A_151 {strides = array<i32>} : memref<64x128xf32, #tpu.memory_space<vmem>>, vector<1x16xf32>,
      %swap3A_152 = arith.index_cast %scan3A_146 : i32 to index
      %swap3A_153 = arith.constant 16 : index
      %swap3A_154 = tpu.vector_load %arg9[%swap3A_152, %swap3A_153] {strides = array<i32>} : memref<64x128xf32, #tpu.memory_space<vmem>>, vector<1x16xf32>,
      %swap3A_155 = vector.shape_cast %swap3A_154 : vector<1x16xf32> to vector<16xf32>
      %swap3A_156 = vector.shape_cast %broadcast_in_dim3A_1 : vector<16xf32> to vector<1x16xf32>
      tpu.vector_store %arg9[%swap3A_152, %swap3A_153], %swap3A_156 {strides = array<i32>} : memref<64x128xf32, #tpu.memory_space<vmem>>, vector<1x16xf32>,
      %swap3A_157 = arith.index_cast %scan3A_146 : i32 to index
      %swap3A_158 = arith.constant 32 : index
      %swap3A_159 = tpu.vector_load %arg9[%swap3A_157, %swap3A_158] {strides = array<i32>} : memref<64x128xf32, #tpu.memory_space<vmem>>, vector<1x16xf32>,
      %swap3A_160 = vector.shape_cast %swap3A_159 : vector<1x16xf32> to vector<16xf32>
      %swap3A_161 = vector.shape_cast %broadcast_in_dim3A_1 : vector<16xf32> to vector<1x16xf32>
      tpu.vector_store %arg9[%swap3A_157, %swap3A_158], %swap3A_161 {strides = array<i32>} : memref<64x128xf32, #tpu.memory_space<vmem>>, vector<1x16xf32>,
      %swap3A_162 = arith.index_cast %scan3A_146 : i32 to index
      %swap3A_163 = arith.constant 48 : index
      %swap3A_164 = tpu.vector_load %arg9[%swap3A_162, %swap3A_163] {strides = array<i32>} : memref<64x128xf32, #tpu.memory_space<vmem>>, vector<1x16xf32>,
      %swap3A_165 = vector.shape_cast %swap3A_164 : vector<1x16xf32> to vector<16xf32>
      %swap3A_166 = vector.shape_cast %broadcast_in_dim3A_1 : vector<16xf32> to vector<1x16xf32>
      tpu.vector_store %arg9[%swap3A_162, %swap3A_163], %swap3A_166 {strides = array<i32>} : memref<64x128xf32, #tpu.memory_space<vmem>>, vector<1x16xf32>,
      %swap3A_167 = arith.index_cast %scan3A_146 : i32 to index
      %swap3A_168 = arith.constant 64 : index
      %swap3A_169 = tpu.vector_load %arg9[%swap3A_167, %swap3A_168] {strides = array<i32>} : memref<64x128xf32, #tpu.memory_space<vmem>>, vector<1x16xf32>,
      %swap3A_170 = vector.shape_cast %swap3A_169 : vector<1x16xf32> to vector<16xf32>
      %swap3A_171 = vector.shape_cast %broadcast_in_dim3A_1 : vector<16xf32> to vector<1x16xf32>
      tpu.vector_store %arg9[%swap3A_167, %swap3A_168], %swap3A_171 {strides = array<i32>} : memref<64x128xf32, #tpu.memory_space<vmem>>, vector<1x16xf32>,
      %swap3A_172 = arith.index_cast %scan3A_146 : i32 to index
      %swap3A_173 = arith.constant 80 : index
      %swap3A_174 = tpu.vector_load %arg9[%swap3A_172, %swap3A_173] {strides = array<i32>} : memref<64x128xf32, #tpu.memory_space<vmem>>, vector<1x16xf32>,
      %swap3A_175 = vector.shape_cast %swap3A_174 : vector<1x16xf32> to vector<16xf32>
      %swap3A_176 = vector.shape_cast %broadcast_in_dim3A_1 : vector<16xf32> to vector<1x16xf32>
      tpu.vector_store %arg9[%swap3A_172, %swap3A_173], %swap3A_176 {strides = array<i32>} : memref<64x128xf32, #tpu.memory_space<vmem>>, vector<1x16xf32>,
      %swap3A_177 = arith.index_cast %scan3A_146 : i32 to index
      %swap3A_178 = arith.constant 96 : index
      %swap3A_179 = tpu.vector_load %arg9[%swap3A_177, %swap3A_178] {strides = array<i32>} : memref<64x128xf32, #tpu.memory_space<vmem>>, vector<1x16xf32>,
      %swap3A_180 = vector.shape_cast %swap3A_179 : vector<1x16xf32> to vector<16xf32>
      %swap3A_181 = vector.shape_cast %broadcast_in_dim3A_1 : vector<16xf32> to vector<1x16xf32>
      tpu.vector_store %arg9[%swap3A_177, %swap3A_178], %swap3A_181 {strides = array<i32>} : memref<64x128xf32, #tpu.memory_space<vmem>>, vector<1x16xf32>,
      %swap3A_182 = arith.index_cast %scan3A_146 : i32 to index
      %swap3A_183 = arith.constant 112 : index
      %swap3A_184 = tpu.vector_load %arg9[%swap3A_182, %swap3A_183] {strides = array<i32>} : memref<64x128xf32, #tpu.memory_space<vmem>>, vector<1x16xf32>,
      %swap3A_185 = vector.shape_cast %swap3A_184 : vector<1x16xf32> to vector<16xf32>
      %swap3A_186 = vector.shape_cast %broadcast_in_dim3A_1 : vector<16xf32> to vector<1x16xf32>
      tpu.vector_store %arg9[%swap3A_182, %swap3A_183], %swap3A_186 {strides = array<i32>} : memref<64x128xf32, #tpu.memory_space<vmem>>, vector<1x16xf32>,
      %scan3A_187 = arith.constant 0 : i32
      scf.yield %scan3A_187 : i32
    }
    %scan3A_7 = arith.constant 64 : i32
    %mul3A_8 = arith.constant 640 : i32
    %mul3A_9 = arith.muli %arg1, %mul3A_8 : i32
    %add3A_10 = arith.constant 0 : i32
    %add3A_11 = arith.addi %mul3A_9, %add3A_10 : i32
    "tpu.region"() ({
      %run_scoped3A = tpu.sem_alloc : memref<!tpu.dma_semaphore, #tpu.memory_space<semaphore_mem>>
      %dma_start3A_146 = arith.constant 0 : i32
      %dma_start3A_147 = tpu.memref_slice %arg11[%add3A_11, %dma_start3A_146] : memref<10240x128xf32, #tpu.memory_space<vmem_shared>> -> memref<64x128xf32, #tpu.memory_space<vmem_shared>>
      %dma_start3A_148 = arith.constant 0 : i32
      %dma_start3A_149 = tpu.memref_slice %arg11[%add3A_11, %dma_start3A_148] : memref<10240x128xf32, #tpu.memory_space<vmem_shared>> -> memref<64x128xf32, #tpu.memory_space<vmem_shared>>
      tpu.enqueue_dma source(%arg9 : memref<64x128xf32, #tpu.memory_space<vmem>>) target(%dma_start3A_149 : memref<64x128xf32, #tpu.memory_space<vmem_shared>>) target_semaphore(%run_scoped3A : memref<!tpu.dma_semaphore, #tpu.memory_space<semaphore_mem>>)
      %dma_wait3A_150 = arith.constant 0 : i32
      %dma_wait3A_151 = tpu.memref_slice %arg11[%add3A_11, %dma_wait3A_150] : memref<10240x128xf32, #tpu.memory_space<vmem_shared>> -> memref<64x128xf32, #tpu.memory_space<vmem_shared>>
      %dma_wait3A_152 = arith.constant 0 : i32
      %dma_wait3A_153 = tpu.memref_slice %arg11[%add3A_11, %dma_wait3A_152] : memref<10240x128xf32, #tpu.memory_space<vmem_shared>> -> memref<64x128xf32, #tpu.memory_space<vmem_shared>>
      tpu.wait_dma2 semaphore(%run_scoped3A : memref<!tpu.dma_semaphore, #tpu.memory_space<semaphore_mem>>) src(%arg9 : memref<64x128xf32, #tpu.memory_space<vmem>>) dst(%dma_wait3A_153 : memref<64x128xf32, #tpu.memory_space<vmem_shared>>)
      tpu.yield
    }) : () -> ()
    %mul3A_12 = arith.constant 640 : i32
    %mul3A_13 = arith.muli %arg1, %mul3A_12 : i32
    %add3A_14 = arith.constant 64 : i32
    %add3A_15 = arith.addi %mul3A_13, %add3A_14 : i32
    "tpu.region"() ({
      %run_scoped3A = tpu.sem_alloc : memref<!tpu.dma_semaphore, #tpu.memory_space<semaphore_mem>>
      %dma_start3A_146 = arith.constant 0 : i32
      %dma_start3A_147 = tpu.memref_slice %arg11[%add3A_15, %dma_start3A_146] : memref<10240x128xf32, #tpu.memory_space<vmem_shared>> -> memref<64x128xf32, #tpu.memory_space<vmem_shared>>
      %dma_start3A_148 = arith.constant 0 : i32
      %dma_start3A_149 = tpu.memref_slice %arg11[%add3A_15, %dma_start3A_148] : memref<10240x128xf32, #tpu.memory_space<vmem_shared>> -> memref<64x128xf32, #tpu.memory_space<vmem_shared>>
      tpu.enqueue_dma source(%arg9 : memref<64x128xf32, #tpu.memory_space<vmem>>) target(%dma_start3A_149 : memref<64x128xf32, #tpu.memory_space<vmem_shared>>) target_semaphore(%run_scoped3A : memref<!tpu.dma_semaphore, #tpu.memory_space<semaphore_mem>>)
      %dma_wait3A_150 = arith.constant 0 : i32
      %dma_wait3A_151 = tpu.memref_slice %arg11[%add3A_15, %dma_wait3A_150] : memref<10240x128xf32, #tpu.memory_space<vmem_shared>> -> memref<64x128xf32, #tpu.memory_space<vmem_shared>>
      %dma_wait3A_152 = arith.constant 0 : i32
      %dma_wait3A_153 = tpu.memref_slice %arg11[%add3A_15, %dma_wait3A_152] : memref<10240x128xf32, #tpu.memory_space<vmem_shared>> -> memref<64x128xf32, #tpu.memory_space<vmem_shared>>
      tpu.wait_dma2 semaphore(%run_scoped3A : memref<!tpu.dma_semaphore, #tpu.memory_space<semaphore_mem>>) src(%arg9 : memref<64x128xf32, #tpu.memory_space<vmem>>) dst(%dma_wait3A_153 : memref<64x128xf32, #tpu.memory_space<vmem_shared>>)
      tpu.yield
    }) : () -> ()
    %mul3A_16 = arith.constant 640 : i32
    %mul3A_17 = arith.muli %arg1, %mul3A_16 : i32
    %add3A_18 = arith.constant 128 : i32
    %add3A_19 = arith.addi %mul3A_17, %add3A_18 : i32
    "tpu.region"() ({
      %run_scoped3A = tpu.sem_alloc : memref<!tpu.dma_semaphore, #tpu.memory_space<semaphore_mem>>
      %dma_start3A_146 = arith.constant 0 : i32
      %dma_start3A_147 = tpu.memref_slice %arg11[%add3A_19, %dma_start3A_146] : memref<10240x128xf32, #tpu.memory_space<vmem_shared>> -> memref<64x128xf32, #tpu.memory_space<vmem_shared>>
      %dma_start3A_148 = arith.constant 0 : i32
      %dma_start3A_149 = tpu.memref_slice %arg11[%add3A_19, %dma_start3A_148] : memref<10240x128xf32, #tpu.memory_space<vmem_shared>> -> memref<64x128xf32, #tpu.memory_space<vmem_shared>>
      tpu.enqueue_dma source(%arg9 : memref<64x128xf32, #tpu.memory_space<vmem>>) target(%dma_start3A_149 : memref<64x128xf32, #tpu.memory_space<vmem_shared>>) target_semaphore(%run_scoped3A : memref<!tpu.dma_semaphore, #tpu.memory_space<semaphore_mem>>)
      %dma_wait3A_150 = arith.constant 0 : i32
      %dma_wait3A_151 = tpu.memref_slice %arg11[%add3A_19, %dma_wait3A_150] : memref<10240x128xf32, #tpu.memory_space<vmem_shared>> -> memref<64x128xf32, #tpu.memory_space<vmem_shared>>
      %dma_wait3A_152 = arith.constant 0 : i32
      %dma_wait3A_153 = tpu.memref_slice %arg11[%add3A_19, %dma_wait3A_152] : memref<10240x128xf32, #tpu.memory_space<vmem_shared>> -> memref<64x128xf32, #tpu.memory_space<vmem_shared>>
      tpu.wait_dma2 semaphore(%run_scoped3A : memref<!tpu.dma_semaphore, #tpu.memory_space<semaphore_mem>>) src(%arg9 : memref<64x128xf32, #tpu.memory_space<vmem>>) dst(%dma_wait3A_153 : memref<64x128xf32, #tpu.memory_space<vmem_shared>>)
      tpu.yield
    }) : () -> ()
    %mul3A_20 = arith.constant 640 : i32
    %mul3A_21 = arith.muli %arg1, %mul3A_20 : i32
    %add3A_22 = arith.constant 192 : i32
    %add3A_23 = arith.addi %mul3A_21, %add3A_22 : i32
    "tpu.region"() ({
      %run_scoped3A = tpu.sem_alloc : memref<!tpu.dma_semaphore, #tpu.memory_space<semaphore_mem>>
      %dma_start3A_146 = arith.constant 0 : i32
      %dma_start3A_147 = tpu.memref_slice %arg11[%add3A_23, %dma_start3A_146] : memref<10240x128xf32, #tpu.memory_space<vmem_shared>> -> memref<64x128xf32, #tpu.memory_space<vmem_shared>>
      %dma_start3A_148 = arith.constant 0 : i32
      %dma_start3A_149 = tpu.memref_slice %arg11[%add3A_23, %dma_start3A_148] : memref<10240x128xf32, #tpu.memory_space<vmem_shared>> -> memref<64x128xf32, #tpu.memory_space<vmem_shared>>
      tpu.enqueue_dma source(%arg9 : memref<64x128xf32, #tpu.memory_space<vmem>>) target(%dma_start3A_149 : memref<64x128xf32, #tpu.memory_space<vmem_shared>>) target_semaphore(%run_scoped3A : memref<!tpu.dma_semaphore, #tpu.memory_space<semaphore_mem>>)
      %dma_wait3A_150 = arith.constant 0 : i32
      %dma_wait3A_151 = tpu.memref_slice %arg11[%add3A_23, %dma_wait3A_150] : memref<10240x128xf32, #tpu.memory_space<vmem_shared>> -> memref<64x128xf32, #tpu.memory_space<vmem_shared>>
      %dma_wait3A_152 = arith.constant 0 : i32
      %dma_wait3A_153 = tpu.memref_slice %arg11[%add3A_23, %dma_wait3A_152] : memref<10240x128xf32, #tpu.memory_space<vmem_shared>> -> memref<64x128xf32, #tpu.memory_space<vmem_shared>>
      tpu.wait_dma2 semaphore(%run_scoped3A : memref<!tpu.dma_semaphore, #tpu.memory_space<semaphore_mem>>) src(%arg9 : memref<64x128xf32, #tpu.memory_space<vmem>>) dst(%dma_wait3A_153 : memref<64x128xf32, #tpu.memory_space<vmem_shared>>)
      tpu.yield
    }) : () -> ()
    %mul3A_24 = arith.constant 640 : i32
    %mul3A_25 = arith.muli %arg1, %mul3A_24 : i32
    %add3A_26 = arith.constant 256 : i32
    %add3A_27 = arith.addi %mul3A_25, %add3A_26 : i32
    "tpu.region"() ({
      %run_scoped3A = tpu.sem_alloc : memref<!tpu.dma_semaphore, #tpu.memory_space<semaphore_mem>>
      %dma_start3A_146 = arith.constant 0 : i32
      %dma_start3A_147 = tpu.memref_slice %arg11[%add3A_27, %dma_start3A_146] : memref<10240x128xf32, #tpu.memory_space<vmem_shared>> -> memref<64x128xf32, #tpu.memory_space<vmem_shared>>
      %dma_start3A_148 = arith.constant 0 : i32
      %dma_start3A_149 = tpu.memref_slice %arg11[%add3A_27, %dma_start3A_148] : memref<10240x128xf32, #tpu.memory_space<vmem_shared>> -> memref<64x128xf32, #tpu.memory_space<vmem_shared>>
      tpu.enqueue_dma source(%arg9 : memref<64x128xf32, #tpu.memory_space<vmem>>) target(%dma_start3A_149 : memref<64x128xf32, #tpu.memory_space<vmem_shared>>) target_semaphore(%run_scoped3A : memref<!tpu.dma_semaphore, #tpu.memory_space<semaphore_mem>>)
      %dma_wait3A_150 = arith.constant 0 : i32
      %dma_wait3A_151 = tpu.memref_slice %arg11[%add3A_27, %dma_wait3A_150] : memref<10240x128xf32, #tpu.memory_space<vmem_shared>> -> memref<64x128xf32, #tpu.memory_space<vmem_shared>>
      %dma_wait3A_152 = arith.constant 0 : i32
      %dma_wait3A_153 = tpu.memref_slice %arg11[%add3A_27, %dma_wait3A_152] : memref<10240x128xf32, #tpu.memory_space<vmem_shared>> -> memref<64x128xf32, #tpu.memory_space<vmem_shared>>
      tpu.wait_dma2 semaphore(%run_scoped3A : memref<!tpu.dma_semaphore, #tpu.memory_space<semaphore_mem>>) src(%arg9 : memref<64x128xf32, #tpu.memory_space<vmem>>) dst(%dma_wait3A_153 : memref<64x128xf32, #tpu.memory_space<vmem_shared>>)
      tpu.yield
    }) : () -> ()
    %mul3A_28 = arith.constant 640 : i32
    %mul3A_29 = arith.muli %arg1, %mul3A_28 : i32
    %add3A_30 = arith.constant 320 : i32
    %add3A_31 = arith.addi %mul3A_29, %add3A_30 : i32
    "tpu.region"() ({
      %run_scoped3A = tpu.sem_alloc : memref<!tpu.dma_semaphore, #tpu.memory_space<semaphore_mem>>
      %dma_start3A_146 = arith.constant 0 : i32
      %dma_start3A_147 = tpu.memref_slice %arg11[%add3A_31, %dma_start3A_146] : memref<10240x128xf32, #tpu.memory_space<vmem_shared>> -> memref<64x128xf32, #tpu.memory_space<vmem_shared>>
      %dma_start3A_148 = arith.constant 0 : i32
      %dma_start3A_149 = tpu.memref_slice %arg11[%add3A_31, %dma_start3A_148] : memref<10240x128xf32, #tpu.memory_space<vmem_shared>> -> memref<64x128xf32, #tpu.memory_space<vmem_shared>>
      tpu.enqueue_dma source(%arg9 : memref<64x128xf32, #tpu.memory_space<vmem>>) target(%dma_start3A_149 : memref<64x128xf32, #tpu.memory_space<vmem_shared>>) target_semaphore(%run_scoped3A : memref<!tpu.dma_semaphore, #tpu.memory_space<semaphore_mem>>)
      %dma_wait3A_150 = arith.constant 0 : i32
      %dma_wait3A_151 = tpu.memref_slice %arg11[%add3A_31, %dma_wait3A_150] : memref<10240x128xf32, #tpu.memory_space<vmem_shared>> -> memref<64x128xf32, #tpu.memory_space<vmem_shared>>
      %dma_wait3A_152 = arith.constant 0 : i32
      %dma_wait3A_153 = tpu.memref_slice %arg11[%add3A_31, %dma_wait3A_152] : memref<10240x128xf32, #tpu.memory_space<vmem_shared>> -> memref<64x128xf32, #tpu.memory_space<vmem_shared>>
      tpu.wait_dma2 semaphore(%run_scoped3A : memref<!tpu.dma_semaphore, #tpu.memory_space<semaphore_mem>>) src(%arg9 : memref<64x128xf32, #tpu.memory_space<vmem>>) dst(%dma_wait3A_153 : memref<64x128xf32, #tpu.memory_space<vmem_shared>>)
      tpu.yield
    }) : () -> ()
    %mul3A_32 = arith.constant 640 : i32
    %mul3A_33 = arith.muli %arg1, %mul3A_32 : i32
    %add3A_34 = arith.constant 384 : i32
    %add3A_35 = arith.addi %mul3A_33, %add3A_34 : i32
    "tpu.region"() ({
      %run_scoped3A = tpu.sem_alloc : memref<!tpu.dma_semaphore, #tpu.memory_space<semaphore_mem>>
      %dma_start3A_146 = arith.constant 0 : i32
      %dma_start3A_147 = tpu.memref_slice %arg11[%add3A_35, %dma_start3A_146] : memref<10240x128xf32, #tpu.memory_space<vmem_shared>> -> memref<64x128xf32, #tpu.memory_space<vmem_shared>>
      %dma_start3A_148 = arith.constant 0 : i32
      %dma_start3A_149 = tpu.memref_slice %arg11[%add3A_35, %dma_start3A_148] : memref<10240x128xf32, #tpu.memory_space<vmem_shared>> -> memref<64x128xf32, #tpu.memory_space<vmem_shared>>
      tpu.enqueue_dma source(%arg9 : memref<64x128xf32, #tpu.memory_space<vmem>>) target(%dma_start3A_149 : memref<64x128xf32, #tpu.memory_space<vmem_shared>>) target_semaphore(%run_scoped3A : memref<!tpu.dma_semaphore, #tpu.memory_space<semaphore_mem>>)
      %dma_wait3A_150 = arith.constant 0 : i32
      %dma_wait3A_151 = tpu.memref_slice %arg11[%add3A_35, %dma_wait3A_150] : memref<10240x128xf32, #tpu.memory_space<vmem_shared>> -> memref<64x128xf32, #tpu.memory_space<vmem_shared>>
      %dma_wait3A_152 = arith.constant 0 : i32
      %dma_wait3A_153 = tpu.memref_slice %arg11[%add3A_35, %dma_wait3A_152] : memref<10240x128xf32, #tpu.memory_space<vmem_shared>> -> memref<64x128xf32, #tpu.memory_space<vmem_shared>>
      tpu.wait_dma2 semaphore(%run_scoped3A : memref<!tpu.dma_semaphore, #tpu.memory_space<semaphore_mem>>) src(%arg9 : memref<64x128xf32, #tpu.memory_space<vmem>>) dst(%dma_wait3A_153 : memref<64x128xf32, #tpu.memory_space<vmem_shared>>)
      tpu.yield
    }) : () -> ()
    %mul3A_36 = arith.constant 640 : i32
    %mul3A_37 = arith.muli %arg1, %mul3A_36 : i32
    %add3A_38 = arith.constant 448 : i32
    %add3A_39 = arith.addi %mul3A_37, %add3A_38 : i32
    "tpu.region"() ({
      %run_scoped3A = tpu.sem_alloc : memref<!tpu.dma_semaphore, #tpu.memory_space<semaphore_mem>>
      %dma_start3A_146 = arith.constant 0 : i32
      %dma_start3A_147 = tpu.memref_slice %arg11[%add3A_39, %dma_start3A_146] : memref<10240x128xf32, #tpu.memory_space<vmem_shared>> -> memref<64x128xf32, #tpu.memory_space<vmem_shared>>
      %dma_start3A_148 = arith.constant 0 : i32
      %dma_start3A_149 = tpu.memref_slice %arg11[%add3A_39, %dma_start3A_148] : memref<10240x128xf32, #tpu.memory_space<vmem_shared>> -> memref<64x128xf32, #tpu.memory_space<vmem_shared>>
      tpu.enqueue_dma source(%arg9 : memref<64x128xf32, #tpu.memory_space<vmem>>) target(%dma_start3A_149 : memref<64x128xf32, #tpu.memory_space<vmem_shared>>) target_semaphore(%run_scoped3A : memref<!tpu.dma_semaphore, #tpu.memory_space<semaphore_mem>>)
      %dma_wait3A_150 = arith.constant 0 : i32
      %dma_wait3A_151 = tpu.memref_slice %arg11[%add3A_39, %dma_wait3A_150] : memref<10240x128xf32, #tpu.memory_space<vmem_shared>> -> memref<64x128xf32, #tpu.memory_space<vmem_shared>>
      %dma_wait3A_152 = arith.constant 0 : i32
      %dma_wait3A_153 = tpu.memref_slice %arg11[%add3A_39, %dma_wait3A_152] : memref<10240x128xf32, #tpu.memory_space<vmem_shared>> -> memref<64x128xf32, #tpu.memory_space<vmem_shared>>
      tpu.wait_dma2 semaphore(%run_scoped3A : memref<!tpu.dma_semaphore, #tpu.memory_space<semaphore_mem>>) src(%arg9 : memref<64x128xf32, #tpu.memory_space<vmem>>) dst(%dma_wait3A_153 : memref<64x128xf32, #tpu.memory_space<vmem_shared>>)
      tpu.yield
    }) : () -> ()
    %mul3A_40 = arith.constant 640 : i32
    %mul3A_41 = arith.muli %arg1, %mul3A_40 : i32
    %add3A_42 = arith.constant 512 : i32
    %add3A_43 = arith.addi %mul3A_41, %add3A_42 : i32
    "tpu.region"() ({
      %run_scoped3A = tpu.sem_alloc : memref<!tpu.dma_semaphore, #tpu.memory_space<semaphore_mem>>
      %dma_start3A_146 = arith.constant 0 : i32
      %dma_start3A_147 = tpu.memref_slice %arg11[%add3A_43, %dma_start3A_146] : memref<10240x128xf32, #tpu.memory_space<vmem_shared>> -> memref<64x128xf32, #tpu.memory_space<vmem_shared>>
      %dma_start3A_148 = arith.constant 0 : i32
      %dma_start3A_149 = tpu.memref_slice %arg11[%add3A_43, %dma_start3A_148] : memref<10240x128xf32, #tpu.memory_space<vmem_shared>> -> memref<64x128xf32, #tpu.memory_space<vmem_shared>>
      tpu.enqueue_dma source(%arg9 : memref<64x128xf32, #tpu.memory_space<vmem>>) target(%dma_start3A_149 : memref<64x128xf32, #tpu.memory_space<vmem_shared>>) target_semaphore(%run_scoped3A : memref<!tpu.dma_semaphore, #tpu.memory_space<semaphore_mem>>)
      %dma_wait3A_150 = arith.constant 0 : i32
      %dma_wait3A_151 = tpu.memref_slice %arg11[%add3A_43, %dma_wait3A_150] : memref<10240x128xf32, #tpu.memory_space<vmem_shared>> -> memref<64x128xf32, #tpu.memory_space<vmem_shared>>
      %dma_wait3A_152 = arith.constant 0 : i32
      %dma_wait3A_153 = tpu.memref_slice %arg11[%add3A_43, %dma_wait3A_152] : memref<10240x128xf32, #tpu.memory_space<vmem_shared>> -> memref<64x128xf32, #tpu.memory_space<vmem_shared>>
      tpu.wait_dma2 semaphore(%run_scoped3A : memref<!tpu.dma_semaphore, #tpu.memory_space<semaphore_mem>>) src(%arg9 : memref<64x128xf32, #tpu.memory_space<vmem>>) dst(%dma_wait3A_153 : memref<64x128xf32, #tpu.memory_space<vmem_shared>>)
      tpu.yield
    }) : () -> ()
    %mul3A_44 = arith.constant 640 : i32
    %mul3A_45 = arith.muli %arg1, %mul3A_44 : i32
    %add3A_46 = arith.constant 576 : i32
    %add3A_47 = arith.addi %mul3A_45, %add3A_46 : i32
    "tpu.region"() ({
      %run_scoped3A = tpu.sem_alloc : memref<!tpu.dma_semaphore, #tpu.memory_space<semaphore_mem>>
      %dma_start3A_146 = arith.constant 0 : i32
      %dma_start3A_147 = tpu.memref_slice %arg11[%add3A_47, %dma_start3A_146] : memref<10240x128xf32, #tpu.memory_space<vmem_shared>> -> memref<64x128xf32, #tpu.memory_space<vmem_shared>>
      %dma_start3A_148 = arith.constant 0 : i32
      %dma_start3A_149 = tpu.memref_slice %arg11[%add3A_47, %dma_start3A_148] : memref<10240x128xf32, #tpu.memory_space<vmem_shared>> -> memref<64x128xf32, #tpu.memory_space<vmem_shared>>
      tpu.enqueue_dma source(%arg9 : memref<64x128xf32, #tpu.memory_space<vmem>>) target(%dma_start3A_149 : memref<64x128xf32, #tpu.memory_space<vmem_shared>>) target_semaphore(%run_scoped3A : memref<!tpu.dma_semaphore, #tpu.memory_space<semaphore_mem>>)
      %dma_wait3A_150 = arith.constant 0 : i32
      %dma_wait3A_151 = tpu.memref_slice %arg11[%add3A_47, %dma_wait3A_150] : memref<10240x128xf32, #tpu.memory_space<vmem_shared>> -> memref<64x128xf32, #tpu.memory_space<vmem_shared>>
      %dma_wait3A_152 = arith.constant 0 : i32
      %dma_wait3A_153 = tpu.memref_slice %arg11[%add3A_47, %dma_wait3A_152] : memref<10240x128xf32, #tpu.memory_space<vmem_shared>> -> memref<64x128xf32, #tpu.memory_space<vmem_shared>>
      tpu.wait_dma2 semaphore(%run_scoped3A : memref<!tpu.dma_semaphore, #tpu.memory_space<semaphore_mem>>) src(%arg9 : memref<64x128xf32, #tpu.memory_space<vmem>>) dst(%dma_wait3A_153 : memref<64x128xf32, #tpu.memory_space<vmem_shared>>)
      tpu.yield
    }) : () -> ()
    %barrier3A = arith.constant 0 : index
    tpu.barrier barrier_id(%barrier3A)
    %dma_start3A = arith.constant 0 : i32
    %dma_start3A_48 = arith.constant 0 : i32
    %dma_start3A_49 = arith.constant 0 : i32
    %dma_start3A_50 = tpu.memref_slice %arg4[%add3A, %dma_start3A_48, %dma_start3A_49] : memref<32x160x64xi32, #tpu.memory_space<hbm>> -> memref<1x160x64xi32, #tpu.memory_space<hbm>>
    %dma_start3A_51 = tpu.memref_squeeze %dma_start3A_50 : memref<1x160x64xi32, #tpu.memory_space<hbm>> -> memref<160x64xi32, #tpu.memory_space<hbm>>
    %dma_start3A_52 = arith.constant 0 : i32
    %dma_start3A_53 = tpu.memref_slice %dma_start3A_51[%dma_start3A, %dma_start3A_52] : memref<160x64xi32, #tpu.memory_space<hbm>> -> memref<1x64xi32, #tpu.memory_space<hbm>>
    %dma_start3A_54 = tpu.memref_squeeze %dma_start3A_53 : memref<1x64xi32, #tpu.memory_space<hbm>> -> memref<64xi32, #tpu.memory_space<hbm>>
    %dma_start3A_55 = arith.constant 0 : i32
    %dma_start3A_56 = arith.constant 0 : i32
    %dma_start3A_57 = tpu.memref_slice %arg4[%add3A, %dma_start3A_55, %dma_start3A_56] : memref<32x160x64xi32, #tpu.memory_space<hbm>> -> memref<1x160x64xi32, #tpu.memory_space<hbm>>
    %dma_start3A_58 = tpu.memref_squeeze %dma_start3A_57 : memref<1x160x64xi32, #tpu.memory_space<hbm>> -> memref<160x64xi32, #tpu.memory_space<hbm>>
    %dma_start3A_59 = arith.constant 0 : i32
    %dma_start3A_60 = tpu.memref_slice %dma_start3A_58[%dma_start3A, %dma_start3A_59] : memref<160x64xi32, #tpu.memory_space<hbm>> -> memref<1x64xi32, #tpu.memory_space<hbm>>
    %dma_start3A_61 = tpu.memref_squeeze %dma_start3A_60 : memref<1x64xi32, #tpu.memory_space<hbm>> -> memref<64xi32, #tpu.memory_space<hbm>>
    tpu.enqueue_dma source(%dma_start3A_61 : memref<64xi32, #tpu.memory_space<hbm>>) target(%arg7 : memref<64xi32, #tpu.memory_space<vmem>>) target_semaphore(%arg14 : memref<!tpu.dma_semaphore, #tpu.memory_space<semaphore_mem>>)
    %dma_start3A_62 = arith.constant 1 : i32
    %dma_start3A_63 = arith.constant 0 : i32
    %dma_start3A_64 = arith.constant 0 : i32
    %dma_start3A_65 = tpu.memref_slice %arg4[%add3A, %dma_start3A_63, %dma_start3A_64] : memref<32x160x64xi32, #tpu.memory_space<hbm>> -> memref<1x160x64xi32, #tpu.memory_space<hbm>>
    %dma_start3A_66 = tpu.memref_squeeze %dma_start3A_65 : memref<1x160x64xi32, #tpu.memory_space<hbm>> -> memref<160x64xi32, #tpu.memory_space<hbm>>
    %dma_start3A_67 = arith.constant 0 : i32
    %dma_start3A_68 = tpu.memref_slice %dma_start3A_66[%dma_start3A_62, %dma_start3A_67] : memref<160x64xi32, #tpu.memory_space<hbm>> -> memref<1x64xi32, #tpu.memory_space<hbm>>
    %dma_start3A_69 = tpu.memref_squeeze %dma_start3A_68 : memref<1x64xi32, #tpu.memory_space<hbm>> -> memref<64xi32, #tpu.memory_space<hbm>>
    %dma_start3A_70 = arith.constant 0 : i32
    %dma_start3A_71 = arith.constant 0 : i32
    %dma_start3A_72 = tpu.memref_slice %arg4[%add3A, %dma_start3A_70, %dma_start3A_71] : memref<32x160x64xi32, #tpu.memory_space<hbm>> -> memref<1x160x64xi32, #tpu.memory_space<hbm>>
    %dma_start3A_73 = tpu.memref_squeeze %dma_start3A_72 : memref<1x160x64xi32, #tpu.memory_space<hbm>> -> memref<160x64xi32, #tpu.memory_space<hbm>>
    %dma_start3A_74 = arith.constant 0 : i32
    %dma_start3A_75 = tpu.memref_slice %dma_start3A_73[%dma_start3A_62, %dma_start3A_74] : memref<160x64xi32, #tpu.memory_space<hbm>> -> memref<1x64xi32, #tpu.memory_space<hbm>>
    %dma_start3A_76 = tpu.memref_squeeze %dma_start3A_75 : memref<1x64xi32, #tpu.memory_space<hbm>> -> memref<64xi32, #tpu.memory_space<hbm>>
    tpu.enqueue_dma source(%dma_start3A_76 : memref<64xi32, #tpu.memory_space<hbm>>) target(%arg8 : memref<64xi32, #tpu.memory_space<vmem>>) target_semaphore(%arg15 : memref<!tpu.dma_semaphore, #tpu.memory_space<semaphore_mem>>)
    %scan3A_77 = arith.constant 0 : i32
    %scan3A_78 = arith.constant 0 : i32
    %scan3A_79 = arith.constant 80 : i32
    %scan3A_80 = arith.addi %scan3A_78, %scan3A_79 : i32
    %scan3A_81 = arith.constant 1 : i32
    %scan3A_82 = scf.for %scan3A_146 = %scan3A_78 to %scan3A_80 step %scan3A_81 iter_args(%scan3A_147 = %scan3A_77) -> (i32)  : i32 {
      %mul3A_148 = arith.constant 2 : i32
      %mul3A_149 = arith.muli %scan3A_146, %mul3A_148 : i32
      %dma_start3A_150 = arith.constant 0 : i32
      %dma_start3A_151 = tpu.memref_slice %arg6[%mul3A_149, %dma_start3A_150] : memref<160x64xi32, #tpu.memory_space<vmem>> -> memref<1x64xi32, #tpu.memory_space<vmem>>
      %dma_start3A_152 = tpu.memref_squeeze %dma_start3A_151 : memref<1x64xi32, #tpu.memory_space<vmem>> -> memref<64xi32, #tpu.memory_space<vmem>>
      %dma_start3A_153 = arith.constant 0 : i32
      %dma_start3A_154 = arith.constant 0 : i32
      %dma_start3A_155 = tpu.memref_slice %arg2[%dma_start3A_153, %dma_start3A_154] : memref<10240x128xf32, #tpu.memory_space<hbm>> -> memref<10240x128xf32, #tpu.memory_space<hbm>>
      tpu.enqueue_indirect_dma source(%dma_start3A_155 : memref<10240x128xf32, #tpu.memory_space<hbm>>) target(%arg9 : memref<64x128xf32, #tpu.memory_space<vmem>>) offsets(%dma_start3A_152 : memref<64xi32, #tpu.memory_space<vmem>>) semaphore(%arg12 : memref<!tpu.dma_semaphore, #tpu.memory_space<semaphore_mem>>)
      %gt3A = arith.constant 0 : i32
      %gt3A_156 = arith.cmpi sgt, %scan3A_146, %gt3A : i32
      %convert_element_type3A = arith.extui %gt3A_156 : i1 to i32
      %cond3A = arith.constant 0 : i32
      %cond3A_157 = arith.cmpi ne, %convert_element_type3A, %cond3A : i32
      scf.if %cond3A_157 {
        %sub3A = arith.constant 1 : i32
        %sub3A_193 = arith.subi %mul3A_149, %sub3A : i32
        %dma_wait3A_194 = arith.constant 0 : i32
        %dma_wait3A_195 = tpu.memref_slice %arg6[%sub3A_193, %dma_wait3A_194] : memref<160x64xi32, #tpu.memory_space<vmem>> -> memref<1x64xi32, #tpu.memory_space<vmem>>
        %dma_wait3A_196 = tpu.memref_squeeze %dma_wait3A_195 : memref<1x64xi32, #tpu.memory_space<vmem>> -> memref<64xi32, #tpu.memory_space<vmem>>
        %dma_wait3A_197 = arith.constant 0 : i32
        %dma_wait3A_198 = arith.constant 0 : i32
        %dma_wait3A_199 = tpu.memref_slice %arg2[%dma_wait3A_197, %dma_wait3A_198] : memref<10240x128xf32, #tpu.memory_space<hbm>> -> memref<10240x128xf32, #tpu.memory_space<hbm>>
        tpu.wait_indirect_dma semaphore(%arg13 : memref<!tpu.dma_semaphore, #tpu.memory_space<semaphore_mem>>) src(%dma_wait3A_199 : memref<10240x128xf32, #tpu.memory_space<hbm>>) dst(%arg10 : memref<64x128xf32, #tpu.memory_space<vmem>>)
        %sub3A_200 = arith.constant 1 : i32
        %sub3A_201 = arith.subi %mul3A_149, %sub3A_200 : i32
        %dma_wait3A_202 = arith.constant 0 : i32
        %dma_wait3A_203 = arith.constant 0 : i32
        %dma_wait3A_204 = tpu.memref_slice %arg4[%add3A, %dma_wait3A_202, %dma_wait3A_203] : memref<32x160x64xi32, #tpu.memory_space<hbm>> -> memref<1x160x64xi32, #tpu.memory_space<hbm>>
        %dma_wait3A_205 = tpu.memref_squeeze %dma_wait3A_204 : memref<1x160x64xi32, #tpu.memory_space<hbm>> -> memref<160x64xi32, #tpu.memory_space<hbm>>
        %dma_wait3A_206 = arith.constant 0 : i32
        %dma_wait3A_207 = tpu.memref_slice %dma_wait3A_205[%sub3A_201, %dma_wait3A_206] : memref<160x64xi32, #tpu.memory_space<hbm>> -> memref<1x64xi32, #tpu.memory_space<hbm>>
        %dma_wait3A_208 = tpu.memref_squeeze %dma_wait3A_207 : memref<1x64xi32, #tpu.memory_space<hbm>> -> memref<64xi32, #tpu.memory_space<hbm>>
        %dma_wait3A_209 = arith.constant 0 : i32
        %dma_wait3A_210 = arith.constant 0 : i32
        %dma_wait3A_211 = tpu.memref_slice %arg4[%add3A, %dma_wait3A_209, %dma_wait3A_210] : memref<32x160x64xi32, #tpu.memory_space<hbm>> -> memref<1x160x64xi32, #tpu.memory_space<hbm>>
        %dma_wait3A_212 = tpu.memref_squeeze %dma_wait3A_211 : memref<1x160x64xi32, #tpu.memory_space<hbm>> -> memref<160x64xi32, #tpu.memory_space<hbm>>
        %dma_wait3A_213 = arith.constant 0 : i32
        %dma_wait3A_214 = tpu.memref_slice %dma_wait3A_212[%sub3A_201, %dma_wait3A_213] : memref<160x64xi32, #tpu.memory_space<hbm>> -> memref<1x64xi32, #tpu.memory_space<hbm>>
        %dma_wait3A_215 = tpu.memref_squeeze %dma_wait3A_214 : memref<1x64xi32, #tpu.memory_space<hbm>> -> memref<64xi32, #tpu.memory_space<hbm>>
        tpu.wait_dma2 semaphore(%arg15 : memref<!tpu.dma_semaphore, #tpu.memory_space<semaphore_mem>>) src(%dma_wait3A_215 : memref<64xi32, #tpu.memory_space<hbm>>) dst(%arg8 : memref<64xi32, #tpu.memory_space<vmem>>)
        "tpu.region"() ({
          %run_scoped3A = tpu.sem_alloc : memref<!tpu.dma_semaphore, #tpu.memory_space<semaphore_mem>>
          %dma_start3A_232 = arith.constant 0 : i32
          %dma_start3A_233 = arith.constant 0 : i32
          %dma_start3A_234 = tpu.memref_slice %arg11[%dma_start3A_232, %dma_start3A_233] : memref<10240x128xf32, #tpu.memory_space<vmem_shared>> -> memref<10240x128xf32, #tpu.memory_space<vmem_shared>>
          tpu.enqueue_indirect_dma source(%arg10 : memref<64x128xf32, #tpu.memory_space<vmem>>) target(%dma_start3A_234 : memref<10240x128xf32, #tpu.memory_space<vmem_shared>>) offsets(%arg8 : memref<64xi32, #tpu.memory_space<vmem>>) semaphore(%run_scoped3A : memref<!tpu.dma_semaphore, #tpu.memory_space<semaphore_mem>>) {add = true}
          %dma_wait3A_235 = arith.constant 0 : i32
          %dma_wait3A_236 = arith.constant 0 : i32
          %dma_wait3A_237 = tpu.memref_slice %arg11[%dma_wait3A_235, %dma_wait3A_236] : memref<10240x128xf32, #tpu.memory_space<vmem_shared>> -> memref<10240x128xf32, #tpu.memory_space<vmem_shared>>
          tpu.wait_indirect_dma semaphore(%run_scoped3A : memref<!tpu.dma_semaphore, #tpu.memory_space<semaphore_mem>>) src(%arg10 : memref<64x128xf32, #tpu.memory_space<vmem>>) dst(%dma_wait3A_237 : memref<10240x128xf32, #tpu.memory_space<vmem_shared>>)
          tpu.yield
        }) : () -> ()
        %add3A_216 = arith.constant 1 : i32
        %add3A_217 = arith.addi %mul3A_149, %add3A_216 : i32
        %dma_start3A_218 = arith.constant 0 : i32
        %dma_start3A_219 = arith.constant 0 : i32
        %dma_start3A_220 = tpu.memref_slice %arg4[%add3A, %dma_start3A_218, %dma_start3A_219] : memref<32x160x64xi32, #tpu.memory_space<hbm>> -> memref<1x160x64xi32, #tpu.memory_space<hbm>>
        %dma_start3A_221 = tpu.memref_squeeze %dma_start3A_220 : memref<1x160x64xi32, #tpu.memory_space<hbm>> -> memref<160x64xi32, #tpu.memory_space<hbm>>
        %dma_start3A_222 = arith.constant 0 : i32
        %dma_start3A_223 = tpu.memref_slice %dma_start3A_221[%add3A_217, %dma_start3A_222] : memref<160x64xi32, #tpu.memory_space<hbm>> -> memref<1x64xi32, #tpu.memory_space<hbm>>
        %dma_start3A_224 = tpu.memref_squeeze %dma_start3A_223 : memref<1x64xi32, #tpu.memory_space<hbm>> -> memref<64xi32, #tpu.memory_space<hbm>>
        %dma_start3A_225 = arith.constant 0 : i32
        %dma_start3A_226 = arith.constant 0 : i32
        %dma_start3A_227 = tpu.memref_slice %arg4[%add3A, %dma_start3A_225, %dma_start3A_226] : memref<32x160x64xi32, #tpu.memory_space<hbm>> -> memref<1x160x64xi32, #tpu.memory_space<hbm>>
        %dma_start3A_228 = tpu.memref_squeeze %dma_start3A_227 : memref<1x160x64xi32, #tpu.memory_space<hbm>> -> memref<160x64xi32, #tpu.memory_space<hbm>>
        %dma_start3A_229 = arith.constant 0 : i32
        %dma_start3A_230 = tpu.memref_slice %dma_start3A_228[%add3A_217, %dma_start3A_229] : memref<160x64xi32, #tpu.memory_space<hbm>> -> memref<1x64xi32, #tpu.memory_space<hbm>>
        %dma_start3A_231 = tpu.memref_squeeze %dma_start3A_230 : memref<1x64xi32, #tpu.memory_space<hbm>> -> memref<64xi32, #tpu.memory_space<hbm>>
        tpu.enqueue_dma source(%dma_start3A_231 : memref<64xi32, #tpu.memory_space<hbm>>) target(%arg8 : memref<64xi32, #tpu.memory_space<vmem>>) target_semaphore(%arg15 : memref<!tpu.dma_semaphore, #tpu.memory_space<semaphore_mem>>)
      } else {
      }
      %add3A_158 = arith.constant 1 : i32
      %add3A_159 = arith.addi %mul3A_149, %add3A_158 : i32
      %dma_start3A_160 = arith.constant 0 : i32
      %dma_start3A_161 = tpu.memref_slice %arg6[%add3A_159, %dma_start3A_160] : memref<160x64xi32, #tpu.memory_space<vmem>> -> memref<1x64xi32, #tpu.memory_space<vmem>>
      %dma_start3A_162 = tpu.memref_squeeze %dma_start3A_161 : memref<1x64xi32, #tpu.memory_space<vmem>> -> memref<64xi32, #tpu.memory_space<vmem>>
      %dma_start3A_163 = arith.constant 0 : i32
      %dma_start3A_164 = arith.constant 0 : i32
      %dma_start3A_165 = tpu.memref_slice %arg2[%dma_start3A_163, %dma_start3A_164] : memref<10240x128xf32, #tpu.memory_space<hbm>> -> memref<10240x128xf32, #tpu.memory_space<hbm>>
      tpu.enqueue_indirect_dma source(%dma_start3A_165 : memref<10240x128xf32, #tpu.memory_space<hbm>>) target(%arg10 : memref<64x128xf32, #tpu.memory_space<vmem>>) offsets(%dma_start3A_162 : memref<64xi32, #tpu.memory_space<vmem>>) semaphore(%arg13 : memref<!tpu.dma_semaphore, #tpu.memory_space<semaphore_mem>>)
      %dma_wait3A_166 = arith.constant 0 : i32
      %dma_wait3A_167 = tpu.memref_slice %arg6[%mul3A_149, %dma_wait3A_166] : memref<160x64xi32, #tpu.memory_space<vmem>> -> memref<1x64xi32, #tpu.memory_space<vmem>>
      %dma_wait3A_168 = tpu.memref_squeeze %dma_wait3A_167 : memref<1x64xi32, #tpu.memory_space<vmem>> -> memref<64xi32, #tpu.memory_space<vmem>>
      %dma_wait3A_169 = arith.constant 0 : i32
      %dma_wait3A_170 = arith.constant 0 : i32
      %dma_wait3A_171 = tpu.memref_slice %arg2[%dma_wait3A_169, %dma_wait3A_170] : memref<10240x128xf32, #tpu.memory_space<hbm>> -> memref<10240x128xf32, #tpu.memory_space<hbm>>
      tpu.wait_indirect_dma semaphore(%arg12 : memref<!tpu.dma_semaphore, #tpu.memory_space<semaphore_mem>>) src(%dma_wait3A_171 : memref<10240x128xf32, #tpu.memory_space<hbm>>) dst(%arg9 : memref<64x128xf32, #tpu.memory_space<vmem>>)
      %dma_wait3A_172 = arith.constant 0 : i32
      %dma_wait3A_173 = arith.constant 0 : i32
      %dma_wait3A_174 = tpu.memref_slice %arg4[%add3A, %dma_wait3A_172, %dma_wait3A_173] : memref<32x160x64xi32, #tpu.memory_space<hbm>> -> memref<1x160x64xi32, #tpu.memory_space<hbm>>
      %dma_wait3A_175 = tpu.memref_squeeze %dma_wait3A_174 : memref<1x160x64xi32, #tpu.memory_space<hbm>> -> memref<160x64xi32, #tpu.memory_space<hbm>>
      %dma_wait3A_176 = arith.constant 0 : i32
      %dma_wait3A_177 = tpu.memref_slice %dma_wait3A_175[%mul3A_149, %dma_wait3A_176] : memref<160x64xi32, #tpu.memory_space<hbm>> -> memref<1x64xi32, #tpu.memory_space<hbm>>
      %dma_wait3A_178 = tpu.memref_squeeze %dma_wait3A_177 : memref<1x64xi32, #tpu.memory_space<hbm>> -> memref<64xi32, #tpu.memory_space<hbm>>
      %dma_wait3A_179 = arith.constant 0 : i32
      %dma_wait3A_180 = arith.constant 0 : i32
      %dma_wait3A_181 = tpu.memref_slice %arg4[%add3A, %dma_wait3A_179, %dma_wait3A_180] : memref<32x160x64xi32, #tpu.memory_space<hbm>> -> memref<1x160x64xi32, #tpu.memory_space<hbm>>
      %dma_wait3A_182 = tpu.memref_squeeze %dma_wait3A_181 : memref<1x160x64xi32, #tpu.memory_space<hbm>> -> memref<160x64xi32, #tpu.memory_space<hbm>>
      %dma_wait3A_183 = arith.constant 0 : i32
      %dma_wait3A_184 = tpu.memref_slice %dma_wait3A_182[%mul3A_149, %dma_wait3A_183] : memref<160x64xi32, #tpu.memory_space<hbm>> -> memref<1x64xi32, #tpu.memory_space<hbm>>
      %dma_wait3A_185 = tpu.memref_squeeze %dma_wait3A_184 : memref<1x64xi32, #tpu.memory_space<hbm>> -> memref<64xi32, #tpu.memory_space<hbm>>
      tpu.wait_dma2 semaphore(%arg14 : memref<!tpu.dma_semaphore, #tpu.memory_space<semaphore_mem>>) src(%dma_wait3A_185 : memref<64xi32, #tpu.memory_space<hbm>>) dst(%arg7 : memref<64xi32, #tpu.memory_space<vmem>>)
      "tpu.region"() ({
        %run_scoped3A = tpu.sem_alloc : memref<!tpu.dma_semaphore, #tpu.memory_space<semaphore_mem>>
        %dma_start3A_193 = arith.constant 0 : i32
        %dma_start3A_194 = arith.constant 0 : i32
        %dma_start3A_195 = tpu.memref_slice %arg11[%dma_start3A_193, %dma_start3A_194] : memref<10240x128xf32, #tpu.memory_space<vmem_shared>> -> memref<10240x128xf32, #tpu.memory_space<vmem_shared>>
        tpu.enqueue_indirect_dma source(%arg9 : memref<64x128xf32, #tpu.memory_space<vmem>>) target(%dma_start3A_195 : memref<10240x128xf32, #tpu.memory_space<vmem_shared>>) offsets(%arg7 : memref<64xi32, #tpu.memory_space<vmem>>) semaphore(%run_scoped3A : memref<!tpu.dma_semaphore, #tpu.memory_space<semaphore_mem>>) {add = true}
        %dma_wait3A_196 = arith.constant 0 : i32
        %dma_wait3A_197 = arith.constant 0 : i32
        %dma_wait3A_198 = tpu.memref_slice %arg11[%dma_wait3A_196, %dma_wait3A_197] : memref<10240x128xf32, #tpu.memory_space<vmem_shared>> -> memref<10240x128xf32, #tpu.memory_space<vmem_shared>>
        tpu.wait_indirect_dma semaphore(%run_scoped3A : memref<!tpu.dma_semaphore, #tpu.memory_space<semaphore_mem>>) src(%arg9 : memref<64x128xf32, #tpu.memory_space<vmem>>) dst(%dma_wait3A_198 : memref<10240x128xf32, #tpu.memory_space<vmem_shared>>)
        tpu.yield
      }) : () -> ()
      %add3A_186 = arith.constant 2 : i32
      %add3A_187 = arith.addi %mul3A_149, %add3A_186 : i32
      %lt3A = arith.constant 160 : i32
      %lt3A_188 = arith.cmpi slt, %add3A_187, %lt3A : i32
      %convert_element_type3A_189 = arith.extui %lt3A_188 : i1 to i32
      %cond3A_190 = arith.constant 0 : i32
      %cond3A_191 = arith.cmpi ne, %convert_element_type3A_189, %cond3A_190 : i32
      scf.if %cond3A_191 {
        %add3A_193 = arith.constant 2 : i32
        %add3A_194 = arith.addi %mul3A_149, %add3A_193 : i32
        %dma_start3A_195 = arith.constant 0 : i32
        %dma_start3A_196 = arith.constant 0 : i32
        %dma_start3A_197 = tpu.memref_slice %arg4[%add3A, %dma_start3A_195, %dma_start3A_196] : memref<32x160x64xi32, #tpu.memory_space<hbm>> -> memref<1x160x64xi32, #tpu.memory_space<hbm>>
        %dma_start3A_198 = tpu.memref_squeeze %dma_start3A_197 : memref<1x160x64xi32, #tpu.memory_space<hbm>> -> memref<160x64xi32, #tpu.memory_space<hbm>>
        %dma_start3A_199 = arith.constant 0 : i32
        %dma_start3A_200 = tpu.memref_slice %dma_start3A_198[%add3A_194, %dma_start3A_199] : memref<160x64xi32, #tpu.memory_space<hbm>> -> memref<1x64xi32, #tpu.memory_space<hbm>>
        %dma_start3A_201 = tpu.memref_squeeze %dma_start3A_200 : memref<1x64xi32, #tpu.memory_space<hbm>> -> memref<64xi32, #tpu.memory_space<hbm>>
        %dma_start3A_202 = arith.constant 0 : i32
        %dma_start3A_203 = arith.constant 0 : i32
        %dma_start3A_204 = tpu.memref_slice %arg4[%add3A, %dma_start3A_202, %dma_start3A_203] : memref<32x160x64xi32, #tpu.memory_space<hbm>> -> memref<1x160x64xi32, #tpu.memory_space<hbm>>
        %dma_start3A_205 = tpu.memref_squeeze %dma_start3A_204 : memref<1x160x64xi32, #tpu.memory_space<hbm>> -> memref<160x64xi32, #tpu.memory_space<hbm>>
        %dma_start3A_206 = arith.constant 0 : i32
        %dma_start3A_207 = tpu.memref_slice %dma_start3A_205[%add3A_194, %dma_start3A_206] : memref<160x64xi32, #tpu.memory_space<hbm>> -> memref<1x64xi32, #tpu.memory_space<hbm>>
        %dma_start3A_208 = tpu.memref_squeeze %dma_start3A_207 : memref<1x64xi32, #tpu.memory_space<hbm>> -> memref<64xi32, #tpu.memory_space<hbm>>
        tpu.enqueue_dma source(%dma_start3A_208 : memref<64xi32, #tpu.memory_space<hbm>>) target(%arg7 : memref<64xi32, #tpu.memory_space<vmem>>) target_semaphore(%arg14 : memref<!tpu.dma_semaphore, #tpu.memory_space<semaphore_mem>>)
      } else {
      }
      %scan3A_192 = arith.constant 0 : i32
      scf.yield %scan3A_192 : i32
    }
    %scan3A_83 = arith.constant 80 : i32
    %dma_wait3A = arith.constant 159 : i32
    %dma_wait3A_84 = arith.constant 0 : i32
    %dma_wait3A_85 = tpu.memref_slice %arg6[%dma_wait3A, %dma_wait3A_84] : memref<160x64xi32, #tpu.memory_space<vmem>> -> memref<1x64xi32, #tpu.memory_space<vmem>>
    %dma_wait3A_86 = tpu.memref_squeeze %dma_wait3A_85 : memref<1x64xi32, #tpu.memory_space<vmem>> -> memref<64xi32, #tpu.memory_space<vmem>>
    %dma_wait3A_87 = arith.constant 0 : i32
    %dma_wait3A_88 = arith.constant 0 : i32
    %dma_wait3A_89 = tpu.memref_slice %arg2[%dma_wait3A_87, %dma_wait3A_88] : memref<10240x128xf32, #tpu.memory_space<hbm>> -> memref<10240x128xf32, #tpu.memory_space<hbm>>
    tpu.wait_indirect_dma semaphore(%arg13 : memref<!tpu.dma_semaphore, #tpu.memory_space<semaphore_mem>>) src(%dma_wait3A_89 : memref<10240x128xf32, #tpu.memory_space<hbm>>) dst(%arg10 : memref<64x128xf32, #tpu.memory_space<vmem>>)
    %dma_wait3A_90 = arith.constant 159 : i32
    %dma_wait3A_91 = arith.constant 0 : i32
    %dma_wait3A_92 = arith.constant 0 : i32
    %dma_wait3A_93 = tpu.memref_slice %arg4[%add3A, %dma_wait3A_91, %dma_wait3A_92] : memref<32x160x64xi32, #tpu.memory_space<hbm>> -> memref<1x160x64xi32, #tpu.memory_space<hbm>>
    %dma_wait3A_94 = tpu.memref_squeeze %dma_wait3A_93 : memref<1x160x64xi32, #tpu.memory_space<hbm>> -> memref<160x64xi32, #tpu.memory_space<hbm>>
    %dma_wait3A_95 = arith.constant 0 : i32
    %dma_wait3A_96 = tpu.memref_slice %dma_wait3A_94[%dma_wait3A_90, %dma_wait3A_95] : memref<160x64xi32, #tpu.memory_space<hbm>> -> memref<1x64xi32, #tpu.memory_space<hbm>>
    %dma_wait3A_97 = tpu.memref_squeeze %dma_wait3A_96 : memref<1x64xi32, #tpu.memory_space<hbm>> -> memref<64xi32, #tpu.memory_space<hbm>>
    %dma_wait3A_98 = arith.constant 0 : i32
    %dma_wait3A_99 = arith.constant 0 : i32
    %dma_wait3A_100 = tpu.memref_slice %arg4[%add3A, %dma_wait3A_98, %dma_wait3A_99] : memref<32x160x64xi32, #tpu.memory_space<hbm>> -> memref<1x160x64xi32, #tpu.memory_space<hbm>>
    %dma_wait3A_101 = tpu.memref_squeeze %dma_wait3A_100 : memref<1x160x64xi32, #tpu.memory_space<hbm>> -> memref<160x64xi32, #tpu.memory_space<hbm>>
    %dma_wait3A_102 = arith.constant 0 : i32
    %dma_wait3A_103 = tpu.memref_slice %dma_wait3A_101[%dma_wait3A_90, %dma_wait3A_102] : memref<160x64xi32, #tpu.memory_space<hbm>> -> memref<1x64xi32, #tpu.memory_space<hbm>>
    %dma_wait3A_104 = tpu.memref_squeeze %dma_wait3A_103 : memref<1x64xi32, #tpu.memory_space<hbm>> -> memref<64xi32, #tpu.memory_space<hbm>>
    tpu.wait_dma2 semaphore(%arg15 : memref<!tpu.dma_semaphore, #tpu.memory_space<semaphore_mem>>) src(%dma_wait3A_104 : memref<64xi32, #tpu.memory_space<hbm>>) dst(%arg8 : memref<64xi32, #tpu.memory_space<vmem>>)
    "tpu.region"() ({
      %run_scoped3A = tpu.sem_alloc : memref<!tpu.dma_semaphore, #tpu.memory_space<semaphore_mem>>
      %dma_start3A_146 = arith.constant 0 : i32
      %dma_start3A_147 = arith.constant 0 : i32
      %dma_start3A_148 = tpu.memref_slice %arg11[%dma_start3A_146, %dma_start3A_147] : memref<10240x128xf32, #tpu.memory_space<vmem_shared>> -> memref<10240x128xf32, #tpu.memory_space<vmem_shared>>
      tpu.enqueue_indirect_dma source(%arg10 : memref<64x128xf32, #tpu.memory_space<vmem>>) target(%dma_start3A_148 : memref<10240x128xf32, #tpu.memory_space<vmem_shared>>) offsets(%arg8 : memref<64xi32, #tpu.memory_space<vmem>>) semaphore(%run_scoped3A : memref<!tpu.dma_semaphore, #tpu.memory_space<semaphore_mem>>) {add = true}
      %dma_wait3A_149 = arith.constant 0 : i32
      %dma_wait3A_150 = arith.constant 0 : i32
      %dma_wait3A_151 = tpu.memref_slice %arg11[%dma_wait3A_149, %dma_wait3A_150] : memref<10240x128xf32, #tpu.memory_space<vmem_shared>> -> memref<10240x128xf32, #tpu.memory_space<vmem_shared>>
      tpu.wait_indirect_dma semaphore(%run_scoped3A : memref<!tpu.dma_semaphore, #tpu.memory_space<semaphore_mem>>) src(%arg10 : memref<64x128xf32, #tpu.memory_space<vmem>>) dst(%dma_wait3A_151 : memref<10240x128xf32, #tpu.memory_space<vmem_shared>>)
      tpu.yield
    }) : () -> ()
    %barrier3A_105 = arith.constant 0 : index
    tpu.barrier barrier_id(%barrier3A_105)
    %mul3A_106 = arith.constant 640 : i32
    %mul3A_107 = arith.muli %arg1, %mul3A_106 : i32
    %add3A_108 = arith.constant 0 : i32
    %add3A_109 = arith.addi %mul3A_107, %add3A_108 : i32
    "tpu.region"() ({
      %run_scoped3A = tpu.sem_alloc : memref<!tpu.dma_semaphore, #tpu.memory_space<semaphore_mem>>
      %dma_start3A_146 = arith.constant 0 : i32
      %dma_start3A_147 = tpu.memref_slice %arg11[%add3A_109, %dma_start3A_146] : memref<10240x128xf32, #tpu.memory_space<vmem_shared>> -> memref<64x128xf32, #tpu.memory_space<vmem_shared>>
      %dma_start3A_148 = arith.constant 0 : i32
      %dma_start3A_149 = tpu.memref_slice %arg11[%add3A_109, %dma_start3A_148] : memref<10240x128xf32, #tpu.memory_space<vmem_shared>> -> memref<64x128xf32, #tpu.memory_space<vmem_shared>>
      tpu.enqueue_dma source(%dma_start3A_149 : memref<64x128xf32, #tpu.memory_space<vmem_shared>>) target(%arg9 : memref<64x128xf32, #tpu.memory_space<vmem>>) target_semaphore(%run_scoped3A : memref<!tpu.dma_semaphore, #tpu.memory_space<semaphore_mem>>)
      %dma_wait3A_150 = arith.constant 0 : i32
      %dma_wait3A_151 = tpu.memref_slice %arg11[%add3A_109, %dma_wait3A_150] : memref<10240x128xf32, #tpu.memory_space<vmem_shared>> -> memref<64x128xf32, #tpu.memory_space<vmem_shared>>
      %dma_wait3A_152 = arith.constant 0 : i32
      %dma_wait3A_153 = tpu.memref_slice %arg11[%add3A_109, %dma_wait3A_152] : memref<10240x128xf32, #tpu.memory_space<vmem_shared>> -> memref<64x128xf32, #tpu.memory_space<vmem_shared>>
      tpu.wait_dma2 semaphore(%run_scoped3A : memref<!tpu.dma_semaphore, #tpu.memory_space<semaphore_mem>>) src(%dma_wait3A_153 : memref<64x128xf32, #tpu.memory_space<vmem_shared>>) dst(%arg9 : memref<64x128xf32, #tpu.memory_space<vmem>>)
      tpu.yield
    }) : () -> ()
    "tpu.region"() ({
      %run_scoped3A = tpu.sem_alloc : memref<!tpu.dma_semaphore, #tpu.memory_space<semaphore_mem>>
      %dma_start3A_146 = arith.constant 0 : i32
      %dma_start3A_147 = tpu.memref_slice %arg5[%arg0, %add3A_109, %dma_start3A_146] : memref<2x10240x128xf32, #tpu.memory_space<hbm>> -> memref<1x64x128xf32, #tpu.memory_space<hbm>>
      %dma_start3A_148 = tpu.memref_squeeze %dma_start3A_147 : memref<1x64x128xf32, #tpu.memory_space<hbm>> -> memref<64x128xf32, #tpu.memory_space<hbm>>
      %dma_start3A_149 = arith.constant 0 : i32
      %dma_start3A_150 = tpu.memref_slice %arg5[%arg0, %add3A_109, %dma_start3A_149] : memref<2x10240x128xf32, #tpu.memory_space<hbm>> -> memref<1x64x128xf32, #tpu.memory_space<hbm>>
      %dma_start3A_151 = tpu.memref_squeeze %dma_start3A_150 : memref<1x64x128xf32, #tpu.memory_space<hbm>> -> memref<64x128xf32, #tpu.memory_space<hbm>>
      tpu.enqueue_dma source(%arg9 : memref<64x128xf32, #tpu.memory_space<vmem>>) target(%dma_start3A_151 : memref<64x128xf32, #tpu.memory_space<hbm>>) target_semaphore(%run_scoped3A : memref<!tpu.dma_semaphore, #tpu.memory_space<semaphore_mem>>)
      %dma_wait3A_152 = arith.constant 0 : i32
      %dma_wait3A_153 = tpu.memref_slice %arg5[%arg0, %add3A_109, %dma_wait3A_152] : memref<2x10240x128xf32, #tpu.memory_space<hbm>> -> memref<1x64x128xf32, #tpu.memory_space<hbm>>
      %dma_wait3A_154 = tpu.memref_squeeze %dma_wait3A_153 : memref<1x64x128xf32, #tpu.memory_space<hbm>> -> memref<64x128xf32, #tpu.memory_space<hbm>>
      %dma_wait3A_155 = arith.constant 0 : i32
      %dma_wait3A_156 = tpu.memref_slice %arg5[%arg0, %add3A_109, %dma_wait3A_155] : memref<2x10240x128xf32, #tpu.memory_space<hbm>> -> memref<1x64x128xf32, #tpu.memory_space<hbm>>
      %dma_wait3A_157 = tpu.memref_squeeze %dma_wait3A_156 : memref<1x64x128xf32, #tpu.memory_space<hbm>> -> memref<64x128xf32, #tpu.memory_space<hbm>>
      tpu.wait_dma2 semaphore(%run_scoped3A : memref<!tpu.dma_semaphore, #tpu.memory_space<semaphore_mem>>) src(%arg9 : memref<64x128xf32, #tpu.memory_space<vmem>>) dst(%dma_wait3A_157 : memref<64x128xf32, #tpu.memory_space<hbm>>)
      tpu.yield
    }) : () -> ()
    %mul3A_110 = arith.constant 640 : i32
    %mul3A_111 = arith.muli %arg1, %mul3A_110 : i32
    %add3A_112 = arith.constant 64 : i32
    %add3A_113 = arith.addi %mul3A_111, %add3A_112 : i32
    "tpu.region"() ({
      %run_scoped3A = tpu.sem_alloc : memref<!tpu.dma_semaphore, #tpu.memory_space<semaphore_mem>>
      %dma_start3A_146 = arith.constant 0 : i32
      %dma_start3A_147 = tpu.memref_slice %arg11[%add3A_113, %dma_start3A_146] : memref<10240x128xf32, #tpu.memory_space<vmem_shared>> -> memref<64x128xf32, #tpu.memory_space<vmem_shared>>
      %dma_start3A_148 = arith.constant 0 : i32
      %dma_start3A_149 = tpu.memref_slice %arg11[%add3A_113, %dma_start3A_148] : memref<10240x128xf32, #tpu.memory_space<vmem_shared>> -> memref<64x128xf32, #tpu.memory_space<vmem_shared>>
      tpu.enqueue_dma source(%dma_start3A_149 : memref<64x128xf32, #tpu.memory_space<vmem_shared>>) target(%arg9 : memref<64x128xf32, #tpu.memory_space<vmem>>) target_semaphore(%run_scoped3A : memref<!tpu.dma_semaphore, #tpu.memory_space<semaphore_mem>>)
      %dma_wait3A_150 = arith.constant 0 : i32
      %dma_wait3A_151 = tpu.memref_slice %arg11[%add3A_113, %dma_wait3A_150] : memref<10240x128xf32, #tpu.memory_space<vmem_shared>> -> memref<64x128xf32, #tpu.memory_space<vmem_shared>>
      %dma_wait3A_152 = arith.constant 0 : i32
      %dma_wait3A_153 = tpu.memref_slice %arg11[%add3A_113, %dma_wait3A_152] : memref<10240x128xf32, #tpu.memory_space<vmem_shared>> -> memref<64x128xf32, #tpu.memory_space<vmem_shared>>
      tpu.wait_dma2 semaphore(%run_scoped3A : memref<!tpu.dma_semaphore, #tpu.memory_space<semaphore_mem>>) src(%dma_wait3A_153 : memref<64x128xf32, #tpu.memory_space<vmem_shared>>) dst(%arg9 : memref<64x128xf32, #tpu.memory_space<vmem>>)
      tpu.yield
    }) : () -> ()
    "tpu.region"() ({
      %run_scoped3A = tpu.sem_alloc : memref<!tpu.dma_semaphore, #tpu.memory_space<semaphore_mem>>
      %dma_start3A_146 = arith.constant 0 : i32
      %dma_start3A_147 = tpu.memref_slice %arg5[%arg0, %add3A_113, %dma_start3A_146] : memref<2x10240x128xf32, #tpu.memory_space<hbm>> -> memref<1x64x128xf32, #tpu.memory_space<hbm>>
      %dma_start3A_148 = tpu.memref_squeeze %dma_start3A_147 : memref<1x64x128xf32, #tpu.memory_space<hbm>> -> memref<64x128xf32, #tpu.memory_space<hbm>>
      %dma_start3A_149 = arith.constant 0 : i32
      %dma_start3A_150 = tpu.memref_slice %arg5[%arg0, %add3A_113, %dma_start3A_149] : memref<2x10240x128xf32, #tpu.memory_space<hbm>> -> memref<1x64x128xf32, #tpu.memory_space<hbm>>
      %dma_start3A_151 = tpu.memref_squeeze %dma_start3A_150 : memref<1x64x128xf32, #tpu.memory_space<hbm>> -> memref<64x128xf32, #tpu.memory_space<hbm>>
      tpu.enqueue_dma source(%arg9 : memref<64x128xf32, #tpu.memory_space<vmem>>) target(%dma_start3A_151 : memref<64x128xf32, #tpu.memory_space<hbm>>) target_semaphore(%run_scoped3A : memref<!tpu.dma_semaphore, #tpu.memory_space<semaphore_mem>>)
      %dma_wait3A_152 = arith.constant 0 : i32
      %dma_wait3A_153 = tpu.memref_slice %arg5[%arg0, %add3A_113, %dma_wait3A_152] : memref<2x10240x128xf32, #tpu.memory_space<hbm>> -> memref<1x64x128xf32, #tpu.memory_space<hbm>>
      %dma_wait3A_154 = tpu.memref_squeeze %dma_wait3A_153 : memref<1x64x128xf32, #tpu.memory_space<hbm>> -> memref<64x128xf32, #tpu.memory_space<hbm>>
      %dma_wait3A_155 = arith.constant 0 : i32
      %dma_wait3A_156 = tpu.memref_slice %arg5[%arg0, %add3A_113, %dma_wait3A_155] : memref<2x10240x128xf32, #tpu.memory_space<hbm>> -> memref<1x64x128xf32, #tpu.memory_space<hbm>>
      %dma_wait3A_157 = tpu.memref_squeeze %dma_wait3A_156 : memref<1x64x128xf32, #tpu.memory_space<hbm>> -> memref<64x128xf32, #tpu.memory_space<hbm>>
      tpu.wait_dma2 semaphore(%run_scoped3A : memref<!tpu.dma_semaphore, #tpu.memory_space<semaphore_mem>>) src(%arg9 : memref<64x128xf32, #tpu.memory_space<vmem>>) dst(%dma_wait3A_157 : memref<64x128xf32, #tpu.memory_space<hbm>>)
      tpu.yield
    }) : () -> ()
    %mul3A_114 = arith.constant 640 : i32
    %mul3A_115 = arith.muli %arg1, %mul3A_114 : i32
    %add3A_116 = arith.constant 128 : i32
    %add3A_117 = arith.addi %mul3A_115, %add3A_116 : i32
    "tpu.region"() ({
      %run_scoped3A = tpu.sem_alloc : memref<!tpu.dma_semaphore, #tpu.memory_space<semaphore_mem>>
      %dma_start3A_146 = arith.constant 0 : i32
      %dma_start3A_147 = tpu.memref_slice %arg11[%add3A_117, %dma_start3A_146] : memref<10240x128xf32, #tpu.memory_space<vmem_shared>> -> memref<64x128xf32, #tpu.memory_space<vmem_shared>>
      %dma_start3A_148 = arith.constant 0 : i32
      %dma_start3A_149 = tpu.memref_slice %arg11[%add3A_117, %dma_start3A_148] : memref<10240x128xf32, #tpu.memory_space<vmem_shared>> -> memref<64x128xf32, #tpu.memory_space<vmem_shared>>
      tpu.enqueue_dma source(%dma_start3A_149 : memref<64x128xf32, #tpu.memory_space<vmem_shared>>) target(%arg9 : memref<64x128xf32, #tpu.memory_space<vmem>>) target_semaphore(%run_scoped3A : memref<!tpu.dma_semaphore, #tpu.memory_space<semaphore_mem>>)
      %dma_wait3A_150 = arith.constant 0 : i32
      %dma_wait3A_151 = tpu.memref_slice %arg11[%add3A_117, %dma_wait3A_150] : memref<10240x128xf32, #tpu.memory_space<vmem_shared>> -> memref<64x128xf32, #tpu.memory_space<vmem_shared>>
      %dma_wait3A_152 = arith.constant 0 : i32
      %dma_wait3A_153 = tpu.memref_slice %arg11[%add3A_117, %dma_wait3A_152] : memref<10240x128xf32, #tpu.memory_space<vmem_shared>> -> memref<64x128xf32, #tpu.memory_space<vmem_shared>>
      tpu.wait_dma2 semaphore(%run_scoped3A : memref<!tpu.dma_semaphore, #tpu.memory_space<semaphore_mem>>) src(%dma_wait3A_153 : memref<64x128xf32, #tpu.memory_space<vmem_shared>>) dst(%arg9 : memref<64x128xf32, #tpu.memory_space<vmem>>)
      tpu.yield
    }) : () -> ()
    "tpu.region"() ({
      %run_scoped3A = tpu.sem_alloc : memref<!tpu.dma_semaphore, #tpu.memory_space<semaphore_mem>>
      %dma_start3A_146 = arith.constant 0 : i32
      %dma_start3A_147 = tpu.memref_slice %arg5[%arg0, %add3A_117, %dma_start3A_146] : memref<2x10240x128xf32, #tpu.memory_space<hbm>> -> memref<1x64x128xf32, #tpu.memory_space<hbm>>
      %dma_start3A_148 = tpu.memref_squeeze %dma_start3A_147 : memref<1x64x128xf32, #tpu.memory_space<hbm>> -> memref<64x128xf32, #tpu.memory_space<hbm>>
      %dma_start3A_149 = arith.constant 0 : i32
      %dma_start3A_150 = tpu.memref_slice %arg5[%arg0, %add3A_117, %dma_start3A_149] : memref<2x10240x128xf32, #tpu.memory_space<hbm>> -> memref<1x64x128xf32, #tpu.memory_space<hbm>>
      %dma_start3A_151 = tpu.memref_squeeze %dma_start3A_150 : memref<1x64x128xf32, #tpu.memory_space<hbm>> -> memref<64x128xf32, #tpu.memory_space<hbm>>
      tpu.enqueue_dma source(%arg9 : memref<64x128xf32, #tpu.memory_space<vmem>>) target(%dma_start3A_151 : memref<64x128xf32, #tpu.memory_space<hbm>>) target_semaphore(%run_scoped3A : memref<!tpu.dma_semaphore, #tpu.memory_space<semaphore_mem>>)
      %dma_wait3A_152 = arith.constant 0 : i32
      %dma_wait3A_153 = tpu.memref_slice %arg5[%arg0, %add3A_117, %dma_wait3A_152] : memref<2x10240x128xf32, #tpu.memory_space<hbm>> -> memref<1x64x128xf32, #tpu.memory_space<hbm>>
      %dma_wait3A_154 = tpu.memref_squeeze %dma_wait3A_153 : memref<1x64x128xf32, #tpu.memory_space<hbm>> -> memref<64x128xf32, #tpu.memory_space<hbm>>
      %dma_wait3A_155 = arith.constant 0 : i32
      %dma_wait3A_156 = tpu.memref_slice %arg5[%arg0, %add3A_117, %dma_wait3A_155] : memref<2x10240x128xf32, #tpu.memory_space<hbm>> -> memref<1x64x128xf32, #tpu.memory_space<hbm>>
      %dma_wait3A_157 = tpu.memref_squeeze %dma_wait3A_156 : memref<1x64x128xf32, #tpu.memory_space<hbm>> -> memref<64x128xf32, #tpu.memory_space<hbm>>
      tpu.wait_dma2 semaphore(%run_scoped3A : memref<!tpu.dma_semaphore, #tpu.memory_space<semaphore_mem>>) src(%arg9 : memref<64x128xf32, #tpu.memory_space<vmem>>) dst(%dma_wait3A_157 : memref<64x128xf32, #tpu.memory_space<hbm>>)
      tpu.yield
    }) : () -> ()
    %mul3A_118 = arith.constant 640 : i32
    %mul3A_119 = arith.muli %arg1, %mul3A_118 : i32
    %add3A_120 = arith.constant 192 : i32
    %add3A_121 = arith.addi %mul3A_119, %add3A_120 : i32
    "tpu.region"() ({
      %run_scoped3A = tpu.sem_alloc : memref<!tpu.dma_semaphore, #tpu.memory_space<semaphore_mem>>
      %dma_start3A_146 = arith.constant 0 : i32
      %dma_start3A_147 = tpu.memref_slice %arg11[%add3A_121, %dma_start3A_146] : memref<10240x128xf32, #tpu.memory_space<vmem_shared>> -> memref<64x128xf32, #tpu.memory_space<vmem_shared>>
      %dma_start3A_148 = arith.constant 0 : i32
      %dma_start3A_149 = tpu.memref_slice %arg11[%add3A_121, %dma_start3A_148] : memref<10240x128xf32, #tpu.memory_space<vmem_shared>> -> memref<64x128xf32, #tpu.memory_space<vmem_shared>>
      tpu.enqueue_dma source(%dma_start3A_149 : memref<64x128xf32, #tpu.memory_space<vmem_shared>>) target(%arg9 : memref<64x128xf32, #tpu.memory_space<vmem>>) target_semaphore(%run_scoped3A : memref<!tpu.dma_semaphore, #tpu.memory_space<semaphore_mem>>)
      %dma_wait3A_150 = arith.constant 0 : i32
      %dma_wait3A_151 = tpu.memref_slice %arg11[%add3A_121, %dma_wait3A_150] : memref<10240x128xf32, #tpu.memory_space<vmem_shared>> -> memref<64x128xf32, #tpu.memory_space<vmem_shared>>
      %dma_wait3A_152 = arith.constant 0 : i32
      %dma_wait3A_153 = tpu.memref_slice %arg11[%add3A_121, %dma_wait3A_152] : memref<10240x128xf32, #tpu.memory_space<vmem_shared>> -> memref<64x128xf32, #tpu.memory_space<vmem_shared>>
      tpu.wait_dma2 semaphore(%run_scoped3A : memref<!tpu.dma_semaphore, #tpu.memory_space<semaphore_mem>>) src(%dma_wait3A_153 : memref<64x128xf32, #tpu.memory_space<vmem_shared>>) dst(%arg9 : memref<64x128xf32, #tpu.memory_space<vmem>>)
      tpu.yield
    }) : () -> ()
    "tpu.region"() ({
      %run_scoped3A = tpu.sem_alloc : memref<!tpu.dma_semaphore, #tpu.memory_space<semaphore_mem>>
      %dma_start3A_146 = arith.constant 0 : i32
      %dma_start3A_147 = tpu.memref_slice %arg5[%arg0, %add3A_121, %dma_start3A_146] : memref<2x10240x128xf32, #tpu.memory_space<hbm>> -> memref<1x64x128xf32, #tpu.memory_space<hbm>>
      %dma_start3A_148 = tpu.memref_squeeze %dma_start3A_147 : memref<1x64x128xf32, #tpu.memory_space<hbm>> -> memref<64x128xf32, #tpu.memory_space<hbm>>
      %dma_start3A_149 = arith.constant 0 : i32
      %dma_start3A_150 = tpu.memref_slice %arg5[%arg0, %add3A_121, %dma_start3A_149] : memref<2x10240x128xf32, #tpu.memory_space<hbm>> -> memref<1x64x128xf32, #tpu.memory_space<hbm>>
      %dma_start3A_151 = tpu.memref_squeeze %dma_start3A_150 : memref<1x64x128xf32, #tpu.memory_space<hbm>> -> memref<64x128xf32, #tpu.memory_space<hbm>>
      tpu.enqueue_dma source(%arg9 : memref<64x128xf32, #tpu.memory_space<vmem>>) target(%dma_start3A_151 : memref<64x128xf32, #tpu.memory_space<hbm>>) target_semaphore(%run_scoped3A : memref<!tpu.dma_semaphore, #tpu.memory_space<semaphore_mem>>)
      %dma_wait3A_152 = arith.constant 0 : i32
      %dma_wait3A_153 = tpu.memref_slice %arg5[%arg0, %add3A_121, %dma_wait3A_152] : memref<2x10240x128xf32, #tpu.memory_space<hbm>> -> memref<1x64x128xf32, #tpu.memory_space<hbm>>
      %dma_wait3A_154 = tpu.memref_squeeze %dma_wait3A_153 : memref<1x64x128xf32, #tpu.memory_space<hbm>> -> memref<64x128xf32, #tpu.memory_space<hbm>>
      %dma_wait3A_155 = arith.constant 0 : i32
      %dma_wait3A_156 = tpu.memref_slice %arg5[%arg0, %add3A_121, %dma_wait3A_155] : memref<2x10240x128xf32, #tpu.memory_space<hbm>> -> memref<1x64x128xf32, #tpu.memory_space<hbm>>
      %dma_wait3A_157 = tpu.memref_squeeze %dma_wait3A_156 : memref<1x64x128xf32, #tpu.memory_space<hbm>> -> memref<64x128xf32, #tpu.memory_space<hbm>>
      tpu.wait_dma2 semaphore(%run_scoped3A : memref<!tpu.dma_semaphore, #tpu.memory_space<semaphore_mem>>) src(%arg9 : memref<64x128xf32, #tpu.memory_space<vmem>>) dst(%dma_wait3A_157 : memref<64x128xf32, #tpu.memory_space<hbm>>)
      tpu.yield
    }) : () -> ()
    %mul3A_122 = arith.constant 640 : i32
    %mul3A_123 = arith.muli %arg1, %mul3A_122 : i32
    %add3A_124 = arith.constant 256 : i32
    %add3A_125 = arith.addi %mul3A_123, %add3A_124 : i32
    "tpu.region"() ({
      %run_scoped3A = tpu.sem_alloc : memref<!tpu.dma_semaphore, #tpu.memory_space<semaphore_mem>>
      %dma_start3A_146 = arith.constant 0 : i32
      %dma_start3A_147 = tpu.memref_slice %arg11[%add3A_125, %dma_start3A_146] : memref<10240x128xf32, #tpu.memory_space<vmem_shared>> -> memref<64x128xf32, #tpu.memory_space<vmem_shared>>
      %dma_start3A_148 = arith.constant 0 : i32
      %dma_start3A_149 = tpu.memref_slice %arg11[%add3A_125, %dma_start3A_148] : memref<10240x128xf32, #tpu.memory_space<vmem_shared>> -> memref<64x128xf32, #tpu.memory_space<vmem_shared>>
      tpu.enqueue_dma source(%dma_start3A_149 : memref<64x128xf32, #tpu.memory_space<vmem_shared>>) target(%arg9 : memref<64x128xf32, #tpu.memory_space<vmem>>) target_semaphore(%run_scoped3A : memref<!tpu.dma_semaphore, #tpu.memory_space<semaphore_mem>>)
      %dma_wait3A_150 = arith.constant 0 : i32
      %dma_wait3A_151 = tpu.memref_slice %arg11[%add3A_125, %dma_wait3A_150] : memref<10240x128xf32, #tpu.memory_space<vmem_shared>> -> memref<64x128xf32, #tpu.memory_space<vmem_shared>>
      %dma_wait3A_152 = arith.constant 0 : i32
      %dma_wait3A_153 = tpu.memref_slice %arg11[%add3A_125, %dma_wait3A_152] : memref<10240x128xf32, #tpu.memory_space<vmem_shared>> -> memref<64x128xf32, #tpu.memory_space<vmem_shared>>
      tpu.wait_dma2 semaphore(%run_scoped3A : memref<!tpu.dma_semaphore, #tpu.memory_space<semaphore_mem>>) src(%dma_wait3A_153 : memref<64x128xf32, #tpu.memory_space<vmem_shared>>) dst(%arg9 : memref<64x128xf32, #tpu.memory_space<vmem>>)
      tpu.yield
    }) : () -> ()
    "tpu.region"() ({
      %run_scoped3A = tpu.sem_alloc : memref<!tpu.dma_semaphore, #tpu.memory_space<semaphore_mem>>
      %dma_start3A_146 = arith.constant 0 : i32
      %dma_start3A_147 = tpu.memref_slice %arg5[%arg0, %add3A_125, %dma_start3A_146] : memref<2x10240x128xf32, #tpu.memory_space<hbm>> -> memref<1x64x128xf32, #tpu.memory_space<hbm>>
      %dma_start3A_148 = tpu.memref_squeeze %dma_start3A_147 : memref<1x64x128xf32, #tpu.memory_space<hbm>> -> memref<64x128xf32, #tpu.memory_space<hbm>>
      %dma_start3A_149 = arith.constant 0 : i32
      %dma_start3A_150 = tpu.memref_slice %arg5[%arg0, %add3A_125, %dma_start3A_149] : memref<2x10240x128xf32, #tpu.memory_space<hbm>> -> memref<1x64x128xf32, #tpu.memory_space<hbm>>
      %dma_start3A_151 = tpu.memref_squeeze %dma_start3A_150 : memref<1x64x128xf32, #tpu.memory_space<hbm>> -> memref<64x128xf32, #tpu.memory_space<hbm>>
      tpu.enqueue_dma source(%arg9 : memref<64x128xf32, #tpu.memory_space<vmem>>) target(%dma_start3A_151 : memref<64x128xf32, #tpu.memory_space<hbm>>) target_semaphore(%run_scoped3A : memref<!tpu.dma_semaphore, #tpu.memory_space<semaphore_mem>>)
      %dma_wait3A_152 = arith.constant 0 : i32
      %dma_wait3A_153 = tpu.memref_slice %arg5[%arg0, %add3A_125, %dma_wait3A_152] : memref<2x10240x128xf32, #tpu.memory_space<hbm>> -> memref<1x64x128xf32, #tpu.memory_space<hbm>>
      %dma_wait3A_154 = tpu.memref_squeeze %dma_wait3A_153 : memref<1x64x128xf32, #tpu.memory_space<hbm>> -> memref<64x128xf32, #tpu.memory_space<hbm>>
      %dma_wait3A_155 = arith.constant 0 : i32
      %dma_wait3A_156 = tpu.memref_slice %arg5[%arg0, %add3A_125, %dma_wait3A_155] : memref<2x10240x128xf32, #tpu.memory_space<hbm>> -> memref<1x64x128xf32, #tpu.memory_space<hbm>>
      %dma_wait3A_157 = tpu.memref_squeeze %dma_wait3A_156 : memref<1x64x128xf32, #tpu.memory_space<hbm>> -> memref<64x128xf32, #tpu.memory_space<hbm>>
      tpu.wait_dma2 semaphore(%run_scoped3A : memref<!tpu.dma_semaphore, #tpu.memory_space<semaphore_mem>>) src(%arg9 : memref<64x128xf32, #tpu.memory_space<vmem>>) dst(%dma_wait3A_157 : memref<64x128xf32, #tpu.memory_space<hbm>>)
      tpu.yield
    }) : () -> ()
    %mul3A_126 = arith.constant 640 : i32
    %mul3A_127 = arith.muli %arg1, %mul3A_126 : i32
    %add3A_128 = arith.constant 320 : i32
    %add3A_129 = arith.addi %mul3A_127, %add3A_128 : i32
    "tpu.region"() ({
      %run_scoped3A = tpu.sem_alloc : memref<!tpu.dma_semaphore, #tpu.memory_space<semaphore_mem>>
      %dma_start3A_146 = arith.constant 0 : i32
      %dma_start3A_147 = tpu.memref_slice %arg11[%add3A_129, %dma_start3A_146] : memref<10240x128xf32, #tpu.memory_space<vmem_shared>> -> memref<64x128xf32, #tpu.memory_space<vmem_shared>>
      %dma_start3A_148 = arith.constant 0 : i32
      %dma_start3A_149 = tpu.memref_slice %arg11[%add3A_129, %dma_start3A_148] : memref<10240x128xf32, #tpu.memory_space<vmem_shared>> -> memref<64x128xf32, #tpu.memory_space<vmem_shared>>
      tpu.enqueue_dma source(%dma_start3A_149 : memref<64x128xf32, #tpu.memory_space<vmem_shared>>) target(%arg9 : memref<64x128xf32, #tpu.memory_space<vmem>>) target_semaphore(%run_scoped3A : memref<!tpu.dma_semaphore, #tpu.memory_space<semaphore_mem>>)
      %dma_wait3A_150 = arith.constant 0 : i32
      %dma_wait3A_151 = tpu.memref_slice %arg11[%add3A_129, %dma_wait3A_150] : memref<10240x128xf32, #tpu.memory_space<vmem_shared>> -> memref<64x128xf32, #tpu.memory_space<vmem_shared>>
      %dma_wait3A_152 = arith.constant 0 : i32
      %dma_wait3A_153 = tpu.memref_slice %arg11[%add3A_129, %dma_wait3A_152] : memref<10240x128xf32, #tpu.memory_space<vmem_shared>> -> memref<64x128xf32, #tpu.memory_space<vmem_shared>>
      tpu.wait_dma2 semaphore(%run_scoped3A : memref<!tpu.dma_semaphore, #tpu.memory_space<semaphore_mem>>) src(%dma_wait3A_153 : memref<64x128xf32, #tpu.memory_space<vmem_shared>>) dst(%arg9 : memref<64x128xf32, #tpu.memory_space<vmem>>)
      tpu.yield
    }) : () -> ()
    "tpu.region"() ({
      %run_scoped3A = tpu.sem_alloc : memref<!tpu.dma_semaphore, #tpu.memory_space<semaphore_mem>>
      %dma_start3A_146 = arith.constant 0 : i32
      %dma_start3A_147 = tpu.memref_slice %arg5[%arg0, %add3A_129, %dma_start3A_146] : memref<2x10240x128xf32, #tpu.memory_space<hbm>> -> memref<1x64x128xf32, #tpu.memory_space<hbm>>
      %dma_start3A_148 = tpu.memref_squeeze %dma_start3A_147 : memref<1x64x128xf32, #tpu.memory_space<hbm>> -> memref<64x128xf32, #tpu.memory_space<hbm>>
      %dma_start3A_149 = arith.constant 0 : i32
      %dma_start3A_150 = tpu.memref_slice %arg5[%arg0, %add3A_129, %dma_start3A_149] : memref<2x10240x128xf32, #tpu.memory_space<hbm>> -> memref<1x64x128xf32, #tpu.memory_space<hbm>>
      %dma_start3A_151 = tpu.memref_squeeze %dma_start3A_150 : memref<1x64x128xf32, #tpu.memory_space<hbm>> -> memref<64x128xf32, #tpu.memory_space<hbm>>
      tpu.enqueue_dma source(%arg9 : memref<64x128xf32, #tpu.memory_space<vmem>>) target(%dma_start3A_151 : memref<64x128xf32, #tpu.memory_space<hbm>>) target_semaphore(%run_scoped3A : memref<!tpu.dma_semaphore, #tpu.memory_space<semaphore_mem>>)
      %dma_wait3A_152 = arith.constant 0 : i32
      %dma_wait3A_153 = tpu.memref_slice %arg5[%arg0, %add3A_129, %dma_wait3A_152] : memref<2x10240x128xf32, #tpu.memory_space<hbm>> -> memref<1x64x128xf32, #tpu.memory_space<hbm>>
      %dma_wait3A_154 = tpu.memref_squeeze %dma_wait3A_153 : memref<1x64x128xf32, #tpu.memory_space<hbm>> -> memref<64x128xf32, #tpu.memory_space<hbm>>
      %dma_wait3A_155 = arith.constant 0 : i32
      %dma_wait3A_156 = tpu.memref_slice %arg5[%arg0, %add3A_129, %dma_wait3A_155] : memref<2x10240x128xf32, #tpu.memory_space<hbm>> -> memref<1x64x128xf32, #tpu.memory_space<hbm>>
      %dma_wait3A_157 = tpu.memref_squeeze %dma_wait3A_156 : memref<1x64x128xf32, #tpu.memory_space<hbm>> -> memref<64x128xf32, #tpu.memory_space<hbm>>
      tpu.wait_dma2 semaphore(%run_scoped3A : memref<!tpu.dma_semaphore, #tpu.memory_space<semaphore_mem>>) src(%arg9 : memref<64x128xf32, #tpu.memory_space<vmem>>) dst(%dma_wait3A_157 : memref<64x128xf32, #tpu.memory_space<hbm>>)
      tpu.yield
    }) : () -> ()
    %mul3A_130 = arith.constant 640 : i32
    %mul3A_131 = arith.muli %arg1, %mul3A_130 : i32
    %add3A_132 = arith.constant 384 : i32
    %add3A_133 = arith.addi %mul3A_131, %add3A_132 : i32
    "tpu.region"() ({
      %run_scoped3A = tpu.sem_alloc : memref<!tpu.dma_semaphore, #tpu.memory_space<semaphore_mem>>
      %dma_start3A_146 = arith.constant 0 : i32
      %dma_start3A_147 = tpu.memref_slice %arg11[%add3A_133, %dma_start3A_146] : memref<10240x128xf32, #tpu.memory_space<vmem_shared>> -> memref<64x128xf32, #tpu.memory_space<vmem_shared>>
      %dma_start3A_148 = arith.constant 0 : i32
      %dma_start3A_149 = tpu.memref_slice %arg11[%add3A_133, %dma_start3A_148] : memref<10240x128xf32, #tpu.memory_space<vmem_shared>> -> memref<64x128xf32, #tpu.memory_space<vmem_shared>>
      tpu.enqueue_dma source(%dma_start3A_149 : memref<64x128xf32, #tpu.memory_space<vmem_shared>>) target(%arg9 : memref<64x128xf32, #tpu.memory_space<vmem>>) target_semaphore(%run_scoped3A : memref<!tpu.dma_semaphore, #tpu.memory_space<semaphore_mem>>)
      %dma_wait3A_150 = arith.constant 0 : i32
      %dma_wait3A_151 = tpu.memref_slice %arg11[%add3A_133, %dma_wait3A_150] : memref<10240x128xf32, #tpu.memory_space<vmem_shared>> -> memref<64x128xf32, #tpu.memory_space<vmem_shared>>
      %dma_wait3A_152 = arith.constant 0 : i32
      %dma_wait3A_153 = tpu.memref_slice %arg11[%add3A_133, %dma_wait3A_152] : memref<10240x128xf32, #tpu.memory_space<vmem_shared>> -> memref<64x128xf32, #tpu.memory_space<vmem_shared>>
      tpu.wait_dma2 semaphore(%run_scoped3A : memref<!tpu.dma_semaphore, #tpu.memory_space<semaphore_mem>>) src(%dma_wait3A_153 : memref<64x128xf32, #tpu.memory_space<vmem_shared>>) dst(%arg9 : memref<64x128xf32, #tpu.memory_space<vmem>>)
      tpu.yield
    }) : () -> ()
    "tpu.region"() ({
      %run_scoped3A = tpu.sem_alloc : memref<!tpu.dma_semaphore, #tpu.memory_space<semaphore_mem>>
      %dma_start3A_146 = arith.constant 0 : i32
      %dma_start3A_147 = tpu.memref_slice %arg5[%arg0, %add3A_133, %dma_start3A_146] : memref<2x10240x128xf32, #tpu.memory_space<hbm>> -> memref<1x64x128xf32, #tpu.memory_space<hbm>>
      %dma_start3A_148 = tpu.memref_squeeze %dma_start3A_147 : memref<1x64x128xf32, #tpu.memory_space<hbm>> -> memref<64x128xf32, #tpu.memory_space<hbm>>
      %dma_start3A_149 = arith.constant 0 : i32
      %dma_start3A_150 = tpu.memref_slice %arg5[%arg0, %add3A_133, %dma_start3A_149] : memref<2x10240x128xf32, #tpu.memory_space<hbm>> -> memref<1x64x128xf32, #tpu.memory_space<hbm>>
      %dma_start3A_151 = tpu.memref_squeeze %dma_start3A_150 : memref<1x64x128xf32, #tpu.memory_space<hbm>> -> memref<64x128xf32, #tpu.memory_space<hbm>>
      tpu.enqueue_dma source(%arg9 : memref<64x128xf32, #tpu.memory_space<vmem>>) target(%dma_start3A_151 : memref<64x128xf32, #tpu.memory_space<hbm>>) target_semaphore(%run_scoped3A : memref<!tpu.dma_semaphore, #tpu.memory_space<semaphore_mem>>)
      %dma_wait3A_152 = arith.constant 0 : i32
      %dma_wait3A_153 = tpu.memref_slice %arg5[%arg0, %add3A_133, %dma_wait3A_152] : memref<2x10240x128xf32, #tpu.memory_space<hbm>> -> memref<1x64x128xf32, #tpu.memory_space<hbm>>
      %dma_wait3A_154 = tpu.memref_squeeze %dma_wait3A_153 : memref<1x64x128xf32, #tpu.memory_space<hbm>> -> memref<64x128xf32, #tpu.memory_space<hbm>>
      %dma_wait3A_155 = arith.constant 0 : i32
      %dma_wait3A_156 = tpu.memref_slice %arg5[%arg0, %add3A_133, %dma_wait3A_155] : memref<2x10240x128xf32, #tpu.memory_space<hbm>> -> memref<1x64x128xf32, #tpu.memory_space<hbm>>
      %dma_wait3A_157 = tpu.memref_squeeze %dma_wait3A_156 : memref<1x64x128xf32, #tpu.memory_space<hbm>> -> memref<64x128xf32, #tpu.memory_space<hbm>>
      tpu.wait_dma2 semaphore(%run_scoped3A : memref<!tpu.dma_semaphore, #tpu.memory_space<semaphore_mem>>) src(%arg9 : memref<64x128xf32, #tpu.memory_space<vmem>>) dst(%dma_wait3A_157 : memref<64x128xf32, #tpu.memory_space<hbm>>)
      tpu.yield
    }) : () -> ()
    %mul3A_134 = arith.constant 640 : i32
    %mul3A_135 = arith.muli %arg1, %mul3A_134 : i32
    %add3A_136 = arith.constant 448 : i32
    %add3A_137 = arith.addi %mul3A_135, %add3A_136 : i32
    "tpu.region"() ({
      %run_scoped3A = tpu.sem_alloc : memref<!tpu.dma_semaphore, #tpu.memory_space<semaphore_mem>>
      %dma_start3A_146 = arith.constant 0 : i32
      %dma_start3A_147 = tpu.memref_slice %arg11[%add3A_137, %dma_start3A_146] : memref<10240x128xf32, #tpu.memory_space<vmem_shared>> -> memref<64x128xf32, #tpu.memory_space<vmem_shared>>
      %dma_start3A_148 = arith.constant 0 : i32
      %dma_start3A_149 = tpu.memref_slice %arg11[%add3A_137, %dma_start3A_148] : memref<10240x128xf32, #tpu.memory_space<vmem_shared>> -> memref<64x128xf32, #tpu.memory_space<vmem_shared>>
      tpu.enqueue_dma source(%dma_start3A_149 : memref<64x128xf32, #tpu.memory_space<vmem_shared>>) target(%arg9 : memref<64x128xf32, #tpu.memory_space<vmem>>) target_semaphore(%run_scoped3A : memref<!tpu.dma_semaphore, #tpu.memory_space<semaphore_mem>>)
      %dma_wait3A_150 = arith.constant 0 : i32
      %dma_wait3A_151 = tpu.memref_slice %arg11[%add3A_137, %dma_wait3A_150] : memref<10240x128xf32, #tpu.memory_space<vmem_shared>> -> memref<64x128xf32, #tpu.memory_space<vmem_shared>>
      %dma_wait3A_152 = arith.constant 0 : i32
      %dma_wait3A_153 = tpu.memref_slice %arg11[%add3A_137, %dma_wait3A_152] : memref<10240x128xf32, #tpu.memory_space<vmem_shared>> -> memref<64x128xf32, #tpu.memory_space<vmem_shared>>
      tpu.wait_dma2 semaphore(%run_scoped3A : memref<!tpu.dma_semaphore, #tpu.memory_space<semaphore_mem>>) src(%dma_wait3A_153 : memref<64x128xf32, #tpu.memory_space<vmem_shared>>) dst(%arg9 : memref<64x128xf32, #tpu.memory_space<vmem>>)
      tpu.yield
    }) : () -> ()
    "tpu.region"() ({
      %run_scoped3A = tpu.sem_alloc : memref<!tpu.dma_semaphore, #tpu.memory_space<semaphore_mem>>
      %dma_start3A_146 = arith.constant 0 : i32
      %dma_start3A_147 = tpu.memref_slice %arg5[%arg0, %add3A_137, %dma_start3A_146] : memref<2x10240x128xf32, #tpu.memory_space<hbm>> -> memref<1x64x128xf32, #tpu.memory_space<hbm>>
      %dma_start3A_148 = tpu.memref_squeeze %dma_start3A_147 : memref<1x64x128xf32, #tpu.memory_space<hbm>> -> memref<64x128xf32, #tpu.memory_space<hbm>>
      %dma_start3A_149 = arith.constant 0 : i32
      %dma_start3A_150 = tpu.memref_slice %arg5[%arg0, %add3A_137, %dma_start3A_149] : memref<2x10240x128xf32, #tpu.memory_space<hbm>> -> memref<1x64x128xf32, #tpu.memory_space<hbm>>
      %dma_start3A_151 = tpu.memref_squeeze %dma_start3A_150 : memref<1x64x128xf32, #tpu.memory_space<hbm>> -> memref<64x128xf32, #tpu.memory_space<hbm>>
      tpu.enqueue_dma source(%arg9 : memref<64x128xf32, #tpu.memory_space<vmem>>) target(%dma_start3A_151 : memref<64x128xf32, #tpu.memory_space<hbm>>) target_semaphore(%run_scoped3A : memref<!tpu.dma_semaphore, #tpu.memory_space<semaphore_mem>>)
      %dma_wait3A_152 = arith.constant 0 : i32
      %dma_wait3A_153 = tpu.memref_slice %arg5[%arg0, %add3A_137, %dma_wait3A_152] : memref<2x10240x128xf32, #tpu.memory_space<hbm>> -> memref<1x64x128xf32, #tpu.memory_space<hbm>>
      %dma_wait3A_154 = tpu.memref_squeeze %dma_wait3A_153 : memref<1x64x128xf32, #tpu.memory_space<hbm>> -> memref<64x128xf32, #tpu.memory_space<hbm>>
      %dma_wait3A_155 = arith.constant 0 : i32
      %dma_wait3A_156 = tpu.memref_slice %arg5[%arg0, %add3A_137, %dma_wait3A_155] : memref<2x10240x128xf32, #tpu.memory_space<hbm>> -> memref<1x64x128xf32, #tpu.memory_space<hbm>>
      %dma_wait3A_157 = tpu.memref_squeeze %dma_wait3A_156 : memref<1x64x128xf32, #tpu.memory_space<hbm>> -> memref<64x128xf32, #tpu.memory_space<hbm>>
      tpu.wait_dma2 semaphore(%run_scoped3A : memref<!tpu.dma_semaphore, #tpu.memory_space<semaphore_mem>>) src(%arg9 : memref<64x128xf32, #tpu.memory_space<vmem>>) dst(%dma_wait3A_157 : memref<64x128xf32, #tpu.memory_space<hbm>>)
      tpu.yield
    }) : () -> ()
    %mul3A_138 = arith.constant 640 : i32
    %mul3A_139 = arith.muli %arg1, %mul3A_138 : i32
    %add3A_140 = arith.constant 512 : i32
    %add3A_141 = arith.addi %mul3A_139, %add3A_140 : i32
    "tpu.region"() ({
      %run_scoped3A = tpu.sem_alloc : memref<!tpu.dma_semaphore, #tpu.memory_space<semaphore_mem>>
      %dma_start3A_146 = arith.constant 0 : i32
      %dma_start3A_147 = tpu.memref_slice %arg11[%add3A_141, %dma_start3A_146] : memref<10240x128xf32, #tpu.memory_space<vmem_shared>> -> memref<64x128xf32, #tpu.memory_space<vmem_shared>>
      %dma_start3A_148 = arith.constant 0 : i32
      %dma_start3A_149 = tpu.memref_slice %arg11[%add3A_141, %dma_start3A_148] : memref<10240x128xf32, #tpu.memory_space<vmem_shared>> -> memref<64x128xf32, #tpu.memory_space<vmem_shared>>
      tpu.enqueue_dma source(%dma_start3A_149 : memref<64x128xf32, #tpu.memory_space<vmem_shared>>) target(%arg9 : memref<64x128xf32, #tpu.memory_space<vmem>>) target_semaphore(%run_scoped3A : memref<!tpu.dma_semaphore, #tpu.memory_space<semaphore_mem>>)
      %dma_wait3A_150 = arith.constant 0 : i32
      %dma_wait3A_151 = tpu.memref_slice %arg11[%add3A_141, %dma_wait3A_150] : memref<10240x128xf32, #tpu.memory_space<vmem_shared>> -> memref<64x128xf32, #tpu.memory_space<vmem_shared>>
      %dma_wait3A_152 = arith.constant 0 : i32
      %dma_wait3A_153 = tpu.memref_slice %arg11[%add3A_141, %dma_wait3A_152] : memref<10240x128xf32, #tpu.memory_space<vmem_shared>> -> memref<64x128xf32, #tpu.memory_space<vmem_shared>>
      tpu.wait_dma2 semaphore(%run_scoped3A : memref<!tpu.dma_semaphore, #tpu.memory_space<semaphore_mem>>) src(%dma_wait3A_153 : memref<64x128xf32, #tpu.memory_space<vmem_shared>>) dst(%arg9 : memref<64x128xf32, #tpu.memory_space<vmem>>)
      tpu.yield
    }) : () -> ()
    "tpu.region"() ({
      %run_scoped3A = tpu.sem_alloc : memref<!tpu.dma_semaphore, #tpu.memory_space<semaphore_mem>>
      %dma_start3A_146 = arith.constant 0 : i32
      %dma_start3A_147 = tpu.memref_slice %arg5[%arg0, %add3A_141, %dma_start3A_146] : memref<2x10240x128xf32, #tpu.memory_space<hbm>> -> memref<1x64x128xf32, #tpu.memory_space<hbm>>
      %dma_start3A_148 = tpu.memref_squeeze %dma_start3A_147 : memref<1x64x128xf32, #tpu.memory_space<hbm>> -> memref<64x128xf32, #tpu.memory_space<hbm>>
      %dma_start3A_149 = arith.constant 0 : i32
      %dma_start3A_150 = tpu.memref_slice %arg5[%arg0, %add3A_141, %dma_start3A_149] : memref<2x10240x128xf32, #tpu.memory_space<hbm>> -> memref<1x64x128xf32, #tpu.memory_space<hbm>>
      %dma_start3A_151 = tpu.memref_squeeze %dma_start3A_150 : memref<1x64x128xf32, #tpu.memory_space<hbm>> -> memref<64x128xf32, #tpu.memory_space<hbm>>
      tpu.enqueue_dma source(%arg9 : memref<64x128xf32, #tpu.memory_space<vmem>>) target(%dma_start3A_151 : memref<64x128xf32, #tpu.memory_space<hbm>>) target_semaphore(%run_scoped3A : memref<!tpu.dma_semaphore, #tpu.memory_space<semaphore_mem>>)
      %dma_wait3A_152 = arith.constant 0 : i32
      %dma_wait3A_153 = tpu.memref_slice %arg5[%arg0, %add3A_141, %dma_wait3A_152] : memref<2x10240x128xf32, #tpu.memory_space<hbm>> -> memref<1x64x128xf32, #tpu.memory_space<hbm>>
      %dma_wait3A_154 = tpu.memref_squeeze %dma_wait3A_153 : memref<1x64x128xf32, #tpu.memory_space<hbm>> -> memref<64x128xf32, #tpu.memory_space<hbm>>
      %dma_wait3A_155 = arith.constant 0 : i32
      %dma_wait3A_156 = tpu.memref_slice %arg5[%arg0, %add3A_141, %dma_wait3A_155] : memref<2x10240x128xf32, #tpu.memory_space<hbm>> -> memref<1x64x128xf32, #tpu.memory_space<hbm>>
      %dma_wait3A_157 = tpu.memref_squeeze %dma_wait3A_156 : memref<1x64x128xf32, #tpu.memory_space<hbm>> -> memref<64x128xf32, #tpu.memory_space<hbm>>
      tpu.wait_dma2 semaphore(%run_scoped3A : memref<!tpu.dma_semaphore, #tpu.memory_space<semaphore_mem>>) src(%arg9 : memref<64x128xf32, #tpu.memory_space<vmem>>) dst(%dma_wait3A_157 : memref<64x128xf32, #tpu.memory_space<hbm>>)
      tpu.yield
    }) : () -> ()
    %mul3A_142 = arith.constant 640 : i32
    %mul3A_143 = arith.muli %arg1, %mul3A_142 : i32
    %add3A_144 = arith.constant 576 : i32
    %add3A_145 = arith.addi %mul3A_143, %add3A_144 : i32
    "tpu.region"() ({
      %run_scoped3A = tpu.sem_alloc : memref<!tpu.dma_semaphore, #tpu.memory_space<semaphore_mem>>
      %dma_start3A_146 = arith.constant 0 : i32
      %dma_start3A_147 = tpu.memref_slice %arg11[%add3A_145, %dma_start3A_146] : memref<10240x128xf32, #tpu.memory_space<vmem_shared>> -> memref<64x128xf32, #tpu.memory_space<vmem_shared>>
      %dma_start3A_148 = arith.constant 0 : i32
      %dma_start3A_149 = tpu.memref_slice %arg11[%add3A_145, %dma_start3A_148] : memref<10240x128xf32, #tpu.memory_space<vmem_shared>> -> memref<64x128xf32, #tpu.memory_space<vmem_shared>>
      tpu.enqueue_dma source(%dma_start3A_149 : memref<64x128xf32, #tpu.memory_space<vmem_shared>>) target(%arg9 : memref<64x128xf32, #tpu.memory_space<vmem>>) target_semaphore(%run_scoped3A : memref<!tpu.dma_semaphore, #tpu.memory_space<semaphore_mem>>)
      %dma_wait3A_150 = arith.constant 0 : i32
      %dma_wait3A_151 = tpu.memref_slice %arg11[%add3A_145, %dma_wait3A_150] : memref<10240x128xf32, #tpu.memory_space<vmem_shared>> -> memref<64x128xf32, #tpu.memory_space<vmem_shared>>
      %dma_wait3A_152 = arith.constant 0 : i32
      %dma_wait3A_153 = tpu.memref_slice %arg11[%add3A_145, %dma_wait3A_152] : memref<10240x128xf32, #tpu.memory_space<vmem_shared>> -> memref<64x128xf32, #tpu.memory_space<vmem_shared>>
      tpu.wait_dma2 semaphore(%run_scoped3A : memref<!tpu.dma_semaphore, #tpu.memory_space<semaphore_mem>>) src(%dma_wait3A_153 : memref<64x128xf32, #tpu.memory_space<vmem_shared>>) dst(%arg9 : memref<64x128xf32, #tpu.memory_space<vmem>>)
      tpu.yield
    }) : () -> ()
    "tpu.region"() ({
      %run_scoped3A = tpu.sem_alloc : memref<!tpu.dma_semaphore, #tpu.memory_space<semaphore_mem>>
      %dma_start3A_146 = arith.constant 0 : i32
      %dma_start3A_147 = tpu.memref_slice %arg5[%arg0, %add3A_145, %dma_start3A_146] : memref<2x10240x128xf32, #tpu.memory_space<hbm>> -> memref<1x64x128xf32, #tpu.memory_space<hbm>>
      %dma_start3A_148 = tpu.memref_squeeze %dma_start3A_147 : memref<1x64x128xf32, #tpu.memory_space<hbm>> -> memref<64x128xf32, #tpu.memory_space<hbm>>
      %dma_start3A_149 = arith.constant 0 : i32
      %dma_start3A_150 = tpu.memref_slice %arg5[%arg0, %add3A_145, %dma_start3A_149] : memref<2x10240x128xf32, #tpu.memory_space<hbm>> -> memref<1x64x128xf32, #tpu.memory_space<hbm>>
      %dma_start3A_151 = tpu.memref_squeeze %dma_start3A_150 : memref<1x64x128xf32, #tpu.memory_space<hbm>> -> memref<64x128xf32, #tpu.memory_space<hbm>>
      tpu.enqueue_dma source(%arg9 : memref<64x128xf32, #tpu.memory_space<vmem>>) target(%dma_start3A_151 : memref<64x128xf32, #tpu.memory_space<hbm>>) target_semaphore(%run_scoped3A : memref<!tpu.dma_semaphore, #tpu.memory_space<semaphore_mem>>)
      %dma_wait3A_152 = arith.constant 0 : i32
      %dma_wait3A_153 = tpu.memref_slice %arg5[%arg0, %add3A_145, %dma_wait3A_152] : memref<2x10240x128xf32, #tpu.memory_space<hbm>> -> memref<1x64x128xf32, #tpu.memory_space<hbm>>
      %dma_wait3A_154 = tpu.memref_squeeze %dma_wait3A_153 : memref<1x64x128xf32, #tpu.memory_space<hbm>> -> memref<64x128xf32, #tpu.memory_space<hbm>>
      %dma_wait3A_155 = arith.constant 0 : i32
      %dma_wait3A_156 = tpu.memref_slice %arg5[%arg0, %add3A_145, %dma_wait3A_155] : memref<2x10240x128xf32, #tpu.memory_space<hbm>> -> memref<1x64x128xf32, #tpu.memory_space<hbm>>
      %dma_wait3A_157 = tpu.memref_squeeze %dma_wait3A_156 : memref<1x64x128xf32, #tpu.memory_space<hbm>> -> memref<64x128xf32, #tpu.memory_space<hbm>>
      tpu.wait_dma2 semaphore(%run_scoped3A : memref<!tpu.dma_semaphore, #tpu.memory_space<semaphore_mem>>) src(%arg9 : memref<64x128xf32, #tpu.memory_space<vmem>>) dst(%dma_wait3A_157 : memref<64x128xf32, #tpu.memory_space<hbm>>)
      tpu.yield
    }) : () -> ()
    return
  }
}

module attributes {stable_mosaic.version = 14 : i64} {
  func.func @_tc_b_body(%arg0: i32, %arg1: memref<2x1024xf32, #tpu.memory_space<vmem>>, %arg2: memref<1024x128xf32, #tpu.memory_space<vmem>>, %arg3: memref<128x128xf32, #tpu.memory_space<vmem>>, %arg4: memref<1024x1xf32, #tpu.memory_space<vmem>>, %arg5: memref<1024x128xf32, #tpu.memory_space<vmem>>) attributes {dimension_semantics = [#tpu.dimension_semantics<arbitrary>], iteration_bounds = array<i64: 10>, scalar_prefetch = 0 : i64, scratch_operands = 0 : i64, tpu.core_type = #tpu.core_type<tc>, window_params = [{transform_indices = @transform_0, window_bounds = array<i64: 2, 1024>}, {transform_indices = @transform_1, window_bounds = array<i64: 1024, 128>}, {pipeline_mode = #tpu.pipeline_mode<synchronous>, transform_indices = @transform_2, window_bounds = array<i64: 128, 128>}, {transform_indices = @transform_3, window_bounds = array<i64: 1024, 1>}, {transform_indices = @transform_4, window_bounds = array<i64: 1024, 128>}]} {
    %get3A = arith.constant 0 : index
    %get3A_0 = arith.constant 0 : index
    %get3A_1 = vector.load %arg1[%get3A, %get3A_0] : memref<2x1024xf32, #tpu.memory_space<vmem>>, vector<1x1024xf32>
    %get3A_2 = vector.shape_cast %get3A_1 : vector<1x1024xf32> to vector<1024xf32>
    %get3A_3 = arith.constant 1 : index
    %get3A_4 = arith.constant 0 : index
    %get3A_5 = vector.load %arg1[%get3A_3, %get3A_4] : memref<2x1024xf32, #tpu.memory_space<vmem>>, vector<1x1024xf32>
    %get3A_6 = vector.shape_cast %get3A_5 : vector<1x1024xf32> to vector<1024xf32>
    %add3A = arith.addf %get3A_2, %get3A_6 : vector<1024xf32>
    %add3A_7 = arith.constant 1.000000e+00 : f32
    %add3A_8 = vector.broadcast %add3A_7 : f32 to vector<1024xf32>
    %add3A_9 = arith.addf %add3A, %add3A_8 : vector<1024xf32>
    %rsqrt3A = math.rsqrt %add3A_9 : vector<1024xf32>
    %broadcast_in_dim3A = vector.shape_cast %rsqrt3A : vector<1024xf32> to vector<1024x1xf32>
    %swap3A = arith.constant 0 : index
    %swap3A_10 = arith.constant 0 : index
    %swap3A_11 = vector.load %arg4[%swap3A, %swap3A_10] : memref<1024x1xf32, #tpu.memory_space<vmem>>, vector<1024x1xf32>
    tpu.vector_store %arg4[%swap3A, %swap3A_10], %broadcast_in_dim3A {strides = array<i32>} : memref<1024x1xf32, #tpu.memory_space<vmem>>, vector<1024x1xf32>,
    %get3A_12 = arith.constant 0 : index
    %get3A_13 = arith.constant 0 : index
    %get3A_14 = vector.load %arg2[%get3A_12, %get3A_13] : memref<1024x128xf32, #tpu.memory_space<vmem>>, vector<1024x128xf32>
    %get3A_15 = arith.constant 0 : index
    %get3A_16 = arith.constant 0 : index
    %get3A_17 = vector.load %arg3[%get3A_15, %get3A_16] : memref<128x128xf32, #tpu.memory_space<vmem>>, vector<128x128xf32>
    %dot_general3A = arith.constant dense<0.000000e+00> : vector<1024x128xf32>
    %dot_general3A_18 = tpu.matmul %get3A_14, %get3A_17, %dot_general3A {dimension_numbers = #tpu.dot_dimension_numbers<[1], [0], [0], [1], [0, 0, 1, 1], [], []>, transpose_lhs_hint = false} : vector<1024x128xf32>, vector<128x128xf32>, vector<1024x128xf32> -> vector<1024x128xf32>
    %mul3A = vector.broadcast %broadcast_in_dim3A : vector<1024x1xf32> to vector<1024x128xf32>
    %mul3A_19 = arith.mulf %dot_general3A_18, %mul3A : vector<1024x128xf32>
    %swap3A_20 = arith.constant 0 : index
    %swap3A_21 = arith.constant 0 : index
    %swap3A_22 = vector.load %arg5[%swap3A_20, %swap3A_21] : memref<1024x128xf32, #tpu.memory_space<vmem>>, vector<1024x128xf32>
    tpu.vector_store %arg5[%swap3A_20, %swap3A_21], %mul3A_19 {strides = array<i32>} : memref<1024x128xf32, #tpu.memory_space<vmem>>, vector<1024x128xf32>,
    return
  }
  func.func @transform_0(%arg0: i32) -> (i32, i32) {
    %c0_i32 = arith.constant 0 : i32
    %c0_i32_0 = arith.constant 0 : i32
    return %c0_i32, %arg0 : i32, i32
  }
  func.func @transform_1(%arg0: i32) -> (i32, i32) {
    %c0_i32 = arith.constant 0 : i32
    %c0_i32_0 = arith.constant 0 : i32
    return %arg0, %c0_i32 : i32, i32
  }
  func.func @transform_2(%arg0: i32) -> (i32, i32) {
    %c0_i32 = arith.constant 0 : i32
    %c0_i32_0 = arith.constant 0 : i32
    %c0_i32_1 = arith.constant 0 : i32
    return %c0_i32, %c0_i32_0 : i32, i32
  }
  func.func @transform_3(%arg0: i32) -> (i32, i32) {
    %c0_i32 = arith.constant 0 : i32
    %c0_i32_0 = arith.constant 0 : i32
    return %arg0, %c0_i32 : i32, i32
  }
  func.func @transform_4(%arg0: i32) -> (i32, i32) {
    %c0_i32 = arith.constant 0 : i32
    %c0_i32_0 = arith.constant 0 : i32
    return %arg0, %c0_i32 : i32, i32
  }
}

module attributes {stable_mosaic.version = 14 : i64} {
  func.func @_tc_d_body(%arg0: i32, %arg1: memref<2x1024x128xf32, #tpu.memory_space<vmem>>, %arg2: memref<1024x128xf32, #tpu.memory_space<vmem>>, %arg3: memref<1024x1xf32, #tpu.memory_space<vmem>>, %arg4: memref<64xf32, #tpu.memory_space<vmem>>, %arg5: memref<64x128xf32, #tpu.memory_space<vmem>>, %arg6: memref<1024x128xf32, #tpu.memory_space<vmem>>) attributes {dimension_semantics = [#tpu.dimension_semantics<arbitrary>], iteration_bounds = array<i64: 10>, scalar_prefetch = 0 : i64, scratch_operands = 0 : i64, tpu.core_type = #tpu.core_type<tc>, window_params = [{transform_indices = @transform_0, window_bounds = array<i64: 2, 1024, 128>}, {transform_indices = @transform_1, window_bounds = array<i64: 1024, 128>}, {transform_indices = @transform_2, window_bounds = array<i64: 1024, 1>}, {pipeline_mode = #tpu.pipeline_mode<synchronous>, transform_indices = @transform_3, window_bounds = array<i64: 64>}, {pipeline_mode = #tpu.pipeline_mode<synchronous>, transform_indices = @transform_4, window_bounds = array<i64: 64, 128>}, {transform_indices = @transform_5, window_bounds = array<i64: 1024, 128>}]} {
    %get3A = arith.constant 0 : index
    %get3A_0 = arith.constant 0 : index
    %get3A_1 = arith.constant 0 : index
    %get3A_2 = vector.load %arg1[%get3A, %get3A_0, %get3A_1] : memref<2x1024x128xf32, #tpu.memory_space<vmem>>, vector<1x1024x128xf32>
    %get3A_3 = vector.shape_cast %get3A_2 : vector<1x1024x128xf32> to vector<1024x128xf32>
    %get3A_4 = arith.constant 1 : index
    %get3A_5 = arith.constant 0 : index
    %get3A_6 = arith.constant 0 : index
    %get3A_7 = vector.load %arg1[%get3A_4, %get3A_5, %get3A_6] : memref<2x1024x128xf32, #tpu.memory_space<vmem>>, vector<1x1024x128xf32>
    %get3A_8 = vector.shape_cast %get3A_7 : vector<1x1024x128xf32> to vector<1024x128xf32>
    %add3A = arith.addf %get3A_3, %get3A_8 : vector<1024x128xf32>
    %get3A_9 = arith.constant 0 : index
    %get3A_10 = arith.constant 0 : index
    %get3A_11 = vector.load %arg2[%get3A_9, %get3A_10] : memref<1024x128xf32, #tpu.memory_space<vmem>>, vector<1024x128xf32>
    %add3A_12 = arith.addf %add3A, %get3A_11 : vector<1024x128xf32>
    %get3A_13 = arith.constant 0 : index
    %get3A_14 = arith.constant 0 : index
    %get3A_15 = vector.load %arg3[%get3A_13, %get3A_14] : memref<1024x1xf32, #tpu.memory_space<vmem>>, vector<1024x1xf32>
    %slice3A = vector.extract_strided_slice %add3A_12 {offsets = [0, 0], sizes = [1024, 64], strides = [1, 1]} : vector<1024x128xf32> to vector<1024x64xf32>
    %mul3A = vector.broadcast %get3A_15 : vector<1024x1xf32> to vector<1024x64xf32>
    %mul3A_16 = arith.mulf %slice3A, %mul3A : vector<1024x64xf32>
    %get3A_17 = arith.constant 0 : index
    %get3A_18 = vector.load %arg4[%get3A_17] : memref<64xf32, #tpu.memory_space<vmem>>, vector<64xf32>
    %broadcast_in_dim3A = vector.shape_cast %get3A_18 : vector<64xf32> to vector<1x64xf32>
    %add3A_19 = vector.broadcast %broadcast_in_dim3A : vector<1x64xf32> to vector<1024x64xf32>
    %add3A_20 = arith.addf %mul3A_16, %add3A_19 : vector<1024x64xf32>
    %max3A = arith.constant 0.000000e+00 : f32
    %max3A_21 = vector.broadcast %max3A : f32 to vector<1024x64xf32>
    %max3A_22 = arith.maximumf %add3A_20, %max3A_21 : vector<1024x64xf32>
    %get3A_23 = arith.constant 0 : index
    %get3A_24 = arith.constant 0 : index
    %get3A_25 = vector.load %arg5[%get3A_23, %get3A_24] : memref<64x128xf32, #tpu.memory_space<vmem>>, vector<64x128xf32>
    %dot_general3A = arith.constant dense<0.000000e+00> : vector<1024x128xf32>
    %dot_general3A_26 = tpu.matmul %max3A_22, %get3A_25, %dot_general3A {dimension_numbers = #tpu.dot_dimension_numbers<[1], [0], [0], [1], [0, 0, 1, 1], [], []>, transpose_lhs_hint = false} : vector<1024x64xf32>, vector<64x128xf32>, vector<1024x128xf32> -> vector<1024x128xf32>
    %mul3A_27 = vector.broadcast %get3A_15 : vector<1024x1xf32> to vector<1024x128xf32>
    %mul3A_28 = arith.mulf %dot_general3A_26, %mul3A_27 : vector<1024x128xf32>
    %swap3A = arith.constant 0 : index
    %swap3A_29 = arith.constant 0 : index
    %swap3A_30 = vector.load %arg6[%swap3A, %swap3A_29] : memref<1024x128xf32, #tpu.memory_space<vmem>>, vector<1024x128xf32>
    tpu.vector_store %arg6[%swap3A, %swap3A_29], %mul3A_28 {strides = array<i32>} : memref<1024x128xf32, #tpu.memory_space<vmem>>, vector<1024x128xf32>,
    return
  }
  func.func @transform_0(%arg0: i32) -> (i32, i32, i32) {
    %c0_i32 = arith.constant 0 : i32
    %c0_i32_0 = arith.constant 0 : i32
    %c0_i32_1 = arith.constant 0 : i32
    return %c0_i32, %arg0, %c0_i32_0 : i32, i32, i32
  }
  func.func @transform_1(%arg0: i32) -> (i32, i32) {
    %c0_i32 = arith.constant 0 : i32
    %c0_i32_0 = arith.constant 0 : i32
    return %arg0, %c0_i32 : i32, i32
  }
  func.func @transform_2(%arg0: i32) -> (i32, i32) {
    %c0_i32 = arith.constant 0 : i32
    %c0_i32_0 = arith.constant 0 : i32
    return %arg0, %c0_i32 : i32, i32
  }
  func.func @transform_3(%arg0: i32) -> i32 {
    %c0_i32 = arith.constant 0 : i32
    %c0_i32_0 = arith.constant 0 : i32
    return %c0_i32 : i32
  }
  func.func @transform_4(%arg0: i32) -> (i32, i32) {
    %c0_i32 = arith.constant 0 : i32
    %c0_i32_0 = arith.constant 0 : i32
    %c0_i32_1 = arith.constant 0 : i32
    return %c0_i32, %c0_i32_0 : i32, i32
  }
  func.func @transform_5(%arg0: i32) -> (i32, i32) {
    %c0_i32 = arith.constant 0 : i32
    %c0_i32_0 = arith.constant 0 : i32
    return %arg0, %c0_i32 : i32, i32
  }
}

module attributes {stable_mosaic.version = 14 : i64} {
  func.func @_tc_f_body(%arg0: i32, %arg1: memref<2x1024x128xf32, #tpu.memory_space<vmem>>, %arg2: memref<1024x128xf32, #tpu.memory_space<vmem>>, %arg3: memref<1024x1xf32, #tpu.memory_space<vmem>>, %arg4: memref<128xf32, #tpu.memory_space<vmem>>, %arg5: memref<1024x128xf32, #tpu.memory_space<vmem>>) attributes {dimension_semantics = [#tpu.dimension_semantics<arbitrary>], iteration_bounds = array<i64: 10>, scalar_prefetch = 0 : i64, scratch_operands = 0 : i64, tpu.core_type = #tpu.core_type<tc>, window_params = [{transform_indices = @transform_0, window_bounds = array<i64: 2, 1024, 128>}, {transform_indices = @transform_1, window_bounds = array<i64: 1024, 128>}, {transform_indices = @transform_2, window_bounds = array<i64: 1024, 1>}, {pipeline_mode = #tpu.pipeline_mode<synchronous>, transform_indices = @transform_3, window_bounds = array<i64: 128>}, {transform_indices = @transform_4, window_bounds = array<i64: 1024, 128>}]} {
    %get3A = arith.constant 0 : index
    %get3A_0 = arith.constant 0 : index
    %get3A_1 = arith.constant 0 : index
    %get3A_2 = vector.load %arg1[%get3A, %get3A_0, %get3A_1] : memref<2x1024x128xf32, #tpu.memory_space<vmem>>, vector<1x1024x128xf32>
    %get3A_3 = vector.shape_cast %get3A_2 : vector<1x1024x128xf32> to vector<1024x128xf32>
    %get3A_4 = arith.constant 1 : index
    %get3A_5 = arith.constant 0 : index
    %get3A_6 = arith.constant 0 : index
    %get3A_7 = vector.load %arg1[%get3A_4, %get3A_5, %get3A_6] : memref<2x1024x128xf32, #tpu.memory_space<vmem>>, vector<1x1024x128xf32>
    %get3A_8 = vector.shape_cast %get3A_7 : vector<1x1024x128xf32> to vector<1024x128xf32>
    %add3A = arith.addf %get3A_3, %get3A_8 : vector<1024x128xf32>
    %get3A_9 = arith.constant 0 : index
    %get3A_10 = arith.constant 0 : index
    %get3A_11 = vector.load %arg2[%get3A_9, %get3A_10] : memref<1024x128xf32, #tpu.memory_space<vmem>>, vector<1024x128xf32>
    %add3A_12 = arith.addf %add3A, %get3A_11 : vector<1024x128xf32>
    %get3A_13 = arith.constant 0 : index
    %get3A_14 = arith.constant 0 : index
    %get3A_15 = vector.load %arg3[%get3A_13, %get3A_14] : memref<1024x1xf32, #tpu.memory_space<vmem>>, vector<1024x1xf32>
    %mul3A = vector.broadcast %get3A_15 : vector<1024x1xf32> to vector<1024x128xf32>
    %mul3A_16 = arith.mulf %add3A_12, %mul3A : vector<1024x128xf32>
    %get3A_17 = arith.constant 0 : index
    %get3A_18 = vector.load %arg4[%get3A_17] : memref<128xf32, #tpu.memory_space<vmem>>, vector<128xf32>
    %broadcast_in_dim3A = vector.shape_cast %get3A_18 : vector<128xf32> to vector<1x128xf32>
    %add3A_19 = vector.broadcast %broadcast_in_dim3A : vector<1x128xf32> to vector<1024x128xf32>
    %add3A_20 = arith.addf %mul3A_16, %add3A_19 : vector<1024x128xf32>
    %swap3A = arith.constant 0 : index
    %swap3A_21 = arith.constant 0 : index
    %swap3A_22 = vector.load %arg5[%swap3A, %swap3A_21] : memref<1024x128xf32, #tpu.memory_space<vmem>>, vector<1024x128xf32>
    tpu.vector_store %arg5[%swap3A, %swap3A_21], %add3A_20 {strides = array<i32>} : memref<1024x128xf32, #tpu.memory_space<vmem>>, vector<1024x128xf32>,
    return
  }
  func.func @transform_0(%arg0: i32) -> (i32, i32, i32) {
    %c0_i32 = arith.constant 0 : i32
    %c0_i32_0 = arith.constant 0 : i32
    %c0_i32_1 = arith.constant 0 : i32
    return %c0_i32, %arg0, %c0_i32_0 : i32, i32, i32
  }
  func.func @transform_1(%arg0: i32) -> (i32, i32) {
    %c0_i32 = arith.constant 0 : i32
    %c0_i32_0 = arith.constant 0 : i32
    return %arg0, %c0_i32 : i32, i32
  }
  func.func @transform_2(%arg0: i32) -> (i32, i32) {
    %c0_i32 = arith.constant 0 : i32
    %c0_i32_0 = arith.constant 0 : i32
    return %arg0, %c0_i32 : i32, i32
  }
  func.func @transform_3(%arg0: i32) -> i32 {
    %c0_i32 = arith.constant 0 : i32
    %c0_i32_0 = arith.constant 0 : i32
    return %c0_i32 : i32
  }
  func.func @transform_4(%arg0: i32) -> (i32, i32) {
    %c0_i32 = arith.constant 0 : i32
    %c0_i32_0 = arith.constant 0 : i32
    return %arg0, %c0_i32 : i32, i32
  }
}

</mosaic_0001>

<sc_bundles>
// kernel: kernel.11.cloned.1.call-start
scs
__scs_entry_jumppad:
0x0: {  	(pc) =	sbr.rel $0x88, $3  }
0x1: {  	(tag) =	ssettag $0x0;
	lr =	simm.s32 $0x1  }
0x2: {  	[smem:$0x3F9B] =	sst lr;
	_ =	strace $0xD0000000  }
0x3: {  	_ = 	snop  }
0x4: {  	_ = 	snop  }
0x5: {  	_ = 	snop  }
0x6: {  	_ = 	snop  }
0x7: {  	_ = 	snop  }
__scs_overlays_trampoline_lowered:
0x8: {  	[smem:$0x3FAA] =	sst s0  }
0x9: {  	[smem:$0x3FAB] =	sst s1  }
0xa: {  	[smem:$0x3FAC] =	sst s2  }
0xb: {  	[smem:$0x3FAD] =	sst s3  }
0xc: {  	[smem:$0x3FAE] =	sst s4  }
0xd: {  	[smem:$0x3FAF] =	sst s5  }
0xe: {  	[smem:$0x3FB0] =	sst s6  }
0xf: {  	[smem:$0x3FB1] =	sst s7  }
0x10: {  	[smem:$0x3FB2] =	sst s8  }
0x11: {  	[smem:$0x3FB3] =	sst s9;
	s0 =	simm.s32 @!p0 $0x0  }
0x12: {  	s1 =	sld [smem:$0x3F99];
	s0 =	simm.s32 @p0 $0x1  }
0x13: {  	[smem:$0x3FB4] =	sst s0;
	s0 =	simm.s32 @!p1 $0x0  }
0x14: {  	s2 =	sld [smem:$0x3F98];
	s0 =	simm.s32 @p1 $0x1  }
0x15: {  	[smem:$0x3FB5] =	sst s0;
	s0 =	simm.s32 @!p2 $0x0  }
0x16: {  	s3 =	sld [smem:$0x3FDB];
	s0 =	simm.s32 @p2 $0x1  }
0x17: {  	s4 =	simm.s32 $0x1BF5;
	[smem:$0x3FB7] =	sst s0  }
0x18: {  	s0 =	sld [smem:$0x3F9A];
	_ =	swait.ge [sflag:s4], $0x0  }
0x19: {  	s7 =	sld [smem:$0x3F9B]  }
0x1a: {  	s8 =	sadd.s32 $0xFFFFE003, lr  }
0x1b: {  	s9 =	sadd.s32 $0xFFFFFEF7, lr;
	s5 =	simm.s32 $0xFFFFFFFF;
	p2 =	slt.u32 s8, $0xFFFFF086  }
0x1c: {  	p1 =	slt.u32 s9, $0xF7A;
	s5 =	simm.s32 @!p2 $0x0  }
0x1d: {  	s5 =	simm.s32 @p1 $0x1;
	p0 =	seq.s32 s7, s2  }
0x1e: {  	s7 =	smul.u32 @!p0 $0xF7A, s2;
	p2 =	seq.s32 @!p0 s5, $0x0  }
0x1f: {  	s9 =	smul.u32 $0xF7A, s1;
	s8 =	simm.s32 @!p0 $0x1BF5;
	p2 =	por !p2, p0  }
0x20: {  	[sflag:s8] =	ssyncset.s32 @!p0 $0xFFFFF086;
	s6 =	sadd.s32 @!p0 s3, s7;
	s7 =	simm.s32 @!p0 $0x108  }
0x21: {  	s3 =	sadd.s32 s3, s9;
	s6 =	sadd.s32 @!p0 $0x88, s6;
	s7 =	simm.s32 @p2 $0x1082  }
0x22: {  	[simem:s7], [sflag:s8] =	dma.local @!p0 [hbm:s6], $0xF7A  }
0x23: {  	s9 =	sor.u32 $0xD0000000, s2;
	s6 =	simm.s32 $0x108;
	_ =	swait.ge @!p0 [sflag:s8], $0x0  }
0x24: {  	s3 =	sadd.s32 $0x88, s3;
	s6 =	simm.s32 @!p1 $0x1082;
	[sflag:s4] =	ssyncset.s32 $0xFFFFF086  }
0x25: {  	[simem:s6], [sflag:s4] =	dma.local [hbm:s3], $0xF7A  }
0x26: {  	[smem:$0x3F9B] =	sst s1;
	(tag) =	ssettag s2;
	_ =	strace s9  }
0x27: {  	s1 =	sld [smem:$0x3FAB]  }
0x28: {  	s2 =	sld [smem:$0x3FAC]  }
0x29: {  	s4 =	sld [smem:$0x3FAE]  }
0x2a: {  	p0 =	seq.s32 s5, $0x0;
	s5 =	sld [smem:$0x3FAF]  }
0x2b: {  	s6 =	sld [smem:$0x3FB0]  }
0x2c: {  	s7 =	sld [smem:$0x3FB1]  }
0x2d: {  	s3 =	simm.s32 $0x108;
	s8 =	sld [smem:$0x3FB2]  }
0x2e: {  	s3 =	simm.s32 @!p0 $0x1082;
	s9 =	sld [smem:$0x3FB3]  }
0x2f: {  	lr =	sadd.s32 s0, s3;
	s0 =	sld [smem:$0x3FAA]  }
0x30: {  	s3 =	sld [smem:$0x3FAD]  }
0x31: {  	[smem:$0x3FB6] =	sst s10  }
0x32: {  	s10 =	sld [smem:$0x3FB4];
	_ =	sdelay $0x3  }
0x33: {  	p0 =	seq.s32 s10, $0x1;
	s10 =	sld [smem:$0x3FB6];
	_ =	sdelay $0x3  }
0x34: {  	[smem:$0x3FB6] =	sst s10  }
0x35: {  	s10 =	sld [smem:$0x3FB5];
	_ =	sdelay $0x3  }
0x36: {  	p1 =	seq.s32 s10, $0x1;
	s10 =	sld [smem:$0x3FB6];
	_ =	sdelay $0x3  }
0x37: {  	[smem:$0x3FB6] =	sst s10  }
0x38: {  	s10 =	sld [smem:$0x3FB7]  }
0x39: {  	_ = 	snop;
	(pc) =	sbr.ind lr, $3  }
0x3a: {  	_ = 	snop  }
0x3b: {  	_ = 	snop  }
0x3c: {  	p2 =	seq.s32 s10, $0x1;
	s10 =	sld [smem:$0x3FB6]  }
0x3d: {  	_ =	shalt  }
0x3e: {  	_ =	shalt  }
0x3f: {  	_ =	shalt  }
0x40: {  	_ =	shalt  }
0x41: {  	_ =	shalt  }
0x42: {  	_ =	shalt  }
0x43: {  	_ =	shalt  }
0x44: {  	_ =	shalt  }
0x45: {  	_ =	shalt  }
0x46: {  	_ =	shalt  }
0x47: {  	_ =	shalt  }
0x48: {  	_ =	shalt  }
0x49: {  	_ =	shalt  }
0x4a: {  	_ =	shalt  }
0x4b: {  	_ =	shalt  }
0x4c: {  	_ =	shalt  }
0x4d: {  	_ =	shalt  }
0x4e: {  	_ =	shalt  }
0x4f: {  	_ =	shalt  }
0x50: {  	_ =	shalt  }
0x51: {  	_ =	shalt  }
0x52: {  	_ =	shalt  }
0x53: {  	_ =	shalt  }
0x54: {  	_ =	shalt  }
0x55: {  	_ =	shalt  }
0x56: {  	_ =	shalt  }
0x57: {  	_ =	shalt  }
0x58: {  	_ =	shalt  }
0x59: {  	_ =	shalt  }
0x5a: {  	_ =	shalt  }
0x5b: {  	_ =	shalt  }
0x5c: {  	_ =	shalt  }
0x5d: {  	_ =	shalt  }
0x5e: {  	_ =	shalt  }
0x5f: {  	_ =	shalt  }
0x60: {  	_ =	shalt  }
0x61: {  	_ =	shalt  }
0x62: {  	_ =	shalt  }
0x63: {  	_ =	shalt  }
0x64: {  	_ =	shalt  }
0x65: {  	_ =	shalt  }
0x66: {  	_ =	shalt  }
0x67: {  	_ =	shalt  }
0x68: {  	_ =	shalt  }
0x69: {  	_ =	shalt  }
0x6a: {  	_ =	shalt  }
0x6b: {  	_ =	shalt  }
0x6c: {  	_ =	shalt  }
0x6d: {  	_ =	shalt  }
0x6e: {  	_ =	shalt  }
0x6f: {  	_ =	shalt  }
0x70: {  	_ =	shalt  }
0x71: {  	_ =	shalt  }
0x72: {  	_ =	shalt  }
0x73: {  	_ =	shalt  }
0x74: {  	_ =	shalt  }
0x75: {  	_ =	shalt  }
0x76: {  	_ =	shalt  }
0x77: {  	_ =	shalt  }
0x78: {  	_ =	shalt  }
0x79: {  	_ =	shalt  }
0x7a: {  	_ =	shalt  }
0x7b: {  	_ =	shalt  }
0x7c: {  	_ =	shalt  }
0x7d: {  	_ =	shalt  }
0x7e: {  	_ =	shalt  }
0x7f: {  	_ =	shalt  }
0x80: {  	_ =	shalt  }
0x81: {  	_ =	shalt  }
0x82: {  	_ =	shalt  }
0x83: {  	_ =	shalt  }
0x84: {  	_ =	shalt  }
0x85: {  	_ =	shalt  }
0x86: {  	_ =	shalt  }
0x87: {  	_ =	shalt  }
.Lfunc_end0:
.L_simem_size_0:
called_computation.1_lowered:
.L_overlay_start_0:
0x88: {  	s2 =	sld [smem:$0x3FD9]  }
0x89: {  	s3 =	sld [smem:$0x3FFE];
	_ =	sdelay $0x1  }
0x8a: {  	s1 =	srdreg.scid  }
0x8b: {  	s0 =	sand.u32 $0x1, s1  }
0x8c: {  	s17 =	sshll.u32 s0, $0xA;
	s2 =	sadd.s32 s3, s2  }
0x8d: {  	s2 =	sadd.s32 s2, s17  }
0x8e: {  	[smem:$0x3FC2] =	sst s2  }
0x8f: {  	_ = 	snop  }
0x90: {  	s2 =	sld [smem:$0x3FD0];
	(tm) =	ssettm $0x1  }
0x91: {  	s18 =	sld [smem:$0x3FFB];
	_ =	sdelay $0x3  }
0x92: {  	_ =	strace s18  }
0x93: {  	s3 =	sld [smem:$0x3FFC];
	_ =	sdelay $0x3  }
0x94: {  	_ =	strace s3  }
0x95: {  	s3 =	sld [smem:$0x3FFD];
	_ =	sdelay $0x3  }
0x96: {  	_ =	strace s3  }
0x97: {  	_ =	strace $0x8FFFFFFF  }
0x98: {  	s19 =	sld [smem:$0x3FDB];
	_ =	sdelay $0x1  }
0x99: {  	s4 =	simm.s32 $_scs_section_size  }
0x9a: {  	s5 =	simm.s32 $_size__tile_overlayer_lowered;
	s6 =	simm.s32 $_tile_overlayer_lowered  }
0x9b: {  	s22 =	simm.s32 $0x1BFF;
	s21 =	sshll.u32 s6, $0x1;
	s3 =	sadd.s32 s4, s19  }
0x9c: {  	s7 =	simm.s32 $0x0;
	s20 =	sshll.u32 s5, $0x1;
	s5 =	sadd.s32 s21, s3  }
0x9d: {  	[timem:s7], [sflag:s22] =	dma.local [hbm:s5], s20  }
0x9e: {  	_ =	swait.ge [sflag:s22], s20  }
0x9f: {  	s4 =	ssub.s32 $0x0, s20;
	[sflag:s22] =	ssyncset.done $0x0  }
0xa0: {  	[sflag:s22] =	ssyncadd.s32 s4;
	_ =	sdelay $0x1  }
0xa1: {  	s23 =	simm.s32 $0x1B8B  }
0xa2: {  	_ =	swait.ge [sflag:s23], $0x1  }
0xa3: {  	[sflag:s23] =	ssyncset.done $0x0  }
0xa4: {  	s25 =	simm.s32 $0x1B8E;
	s24 =	sld [smem:$0x3FFE];
	[sflag:s23] =	ssyncadd.s32 $0xFFFFFFFF  }
0xa5: {  	s26 =	simm.s32 $execute0_lowered;
	[smem:$0x3FD2] =	sst s25  }
0xa6: {  	s5 =	sshll.u32 s26, $0x1;
	_ =	strace $0x80000049;
	[dreg:$0x1] =	wrdreg $0xFFFFFFFF  }
0xa7: {  	s28 =	simm.s32 $_size_execute0_lowered;
	s3 =	sadd.s32 s3, s5;
	[dreg:$0x0] =	wrdreg $0x0  }
0xa8: {  	s5 =	sshll.u32 s28, $0x1;
	[dreg:$0x2] =	wrdreg s3  }
0xa9: {  	[dreg:$0x3] =	wrdreg s5  }
0xaa: {  	[dreg:$0x4] =	wrdreg $0xC0  }
0xab: {  	_ =	task [dreg:s7], $0x5FFFF  }
0xac: {  	[dreg:$0x1] =	wrdreg $0xFFFFFFFF  }
0xad: {  	[dreg:$0x0] =	wrdreg $0x60  }
0xae: {  	[dreg:$0x2] =	wrdreg s24  }
0xaf: {  	[dreg:$0x3] =	wrdreg s2  }
0xb0: {  	[dreg:$0x4] =	wrdreg $0x91000  }
0xb1: {  	[dreg:$0x5] =	wrdreg $0x9  }
0xb2: {  	_ =	task.clear_ibuf [dreg:s7], $0x6FFFF;
	_ =	strace $0x90000049  }
0xb3: {  	s29 =	simm.s32 $0x9;
	_ =	strace $0x8000004B  }
0xb4: {  	_ =	swait.ge [sflag:s29], $0x1  }
0xb5: {  	[sflag:s29] =	ssyncadd.s32 $0xFFFFFFFF  }
0xb6: {  	_ =	strace $0x9000004B  }
0xb7: {  	_ =	sfence  }
0xb8: {  	s30 =	sld [smem:$0x0];
	_ =	sdelay $0x2  }
0xb9: {  	s31 =	sshll.u32 s1, $0xD;
	s1 =	sshrl.u32 s1, $0x2  }
0xba: {  	s3 =	sand.u32 $0x4000, s31;
	s1 =	sadd.s32 s1, s30  }
0xbb: {  	s0 =	sor.u32 s3, s0;
	s1 =	sshll.u32 s1, $0x11  }
0xbc: {  	s0 =	sor.u32 s1, s0  }
0xbd: {  	s0 =	sadd.s32 $0x8F2B, s0  }
0xbe: {  	[sflag:s0] =	ssyncadd.remote.s32 $0x1  }
0xbf: {  	_ =	sfence.sel $0xFFFF  }
0xc0: {  	[dreg:$0x0] =	wrdreg $0xFFFFFFFF;
	(pc) =	sbr.abs _section_cstart, $3  }
0xc1: {  	[dreg:$0x1] =	wrdreg $0xFFFFFFFF  }
0xc2: {  	_ =	task.clear_ibuf [dreg:s7], $0x2FFFF;
	_ =	strace $0x9FFFFFFF  }
0xc3: {  	(tm) =	ssettm $0x7FFFFFFF  }
tec
execute0_lowered:
.L_overlay_start_1:
0x0: {  	(tag) =	ssettag $0x1  }
0x1: {  	s0 =	rddreg [dreg:$0x0]  }
0x2: {  	s2 =	rddreg [dreg:$0x1];
	s3 =	srdreg.scid  }
0x3: {  	s1 =	simm.s32 $0x0;
	s13 =	stileid.u32;
	s29 =	simm.s32 $0x5  }
0x4: {  	s30 =	simm.s32 $0x5100;
	s31 =	simm.s32 $0x5000;
	s3 =	sand.u32 $0x1, s3  }
0x5: {  	[smem:$0x7FF] =	sst s1;
	s4 =	sshll.u32 s13, $0x1;
	s7 =	smul.u32 $0x14000, s13  }
0x6: {  	s5 =	ssub.s32 $0x2, s3;
	s4 =	sor.u32 s3, s4;
	s3 =	smul.u32 $0x140000, s3  }
0x7: {  	s8 =	sadd.s32 $0x49000, s0;
	s6 =	sshrl.u32 s5, $0x1;
	s4 =	smul.u32 $0xA00, s4  }
0x8: {  	s9 =	sadd.s32 $0x4000, s7;
	s10 =	sadd.s32 $0x6000, s7;
	s20 =	sadd.s32 $0x8000, s7  }
0x9: {  	s21 =	sadd.s32 $0xA000, s7;
	s22 =	sadd.s32 $0xC000, s7;
	s23 =	sadd.s32 $0xE000, s7  }
0xa: {  	s24 =	sadd.s32 $0x10000, s7;
	s25 =	sadd.s32 $0x12000, s7;
	s5 =	ssub.s32 s5, s6  }
0xb: {  	s6 =	sor.u32 $0x2000, s7;
	s7 =	sadd.s32 s7, s3;
	s12 =	sadd.s32 s3, s9  }
0xc: {  	s18 =	sadd.s32 s3, s10;
	s19 =	sadd.s32 s3, s20;
	s26 =	sadd.s32 s3, s21  }
0xd: {  	s11 =	sadd.s32 s3, s6;
	s7 =	sshrl.u32 s7, $0x3;
	s17 =	sshrl.u32 s12, $0x3  }
0xe: {  	s15 =	sshrl.u32 s26, $0x3;
	s12 =	rddreg [dreg:$0x2];
	s28 =	smax.u32 s5, $0x1  }
0xf: {  	s5 =	simm.s32 $0x2;
	s11 =	sshrl.u32 s11, $0x3;
	s7 =	sadd.s32 s8, s7  }
0x10: {  	s20 =	sadd.s32 s20, s12;
	s21 =	sadd.s32 s21, s12;
	[dreg:$0x4] =	wrdreg s7  }
0x11: {  	s16 =	sadd.s32 s8, s11;
	s7 =	sadd.s32 s8, s17;
	s11 =	sshrl.u32 s19, $0x3  }
0x12: {  	s17 =	sadd.s32 s3, s23;
	s23 =	sadd.s32 s23, s12;
	[dreg:$0x5] =	wrdreg s16  }
0x13: {  	[dreg:$0x6] =	wrdreg s7;
	s7 =	sshrl.u32 s18, $0x3;
	s14 =	sadd.s32 s8, s11  }
0x14: {  	s16 =	sadd.s32 s3, s22;
	s11 =	sshrl.u32 s17, $0x3;
	s18 =	sadd.s32 s3, s24  }
0x15: {  	s3 =	sadd.s32 s3, s25;
	s17 =	sadd.s32 s6, s12;
	s22 =	sadd.s32 s22, s12  }
0x16: {  	s24 =	sadd.s32 s24, s12;
	s25 =	sadd.s32 s25, s12;
	s6 =	simm.s32 $0x4  }
0x17: {  	s7 =	sadd.s32 s8, s7;
	[dreg:$0x8] =	wrdreg s14;
	s19 =	sadd.s32 s8, s11  }
0x18: {  	s26 =	sshrl.u32 s18, $0x3;
	s3 =	sshrl.u32 s3, $0x3;
	s11 =	smul.u32 $0x50000, s13  }
0x19: {  	s14 =	sadd.s32 s2, s4;
	s13 =	sadd.s32 s4, s0;
	s18 =	sadd.s32 s9, s12  }
0x1a: {  	s9 =	simm.s32 $0x5080;
	s2 =	simm.s32 $0x7100;
	[dreg:$0x7] =	wrdreg s7  }
0x1b: {  	s4 =	simm.s32 $0x3;
	s7 =	sadd.s32 s8, s15;
	[dreg:$0xb] =	wrdreg s19  }
0x1c: {  	s3 =	sadd.s32 s8, s3;
	s15 =	sadd.s32 $0x21000, s0;
	s19 =	sadd.s32 s10, s12  }
.Ltmp0:
0x1d: {  	[dreg:$0x9] =	wrdreg s7;
	s7 =	sshrl.u32 s16, $0x3;
	(pc) =	sbr.rel .LBB2_1-.Ltmp0, $4  }
0x1e: {  	s0 =	simm.s32 $0x40;
	[dreg:$0xd] =	wrdreg s3;
	s7 =	sadd.s32 s8, s7  }
0x1f: {  	[dreg:$0xa] =	wrdreg s7;
	s7 =	sadd.s32 s8, s26;
	s26 =	sshrl.u32 s11, $0x2  }
0x20: {  	s3 =	simm.s32 $0x1;
	[dreg:$0xc] =	wrdreg s7;
	s16 =	sadd.s32 s26, s12  }
0x21: {  	v0 =	vimm.f32 $0.0e+00;
	s26 =	sadd.s32 $0xD000, s13;
	s7 =	simm.s32 $0x0;
	_ =	strace $0x8000004A  }
.LBB2_6:
0x22: {  	_ =	swait.ge [sflag:s5], $0x2000  }
0x23: {  	[sflag:s5] =	ssyncset.done $0x0  }
0x24: {  	[sflag:s5] =	ssyncadd.s32 $0xFFFFE000  }
0x25: {  	_ =	swait.ge [sflag:s6], $0x80  }
0x26: {  	[sflag:s6] =	ssyncset.done $0x0  }
0x27: {  	[sflag:s6] =	ssyncadd.s32 $0xFFFFFF80  }
0x28: {  	[spmem:s12] =	stream.indirect.scatter.add.f32 [tilespmem:s2], [sflag:$0x5], $0x80, s9, s0, $0xb8;
	[tilespmem:$0x1D100] =	vst v63  }
0x29: {  	_ =	swait.ge [sflag:s29], $0x2000  }
0x2a: {  	[sflag:s29] =	ssyncset.done $0x0  }
0x2b: {  	[sflag:s29] =	ssyncadd.s32 $0xFFFFE000  }
0x2c: {  	[bflag:$0x0] =	sbarrier.arrive $0xFFFF  }
0x2d: {  	[tilespmem:s30], [sflag:$0x5] =	stream.linear.gather [spmem:s16], $0x2000, $0x38;
	[tilespmem:$0x1D100] =	vst v63  }
0x2e: {  	_ =	swait.ge [sflag:s29], $0x2000  }
0x2f: {  	[sflag:s29] =	ssyncset.done $0x0  }
0x30: {  	s8 =	rddreg [dreg:$0x4];
	[sflag:s29] =	ssyncadd.s32 $0xFFFFE000  }
0x31: {  	[hbm4b:s8+s1] =	stream.linear.scatter [tilespmem:s30], [sflag:$0x5], $0x2000, $0x38;
	[tilespmem:$0x1D100] =	vst v63  }
0x32: {  	_ =	swait.ge [sflag:s29], $0x2000  }
0x33: {  	[sflag:s29] =	ssyncset.done $0x0  }
0x34: {  	[sflag:s29] =	ssyncadd.s32 $0xFFFFE000  }
0x35: {  	[tilespmem:s30], [sflag:$0x5] =	stream.linear.gather [spmem:s17], $0x2000, $0x38;
	[tilespmem:$0x1D100] =	vst v63  }
0x36: {  	_ =	swait.ge [sflag:s29], $0x2000  }
0x37: {  	[sflag:s29] =	ssyncset.done $0x0  }
0x38: {  	s10 =	rddreg [dreg:$0x5];
	[sflag:s29] =	ssyncadd.s32 $0xFFFFE000  }
0x39: {  	[hbm4b:s10+s1] =	stream.linear.scatter [tilespmem:s30], [sflag:$0x5], $0x2000, $0x38;
	[tilespmem:$0x1D100] =	vst v63  }
0x3a: {  	_ =	swait.ge [sflag:s29], $0x2000  }
0x3b: {  	[sflag:s29] =	ssyncset.done $0x0  }
0x3c: {  	[sflag:s29] =	ssyncadd.s32 $0xFFFFE000  }
0x3d: {  	[tilespmem:s30], [sflag:$0x5] =	stream.linear.gather [spmem:s18], $0x2000, $0x38;
	[tilespmem:$0x1D100] =	vst v63  }
0x3e: {  	_ =	swait.ge [sflag:s29], $0x2000  }
0x3f: {  	[sflag:s29] =	ssyncset.done $0x0  }
0x40: {  	s11 =	rddreg [dreg:$0x6];
	[sflag:s29] =	ssyncadd.s32 $0xFFFFE000  }
0x41: {  	[hbm4b:s11+s1] =	stream.linear.scatter [tilespmem:s30], [sflag:$0x5], $0x2000, $0x38;
	[tilespmem:$0x1D100] =	vst v63  }
0x42: {  	_ =	swait.ge [sflag:s29], $0x2000  }
0x43: {  	[sflag:s29] =	ssyncset.done $0x0  }
0x44: {  	[sflag:s29] =	ssyncadd.s32 $0xFFFFE000  }
0x45: {  	[tilespmem:s30], [sflag:$0x5] =	stream.linear.gather [spmem:s19], $0x2000, $0x38;
	[tilespmem:$0x1D100] =	vst v63  }
0x46: {  	_ =	swait.ge [sflag:s29], $0x2000  }
0x47: {  	[sflag:s29] =	ssyncset.done $0x0  }
0x48: {  	s13 =	rddreg [dreg:$0x7];
	[sflag:s29] =	ssyncadd.s32 $0xFFFFE000  }
0x49: {  	[hbm4b:s13+s1] =	stream.linear.scatter [tilespmem:s30], [sflag:$0x5], $0x2000, $0x38;
	[tilespmem:$0x1D100] =	vst v63  }
0x4a: {  	_ =	swait.ge [sflag:s29], $0x2000  }
0x4b: {  	[sflag:s29] =	ssyncset.done $0x0  }
0x4c: {  	[sflag:s29] =	ssyncadd.s32 $0xFFFFE000  }
0x4d: {  	[tilespmem:s30], [sflag:$0x5] =	stream.linear.gather [spmem:s20], $0x2000, $0x38;
	[tilespmem:$0x1D100] =	vst v63  }
0x4e: {  	_ =	swait.ge [sflag:s29], $0x2000  }
0x4f: {  	[sflag:s29] =	ssyncset.done $0x0  }
0x50: {  	s10 =	rddreg [dreg:$0x8];
	[sflag:s29] =	ssyncadd.s32 $0xFFFFE000  }
0x51: {  	[hbm4b:s10+s1] =	stream.linear.scatter [tilespmem:s30], [sflag:$0x5], $0x2000, $0x38;
	[tilespmem:$0x1D100] =	vst v63  }
0x52: {  	_ =	swait.ge [sflag:s29], $0x2000  }
0x53: {  	[sflag:s29] =	ssyncset.done $0x0  }
0x54: {  	[sflag:s29] =	ssyncadd.s32 $0xFFFFE000  }
0x55: {  	[tilespmem:s30], [sflag:$0x5] =	stream.linear.gather [spmem:s21], $0x2000, $0x38;
	[tilespmem:$0x1D100] =	vst v63  }
0x56: {  	_ =	swait.ge [sflag:s29], $0x2000  }
0x57: {  	[sflag:s29] =	ssyncset.done $0x0  }
0x58: {  	s11 =	rddreg [dreg:$0x9];
	[sflag:s29] =	ssyncadd.s32 $0xFFFFE000  }
0x59: {  	[hbm4b:s11+s1] =	stream.linear.scatter [tilespmem:s30], [sflag:$0x5], $0x2000, $0x38;
	[tilespmem:$0x1D100] =	vst v63  }
0x5a: {  	_ =	swait.ge [sflag:s29], $0x2000  }
0x5b: {  	[sflag:s29] =	ssyncset.done $0x0  }
0x5c: {  	[sflag:s29] =	ssyncadd.s32 $0xFFFFE000  }
0x5d: {  	[tilespmem:s30], [sflag:$0x5] =	stream.linear.gather [spmem:s22], $0x2000, $0x38;
	[tilespmem:$0x1D100] =	vst v63  }
0x5e: {  	_ =	swait.ge [sflag:s29], $0x2000  }
0x5f: {  	[sflag:s29] =	ssyncset.done $0x0  }
0x60: {  	s13 =	rddreg [dreg:$0xa];
	[sflag:s29] =	ssyncadd.s32 $0xFFFFE000  }
0x61: {  	[hbm4b:s13+s1] =	stream.linear.scatter [tilespmem:s30], [sflag:$0x5], $0x2000, $0x38;
	[tilespmem:$0x1D100] =	vst v63  }
0x62: {  	_ =	swait.ge [sflag:s29], $0x2000  }
0x63: {  	[sflag:s29] =	ssyncset.done $0x0  }
0x64: {  	[sflag:s29] =	ssyncadd.s32 $0xFFFFE000  }
0x65: {  	[tilespmem:s30], [sflag:$0x5] =	stream.linear.gather [spmem:s23], $0x2000, $0x38;
	[tilespmem:$0x1D100] =	vst v63  }
0x66: {  	_ =	swait.ge [sflag:s29], $0x2000  }
0x67: {  	[sflag:s29] =	ssyncset.done $0x0  }
0x68: {  	s10 =	rddreg [dreg:$0xb];
	[sflag:s29] =	ssyncadd.s32 $0xFFFFE000  }
0x69: {  	[hbm4b:s10+s1] =	stream.linear.scatter [tilespmem:s30], [sflag:$0x5], $0x2000, $0x38;
	[tilespmem:$0x1D100] =	vst v63  }
0x6a: {  	_ =	swait.ge [sflag:s29], $0x2000  }
0x6b: {  	[sflag:s29] =	ssyncset.done $0x0  }
0x6c: {  	[sflag:s29] =	ssyncadd.s32 $0xFFFFE000  }
0x6d: {  	[tilespmem:s30], [sflag:$0x5] =	stream.linear.gather [spmem:s24], $0x2000, $0x38;
	[tilespmem:$0x1D100] =	vst v63  }
0x6e: {  	_ =	swait.ge [sflag:s29], $0x2000  }
0x6f: {  	[sflag:s29] =	ssyncset.done $0x0  }
0x70: {  	s11 =	rddreg [dreg:$0xc];
	[sflag:s29] =	ssyncadd.s32 $0xFFFFE000  }
0x71: {  	[hbm4b:s11+s1] =	stream.linear.scatter [tilespmem:s30], [sflag:$0x5], $0x2000, $0x38;
	[tilespmem:$0x1D100] =	vst v63  }
0x72: {  	_ =	swait.ge [sflag:s29], $0x2000  }
0x73: {  	[sflag:s29] =	ssyncset.done $0x0  }
0x74: {  	[sflag:s29] =	ssyncadd.s32 $0xFFFFE000  }
0x75: {  	[tilespmem:s30], [sflag:$0x5] =	stream.linear.gather [spmem:s25], $0x2000, $0x38;
	[tilespmem:$0x1D100] =	vst v63  }
0x76: {  	s7 =	sadd.s32 $0x1, s7;
	_ =	swait.ge [sflag:s29], $0x2000  }
0x77: {  	p0 =	sne.s32 s7, s28;
	[sflag:s29] =	ssyncset.done $0x0  }
.Ltmp1:
0x78: {  	s13 =	rddreg [dreg:$0xd];
	[sflag:s29] =	ssyncadd.s32 $0xFFFFE000;
	(pc) =	sbr.rel @!p0 .LBB2_7-.Ltmp1, $4  }
0x79: {  	[hbm4b:s13+s1] =	stream.linear.scatter [tilespmem:s30], [sflag:$0x5], $0x2000, $0x38;
	[tilespmem:$0x1D100] =	vst v63  }
0x7a: {  	_ =	swait.ge [sflag:s29], $0x2000  }
0x7b: {  	[sflag:s29] =	ssyncset.done $0x0  }
0x7c: {  	[sflag:s29] =	ssyncadd.s32 $0xFFFFE000  }
.LBB2_1:
0x7d: {  	[tilespmem:s1], [sflag:$0x5] =	stream.linear.gather [hbm4b:s14+s1], $0x5000, $0x38;
	[tilespmem:$0x1D100] =	vst v63  }
0x7e: {  	_ =	swait.ge [sflag:s29], $0x5000  }
0x7f: {  	[sflag:s29] =	ssyncset.done $0x0  }
0x80: {  	s8 =	simm.s32 $0x0;
	s10 =	simm.s32 $0x200;
	[sflag:s29] =	ssyncadd.s32 $0xFFFFB000  }
.LBB2_2:
0x81: {  	p0 =	sne.s32 s10, $0x7E00;
	[tilespmem:s8+$0x5170] =	vst v0  }
0x82: {  	[tilespmem:s8+$0x5100] =	vst v0  }
0x83: {  	[tilespmem:s8+$0x5110] =	vst v0  }
.Ltmp2:
0x84: {  	[tilespmem:s8+$0x5120] =	vst v0;
	(pc) =	sbr.rel @p0 .LBB2_2-.Ltmp2, $4  }
0x85: {  	[tilespmem:s8+$0x5130] =	vst v0  }
0x86: {  	[tilespmem:s8+$0x5140] =	vst v0  }
0x87: {  	[tilespmem:s8+$0x5150] =	vst v0  }
0x88: {  	[tilespmem:s8+$0x5160] =	vst v0;
	s8 =	sshra.s32 s10, $0x2;
	s10 =	sadd.s32 $0x200, s10  }
0x89: {  	[tilespmem:s8+$0x5170] =	vst v0  }
0x8a: {  	[tilespmem:s8+$0x5100] =	vst v0  }
0x8b: {  	[tilespmem:s8+$0x5110] =	vst v0  }
0x8c: {  	[tilespmem:s8+$0x5120] =	vst v0  }
0x8d: {  	[tilespmem:s8+$0x5130] =	vst v0  }
0x8e: {  	[tilespmem:s8+$0x5140] =	vst v0  }
0x8f: {  	[tilespmem:s8+$0x5150] =	vst v0  }
0x90: {  	[tilespmem:s8+$0x5160] =	vst v0  }
0x91: {  	[spmem:s16] =	stream.linear.scatter [tilespmem:s30], [sflag:$0x5], $0x2000, $0x38;
	[tilespmem:$0x1D100] =	vst v63  }
0x92: {  	_ =	swait.ge [sflag:s29], $0x2000  }
0x93: {  	[sflag:s29] =	ssyncset.done $0x0  }
0x94: {  	[sflag:s29] =	ssyncadd.s32 $0xFFFFE000  }
0x95: {  	[spmem:s17] =	stream.linear.scatter [tilespmem:s30], [sflag:$0x5], $0x2000, $0x38;
	[tilespmem:$0x1D100] =	vst v63  }
0x96: {  	_ =	swait.ge [sflag:s29], $0x2000  }
0x97: {  	[sflag:s29] =	ssyncset.done $0x0  }
0x98: {  	[sflag:s29] =	ssyncadd.s32 $0xFFFFE000  }
0x99: {  	[spmem:s18] =	stream.linear.scatter [tilespmem:s30], [sflag:$0x5], $0x2000, $0x38;
	[tilespmem:$0x1D100] =	vst v63  }
0x9a: {  	_ =	swait.ge [sflag:s29], $0x2000  }
0x9b: {  	[sflag:s29] =	ssyncset.done $0x0  }
0x9c: {  	[sflag:s29] =	ssyncadd.s32 $0xFFFFE000  }
0x9d: {  	[spmem:s19] =	stream.linear.scatter [tilespmem:s30], [sflag:$0x5], $0x2000, $0x38;
	[tilespmem:$0x1D100] =	vst v63  }
0x9e: {  	_ =	swait.ge [sflag:s29], $0x2000  }
0x9f: {  	[sflag:s29] =	ssyncset.done $0x0  }
0xa0: {  	[sflag:s29] =	ssyncadd.s32 $0xFFFFE000  }
0xa1: {  	[spmem:s20] =	stream.linear.scatter [tilespmem:s30], [sflag:$0x5], $0x2000, $0x38;
	[tilespmem:$0x1D100] =	vst v63  }
0xa2: {  	_ =	swait.ge [sflag:s29], $0x2000  }
0xa3: {  	[sflag:s29] =	ssyncset.done $0x0  }
0xa4: {  	[sflag:s29] =	ssyncadd.s32 $0xFFFFE000  }
0xa5: {  	[spmem:s21] =	stream.linear.scatter [tilespmem:s30], [sflag:$0x5], $0x2000, $0x38;
	[tilespmem:$0x1D100] =	vst v63  }
0xa6: {  	_ =	swait.ge [sflag:s29], $0x2000  }
0xa7: {  	[sflag:s29] =	ssyncset.done $0x0  }
0xa8: {  	[sflag:s29] =	ssyncadd.s32 $0xFFFFE000  }
0xa9: {  	[spmem:s22] =	stream.linear.scatter [tilespmem:s30], [sflag:$0x5], $0x2000, $0x38;
	[tilespmem:$0x1D100] =	vst v63  }
0xaa: {  	_ =	swait.ge [sflag:s29], $0x2000  }
0xab: {  	[sflag:s29] =	ssyncset.done $0x0  }
0xac: {  	[sflag:s29] =	ssyncadd.s32 $0xFFFFE000  }
0xad: {  	[spmem:s23] =	stream.linear.scatter [tilespmem:s30], [sflag:$0x5], $0x2000, $0x38;
	[tilespmem:$0x1D100] =	vst v63  }
0xae: {  	_ =	swait.ge [sflag:s29], $0x2000  }
0xaf: {  	[sflag:s29] =	ssyncset.done $0x0  }
0xb0: {  	[sflag:s29] =	ssyncadd.s32 $0xFFFFE000  }
0xb1: {  	[spmem:s24] =	stream.linear.scatter [tilespmem:s30], [sflag:$0x5], $0x2000, $0x38;
	[tilespmem:$0x1D100] =	vst v63  }
0xb2: {  	_ =	swait.ge [sflag:s29], $0x2000  }
0xb3: {  	[sflag:s29] =	ssyncset.done $0x0  }
0xb4: {  	[sflag:s29] =	ssyncadd.s32 $0xFFFFE000  }
0xb5: {  	[spmem:s25] =	stream.linear.scatter [tilespmem:s30], [sflag:$0x5], $0x2000, $0x38;
	[tilespmem:$0x1D100] =	vst v63  }
0xb6: {  	_ =	swait.ge [sflag:s29], $0x2000  }
0xb7: {  	[sflag:s29] =	ssyncset.done $0x0  }
0xb8: {  	[sflag:s29] =	ssyncadd.s32 $0xFFFFE000  }
0xb9: {  	[bflag:$0x0] =	sbarrier.arrive $0xFFFF  }
0xba: {  	[tilespmem:s31], [sflag:$0x3] =	stream.linear.gather [hbm4b:s26+s1], $0x80, $0x38;
	[tilespmem:$0x1D100] =	vst v63  }
0xbb: {  	s10 =	sadd.s32 $0x10, s26  }
0xbc: {  	[tilespmem:s9], [sflag:$0x4] =	stream.linear.gather [hbm4b:s10+s1], $0x80, $0x38;
	[tilespmem:$0x1D100] =	vst v63  }
0xbd: {  	_ = 	snop  }
0xbe: {  	[tilespmem:s30], [sflag:$0x1] =	stream.indirect.gather [hbm4b:s15+s0], $0x80, s1, s0, $0xb8;
	[tilespmem:$0x1D100] =	vst v63  }
0xbf: {  	s11 =	simm.s32 $0x80  }
0xc0: {  	[tilespmem:s2], [sflag:$0x2] =	stream.indirect.gather [hbm4b:s15+s0], $0x80, s11, s0, $0xb8;
	[tilespmem:$0x1D100] =	vst v63  }
0xc1: {  	_ =	swait.ge [sflag:s3], $0x2000  }
0xc2: {  	[sflag:s3] =	ssyncset.done $0x0  }
0xc3: {  	[sflag:s3] =	ssyncadd.s32 $0xFFFFE000  }
0xc4: {  	_ =	swait.ge [sflag:s4], $0x80  }
0xc5: {  	[sflag:s4] =	ssyncset.done $0x0  }
0xc6: {  	[sflag:s4] =	ssyncadd.s32 $0xFFFFFF80  }
0xc7: {  	[spmem:s12] =	stream.indirect.scatter.add.f32 [tilespmem:s30], [sflag:$0x5], $0x80, s31, s0, $0xb8;
	[tilespmem:$0x1D100] =	vst v63  }
0xc8: {  	_ =	swait.ge [sflag:s29], $0x2000  }
0xc9: {  	s13 =	sadd.s32 $0x20, s26;
	[sflag:s29] =	ssyncset.done $0x0  }
0xca: {  	s8 =	sadd.s32 $0x30, s26;
	s10 =	simm.s32 $0xFFFEC800;
	[sflag:s29] =	ssyncadd.s32 $0xFFFFE000  }
0xcb: {  	[tilespmem:s31], [sflag:$0x3] =	stream.linear.gather [hbm4b:s13+s1], $0x80, $0x38;
	[tilespmem:$0x1D100] =	vst v63  }
.LBB2_4:
0xcc: {  	s11 =	sshra.s32 s10, $0x2  }
0xcd: {  	s13 =	sadd.s32 $0x4F00, s11  }
0xce: {  	[tilespmem:s30], [sflag:$0x1] =	stream.indirect.gather [hbm4b:s15+s0], $0x80, s13, s0, $0xb8;
	[tilespmem:$0x1D100] =	vst v63  }
0xcf: {  	_ =	swait.ge [sflag:s5], $0x2000  }
0xd0: {  	[sflag:s5] =	ssyncset.done $0x0  }
0xd1: {  	[sflag:s5] =	ssyncadd.s32 $0xFFFFE000  }
0xd2: {  	_ =	swait.ge [sflag:s6], $0x80  }
0xd3: {  	[sflag:s6] =	ssyncset.done $0x0  }
0xd4: {  	[sflag:s6] =	ssyncadd.s32 $0xFFFFFF80  }
0xd5: {  	[spmem:s12] =	stream.indirect.scatter.add.f32 [tilespmem:s2], [sflag:$0x5], $0x80, s9, s0, $0xb8;
	[tilespmem:$0x1D100] =	vst v63  }
0xd6: {  	_ =	swait.ge [sflag:s29], $0x2000  }
0xd7: {  	[sflag:s29] =	ssyncset.done $0x0  }
0xd8: {  	[sflag:s29] =	ssyncadd.s32 $0xFFFFE000  }
0xd9: {  	[tilespmem:s9], [sflag:$0x4] =	stream.linear.gather [hbm4b:s8+s1], $0x80, $0x38;
	[tilespmem:$0x1D100] =	vst v63  }
0xda: {  	s11 =	sadd.s32 $0x4F80, s11  }
0xdb: {  	[tilespmem:s2], [sflag:$0x2] =	stream.indirect.gather [hbm4b:s15+s0], $0x80, s11, s0, $0xb8;
	[tilespmem:$0x1D100] =	vst v63  }
0xdc: {  	_ =	swait.ge [sflag:s3], $0x2000  }
0xdd: {  	[sflag:s3] =	ssyncset.done $0x0  }
0xde: {  	[sflag:s3] =	ssyncadd.s32 $0xFFFFE000  }
0xdf: {  	_ =	swait.ge [sflag:s4], $0x80  }
0xe0: {  	p0 =	seq.s32 s10, $0x0;
	[sflag:s4] =	ssyncset.done $0x0  }
.Ltmp3:
0xe1: {  	[sflag:s4] =	ssyncadd.s32 $0xFFFFFF80;
	(pc) =	sbr.rel @p0 .LBB2_6-.Ltmp3, $4  }
0xe2: {  	[spmem:s12] =	stream.indirect.scatter.add.f32 [tilespmem:s30], [sflag:$0x5], $0x80, s31, s0, $0xb8;
	[tilespmem:$0x1D100] =	vst v63  }
0xe3: {  	_ =	swait.ge [sflag:s29], $0x2000  }
0xe4: {  	[sflag:s29] =	ssyncset.done $0x0  }
0xe5: {  	[sflag:s29] =	ssyncadd.s32 $0xFFFFE000  }
.Ltmp4:
0xe6: {  	(pc) =	sbr.rel .LBB2_4-.Ltmp4, $3  }
0xe7: {  	_ =	sdelay $0x1  }
0xe8: {  	s11 =	sadd.s32 $0x10, s8;
	s8 =	sadd.s32 $0x20, s8;
	s10 =	sadd.s32 $0x400, s10  }
0xe9: {  	[tilespmem:s31], [sflag:$0x3] =	stream.linear.gather [hbm4b:s11+s1], $0x80, $0x38;
	[tilespmem:$0x1D100] =	vst v63  }
.LBB2_7:
0xea: {  	_ =	sfence.sel $0x180000  }
0xeb: {  	[bflag:$0x0] =	sbarrier.arrive $0xFFFF  }
0xec: {  	_ =	strace $0x9000004A  }
0xed: {  	s0 =	stileid.u32;
	[bflag:$0x2] =	sbarrier.arrive $0xFFFF  }
0xee: {  	p0 =	sne.s32 s0, $0x0;
	s0 =	rddreg [dreg:$0x3]  }
0xef: {  	s0 =	sadd.s32 @!p0 $0x100000, s0  }
0xf0: {  	[sflag:s0] =	ssyncadd.tile.s32 @!p0 $0x1;
	_ =	shalt  }
.Lfunc_end2:
_tile_overlayer_lowered:
.L_overlay_start_2:
0xf1: {  	(tag) =	ssettag $0x2  }
0xf2: {  	s0 =	rddreg [dreg:$0x0];
	s2 =	stileid.u32  }
0xf3: {  	s1 =	rddreg [dreg:$0x1];
	p0 =	sne.s32 s2, $0x0  }
0xf4: {  	s3 =	rddreg [dreg:$0x2];
	[bflag:$0x3] =	sbarrier.arrive $0xFFFF;
	s2 =	simm.s32 @!p0 $0x1C05  }
0xf5: {  	[timem:s3], [sflag:s2] =	dma.local @!p0 [hbm:s0], s1  }
0xf6: {  	s0 =	simm.s32 @!p0 $0x5  }
0xf7: {  	_ =	swait.ge @!p0 [sflag:s0], s1  }
0xf8: {  	s1 =	ssub.s32 @!p0 $0x0, s1;
	[sflag:s0] =	ssyncset.done @!p0 $0x0  }
0xf9: {  	[sflag:s0] =	ssyncadd.s32 @!p0 s1  }
0xfa: {  	[bflag:$0x3] =	sbarrier.arrive $0xFFFF  }
0xfb: {  	_ =	shalt  }

// kernel: kernel.14.cloned.1.call-start
scs
__scs_entry_jumppad:
0x0: {  	(pc) =	sbr.rel $0x88, $3  }
0x1: {  	(tag) =	ssettag $0x0;
	lr =	simm.s32 $0x1  }
0x2: {  	[smem:$0x3F9B] =	sst lr;
	_ =	strace $0xD0000000  }
0x3: {  	_ = 	snop  }
0x4: {  	_ = 	snop  }
0x5: {  	_ = 	snop  }
0x6: {  	_ = 	snop  }
0x7: {  	_ = 	snop  }
__scs_overlays_trampoline_lowered:
0x8: {  	[smem:$0x3FAA] =	sst s0  }
0x9: {  	[smem:$0x3FAB] =	sst s1  }
0xa: {  	[smem:$0x3FAC] =	sst s2  }
0xb: {  	[smem:$0x3FAD] =	sst s3  }
0xc: {  	[smem:$0x3FAE] =	sst s4  }
0xd: {  	[smem:$0x3FAF] =	sst s5  }
0xe: {  	[smem:$0x3FB0] =	sst s6  }
0xf: {  	[smem:$0x3FB1] =	sst s7  }
0x10: {  	[smem:$0x3FB2] =	sst s8  }
0x11: {  	[smem:$0x3FB3] =	sst s9;
	s0 =	simm.s32 @!p0 $0x0  }
0x12: {  	s1 =	sld [smem:$0x3F99];
	s0 =	simm.s32 @p0 $0x1  }
0x13: {  	[smem:$0x3FB4] =	sst s0;
	s0 =	simm.s32 @!p1 $0x0  }
0x14: {  	s2 =	sld [smem:$0x3F98];
	s0 =	simm.s32 @p1 $0x1  }
0x15: {  	[smem:$0x3FB5] =	sst s0;
	s0 =	simm.s32 @!p2 $0x0  }
0x16: {  	s3 =	sld [smem:$0x3FDB];
	s0 =	simm.s32 @p2 $0x1  }
0x17: {  	s4 =	simm.s32 $0x1BF5;
	[smem:$0x3FB7] =	sst s0  }
0x18: {  	s0 =	sld [smem:$0x3F9A];
	_ =	swait.ge [sflag:s4], $0x0  }
0x19: {  	s7 =	sld [smem:$0x3F9B]  }
0x1a: {  	s8 =	sadd.s32 $0xFFFFE003, lr  }
0x1b: {  	s9 =	sadd.s32 $0xFFFFFEF7, lr;
	s5 =	simm.s32 $0xFFFFFFFF;
	p2 =	slt.u32 s8, $0xFFFFF086  }
0x1c: {  	p1 =	slt.u32 s9, $0xF7A;
	s5 =	simm.s32 @!p2 $0x0  }
0x1d: {  	s5 =	simm.s32 @p1 $0x1;
	p0 =	seq.s32 s7, s2  }
0x1e: {  	s7 =	smul.u32 @!p0 $0xF7A, s2;
	p2 =	seq.s32 @!p0 s5, $0x0  }
0x1f: {  	s9 =	smul.u32 $0xF7A, s1;
	s8 =	simm.s32 @!p0 $0x1BF5;
	p2 =	por !p2, p0  }
0x20: {  	[sflag:s8] =	ssyncset.s32 @!p0 $0xFFFFF086;
	s6 =	sadd.s32 @!p0 s3, s7;
	s7 =	simm.s32 @!p0 $0x108  }
0x21: {  	s3 =	sadd.s32 s3, s9;
	s6 =	sadd.s32 @!p0 $0x88, s6;
	s7 =	simm.s32 @p2 $0x1082  }
0x22: {  	[simem:s7], [sflag:s8] =	dma.local @!p0 [hbm:s6], $0xF7A  }
0x23: {  	s9 =	sor.u32 $0xD0000000, s2;
	s6 =	simm.s32 $0x108;
	_ =	swait.ge @!p0 [sflag:s8], $0x0  }
0x24: {  	s3 =	sadd.s32 $0x88, s3;
	s6 =	simm.s32 @!p1 $0x1082;
	[sflag:s4] =	ssyncset.s32 $0xFFFFF086  }
0x25: {  	[simem:s6], [sflag:s4] =	dma.local [hbm:s3], $0xF7A  }
0x26: {  	[smem:$0x3F9B] =	sst s1;
	(tag) =	ssettag s2;
	_ =	strace s9  }
0x27: {  	s1 =	sld [smem:$0x3FAB]  }
0x28: {  	s2 =	sld [smem:$0x3FAC]  }
0x29: {  	s4 =	sld [smem:$0x3FAE]  }
0x2a: {  	p0 =	seq.s32 s5, $0x0;
	s5 =	sld [smem:$0x3FAF]  }
0x2b: {  	s6 =	sld [smem:$0x3FB0]  }
0x2c: {  	s7 =	sld [smem:$0x3FB1]  }
0x2d: {  	s3 =	simm.s32 $0x108;
	s8 =	sld [smem:$0x3FB2]  }
0x2e: {  	s3 =	simm.s32 @!p0 $0x1082;
	s9 =	sld [smem:$0x3FB3]  }
0x2f: {  	lr =	sadd.s32 s0, s3;
	s0 =	sld [smem:$0x3FAA]  }
0x30: {  	s3 =	sld [smem:$0x3FAD]  }
0x31: {  	[smem:$0x3FB6] =	sst s10  }
0x32: {  	s10 =	sld [smem:$0x3FB4];
	_ =	sdelay $0x3  }
0x33: {  	p0 =	seq.s32 s10, $0x1;
	s10 =	sld [smem:$0x3FB6];
	_ =	sdelay $0x3  }
0x34: {  	[smem:$0x3FB6] =	sst s10  }
0x35: {  	s10 =	sld [smem:$0x3FB5];
	_ =	sdelay $0x3  }
0x36: {  	p1 =	seq.s32 s10, $0x1;
	s10 =	sld [smem:$0x3FB6];
	_ =	sdelay $0x3  }
0x37: {  	[smem:$0x3FB6] =	sst s10  }
0x38: {  	s10 =	sld [smem:$0x3FB7]  }
0x39: {  	_ = 	snop;
	(pc) =	sbr.ind lr, $3  }
0x3a: {  	_ = 	snop  }
0x3b: {  	_ = 	snop  }
0x3c: {  	p2 =	seq.s32 s10, $0x1;
	s10 =	sld [smem:$0x3FB6]  }
0x3d: {  	_ =	shalt  }
0x3e: {  	_ =	shalt  }
0x3f: {  	_ =	shalt  }
0x40: {  	_ =	shalt  }
0x41: {  	_ =	shalt  }
0x42: {  	_ =	shalt  }
0x43: {  	_ =	shalt  }
0x44: {  	_ =	shalt  }
0x45: {  	_ =	shalt  }
0x46: {  	_ =	shalt  }
0x47: {  	_ =	shalt  }
0x48: {  	_ =	shalt  }
0x49: {  	_ =	shalt  }
0x4a: {  	_ =	shalt  }
0x4b: {  	_ =	shalt  }
0x4c: {  	_ =	shalt  }
0x4d: {  	_ =	shalt  }
0x4e: {  	_ =	shalt  }
0x4f: {  	_ =	shalt  }
0x50: {  	_ =	shalt  }
0x51: {  	_ =	shalt  }
0x52: {  	_ =	shalt  }
0x53: {  	_ =	shalt  }
0x54: {  	_ =	shalt  }
0x55: {  	_ =	shalt  }
0x56: {  	_ =	shalt  }
0x57: {  	_ =	shalt  }
0x58: {  	_ =	shalt  }
0x59: {  	_ =	shalt  }
0x5a: {  	_ =	shalt  }
0x5b: {  	_ =	shalt  }
0x5c: {  	_ =	shalt  }
0x5d: {  	_ =	shalt  }
0x5e: {  	_ =	shalt  }
0x5f: {  	_ =	shalt  }
0x60: {  	_ =	shalt  }
0x61: {  	_ =	shalt  }
0x62: {  	_ =	shalt  }
0x63: {  	_ =	shalt  }
0x64: {  	_ =	shalt  }
0x65: {  	_ =	shalt  }
0x66: {  	_ =	shalt  }
0x67: {  	_ =	shalt  }
0x68: {  	_ =	shalt  }
0x69: {  	_ =	shalt  }
0x6a: {  	_ =	shalt  }
0x6b: {  	_ =	shalt  }
0x6c: {  	_ =	shalt  }
0x6d: {  	_ =	shalt  }
0x6e: {  	_ =	shalt  }
0x6f: {  	_ =	shalt  }
0x70: {  	_ =	shalt  }
0x71: {  	_ =	shalt  }
0x72: {  	_ =	shalt  }
0x73: {  	_ =	shalt  }
0x74: {  	_ =	shalt  }
0x75: {  	_ =	shalt  }
0x76: {  	_ =	shalt  }
0x77: {  	_ =	shalt  }
0x78: {  	_ =	shalt  }
0x79: {  	_ =	shalt  }
0x7a: {  	_ =	shalt  }
0x7b: {  	_ =	shalt  }
0x7c: {  	_ =	shalt  }
0x7d: {  	_ =	shalt  }
0x7e: {  	_ =	shalt  }
0x7f: {  	_ =	shalt  }
0x80: {  	_ =	shalt  }
0x81: {  	_ =	shalt  }
0x82: {  	_ =	shalt  }
0x83: {  	_ =	shalt  }
0x84: {  	_ =	shalt  }
0x85: {  	_ =	shalt  }
0x86: {  	_ =	shalt  }
0x87: {  	_ =	shalt  }
.Lfunc_end0:
.L_simem_size_0:
called_computation.2_lowered:
.L_overlay_start_0:
0x88: {  	s2 =	sld [smem:$0x3FD9]  }
0x89: {  	s3 =	sld [smem:$0x3FFE];
	_ =	sdelay $0x1  }
0x8a: {  	s1 =	srdreg.scid  }
0x8b: {  	s0 =	sand.u32 $0x1, s1  }
0x8c: {  	s17 =	sshll.u32 s0, $0xA;
	s2 =	sadd.s32 s3, s2  }
0x8d: {  	s2 =	sadd.s32 s2, s17  }
0x8e: {  	[smem:$0x3FC2] =	sst s2  }
0x8f: {  	_ = 	snop  }
0x90: {  	s2 =	sld [smem:$0x3FD0];
	(tm) =	ssettm $0x1  }
0x91: {  	s18 =	sld [smem:$0x3FFB];
	_ =	sdelay $0x3  }
0x92: {  	_ =	strace s18  }
0x93: {  	s3 =	sld [smem:$0x3FFC];
	_ =	sdelay $0x3  }
0x94: {  	_ =	strace s3  }
0x95: {  	s3 =	sld [smem:$0x3FFD];
	_ =	sdelay $0x3  }
0x96: {  	_ =	strace s3  }
0x97: {  	_ =	strace $0x8FFFFFFF  }
0x98: {  	s19 =	sld [smem:$0x3FDB];
	_ =	sdelay $0x1  }
0x99: {  	s4 =	simm.s32 $_scs_section_size  }
0x9a: {  	s5 =	simm.s32 $_size__tile_overlayer_lowered;
	s6 =	simm.s32 $_tile_overlayer_lowered  }
0x9b: {  	s22 =	simm.s32 $0x1BFF;
	s21 =	sshll.u32 s6, $0x1;
	s3 =	sadd.s32 s4, s19  }
0x9c: {  	s7 =	simm.s32 $0x0;
	s20 =	sshll.u32 s5, $0x1;
	s5 =	sadd.s32 s21, s3  }
0x9d: {  	[timem:s7], [sflag:s22] =	dma.local [hbm:s5], s20  }
0x9e: {  	_ =	swait.ge [sflag:s22], s20  }
0x9f: {  	s4 =	ssub.s32 $0x0, s20;
	[sflag:s22] =	ssyncset.done $0x0  }
0xa0: {  	[sflag:s22] =	ssyncadd.s32 s4;
	_ =	sdelay $0x1  }
0xa1: {  	s23 =	simm.s32 $0x1B8B  }
0xa2: {  	_ =	swait.ge [sflag:s23], $0x1  }
0xa3: {  	[sflag:s23] =	ssyncset.done $0x0  }
0xa4: {  	s25 =	simm.s32 $0x1B8E;
	s24 =	sld [smem:$0x3FFE];
	[sflag:s23] =	ssyncadd.s32 $0xFFFFFFFF  }
0xa5: {  	s26 =	simm.s32 $execute0_lowered;
	[smem:$0x3FD2] =	sst s25  }
0xa6: {  	s5 =	sshll.u32 s26, $0x1;
	_ =	strace $0x8000004C;
	[dreg:$0x1] =	wrdreg $0xFFFFFFFF  }
0xa7: {  	s28 =	simm.s32 $_size_execute0_lowered;
	s3 =	sadd.s32 s3, s5;
	[dreg:$0x0] =	wrdreg $0x0  }
0xa8: {  	s5 =	sshll.u32 s28, $0x1;
	[dreg:$0x2] =	wrdreg s3  }
0xa9: {  	[dreg:$0x3] =	wrdreg s5  }
0xaa: {  	[dreg:$0x4] =	wrdreg $0xC0  }
0xab: {  	_ =	task [dreg:s7], $0x5FFFF  }
0xac: {  	[dreg:$0x1] =	wrdreg $0xFFFFFFFF  }
0xad: {  	[dreg:$0x0] =	wrdreg $0x60  }
0xae: {  	[dreg:$0x2] =	wrdreg s24  }
0xaf: {  	[dreg:$0x3] =	wrdreg s2  }
0xb0: {  	[dreg:$0x4] =	wrdreg $0x91000  }
0xb1: {  	[dreg:$0x5] =	wrdreg $0x9  }
0xb2: {  	_ =	task.clear_ibuf [dreg:s7], $0x6FFFF;
	_ =	strace $0x9000004C  }
0xb3: {  	s29 =	simm.s32 $0x9;
	_ =	strace $0x8000004E  }
0xb4: {  	_ =	swait.ge [sflag:s29], $0x1  }
0xb5: {  	[sflag:s29] =	ssyncadd.s32 $0xFFFFFFFF  }
0xb6: {  	_ =	strace $0x9000004E  }
0xb7: {  	_ =	sfence  }
0xb8: {  	s30 =	sld [smem:$0x0];
	_ =	sdelay $0x2  }
0xb9: {  	s31 =	sshll.u32 s1, $0xD;
	s1 =	sshrl.u32 s1, $0x2  }
0xba: {  	s3 =	sand.u32 $0x4000, s31;
	s1 =	sadd.s32 s1, s30  }
0xbb: {  	s0 =	sor.u32 s3, s0;
	s1 =	sshll.u32 s1, $0x11  }
0xbc: {  	s0 =	sor.u32 s1, s0  }
0xbd: {  	s0 =	sadd.s32 $0x8F2B, s0  }
0xbe: {  	[sflag:s0] =	ssyncadd.remote.s32 $0x1  }
0xbf: {  	_ =	sfence.sel $0xFFFF  }
0xc0: {  	[dreg:$0x0] =	wrdreg $0xFFFFFFFF;
	(pc) =	sbr.abs _section_cstart, $3  }
0xc1: {  	[dreg:$0x1] =	wrdreg $0xFFFFFFFF  }
0xc2: {  	_ =	task.clear_ibuf [dreg:s7], $0x2FFFF;
	_ =	strace $0x9FFFFFFF  }
0xc3: {  	(tm) =	ssettm $0x7FFFFFFF  }
tec
execute0_lowered:
.L_overlay_start_1:
0x0: {  	(tag) =	ssettag $0x1  }
0x1: {  	s0 =	rddreg [dreg:$0x0]  }
0x2: {  	s2 =	rddreg [dreg:$0x1];
	s3 =	srdreg.scid  }
0x3: {  	s1 =	simm.s32 $0x0;
	s13 =	stileid.u32;
	s29 =	simm.s32 $0x5  }
0x4: {  	s30 =	simm.s32 $0x5100;
	s31 =	simm.s32 $0x5000;
	s3 =	sand.u32 $0x1, s3  }
0x5: {  	[smem:$0x7FF] =	sst s1;
	s4 =	sshll.u32 s13, $0x1;
	s7 =	smul.u32 $0x14000, s13  }
0x6: {  	s5 =	ssub.s32 $0x2, s3;
	s4 =	sor.u32 s3, s4;
	s3 =	smul.u32 $0x140000, s3  }
0x7: {  	s8 =	sadd.s32 $0x49000, s0;
	s6 =	sshrl.u32 s5, $0x1;
	s4 =	smul.u32 $0xA00, s4  }
0x8: {  	s9 =	sadd.s32 $0x4000, s7;
	s10 =	sadd.s32 $0x6000, s7;
	s20 =	sadd.s32 $0x8000, s7  }
0x9: {  	s21 =	sadd.s32 $0xA000, s7;
	s22 =	sadd.s32 $0xC000, s7;
	s23 =	sadd.s32 $0xE000, s7  }
0xa: {  	s24 =	sadd.s32 $0x10000, s7;
	s25 =	sadd.s32 $0x12000, s7;
	s5 =	ssub.s32 s5, s6  }
0xb: {  	s6 =	sor.u32 $0x2000, s7;
	s7 =	sadd.s32 s7, s3;
	s12 =	sadd.s32 s3, s9  }
0xc: {  	s18 =	sadd.s32 s3, s10;
	s19 =	sadd.s32 s3, s20;
	s26 =	sadd.s32 s3, s21  }
0xd: {  	s11 =	sadd.s32 s3, s6;
	s7 =	sshrl.u32 s7, $0x3;
	s17 =	sshrl.u32 s12, $0x3  }
0xe: {  	s15 =	sshrl.u32 s26, $0x3;
	s12 =	rddreg [dreg:$0x2];
	s28 =	smax.u32 s5, $0x1  }
0xf: {  	s5 =	simm.s32 $0x2;
	s11 =	sshrl.u32 s11, $0x3;
	s7 =	sadd.s32 s8, s7  }
0x10: {  	s20 =	sadd.s32 s20, s12;
	s21 =	sadd.s32 s21, s12;
	[dreg:$0x4] =	wrdreg s7  }
0x11: {  	s16 =	sadd.s32 s8, s11;
	s7 =	sadd.s32 s8, s17;
	s11 =	sshrl.u32 s19, $0x3  }
0x12: {  	s17 =	sadd.s32 s3, s23;
	s23 =	sadd.s32 s23, s12;
	[dreg:$0x5] =	wrdreg s16  }
0x13: {  	[dreg:$0x6] =	wrdreg s7;
	s7 =	sshrl.u32 s18, $0x3;
	s14 =	sadd.s32 s8, s11  }
0x14: {  	s16 =	sadd.s32 s3, s22;
	s11 =	sshrl.u32 s17, $0x3;
	s18 =	sadd.s32 s3, s24  }
0x15: {  	s3 =	sadd.s32 s3, s25;
	s17 =	sadd.s32 s6, s12;
	s22 =	sadd.s32 s22, s12  }
0x16: {  	s24 =	sadd.s32 s24, s12;
	s25 =	sadd.s32 s25, s12;
	s6 =	simm.s32 $0x4  }
0x17: {  	s7 =	sadd.s32 s8, s7;
	[dreg:$0x8] =	wrdreg s14;
	s19 =	sadd.s32 s8, s11  }
0x18: {  	s26 =	sshrl.u32 s18, $0x3;
	s3 =	sshrl.u32 s3, $0x3;
	s11 =	smul.u32 $0x50000, s13  }
0x19: {  	s14 =	sadd.s32 s2, s4;
	s13 =	sadd.s32 s4, s0;
	s18 =	sadd.s32 s9, s12  }
0x1a: {  	s9 =	simm.s32 $0x5080;
	s2 =	simm.s32 $0x7100;
	[dreg:$0x7] =	wrdreg s7  }
0x1b: {  	s4 =	simm.s32 $0x3;
	s7 =	sadd.s32 s8, s15;
	[dreg:$0xb] =	wrdreg s19  }
0x1c: {  	s3 =	sadd.s32 s8, s3;
	s15 =	sadd.s32 $0x21000, s0;
	s19 =	sadd.s32 s10, s12  }
.Ltmp0:
0x1d: {  	[dreg:$0x9] =	wrdreg s7;
	s7 =	sshrl.u32 s16, $0x3;
	(pc) =	sbr.rel .LBB2_1-.Ltmp0, $4  }
0x1e: {  	s0 =	simm.s32 $0x40;
	[dreg:$0xd] =	wrdreg s3;
	s7 =	sadd.s32 s8, s7  }
0x1f: {  	[dreg:$0xa] =	wrdreg s7;
	s7 =	sadd.s32 s8, s26;
	s26 =	sshrl.u32 s11, $0x2  }
0x20: {  	s3 =	simm.s32 $0x1;
	[dreg:$0xc] =	wrdreg s7;
	s16 =	sadd.s32 s26, s12  }
0x21: {  	v0 =	vimm.f32 $0.0e+00;
	s26 =	sadd.s32 $0xD000, s13;
	s7 =	simm.s32 $0x0;
	_ =	strace $0x8000004D  }
.LBB2_6:
0x22: {  	_ =	swait.ge [sflag:s5], $0x2000  }
0x23: {  	[sflag:s5] =	ssyncset.done $0x0  }
0x24: {  	[sflag:s5] =	ssyncadd.s32 $0xFFFFE000  }
0x25: {  	_ =	swait.ge [sflag:s6], $0x80  }
0x26: {  	[sflag:s6] =	ssyncset.done $0x0  }
0x27: {  	[sflag:s6] =	ssyncadd.s32 $0xFFFFFF80  }
0x28: {  	[spmem:s12] =	stream.indirect.scatter.add.f32 [tilespmem:s2], [sflag:$0x5], $0x80, s9, s0, $0xb8;
	[tilespmem:$0x1D100] =	vst v63  }
0x29: {  	_ =	swait.ge [sflag:s29], $0x2000  }
0x2a: {  	[sflag:s29] =	ssyncset.done $0x0  }
0x2b: {  	[sflag:s29] =	ssyncadd.s32 $0xFFFFE000  }
0x2c: {  	[bflag:$0x0] =	sbarrier.arrive $0xFFFF  }
0x2d: {  	[tilespmem:s30], [sflag:$0x5] =	stream.linear.gather [spmem:s16], $0x2000, $0x38;
	[tilespmem:$0x1D100] =	vst v63  }
0x2e: {  	_ =	swait.ge [sflag:s29], $0x2000  }
0x2f: {  	[sflag:s29] =	ssyncset.done $0x0  }
0x30: {  	s8 =	rddreg [dreg:$0x4];
	[sflag:s29] =	ssyncadd.s32 $0xFFFFE000  }
0x31: {  	[hbm4b:s8+s1] =	stream.linear.scatter [tilespmem:s30], [sflag:$0x5], $0x2000, $0x38;
	[tilespmem:$0x1D100] =	vst v63  }
0x32: {  	_ =	swait.ge [sflag:s29], $0x2000  }
0x33: {  	[sflag:s29] =	ssyncset.done $0x0  }
0x34: {  	[sflag:s29] =	ssyncadd.s32 $0xFFFFE000  }
0x35: {  	[tilespmem:s30], [sflag:$0x5] =	stream.linear.gather [spmem:s17], $0x2000, $0x38;
	[tilespmem:$0x1D100] =	vst v63  }
0x36: {  	_ =	swait.ge [sflag:s29], $0x2000  }
0x37: {  	[sflag:s29] =	ssyncset.done $0x0  }
0x38: {  	s10 =	rddreg [dreg:$0x5];
	[sflag:s29] =	ssyncadd.s32 $0xFFFFE000  }
0x39: {  	[hbm4b:s10+s1] =	stream.linear.scatter [tilespmem:s30], [sflag:$0x5], $0x2000, $0x38;
	[tilespmem:$0x1D100] =	vst v63  }
0x3a: {  	_ =	swait.ge [sflag:s29], $0x2000  }
0x3b: {  	[sflag:s29] =	ssyncset.done $0x0  }
0x3c: {  	[sflag:s29] =	ssyncadd.s32 $0xFFFFE000  }
0x3d: {  	[tilespmem:s30], [sflag:$0x5] =	stream.linear.gather [spmem:s18], $0x2000, $0x38;
	[tilespmem:$0x1D100] =	vst v63  }
0x3e: {  	_ =	swait.ge [sflag:s29], $0x2000  }
0x3f: {  	[sflag:s29] =	ssyncset.done $0x0  }
0x40: {  	s11 =	rddreg [dreg:$0x6];
	[sflag:s29] =	ssyncadd.s32 $0xFFFFE000  }
0x41: {  	[hbm4b:s11+s1] =	stream.linear.scatter [tilespmem:s30], [sflag:$0x5], $0x2000, $0x38;
	[tilespmem:$0x1D100] =	vst v63  }
0x42: {  	_ =	swait.ge [sflag:s29], $0x2000  }
0x43: {  	[sflag:s29] =	ssyncset.done $0x0  }
0x44: {  	[sflag:s29] =	ssyncadd.s32 $0xFFFFE000  }
0x45: {  	[tilespmem:s30], [sflag:$0x5] =	stream.linear.gather [spmem:s19], $0x2000, $0x38;
	[tilespmem:$0x1D100] =	vst v63  }
0x46: {  	_ =	swait.ge [sflag:s29], $0x2000  }
0x47: {  	[sflag:s29] =	ssyncset.done $0x0  }
0x48: {  	s13 =	rddreg [dreg:$0x7];
	[sflag:s29] =	ssyncadd.s32 $0xFFFFE000  }
0x49: {  	[hbm4b:s13+s1] =	stream.linear.scatter [tilespmem:s30], [sflag:$0x5], $0x2000, $0x38;
	[tilespmem:$0x1D100] =	vst v63  }
0x4a: {  	_ =	swait.ge [sflag:s29], $0x2000  }
0x4b: {  	[sflag:s29] =	ssyncset.done $0x0  }
0x4c: {  	[sflag:s29] =	ssyncadd.s32 $0xFFFFE000  }
0x4d: {  	[tilespmem:s30], [sflag:$0x5] =	stream.linear.gather [spmem:s20], $0x2000, $0x38;
	[tilespmem:$0x1D100] =	vst v63  }
0x4e: {  	_ =	swait.ge [sflag:s29], $0x2000  }
0x4f: {  	[sflag:s29] =	ssyncset.done $0x0  }
0x50: {  	s10 =	rddreg [dreg:$0x8];
	[sflag:s29] =	ssyncadd.s32 $0xFFFFE000  }
0x51: {  	[hbm4b:s10+s1] =	stream.linear.scatter [tilespmem:s30], [sflag:$0x5], $0x2000, $0x38;
	[tilespmem:$0x1D100] =	vst v63  }
0x52: {  	_ =	swait.ge [sflag:s29], $0x2000  }
0x53: {  	[sflag:s29] =	ssyncset.done $0x0  }
0x54: {  	[sflag:s29] =	ssyncadd.s32 $0xFFFFE000  }
0x55: {  	[tilespmem:s30], [sflag:$0x5] =	stream.linear.gather [spmem:s21], $0x2000, $0x38;
	[tilespmem:$0x1D100] =	vst v63  }
0x56: {  	_ =	swait.ge [sflag:s29], $0x2000  }
0x57: {  	[sflag:s29] =	ssyncset.done $0x0  }
0x58: {  	s11 =	rddreg [dreg:$0x9];
	[sflag:s29] =	ssyncadd.s32 $0xFFFFE000  }
0x59: {  	[hbm4b:s11+s1] =	stream.linear.scatter [tilespmem:s30], [sflag:$0x5], $0x2000, $0x38;
	[tilespmem:$0x1D100] =	vst v63  }
0x5a: {  	_ =	swait.ge [sflag:s29], $0x2000  }
0x5b: {  	[sflag:s29] =	ssyncset.done $0x0  }
0x5c: {  	[sflag:s29] =	ssyncadd.s32 $0xFFFFE000  }
0x5d: {  	[tilespmem:s30], [sflag:$0x5] =	stream.linear.gather [spmem:s22], $0x2000, $0x38;
	[tilespmem:$0x1D100] =	vst v63  }
0x5e: {  	_ =	swait.ge [sflag:s29], $0x2000  }
0x5f: {  	[sflag:s29] =	ssyncset.done $0x0  }
0x60: {  	s13 =	rddreg [dreg:$0xa];
	[sflag:s29] =	ssyncadd.s32 $0xFFFFE000  }
0x61: {  	[hbm4b:s13+s1] =	stream.linear.scatter [tilespmem:s30], [sflag:$0x5], $0x2000, $0x38;
	[tilespmem:$0x1D100] =	vst v63  }
0x62: {  	_ =	swait.ge [sflag:s29], $0x2000  }
0x63: {  	[sflag:s29] =	ssyncset.done $0x0  }
0x64: {  	[sflag:s29] =	ssyncadd.s32 $0xFFFFE000  }
0x65: {  	[tilespmem:s30], [sflag:$0x5] =	stream.linear.gather [spmem:s23], $0x2000, $0x38;
	[tilespmem:$0x1D100] =	vst v63  }
0x66: {  	_ =	swait.ge [sflag:s29], $0x2000  }
0x67: {  	[sflag:s29] =	ssyncset.done $0x0  }
0x68: {  	s10 =	rddreg [dreg:$0xb];
	[sflag:s29] =	ssyncadd.s32 $0xFFFFE000  }
0x69: {  	[hbm4b:s10+s1] =	stream.linear.scatter [tilespmem:s30], [sflag:$0x5], $0x2000, $0x38;
	[tilespmem:$0x1D100] =	vst v63  }
0x6a: {  	_ =	swait.ge [sflag:s29], $0x2000  }
0x6b: {  	[sflag:s29] =	ssyncset.done $0x0  }
0x6c: {  	[sflag:s29] =	ssyncadd.s32 $0xFFFFE000  }
0x6d: {  	[tilespmem:s30], [sflag:$0x5] =	stream.linear.gather [spmem:s24], $0x2000, $0x38;
	[tilespmem:$0x1D100] =	vst v63  }
0x6e: {  	_ =	swait.ge [sflag:s29], $0x2000  }
0x6f: {  	[sflag:s29] =	ssyncset.done $0x0  }
0x70: {  	s11 =	rddreg [dreg:$0xc];
	[sflag:s29] =	ssyncadd.s32 $0xFFFFE000  }
0x71: {  	[hbm4b:s11+s1] =	stream.linear.scatter [tilespmem:s30], [sflag:$0x5], $0x2000, $0x38;
	[tilespmem:$0x1D100] =	vst v63  }
0x72: {  	_ =	swait.ge [sflag:s29], $0x2000  }
0x73: {  	[sflag:s29] =	ssyncset.done $0x0  }
0x74: {  	[sflag:s29] =	ssyncadd.s32 $0xFFFFE000  }
0x75: {  	[tilespmem:s30], [sflag:$0x5] =	stream.linear.gather [spmem:s25], $0x2000, $0x38;
	[tilespmem:$0x1D100] =	vst v63  }
0x76: {  	s7 =	sadd.s32 $0x1, s7;
	_ =	swait.ge [sflag:s29], $0x2000  }
0x77: {  	p0 =	sne.s32 s7, s28;
	[sflag:s29] =	ssyncset.done $0x0  }
.Ltmp1:
0x78: {  	s13 =	rddreg [dreg:$0xd];
	[sflag:s29] =	ssyncadd.s32 $0xFFFFE000;
	(pc) =	sbr.rel @!p0 .LBB2_7-.Ltmp1, $4  }
0x79: {  	[hbm4b:s13+s1] =	stream.linear.scatter [tilespmem:s30], [sflag:$0x5], $0x2000, $0x38;
	[tilespmem:$0x1D100] =	vst v63  }
0x7a: {  	_ =	swait.ge [sflag:s29], $0x2000  }
0x7b: {  	[sflag:s29] =	ssyncset.done $0x0  }
0x7c: {  	[sflag:s29] =	ssyncadd.s32 $0xFFFFE000  }
.LBB2_1:
0x7d: {  	[tilespmem:s1], [sflag:$0x5] =	stream.linear.gather [hbm4b:s14+s1], $0x5000, $0x38;
	[tilespmem:$0x1D100] =	vst v63  }
0x7e: {  	_ =	swait.ge [sflag:s29], $0x5000  }
0x7f: {  	[sflag:s29] =	ssyncset.done $0x0  }
0x80: {  	s8 =	simm.s32 $0x0;
	s10 =	simm.s32 $0x200;
	[sflag:s29] =	ssyncadd.s32 $0xFFFFB000  }
.LBB2_2:
0x81: {  	p0 =	sne.s32 s10, $0x7E00;
	[tilespmem:s8+$0x5170] =	vst v0  }
0x82: {  	[tilespmem:s8+$0x5100] =	vst v0  }
0x83: {  	[tilespmem:s8+$0x5110] =	vst v0  }
.Ltmp2:
0x84: {  	[tilespmem:s8+$0x5120] =	vst v0;
	(pc) =	sbr.rel @p0 .LBB2_2-.Ltmp2, $4  }
0x85: {  	[tilespmem:s8+$0x5130] =	vst v0  }
0x86: {  	[tilespmem:s8+$0x5140] =	vst v0  }
0x87: {  	[tilespmem:s8+$0x5150] =	vst v0  }
0x88: {  	[tilespmem:s8+$0x5160] =	vst v0;
	s8 =	sshra.s32 s10, $0x2;
	s10 =	sadd.s32 $0x200, s10  }
0x89: {  	[tilespmem:s8+$0x5170] =	vst v0  }
0x8a: {  	[tilespmem:s8+$0x5100] =	vst v0  }
0x8b: {  	[tilespmem:s8+$0x5110] =	vst v0  }
0x8c: {  	[tilespmem:s8+$0x5120] =	vst v0  }
0x8d: {  	[tilespmem:s8+$0x5130] =	vst v0  }
0x8e: {  	[tilespmem:s8+$0x5140] =	vst v0  }
0x8f: {  	[tilespmem:s8+$0x5150] =	vst v0  }
0x90: {  	[tilespmem:s8+$0x5160] =	vst v0  }
0x91: {  	[spmem:s16] =	stream.linear.scatter [tilespmem:s30], [sflag:$0x5], $0x2000, $0x38;
	[tilespmem:$0x1D100] =	vst v63  }
0x92: {  	_ =	swait.ge [sflag:s29], $0x2000  }
0x93: {  	[sflag:s29] =	ssyncset.done $0x0  }
0x94: {  	[sflag:s29] =	ssyncadd.s32 $0xFFFFE000  }
0x95: {  	[spmem:s17] =	stream.linear.scatter [tilespmem:s30], [sflag:$0x5], $0x2000, $0x38;
	[tilespmem:$0x1D100] =	vst v63  }
0x96: {  	_ =	swait.ge [sflag:s29], $0x2000  }
0x97: {  	[sflag:s29] =	ssyncset.done $0x0  }
0x98: {  	[sflag:s29] =	ssyncadd.s32 $0xFFFFE000  }
0x99: {  	[spmem:s18] =	stream.linear.scatter [tilespmem:s30], [sflag:$0x5], $0x2000, $0x38;
	[tilespmem:$0x1D100] =	vst v63  }
0x9a: {  	_ =	swait.ge [sflag:s29], $0x2000  }
0x9b: {  	[sflag:s29] =	ssyncset.done $0x0  }
0x9c: {  	[sflag:s29] =	ssyncadd.s32 $0xFFFFE000  }
0x9d: {  	[spmem:s19] =	stream.linear.scatter [tilespmem:s30], [sflag:$0x5], $0x2000, $0x38;
	[tilespmem:$0x1D100] =	vst v63  }
0x9e: {  	_ =	swait.ge [sflag:s29], $0x2000  }
0x9f: {  	[sflag:s29] =	ssyncset.done $0x0  }
0xa0: {  	[sflag:s29] =	ssyncadd.s32 $0xFFFFE000  }
0xa1: {  	[spmem:s20] =	stream.linear.scatter [tilespmem:s30], [sflag:$0x5], $0x2000, $0x38;
	[tilespmem:$0x1D100] =	vst v63  }
0xa2: {  	_ =	swait.ge [sflag:s29], $0x2000  }
0xa3: {  	[sflag:s29] =	ssyncset.done $0x0  }
0xa4: {  	[sflag:s29] =	ssyncadd.s32 $0xFFFFE000  }
0xa5: {  	[spmem:s21] =	stream.linear.scatter [tilespmem:s30], [sflag:$0x5], $0x2000, $0x38;
	[tilespmem:$0x1D100] =	vst v63  }
0xa6: {  	_ =	swait.ge [sflag:s29], $0x2000  }
0xa7: {  	[sflag:s29] =	ssyncset.done $0x0  }
0xa8: {  	[sflag:s29] =	ssyncadd.s32 $0xFFFFE000  }
0xa9: {  	[spmem:s22] =	stream.linear.scatter [tilespmem:s30], [sflag:$0x5], $0x2000, $0x38;
	[tilespmem:$0x1D100] =	vst v63  }
0xaa: {  	_ =	swait.ge [sflag:s29], $0x2000  }
0xab: {  	[sflag:s29] =	ssyncset.done $0x0  }
0xac: {  	[sflag:s29] =	ssyncadd.s32 $0xFFFFE000  }
0xad: {  	[spmem:s23] =	stream.linear.scatter [tilespmem:s30], [sflag:$0x5], $0x2000, $0x38;
	[tilespmem:$0x1D100] =	vst v63  }
0xae: {  	_ =	swait.ge [sflag:s29], $0x2000  }
0xaf: {  	[sflag:s29] =	ssyncset.done $0x0  }
0xb0: {  	[sflag:s29] =	ssyncadd.s32 $0xFFFFE000  }
0xb1: {  	[spmem:s24] =	stream.linear.scatter [tilespmem:s30], [sflag:$0x5], $0x2000, $0x38;
	[tilespmem:$0x1D100] =	vst v63  }
0xb2: {  	_ =	swait.ge [sflag:s29], $0x2000  }
0xb3: {  	[sflag:s29] =	ssyncset.done $0x0  }
0xb4: {  	[sflag:s29] =	ssyncadd.s32 $0xFFFFE000  }
0xb5: {  	[spmem:s25] =	stream.linear.scatter [tilespmem:s30], [sflag:$0x5], $0x2000, $0x38;
	[tilespmem:$0x1D100] =	vst v63  }
0xb6: {  	_ =	swait.ge [sflag:s29], $0x2000  }
0xb7: {  	[sflag:s29] =	ssyncset.done $0x0  }
0xb8: {  	[sflag:s29] =	ssyncadd.s32 $0xFFFFE000  }
0xb9: {  	[bflag:$0x0] =	sbarrier.arrive $0xFFFF  }
0xba: {  	[tilespmem:s31], [sflag:$0x3] =	stream.linear.gather [hbm4b:s26+s1], $0x80, $0x38;
	[tilespmem:$0x1D100] =	vst v63  }
0xbb: {  	s10 =	sadd.s32 $0x10, s26  }
0xbc: {  	[tilespmem:s9], [sflag:$0x4] =	stream.linear.gather [hbm4b:s10+s1], $0x80, $0x38;
	[tilespmem:$0x1D100] =	vst v63  }
0xbd: {  	_ = 	snop  }
0xbe: {  	[tilespmem:s30], [sflag:$0x1] =	stream.indirect.gather [hbm4b:s15+s0], $0x80, s1, s0, $0xb8;
	[tilespmem:$0x1D100] =	vst v63  }
0xbf: {  	s11 =	simm.s32 $0x80  }
0xc0: {  	[tilespmem:s2], [sflag:$0x2] =	stream.indirect.gather [hbm4b:s15+s0], $0x80, s11, s0, $0xb8;
	[tilespmem:$0x1D100] =	vst v63  }
0xc1: {  	_ =	swait.ge [sflag:s3], $0x2000  }
0xc2: {  	[sflag:s3] =	ssyncset.done $0x0  }
0xc3: {  	[sflag:s3] =	ssyncadd.s32 $0xFFFFE000  }
0xc4: {  	_ =	swait.ge [sflag:s4], $0x80  }
0xc5: {  	[sflag:s4] =	ssyncset.done $0x0  }
0xc6: {  	[sflag:s4] =	ssyncadd.s32 $0xFFFFFF80  }
0xc7: {  	[spmem:s12] =	stream.indirect.scatter.add.f32 [tilespmem:s30], [sflag:$0x5], $0x80, s31, s0, $0xb8;
	[tilespmem:$0x1D100] =	vst v63  }
0xc8: {  	_ =	swait.ge [sflag:s29], $0x2000  }
0xc9: {  	s13 =	sadd.s32 $0x20, s26;
	[sflag:s29] =	ssyncset.done $0x0  }
0xca: {  	s8 =	sadd.s32 $0x30, s26;
	s10 =	simm.s32 $0xFFFEC800;
	[sflag:s29] =	ssyncadd.s32 $0xFFFFE000  }
0xcb: {  	[tilespmem:s31], [sflag:$0x3] =	stream.linear.gather [hbm4b:s13+s1], $0x80, $0x38;
	[tilespmem:$0x1D100] =	vst v63  }
.LBB2_4:
0xcc: {  	s11 =	sshra.s32 s10, $0x2  }
0xcd: {  	s13 =	sadd.s32 $0x4F00, s11  }
0xce: {  	[tilespmem:s30], [sflag:$0x1] =	stream.indirect.gather [hbm4b:s15+s0], $0x80, s13, s0, $0xb8;
	[tilespmem:$0x1D100] =	vst v63  }
0xcf: {  	_ =	swait.ge [sflag:s5], $0x2000  }
0xd0: {  	[sflag:s5] =	ssyncset.done $0x0  }
0xd1: {  	[sflag:s5] =	ssyncadd.s32 $0xFFFFE000  }
0xd2: {  	_ =	swait.ge [sflag:s6], $0x80  }
0xd3: {  	[sflag:s6] =	ssyncset.done $0x0  }
0xd4: {  	[sflag:s6] =	ssyncadd.s32 $0xFFFFFF80  }
0xd5: {  	[spmem:s12] =	stream.indirect.scatter.add.f32 [tilespmem:s2], [sflag:$0x5], $0x80, s9, s0, $0xb8;
	[tilespmem:$0x1D100] =	vst v63  }
0xd6: {  	_ =	swait.ge [sflag:s29], $0x2000  }
0xd7: {  	[sflag:s29] =	ssyncset.done $0x0  }
0xd8: {  	[sflag:s29] =	ssyncadd.s32 $0xFFFFE000  }
0xd9: {  	[tilespmem:s9], [sflag:$0x4] =	stream.linear.gather [hbm4b:s8+s1], $0x80, $0x38;
	[tilespmem:$0x1D100] =	vst v63  }
0xda: {  	s11 =	sadd.s32 $0x4F80, s11  }
0xdb: {  	[tilespmem:s2], [sflag:$0x2] =	stream.indirect.gather [hbm4b:s15+s0], $0x80, s11, s0, $0xb8;
	[tilespmem:$0x1D100] =	vst v63  }
0xdc: {  	_ =	swait.ge [sflag:s3], $0x2000  }
0xdd: {  	[sflag:s3] =	ssyncset.done $0x0  }
0xde: {  	[sflag:s3] =	ssyncadd.s32 $0xFFFFE000  }
0xdf: {  	_ =	swait.ge [sflag:s4], $0x80  }
0xe0: {  	p0 =	seq.s32 s10, $0x0;
	[sflag:s4] =	ssyncset.done $0x0  }
.Ltmp3:
0xe1: {  	[sflag:s4] =	ssyncadd.s32 $0xFFFFFF80;
	(pc) =	sbr.rel @p0 .LBB2_6-.Ltmp3, $4  }
0xe2: {  	[spmem:s12] =	stream.indirect.scatter.add.f32 [tilespmem:s30], [sflag:$0x5], $0x80, s31, s0, $0xb8;
	[tilespmem:$0x1D100] =	vst v63  }
0xe3: {  	_ =	swait.ge [sflag:s29], $0x2000  }
0xe4: {  	[sflag:s29] =	ssyncset.done $0x0  }
0xe5: {  	[sflag:s29] =	ssyncadd.s32 $0xFFFFE000  }
.Ltmp4:
0xe6: {  	(pc) =	sbr.rel .LBB2_4-.Ltmp4, $3  }
0xe7: {  	_ =	sdelay $0x1  }
0xe8: {  	s11 =	sadd.s32 $0x10, s8;
	s8 =	sadd.s32 $0x20, s8;
	s10 =	sadd.s32 $0x400, s10  }
0xe9: {  	[tilespmem:s31], [sflag:$0x3] =	stream.linear.gather [hbm4b:s11+s1], $0x80, $0x38;
	[tilespmem:$0x1D100] =	vst v63  }
.LBB2_7:
0xea: {  	_ =	sfence.sel $0x180000  }
0xeb: {  	[bflag:$0x0] =	sbarrier.arrive $0xFFFF  }
0xec: {  	_ =	strace $0x9000004D  }
0xed: {  	s0 =	stileid.u32;
	[bflag:$0x2] =	sbarrier.arrive $0xFFFF  }
0xee: {  	p0 =	sne.s32 s0, $0x0;
	s0 =	rddreg [dreg:$0x3]  }
0xef: {  	s0 =	sadd.s32 @!p0 $0x100000, s0  }
0xf0: {  	[sflag:s0] =	ssyncadd.tile.s32 @!p0 $0x1;
	_ =	shalt  }
.Lfunc_end2:
_tile_overlayer_lowered:
.L_overlay_start_2:
0xf1: {  	(tag) =	ssettag $0x2  }
0xf2: {  	s0 =	rddreg [dreg:$0x0];
	s2 =	stileid.u32  }
0xf3: {  	s1 =	rddreg [dreg:$0x1];
	p0 =	sne.s32 s2, $0x0  }
0xf4: {  	s3 =	rddreg [dreg:$0x2];
	[bflag:$0x3] =	sbarrier.arrive $0xFFFF;
	s2 =	simm.s32 @!p0 $0x1C05  }
0xf5: {  	[timem:s3], [sflag:s2] =	dma.local @!p0 [hbm:s0], s1  }
0xf6: {  	s0 =	simm.s32 @!p0 $0x5  }
0xf7: {  	_ =	swait.ge @!p0 [sflag:s0], s1  }
0xf8: {  	s1 =	ssub.s32 @!p0 $0x0, s1;
	[sflag:s0] =	ssyncset.done @!p0 $0x0  }
0xf9: {  	[sflag:s0] =	ssyncadd.s32 @!p0 s1  }
0xfa: {  	[bflag:$0x3] =	sbarrier.arrive $0xFFFF  }
0xfb: {  	_ =	shalt  }

// kernel: kernel.8.cloned.1.call-start
scs
__scs_entry_jumppad:
0x0: {  	(pc) =	sbr.rel $0x88, $3  }
0x1: {  	(tag) =	ssettag $0x0;
	lr =	simm.s32 $0x1  }
0x2: {  	[smem:$0x3F9B] =	sst lr;
	_ =	strace $0xD0000000  }
0x3: {  	_ = 	snop  }
0x4: {  	_ = 	snop  }
0x5: {  	_ = 	snop  }
0x6: {  	_ = 	snop  }
0x7: {  	_ = 	snop  }
__scs_overlays_trampoline_lowered:
0x8: {  	[smem:$0x3FAA] =	sst s0  }
0x9: {  	[smem:$0x3FAB] =	sst s1  }
0xa: {  	[smem:$0x3FAC] =	sst s2  }
0xb: {  	[smem:$0x3FAD] =	sst s3  }
0xc: {  	[smem:$0x3FAE] =	sst s4  }
0xd: {  	[smem:$0x3FAF] =	sst s5  }
0xe: {  	[smem:$0x3FB0] =	sst s6  }
0xf: {  	[smem:$0x3FB1] =	sst s7  }
0x10: {  	[smem:$0x3FB2] =	sst s8  }
0x11: {  	[smem:$0x3FB3] =	sst s9;
	s0 =	simm.s32 @!p0 $0x0  }
0x12: {  	s1 =	sld [smem:$0x3F99];
	s0 =	simm.s32 @p0 $0x1  }
0x13: {  	[smem:$0x3FB4] =	sst s0;
	s0 =	simm.s32 @!p1 $0x0  }
0x14: {  	s2 =	sld [smem:$0x3F98];
	s0 =	simm.s32 @p1 $0x1  }
0x15: {  	[smem:$0x3FB5] =	sst s0;
	s0 =	simm.s32 @!p2 $0x0  }
0x16: {  	s3 =	sld [smem:$0x3FDB];
	s0 =	simm.s32 @p2 $0x1  }
0x17: {  	s4 =	simm.s32 $0x1BF5;
	[smem:$0x3FB7] =	sst s0  }
0x18: {  	s0 =	sld [smem:$0x3F9A];
	_ =	swait.ge [sflag:s4], $0x0  }
0x19: {  	s7 =	sld [smem:$0x3F9B]  }
0x1a: {  	s8 =	sadd.s32 $0xFFFFE003, lr  }
0x1b: {  	s9 =	sadd.s32 $0xFFFFFEF7, lr;
	s5 =	simm.s32 $0xFFFFFFFF;
	p2 =	slt.u32 s8, $0xFFFFF086  }
0x1c: {  	p1 =	slt.u32 s9, $0xF7A;
	s5 =	simm.s32 @!p2 $0x0  }
0x1d: {  	s5 =	simm.s32 @p1 $0x1;
	p0 =	seq.s32 s7, s2  }
0x1e: {  	s7 =	smul.u32 @!p0 $0xF7A, s2;
	p2 =	seq.s32 @!p0 s5, $0x0  }
0x1f: {  	s9 =	smul.u32 $0xF7A, s1;
	s8 =	simm.s32 @!p0 $0x1BF5;
	p2 =	por !p2, p0  }
0x20: {  	[sflag:s8] =	ssyncset.s32 @!p0 $0xFFFFF086;
	s6 =	sadd.s32 @!p0 s3, s7;
	s7 =	simm.s32 @!p0 $0x108  }
0x21: {  	s3 =	sadd.s32 s3, s9;
	s6 =	sadd.s32 @!p0 $0x88, s6;
	s7 =	simm.s32 @p2 $0x1082  }
0x22: {  	[simem:s7], [sflag:s8] =	dma.local @!p0 [hbm:s6], $0xF7A  }
0x23: {  	s9 =	sor.u32 $0xD0000000, s2;
	s6 =	simm.s32 $0x108;
	_ =	swait.ge @!p0 [sflag:s8], $0x0  }
0x24: {  	s3 =	sadd.s32 $0x88, s3;
	s6 =	simm.s32 @!p1 $0x1082;
	[sflag:s4] =	ssyncset.s32 $0xFFFFF086  }
0x25: {  	[simem:s6], [sflag:s4] =	dma.local [hbm:s3], $0xF7A  }
0x26: {  	[smem:$0x3F9B] =	sst s1;
	(tag) =	ssettag s2;
	_ =	strace s9  }
0x27: {  	s1 =	sld [smem:$0x3FAB]  }
0x28: {  	s2 =	sld [smem:$0x3FAC]  }
0x29: {  	s4 =	sld [smem:$0x3FAE]  }
0x2a: {  	p0 =	seq.s32 s5, $0x0;
	s5 =	sld [smem:$0x3FAF]  }
0x2b: {  	s6 =	sld [smem:$0x3FB0]  }
0x2c: {  	s7 =	sld [smem:$0x3FB1]  }
0x2d: {  	s3 =	simm.s32 $0x108;
	s8 =	sld [smem:$0x3FB2]  }
0x2e: {  	s3 =	simm.s32 @!p0 $0x1082;
	s9 =	sld [smem:$0x3FB3]  }
0x2f: {  	lr =	sadd.s32 s0, s3;
	s0 =	sld [smem:$0x3FAA]  }
0x30: {  	s3 =	sld [smem:$0x3FAD]  }
0x31: {  	[smem:$0x3FB6] =	sst s10  }
0x32: {  	s10 =	sld [smem:$0x3FB4];
	_ =	sdelay $0x3  }
0x33: {  	p0 =	seq.s32 s10, $0x1;
	s10 =	sld [smem:$0x3FB6];
	_ =	sdelay $0x3  }
0x34: {  	[smem:$0x3FB6] =	sst s10  }
0x35: {  	s10 =	sld [smem:$0x3FB5];
	_ =	sdelay $0x3  }
0x36: {  	p1 =	seq.s32 s10, $0x1;
	s10 =	sld [smem:$0x3FB6];
	_ =	sdelay $0x3  }
0x37: {  	[smem:$0x3FB6] =	sst s10  }
0x38: {  	s10 =	sld [smem:$0x3FB7]  }
0x39: {  	_ = 	snop;
	(pc) =	sbr.ind lr, $3  }
0x3a: {  	_ = 	snop  }
0x3b: {  	_ = 	snop  }
0x3c: {  	p2 =	seq.s32 s10, $0x1;
	s10 =	sld [smem:$0x3FB6]  }
0x3d: {  	_ =	shalt  }
0x3e: {  	_ =	shalt  }
0x3f: {  	_ =	shalt  }
0x40: {  	_ =	shalt  }
0x41: {  	_ =	shalt  }
0x42: {  	_ =	shalt  }
0x43: {  	_ =	shalt  }
0x44: {  	_ =	shalt  }
0x45: {  	_ =	shalt  }
0x46: {  	_ =	shalt  }
0x47: {  	_ =	shalt  }
0x48: {  	_ =	shalt  }
0x49: {  	_ =	shalt  }
0x4a: {  	_ =	shalt  }
0x4b: {  	_ =	shalt  }
0x4c: {  	_ =	shalt  }
0x4d: {  	_ =	shalt  }
0x4e: {  	_ =	shalt  }
0x4f: {  	_ =	shalt  }
0x50: {  	_ =	shalt  }
0x51: {  	_ =	shalt  }
0x52: {  	_ =	shalt  }
0x53: {  	_ =	shalt  }
0x54: {  	_ =	shalt  }
0x55: {  	_ =	shalt  }
0x56: {  	_ =	shalt  }
0x57: {  	_ =	shalt  }
0x58: {  	_ =	shalt  }
0x59: {  	_ =	shalt  }
0x5a: {  	_ =	shalt  }
0x5b: {  	_ =	shalt  }
0x5c: {  	_ =	shalt  }
0x5d: {  	_ =	shalt  }
0x5e: {  	_ =	shalt  }
0x5f: {  	_ =	shalt  }
0x60: {  	_ =	shalt  }
0x61: {  	_ =	shalt  }
0x62: {  	_ =	shalt  }
0x63: {  	_ =	shalt  }
0x64: {  	_ =	shalt  }
0x65: {  	_ =	shalt  }
0x66: {  	_ =	shalt  }
0x67: {  	_ =	shalt  }
0x68: {  	_ =	shalt  }
0x69: {  	_ =	shalt  }
0x6a: {  	_ =	shalt  }
0x6b: {  	_ =	shalt  }
0x6c: {  	_ =	shalt  }
0x6d: {  	_ =	shalt  }
0x6e: {  	_ =	shalt  }
0x6f: {  	_ =	shalt  }
0x70: {  	_ =	shalt  }
0x71: {  	_ =	shalt  }
0x72: {  	_ =	shalt  }
0x73: {  	_ =	shalt  }
0x74: {  	_ =	shalt  }
0x75: {  	_ =	shalt  }
0x76: {  	_ =	shalt  }
0x77: {  	_ =	shalt  }
0x78: {  	_ =	shalt  }
0x79: {  	_ =	shalt  }
0x7a: {  	_ =	shalt  }
0x7b: {  	_ =	shalt  }
0x7c: {  	_ =	shalt  }
0x7d: {  	_ =	shalt  }
0x7e: {  	_ =	shalt  }
0x7f: {  	_ =	shalt  }
0x80: {  	_ =	shalt  }
0x81: {  	_ =	shalt  }
0x82: {  	_ =	shalt  }
0x83: {  	_ =	shalt  }
0x84: {  	_ =	shalt  }
0x85: {  	_ =	shalt  }
0x86: {  	_ =	shalt  }
0x87: {  	_ =	shalt  }
.Lfunc_end0:
.L_simem_size_0:
called_computation_lowered:
.L_overlay_start_0:
0x88: {  	s2 =	sld [smem:$0x3FD9]  }
0x89: {  	s3 =	sld [smem:$0x3FFE];
	_ =	sdelay $0x1  }
0x8a: {  	s1 =	srdreg.scid  }
0x8b: {  	s0 =	sand.u32 $0x1, s1  }
0x8c: {  	s16 =	sshll.u32 s0, $0xA;
	s2 =	sadd.s32 s3, s2  }
0x8d: {  	s2 =	sadd.s32 s2, s16  }
0x8e: {  	[smem:$0x3FC2] =	sst s2  }
0x8f: {  	_ = 	snop  }
0x90: {  	(tm) =	ssettm $0x1  }
0x91: {  	s17 =	sld [smem:$0x3FFB];
	_ =	sdelay $0x3  }
0x92: {  	_ =	strace s17  }
0x93: {  	s2 =	sld [smem:$0x3FFC];
	_ =	sdelay $0x3  }
0x94: {  	_ =	strace s2  }
0x95: {  	s2 =	sld [smem:$0x3FFD];
	_ =	sdelay $0x3  }
0x96: {  	_ =	strace s2  }
0x97: {  	_ =	strace $0x8FFFFFFF  }
0x98: {  	s18 =	sld [smem:$0x3FDB];
	_ =	sdelay $0x1  }
0x99: {  	s19 =	simm.s32 $_scs_section_size  }
0x9a: {  	s4 =	simm.s32 $_size__tile_overlayer_lowered;
	s5 =	simm.s32 $_tile_overlayer_lowered  }
0x9b: {  	s22 =	simm.s32 $0x1BFF;
	s21 =	sshll.u32 s5, $0x1;
	s2 =	sadd.s32 s19, s18  }
0x9c: {  	s6 =	simm.s32 $0x0;
	s20 =	sshll.u32 s4, $0x1;
	s4 =	sadd.s32 s21, s2  }
0x9d: {  	[timem:s6], [sflag:s22] =	dma.local [hbm:s4], s20  }
0x9e: {  	_ =	swait.ge [sflag:s22], s20  }
0x9f: {  	s3 =	ssub.s32 $0x0, s20;
	[sflag:s22] =	ssyncset.done $0x0  }
0xa0: {  	[sflag:s22] =	ssyncadd.s32 s3;
	_ =	sdelay $0x1  }
0xa1: {  	s23 =	simm.s32 $0x1B8B  }
0xa2: {  	_ =	swait.ge [sflag:s23], $0x1  }
0xa3: {  	[sflag:s23] =	ssyncset.done $0x0  }
0xa4: {  	s25 =	simm.s32 $0x1B8E;
	s24 =	sld [smem:$0x3FFE];
	[sflag:s23] =	ssyncadd.s32 $0xFFFFFFFF  }
0xa5: {  	s26 =	simm.s32 $execute0_lowered;
	[smem:$0x3FD2] =	sst s25  }
0xa6: {  	s4 =	sshll.u32 s26, $0x1;
	_ =	strace $0x80000046;
	[dreg:$0x1] =	wrdreg $0xFFFFFFFF  }
0xa7: {  	s28 =	simm.s32 $_size_execute0_lowered;
	s2 =	sadd.s32 s2, s4;
	[dreg:$0x0] =	wrdreg $0x0  }
0xa8: {  	s4 =	sshll.u32 s28, $0x1;
	[dreg:$0x2] =	wrdreg s2  }
0xa9: {  	[dreg:$0x3] =	wrdreg s4  }
0xaa: {  	[dreg:$0x4] =	wrdreg $0xC0  }
0xab: {  	_ =	task [dreg:s6], $0x5FFFF  }
0xac: {  	[dreg:$0x1] =	wrdreg $0xFFFFFFFF  }
0xad: {  	[dreg:$0x0] =	wrdreg $0x60  }
0xae: {  	[dreg:$0x2] =	wrdreg s24  }
0xaf: {  	[dreg:$0x3] =	wrdreg $0x31000  }
0xb0: {  	[dreg:$0x4] =	wrdreg $0x9  }
0xb1: {  	_ =	task.clear_ibuf [dreg:s6], $0x5FFFF;
	_ =	strace $0x90000046  }
0xb2: {  	s29 =	simm.s32 $0x9;
	_ =	strace $0x80000048  }
0xb3: {  	_ =	swait.ge [sflag:s29], $0x1  }
0xb4: {  	[sflag:s29] =	ssyncadd.s32 $0xFFFFFFFF  }
0xb5: {  	_ =	strace $0x90000048  }
0xb6: {  	_ =	sfence  }
0xb7: {  	s30 =	sld [smem:$0x0];
	_ =	sdelay $0x2  }
0xb8: {  	s31 =	sshll.u32 s1, $0xD;
	s1 =	sshrl.u32 s1, $0x2  }
0xb9: {  	s3 =	sand.u32 $0x4000, s31;
	s1 =	sadd.s32 s1, s30  }
0xba: {  	s0 =	sor.u32 s3, s0;
	s1 =	sshll.u32 s1, $0x11  }
0xbb: {  	s0 =	sor.u32 s1, s0  }
0xbc: {  	s0 =	sadd.s32 $0x8F2B, s0  }
0xbd: {  	[sflag:s0] =	ssyncadd.remote.s32 $0x1  }
0xbe: {  	_ =	sfence.sel $0xFFFF  }
0xbf: {  	[dreg:$0x0] =	wrdreg $0xFFFFFFFF;
	(pc) =	sbr.abs _section_cstart, $3  }
0xc0: {  	[dreg:$0x1] =	wrdreg $0xFFFFFFFF  }
0xc1: {  	_ =	task.clear_ibuf [dreg:s6], $0x2FFFF;
	_ =	strace $0x9FFFFFFF  }
0xc2: {  	(tm) =	ssettm $0x7FFFFFFF  }
0xc3: {  	_ =	shalt  }
tec
execute0_lowered:
.L_overlay_start_1:
0x0: {  	(tag) =	ssettag $0x1  }
0x1: {  	s0 =	rddreg [dreg:$0x0]  }
0x2: {  	s1 =	srdreg.scid;
	s10 =	stileid.u32  }
0x3: {  	s5 =	rddreg [dreg:$0x1];
	s2 =	simm.s32 $0x0;
	s28 =	simm.s32 $0x200  }
0x4: {  	s29 =	simm.s32 $0x1;
	s30 =	simm.s32 $0x400;
	s31 =	simm.s32 $0x2  }
0x5: {  	s1 =	sand.u32 $0x1, s1;
	s3 =	smul.u32 $0x500, s10;
	s6 =	sshll.u32 s10, $0x1  }
0x6: {  	[smem:$0x7FF] =	sst s2;
	s21 =	sshrl.u32 s10, $0x3;
	s23 =	smul.u32 $0x5000, s10  }
0x7: {  	s10 =	sshll.u32 s10, $0x7;
	s4 =	sshll.u32 s1, $0x7;
	s19 =	sor.u32 s1, s6  }
0x8: {  	_ =	strace $0x80000047;
	s1 =	ssub.s32 $0x2, s1;
	s9 =	smul.u32 $0x50000, s21  }
0x9: {  	s10 =	sand.u32 $0x380, s10;
	s3 =	sor.u32 s4, s3;
	s7 =	smul.u32 $0x2710, s19  }
0xa: {  	s8 =	sshrl.u32 s1, $0x1;
	s20 =	sshrl.u32 s3, $0x3;
	s3 =	sadd.s32 $0x2800, s0  }
0xb: {  	s1 =	ssub.s32 s1, s8;
	s9 =	sshrl.u32 s9, $0x2;
	s8 =	sshrl.u32 s23, $0x2  }
0xc: {  	s0 =	sadd.s32 s20, s0;
	s4 =	sshrl.u32 s7, $0x3;
	s9 =	sadd.s32 s9, s5  }
0xd: {  	s6 =	sadd.s32 $0x320, s7;
	s4 =	sadd.s32 s3, s4;
	s9 =	sadd.s32 s10, s9  }
0xe: {  	s7 =	sadd.s32 $0x4B0, s7;
	s22 =	sadd.s32 $0x32, s4;
	[dreg:$0x4] =	wrdreg s9  }
0xf: {  	s9 =	sadd.s32 s8, s5;
	s8 =	simm.s32 $0x0;
	[dreg:$0x3] =	wrdreg s22  }
0x10: {  	v1 =	vimm.s32 $0xEDCBA987;
	s5 =	sadd.s32 $0x180, s9;
	s24 =	sadd.s32 $0x200, s9;
	s25 =	sadd.s32 $0x280, s9  }
0x11: {  	v0 =	vimm.s32 $0x65432100;
	v1 =	vunpack.c.l.s4.s8 v1;
	s26 =	sadd.s32 $0x80, s9;
	s14 =	sadd.s32 $0x300, s9;
	s15 =	sadd.s32 $0x380, s9  }
0x12: {  	v2 =	vimm.s32 $0xFFEDCBA9;
	v3 =	vimm.s32 $0x87654321;
	v0 =	vunpack.c.l.s4.s8 v0;
	s16 =	sadd.s32 $0x100, s9;
	s17 =	sadd.s32 $0x14000, s9;
	[dreg:$0x5] =	wrdreg s5  }
0x13: {  	v2 =	vunpack.c.l.s4.s8 v2;
	v3 =	vunpack.c.l.s4.s8 v3;
	v1 =	vunpack.c.0.s8.s32 v1;
	s18 =	sadd.s32 $0x14080, s9;
	s19 =	sadd.s32 $0x14100, s9;
	[dreg:$0x6] =	wrdreg s24  }
0x14: {  	vm0 =	vcmask $0x3F3C;
	v4 =	vunpack.c.0.s8.s32 v0;
	s20 =	sadd.s32 $0x14180, s9;
	s21 =	sadd.s32 $0x14200, s9;
	[dreg:$0x7] =	wrdreg s25  }
0x15: {  	v2 =	vunpack.c.0.s8.s32 v2;
	v3 =	vunpack.c.0.s8.s32 v3;
	v1 =	vand.u32 $0xF, v1;
	s22 =	sadd.s32 $0x14280, s9;
	s23 =	sadd.s32 $0x14300, s9;
	[dreg:$0x8] =	wrdreg s26  }
0x16: {  	v0 =	vimm.f32 $0.0e+00;
	v1 =	vcombine.low v4, v1;
	v4 =	vlaneseq.u32;
	s24 =	sadd.s32 $0xC600, s0;
	s25 =	smax.u32 s1, $0x1;
	s26 =	sadd.s32 $0x14380, s9  }
0x17: {  	v2 =	vcombine.low v3, v2;
	v3 =	vor.u32 $0x80000000, v4;
	v4 =	vadd.s32 $0x1, v4;
	s1 =	simm.s32 $0x80;
	s0 =	simm.s32 $0x3;
	s5 =	simm.s32 $0x2E80  }
.LBB2_1:
0x18: {  	s10 =	simm.s32 $0x40;
	s11 =	simm.s32 $0x0  }
.LBB2_2:
0x19: {  	p0 =	sne.s32 s10, $0x9FC0;
	[tilespmem:s11+$0x400] =	vst v0;
	s11 =	smov.u32 s10;
	s10 =	sadd.s32 $0x40, s10  }
.Ltmp0:
0x1a: {  	(pc) =	sbr.rel @p0 .LBB2_2-.Ltmp0, $2  }
0x1b: {  	_ =	sdelay $0x2  }
0x1c: {  	s11 =	sshra.s32 s11, $0x2  }
0x1d: {  	[tilespmem:s11+$0x400] =	vst v0;
	s10 =	simm.s32 $0x0  }
0x1e: {  	[tilespmem:s10], [sflag:$0x1] =	stream.linear.gather [hbm4b:s4+s10], $0x190, $0x38;
	[tilespmem:$0x5900] =	vst v63  }
0x1f: {  	s13 =	rddreg [dreg:$0x3]  }
0x20: {  	[tilespmem:s28], [sflag:$0x2] =	stream.linear.gather [hbm4b:s13+s10], $0x190, $0x38;
	[tilespmem:$0x5900] =	vst v63  }
.LBB2_4:
0x21: {  	_ =	swait.ge [sflag:s29], $0x190  }
0x22: {  	[sflag:s29] =	ssyncset.done $0x0  }
0x23: {  	s12 =	simm.s32 $0x0;
	s11 =	simm.s32 $0x40;
	[sflag:s29] =	ssyncadd.s32 $0xFFFFFE70  }
.LBB2_5:
0x24: {  	p0 =	sne.s32 s11, $0x600;
	v5 =	vld [tilespmem:s12+$0x0];
	_ =	sdelay $0x4  }
0x25: {  	v6 =	vxor.u32 $0x80000000, v5  }
0x26: {  	(xrf1) =	vsort.ascd.msk.u32 $0xffff, v6, v5;
	_ =	sdelay $0xd  }
0x27: {  	v5, _, _ =	vpop (xrf1)  }
0x28: {  	v5 =	vxor.u32 $0x80000000, v5  }
0x29: {  	v6 =	vperm.xlane v5, v1;
	_ =	sdelay $0x1  }
0x2a: {  	vm1 =	veq.s32 v5, v6  }
0x2b: {  	v6 =	vsel vm1, $0x80000000, v3  }
0x2c: {  	(xrf0) =	vmax.scan.msk.u32 $0xffff, v6;
	_ =	sdelay $0x1  }
0x2d: {  	v6 =	vperm.xlane v5, v2;
	_ =	sdelay $0x1  }
0x2e: {  	vm1 =	vne.s32 v5, v6  }
0x2f: {  	vm1 =	vmor vm1, vm0  }
0x30: {  	v6, _, _ =	vpop (xrf0)  }
.Ltmp1:
0x31: {  	v6 =	vxor.u32 $0x80000000, v6;
	(pc) =	sbr.rel @p0 .LBB2_5-.Ltmp1, $3  }
0x32: {  	v6 =	vsub.s32 v4, v6  }
0x33: {  	v6 =	vcvt.s32.f32 v6;
	_ =	sdelay $0x1  }
0x34: {  	s12 =	sshra.s32 s11, $0x2;
	s11 =	sadd.s32 $0x40, s11;
	[tilespmem:v5+s30+$0x0] =	vst.idx.add.f32.msk vm1, v6  }
0x35: {  	v5 =	vld [tilespmem:s12+$0x0];
	_ =	sdelay $0x4  }
0x36: {  	v6 =	vxor.u32 $0x80000000, v5  }
0x37: {  	(xrf1) =	vsort.ascd.msk.u32 $0xffff, v6, v5;
	_ =	sdelay $0xd  }
0x38: {  	v5, _, _ =	vpop (xrf1)  }
0x39: {  	v5 =	vxor.u32 $0x80000000, v5  }
0x3a: {  	v6 =	vperm.xlane v5, v1;
	_ =	sdelay $0x1  }
0x3b: {  	vm1 =	veq.s32 v5, v6  }
0x3c: {  	v6 =	vsel vm1, $0x80000000, v3  }
0x3d: {  	(xrf0) =	vmax.scan.msk.u32 $0xffff, v6;
	_ =	sdelay $0x1  }
0x3e: {  	v6 =	vperm.xlane v5, v2;
	_ =	sdelay $0x1  }
0x3f: {  	vm1 =	vne.s32 v5, v6  }
0x40: {  	vm1 =	vmor vm1, vm0  }
0x41: {  	v6, _, _ =	vpop (xrf0)  }
0x42: {  	s11 =	smul.u32 $0x320, s10;
	v6 =	vxor.u32 $0x80000000, v6  }
0x43: {  	v6 =	vsub.s32 v4, v6  }
0x44: {  	s13 =	sadd.s32 s11, s6;
	v6 =	vcvt.s32.f32 v6  }
0x45: {  	s12 =	sshrl.u32 s13, $0x3  }
0x46: {  	s13 =	simm.s32 $0x0;
	s12 =	sadd.s32 s3, s12;
	[tilespmem:v5+s30+$0x0] =	vst.idx.add.f32.msk vm1, v6  }
0x47: {  	[tilespmem:s13], [sflag:$0x1] =	stream.linear.gather [hbm4b:s12+s13], $0x190, $0x38;
	[tilespmem:$0x5900] =	vst v63  }
0x48: {  	_ =	swait.ge [sflag:s31], $0x190  }
0x49: {  	[sflag:s31] =	ssyncset.done $0x0  }
0x4a: {  	s13 =	simm.s32 $0x0;
	s12 =	simm.s32 $0x40;
	[sflag:s31] =	ssyncadd.s32 $0xFFFFFE70  }
.LBB2_7:
0x4b: {  	p0 =	sne.s32 s12, $0x600;
	v5 =	vld [tilespmem:s13+$0x200];
	_ =	sdelay $0x4  }
0x4c: {  	v6 =	vxor.u32 $0x80000000, v5  }
0x4d: {  	(xrf1) =	vsort.ascd.msk.u32 $0xffff, v6, v5;
	_ =	sdelay $0xd  }
0x4e: {  	v5, _, _ =	vpop (xrf1)  }
0x4f: {  	v5 =	vxor.u32 $0x80000000, v5  }
0x50: {  	v6 =	vperm.xlane v5, v1;
	_ =	sdelay $0x1  }
0x51: {  	vm1 =	veq.s32 v5, v6  }
0x52: {  	v6 =	vsel vm1, $0x80000000, v3  }
0x53: {  	(xrf0) =	vmax.scan.msk.u32 $0xffff, v6;
	_ =	sdelay $0x1  }
0x54: {  	v6 =	vperm.xlane v5, v2;
	_ =	sdelay $0x1  }
0x55: {  	vm1 =	vne.s32 v5, v6  }
0x56: {  	vm1 =	vmor vm1, vm0  }
0x57: {  	v6, _, _ =	vpop (xrf0)  }
.Ltmp2:
0x58: {  	v6 =	vxor.u32 $0x80000000, v6;
	(pc) =	sbr.rel @p0 .LBB2_7-.Ltmp2, $3  }
0x59: {  	v6 =	vsub.s32 v4, v6  }
0x5a: {  	v6 =	vcvt.s32.f32 v6;
	_ =	sdelay $0x1  }
0x5b: {  	s13 =	sshra.s32 s12, $0x2;
	s12 =	sadd.s32 $0x40, s12;
	[tilespmem:v5+s30+$0x0] =	vst.idx.add.f32.msk vm1, v6  }
0x5c: {  	v5 =	vld [tilespmem:s13+$0x200];
	_ =	sdelay $0x4  }
0x5d: {  	v6 =	vxor.u32 $0x80000000, v5  }
0x5e: {  	(xrf1) =	vsort.ascd.msk.u32 $0xffff, v6, v5;
	_ =	sdelay $0xd  }
0x5f: {  	v5, _, _ =	vpop (xrf1)  }
0x60: {  	v5 =	vxor.u32 $0x80000000, v5  }
0x61: {  	v6 =	vperm.xlane v5, v1;
	_ =	sdelay $0x1  }
0x62: {  	vm1 =	veq.s32 v5, v6  }
0x63: {  	v6 =	vsel vm1, $0x80000000, v3  }
0x64: {  	(xrf0) =	vmax.scan.msk.u32 $0xffff, v6;
	_ =	sdelay $0x1  }
0x65: {  	v6 =	vperm.xlane v5, v2;
	_ =	sdelay $0x1  }
0x66: {  	vm1 =	vne.s32 v5, v6  }
0x67: {  	vm1 =	vmor vm1, vm0  }
0x68: {  	p0 =	seq.s32 s10, $0xB;
	v6, _, _ =	vpop (xrf0)  }
.Ltmp3:
0x69: {  	v6 =	vxor.u32 $0x80000000, v6;
	(pc) =	sbr.rel @p0 .LBB2_10-.Ltmp3, $3  }
0x6a: {  	v6 =	vsub.s32 v4, v6  }
0x6b: {  	v6 =	vcvt.s32.f32 v6;
	_ =	sdelay $0x1  }
0x6c: {  	[tilespmem:v5+s30+$0x0] =	vst.idx.add.f32.msk vm1, v6  }
.Ltmp4:
0x6d: {  	(pc) =	sbr.rel .LBB2_4-.Ltmp4, $4  }
0x6e: {  	s11 =	sadd.s32 s11, s7  }
0x6f: {  	s11 =	sshrl.u32 s11, $0x3  }
0x70: {  	s10 =	sadd.s32 $0x1, s10;
	s11 =	sadd.s32 s3, s11  }
0x71: {  	[tilespmem:s28], [sflag:$0x2] =	stream.linear.gather [hbm4b:s11+s2], $0x190, $0x38;
	[tilespmem:$0x5900] =	vst v63  }
.LBB2_10:
0x72: {  	_ =	swait.ge [sflag:s29], $0x190  }
0x73: {  	[sflag:s29] =	ssyncset.done $0x0  }
0x74: {  	s11 =	simm.s32 $0x0;
	s10 =	simm.s32 $0x40;
	[sflag:s29] =	ssyncadd.s32 $0xFFFFFE70  }
.LBB2_11:
0x75: {  	p0 =	sne.s32 s10, $0x600;
	v5 =	vld [tilespmem:s11+$0x0];
	_ =	sdelay $0x4  }
0x76: {  	v6 =	vxor.u32 $0x80000000, v5  }
0x77: {  	(xrf1) =	vsort.ascd.msk.u32 $0xffff, v6, v5;
	_ =	sdelay $0xd  }
0x78: {  	v5, _, _ =	vpop (xrf1)  }
0x79: {  	v5 =	vxor.u32 $0x80000000, v5  }
0x7a: {  	v6 =	vperm.xlane v5, v1;
	_ =	sdelay $0x1  }
0x7b: {  	vm1 =	veq.s32 v5, v6  }
0x7c: {  	v6 =	vsel vm1, $0x80000000, v3  }
0x7d: {  	(xrf0) =	vmax.scan.msk.u32 $0xffff, v6;
	_ =	sdelay $0x1  }
0x7e: {  	v6 =	vperm.xlane v5, v2;
	_ =	sdelay $0x1  }
0x7f: {  	vm1 =	vne.s32 v5, v6  }
0x80: {  	vm1 =	vmor vm1, vm0  }
0x81: {  	v6, _, _ =	vpop (xrf0)  }
.Ltmp5:
0x82: {  	v6 =	vxor.u32 $0x80000000, v6;
	(pc) =	sbr.rel @p0 .LBB2_11-.Ltmp5, $3  }
0x83: {  	v6 =	vsub.s32 v4, v6  }
0x84: {  	v6 =	vcvt.s32.f32 v6;
	_ =	sdelay $0x1  }
0x85: {  	s11 =	sshra.s32 s10, $0x2;
	s10 =	sadd.s32 $0x40, s10;
	[tilespmem:v5+s30+$0x0] =	vst.idx.add.f32.msk vm1, v6  }
0x86: {  	v5 =	vld [tilespmem:s11+$0x0];
	_ =	sdelay $0x4  }
0x87: {  	v6 =	vxor.u32 $0x80000000, v5  }
0x88: {  	(xrf1) =	vsort.ascd.msk.u32 $0xffff, v6, v5;
	_ =	sdelay $0xd  }
0x89: {  	v5, _, _ =	vpop (xrf1)  }
0x8a: {  	v5 =	vxor.u32 $0x80000000, v5  }
0x8b: {  	v6 =	vperm.xlane v5, v1;
	_ =	sdelay $0x1  }
0x8c: {  	vm1 =	veq.s32 v5, v6  }
0x8d: {  	v6 =	vsel vm1, $0x80000000, v3  }
0x8e: {  	(xrf0) =	vmax.scan.msk.u32 $0xffff, v6;
	_ =	sdelay $0x1  }
0x8f: {  	v6 =	vperm.xlane v5, v2;
	_ =	sdelay $0x1  }
0x90: {  	vm1 =	vne.s32 v5, v6  }
0x91: {  	vm1 =	vmor vm1, vm0  }
0x92: {  	v6, _, _ =	vpop (xrf0)  }
0x93: {  	v6 =	vxor.u32 $0x80000000, v6  }
0x94: {  	v6 =	vsub.s32 v4, v6  }
0x95: {  	v6 =	vcvt.s32.f32 v6;
	_ =	sdelay $0x1  }
0x96: {  	s10 =	rddreg [dreg:$0x4];
	[tilespmem:v5+s30+$0x0] =	vst.idx.add.f32.msk vm1, v6  }
0x97: {  	[spmem:s10] =	stream.strided.scatter [tilespmem:s30], [sflag:$0x3], $0x2800, s30, s1, $0x38;
	[tilespmem:$0x5900] =	vst v63  }
0x98: {  	_ =	swait.ge [sflag:s0], $0x2800  }
0x99: {  	[sflag:s0] =	ssyncset.done $0x0  }
0x9a: {  	[sflag:s0] =	ssyncadd.s32 $0xFFFFD800  }
0x9b: {  	[bflag:$0x0] =	sbarrier.arrive $0xFFFF  }
0x9c: {  	[tilespmem:$0x2C00] =	vst v0  }
0x9d: {  	[tilespmem:$0x2C10] =	vst v0  }
0x9e: {  	[tilespmem:$0x2C20] =	vst v0  }
0x9f: {  	[tilespmem:$0x2C30] =	vst v0  }
0xa0: {  	[tilespmem:$0x2C40] =	vst v0  }
0xa1: {  	[tilespmem:$0x2C50] =	vst v0  }
0xa2: {  	[tilespmem:$0x2C60] =	vst v0  }
0xa3: {  	[tilespmem:$0x2C70] =	vst v0  }
0xa4: {  	[tilespmem:$0x2C80] =	vst v0  }
0xa5: {  	[tilespmem:$0x2C90] =	vst v0  }
0xa6: {  	[tilespmem:$0x2CA0] =	vst v0  }
0xa7: {  	[tilespmem:$0x2CB0] =	vst v0  }
0xa8: {  	[tilespmem:$0x2CC0] =	vst v0  }
0xa9: {  	[tilespmem:$0x2CD0] =	vst v0  }
0xaa: {  	[tilespmem:$0x2CE0] =	vst v0  }
0xab: {  	[tilespmem:$0x2CF0] =	vst v0  }
0xac: {  	[tilespmem:$0x2D00] =	vst v0  }
0xad: {  	[tilespmem:$0x2D10] =	vst v0  }
0xae: {  	[tilespmem:$0x2D20] =	vst v0  }
0xaf: {  	[tilespmem:$0x2D30] =	vst v0  }
0xb0: {  	[tilespmem:$0x2D40] =	vst v0  }
0xb1: {  	[tilespmem:$0x2D50] =	vst v0  }
0xb2: {  	[tilespmem:$0x2D60] =	vst v0  }
0xb3: {  	[tilespmem:$0x2D70] =	vst v0  }
0xb4: {  	[tilespmem:$0x2D80] =	vst v0  }
0xb5: {  	[tilespmem:$0x2D90] =	vst v0  }
0xb6: {  	[tilespmem:$0x2DA0] =	vst v0  }
0xb7: {  	[tilespmem:$0x2DB0] =	vst v0  }
0xb8: {  	[tilespmem:$0x2DC0] =	vst v0  }
0xb9: {  	[tilespmem:$0x2DD0] =	vst v0  }
0xba: {  	[tilespmem:$0x2DE0] =	vst v0  }
0xbb: {  	[tilespmem:$0x2DF0] =	vst v0  }
0xbc: {  	[tilespmem:$0x2E00] =	vst v0  }
0xbd: {  	[tilespmem:$0x2E10] =	vst v0  }
0xbe: {  	[tilespmem:$0x2E20] =	vst v0  }
0xbf: {  	[tilespmem:$0x2E30] =	vst v0  }
0xc0: {  	[tilespmem:$0x2E40] =	vst v0  }
0xc1: {  	[tilespmem:$0x2E50] =	vst v0  }
0xc2: {  	[tilespmem:$0x2E60] =	vst v0  }
0xc3: {  	[tilespmem:$0x2E70] =	vst v0  }
0xc4: {  	[tilespmem:s5], [sflag:$0x3] =	stream.strided.gather [spmem:s9], $0x280, s30, s1, $0x38;
	[tilespmem:$0x5900] =	vst v63  }
0xc5: {  	_ =	swait.ge [sflag:s0], $0x280  }
0xc6: {  	[sflag:s0] =	ssyncset.done $0x0  }
0xc7: {  	s10 =	simm.s32 $0x0;
	[sflag:s0] =	ssyncadd.s32 $0xFFFFFD80  }
0xc8: {  	s11 =	simm.s32 $0x40;
	v5 =	vld [tilespmem:s10+$0x2E80]  }
.LBB2_13:
0xc9: {  	p0 =	sne.s32 s11, $0x9C0;
	v6 =	vld [tilespmem:s10+$0x2C00];
	_ =	sdelay $0x2  }
.Ltmp6:
0xca: {  	(pc) =	sbr.rel @p0 .LBB2_13-.Ltmp6, $4  }
0xcb: {  	_ = 	snop  }
0xcc: {  	v6 =	vadd.f32 v5, v6  }
0xcd: {  	s12 =	sshra.s32 s11, $0x2  }
0xce: {  	s11 =	sadd.s32 $0x40, s11;
	v5 =	vld [tilespmem:s12+$0x2E80];
	[tilespmem:s10+$0x2C00] =	vst v6;
	s10 =	smov.u32 s12  }
0xcf: {  	v6 =	vld [tilespmem:s10+$0x2C00];
	_ =	sdelay $0x4  }
0xd0: {  	v5 =	vadd.f32 v5, v6;
	_ =	sdelay $0x1  }
0xd1: {  	s13 =	rddreg [dreg:$0x8];
	[tilespmem:s10+$0x2C00] =	vst v5  }
0xd2: {  	[tilespmem:s5], [sflag:$0x3] =	stream.strided.gather [spmem:s13], $0x280, s30, s1, $0x38;
	[tilespmem:$0x5900] =	vst v63  }
0xd3: {  	_ =	swait.ge [sflag:s0], $0x280  }
0xd4: {  	[sflag:s0] =	ssyncset.done $0x0  }
0xd5: {  	s10 =	simm.s32 $0x0;
	[sflag:s0] =	ssyncadd.s32 $0xFFFFFD80  }
0xd6: {  	s11 =	simm.s32 $0x40;
	v5 =	vld [tilespmem:s10+$0x2E80]  }
.LBB2_15:
0xd7: {  	p0 =	sne.s32 s11, $0x9C0;
	v6 =	vld [tilespmem:s10+$0x2C00];
	_ =	sdelay $0x2  }
.Ltmp7:
0xd8: {  	(pc) =	sbr.rel @p0 .LBB2_15-.Ltmp7, $4  }
0xd9: {  	_ = 	snop  }
0xda: {  	v6 =	vadd.f32 v5, v6  }
0xdb: {  	s12 =	sshra.s32 s11, $0x2  }
0xdc: {  	s11 =	sadd.s32 $0x40, s11;
	v5 =	vld [tilespmem:s12+$0x2E80];
	[tilespmem:s10+$0x2C00] =	vst v6;
	s10 =	smov.u32 s12  }
0xdd: {  	v6 =	vld [tilespmem:s10+$0x2C00];
	_ =	sdelay $0x4  }
0xde: {  	v5 =	vadd.f32 v5, v6;
	_ =	sdelay $0x1  }
0xdf: {  	[tilespmem:s10+$0x2C00] =	vst v5  }
0xe0: {  	[tilespmem:s5], [sflag:$0x3] =	stream.strided.gather [spmem:s16], $0x280, s30, s1, $0x38;
	[tilespmem:$0x5900] =	vst v63  }
0xe1: {  	_ =	swait.ge [sflag:s0], $0x280  }
0xe2: {  	[sflag:s0] =	ssyncset.done $0x0  }
0xe3: {  	s10 =	simm.s32 $0x0;
	[sflag:s0] =	ssyncadd.s32 $0xFFFFFD80  }
0xe4: {  	s11 =	simm.s32 $0x40;
	v5 =	vld [tilespmem:s10+$0x2E80]  }
.LBB2_17:
0xe5: {  	p0 =	sne.s32 s11, $0x9C0;
	v6 =	vld [tilespmem:s10+$0x2C00];
	_ =	sdelay $0x2  }
.Ltmp8:
0xe6: {  	(pc) =	sbr.rel @p0 .LBB2_17-.Ltmp8, $4  }
0xe7: {  	_ = 	snop  }
0xe8: {  	v6 =	vadd.f32 v5, v6  }
0xe9: {  	s12 =	sshra.s32 s11, $0x2  }
0xea: {  	s11 =	sadd.s32 $0x40, s11;
	v5 =	vld [tilespmem:s12+$0x2E80];
	[tilespmem:s10+$0x2C00] =	vst v6;
	s10 =	smov.u32 s12  }
0xeb: {  	v6 =	vld [tilespmem:s10+$0x2C00];
	_ =	sdelay $0x4  }
0xec: {  	v5 =	vadd.f32 v5, v6;
	_ =	sdelay $0x1  }
0xed: {  	s13 =	rddreg [dreg:$0x5];
	[tilespmem:s10+$0x2C00] =	vst v5  }
0xee: {  	[tilespmem:s5], [sflag:$0x3] =	stream.strided.gather [spmem:s13], $0x280, s30, s1, $0x38;
	[tilespmem:$0x5900] =	vst v63  }
0xef: {  	_ =	swait.ge [sflag:s0], $0x280  }
0xf0: {  	[sflag:s0] =	ssyncset.done $0x0  }
0xf1: {  	s10 =	simm.s32 $0x0;
	[sflag:s0] =	ssyncadd.s32 $0xFFFFFD80  }
0xf2: {  	s11 =	simm.s32 $0x40;
	v5 =	vld [tilespmem:s10+$0x2E80]  }
.LBB2_19:
0xf3: {  	p0 =	sne.s32 s11, $0x9C0;
	v6 =	vld [tilespmem:s10+$0x2C00];
	_ =	sdelay $0x2  }
.Ltmp9:
0xf4: {  	(pc) =	sbr.rel @p0 .LBB2_19-.Ltmp9, $4  }
0xf5: {  	_ = 	snop  }
0xf6: {  	v6 =	vadd.f32 v5, v6  }
0xf7: {  	s12 =	sshra.s32 s11, $0x2  }
0xf8: {  	s11 =	sadd.s32 $0x40, s11;
	v5 =	vld [tilespmem:s12+$0x2E80];
	[tilespmem:s10+$0x2C00] =	vst v6;
	s10 =	smov.u32 s12  }
0xf9: {  	v6 =	vld [tilespmem:s10+$0x2C00];
	_ =	sdelay $0x4  }
0xfa: {  	v5 =	vadd.f32 v5, v6;
	_ =	sdelay $0x1  }
0xfb: {  	s13 =	rddreg [dreg:$0x6];
	[tilespmem:s10+$0x2C00] =	vst v5  }
0xfc: {  	[tilespmem:s5], [sflag:$0x3] =	stream.strided.gather [spmem:s13], $0x280, s30, s1, $0x38;
	[tilespmem:$0x5900] =	vst v63  }
0xfd: {  	_ =	swait.ge [sflag:s0], $0x280  }
0xfe: {  	[sflag:s0] =	ssyncset.done $0x0  }
0xff: {  	s10 =	simm.s32 $0x0;
	[sflag:s0] =	ssyncadd.s32 $0xFFFFFD80  }
0x100: {  	s11 =	simm.s32 $0x40;
	v5 =	vld [tilespmem:s10+$0x2E80]  }
.LBB2_21:
0x101: {  	p0 =	sne.s32 s11, $0x9C0;
	v6 =	vld [tilespmem:s10+$0x2C00];
	_ =	sdelay $0x2  }
.Ltmp10:
0x102: {  	(pc) =	sbr.rel @p0 .LBB2_21-.Ltmp10, $4  }
0x103: {  	_ = 	snop  }
0x104: {  	v6 =	vadd.f32 v5, v6  }
0x105: {  	s12 =	sshra.s32 s11, $0x2  }
0x106: {  	s11 =	sadd.s32 $0x40, s11;
	v5 =	vld [tilespmem:s12+$0x2E80];
	[tilespmem:s10+$0x2C00] =	vst v6;
	s10 =	smov.u32 s12  }
0x107: {  	v6 =	vld [tilespmem:s10+$0x2C00];
	_ =	sdelay $0x4  }
0x108: {  	v5 =	vadd.f32 v5, v6;
	_ =	sdelay $0x1  }
0x109: {  	s13 =	rddreg [dreg:$0x7];
	[tilespmem:s10+$0x2C00] =	vst v5  }
0x10a: {  	[tilespmem:s5], [sflag:$0x3] =	stream.strided.gather [spmem:s13], $0x280, s30, s1, $0x38;
	[tilespmem:$0x5900] =	vst v63  }
0x10b: {  	_ =	swait.ge [sflag:s0], $0x280  }
0x10c: {  	[sflag:s0] =	ssyncset.done $0x0  }
0x10d: {  	s10 =	simm.s32 $0x0;
	[sflag:s0] =	ssyncadd.s32 $0xFFFFFD80  }
0x10e: {  	s11 =	simm.s32 $0x40;
	v5 =	vld [tilespmem:s10+$0x2E80]  }
.LBB2_23:
0x10f: {  	p0 =	sne.s32 s11, $0x9C0;
	v6 =	vld [tilespmem:s10+$0x2C00];
	_ =	sdelay $0x2  }
.Ltmp11:
0x110: {  	(pc) =	sbr.rel @p0 .LBB2_23-.Ltmp11, $4  }
0x111: {  	_ = 	snop  }
0x112: {  	v6 =	vadd.f32 v5, v6  }
0x113: {  	s12 =	sshra.s32 s11, $0x2  }
0x114: {  	s11 =	sadd.s32 $0x40, s11;
	v5 =	vld [tilespmem:s12+$0x2E80];
	[tilespmem:s10+$0x2C00] =	vst v6;
	s10 =	smov.u32 s12  }
0x115: {  	v6 =	vld [tilespmem:s10+$0x2C00];
	_ =	sdelay $0x4  }
0x116: {  	v5 =	vadd.f32 v5, v6;
	_ =	sdelay $0x1  }
0x117: {  	[tilespmem:s10+$0x2C00] =	vst v5  }
0x118: {  	[tilespmem:s5], [sflag:$0x3] =	stream.strided.gather [spmem:s14], $0x280, s30, s1, $0x38;
	[tilespmem:$0x5900] =	vst v63  }
0x119: {  	_ =	swait.ge [sflag:s0], $0x280  }
0x11a: {  	[sflag:s0] =	ssyncset.done $0x0  }
0x11b: {  	s10 =	simm.s32 $0x0;
	[sflag:s0] =	ssyncadd.s32 $0xFFFFFD80  }
0x11c: {  	s11 =	simm.s32 $0x40;
	v5 =	vld [tilespmem:s10+$0x2E80]  }
.LBB2_25:
0x11d: {  	p0 =	sne.s32 s11, $0x9C0;
	v6 =	vld [tilespmem:s10+$0x2C00];
	_ =	sdelay $0x2  }
.Ltmp12:
0x11e: {  	(pc) =	sbr.rel @p0 .LBB2_25-.Ltmp12, $4  }
0x11f: {  	_ = 	snop  }
0x120: {  	v6 =	vadd.f32 v5, v6  }
0x121: {  	s12 =	sshra.s32 s11, $0x2  }
0x122: {  	s11 =	sadd.s32 $0x40, s11;
	v5 =	vld [tilespmem:s12+$0x2E80];
	[tilespmem:s10+$0x2C00] =	vst v6;
	s10 =	smov.u32 s12  }
0x123: {  	v6 =	vld [tilespmem:s10+$0x2C00];
	_ =	sdelay $0x4  }
0x124: {  	v5 =	vadd.f32 v5, v6;
	_ =	sdelay $0x1  }
0x125: {  	[tilespmem:s10+$0x2C00] =	vst v5  }
0x126: {  	[tilespmem:s5], [sflag:$0x3] =	stream.strided.gather [spmem:s15], $0x280, s30, s1, $0x38;
	[tilespmem:$0x5900] =	vst v63  }
0x127: {  	_ =	swait.ge [sflag:s0], $0x280  }
0x128: {  	[sflag:s0] =	ssyncset.done $0x0  }
0x129: {  	s10 =	simm.s32 $0x0;
	[sflag:s0] =	ssyncadd.s32 $0xFFFFFD80  }
0x12a: {  	s11 =	simm.s32 $0x40;
	v5 =	vld [tilespmem:s10+$0x2E80]  }
.LBB2_27:
0x12b: {  	p0 =	sne.s32 s11, $0x9C0;
	v6 =	vld [tilespmem:s10+$0x2C00];
	_ =	sdelay $0x2  }
.Ltmp13:
0x12c: {  	(pc) =	sbr.rel @p0 .LBB2_27-.Ltmp13, $4  }
0x12d: {  	_ = 	snop  }
0x12e: {  	v6 =	vadd.f32 v5, v6  }
0x12f: {  	s12 =	sshra.s32 s11, $0x2  }
0x130: {  	s11 =	sadd.s32 $0x40, s11;
	v5 =	vld [tilespmem:s12+$0x2E80];
	[tilespmem:s10+$0x2C00] =	vst v6;
	s10 =	smov.u32 s12  }
0x131: {  	v6 =	vld [tilespmem:s10+$0x2C00];
	_ =	sdelay $0x4  }
0x132: {  	v5 =	vadd.f32 v5, v6;
	_ =	sdelay $0x1  }
0x133: {  	[tilespmem:s10+$0x2C00] =	vst v5  }
0x134: {  	[tilespmem:s5], [sflag:$0x3] =	stream.strided.gather [spmem:s17], $0x280, s30, s1, $0x38;
	[tilespmem:$0x5900] =	vst v63  }
0x135: {  	_ =	swait.ge [sflag:s0], $0x280  }
0x136: {  	[sflag:s0] =	ssyncset.done $0x0  }
0x137: {  	s10 =	simm.s32 $0x0;
	[sflag:s0] =	ssyncadd.s32 $0xFFFFFD80  }
0x138: {  	s11 =	simm.s32 $0x40;
	v5 =	vld [tilespmem:s10+$0x2E80]  }
.LBB2_29:
0x139: {  	p0 =	sne.s32 s11, $0x9C0;
	v6 =	vld [tilespmem:s10+$0x2C00];
	_ =	sdelay $0x2  }
.Ltmp14:
0x13a: {  	(pc) =	sbr.rel @p0 .LBB2_29-.Ltmp14, $4  }
0x13b: {  	_ = 	snop  }
0x13c: {  	v6 =	vadd.f32 v5, v6  }
0x13d: {  	s12 =	sshra.s32 s11, $0x2  }
0x13e: {  	s11 =	sadd.s32 $0x40, s11;
	v5 =	vld [tilespmem:s12+$0x2E80];
	[tilespmem:s10+$0x2C00] =	vst v6;
	s10 =	smov.u32 s12  }
0x13f: {  	v6 =	vld [tilespmem:s10+$0x2C00];
	_ =	sdelay $0x4  }
0x140: {  	v5 =	vadd.f32 v5, v6;
	_ =	sdelay $0x1  }
0x141: {  	[tilespmem:s10+$0x2C00] =	vst v5  }
0x142: {  	[tilespmem:s5], [sflag:$0x3] =	stream.strided.gather [spmem:s18], $0x280, s30, s1, $0x38;
	[tilespmem:$0x5900] =	vst v63  }
0x143: {  	_ =	swait.ge [sflag:s0], $0x280  }
0x144: {  	[sflag:s0] =	ssyncset.done $0x0  }
0x145: {  	s10 =	simm.s32 $0x0;
	[sflag:s0] =	ssyncadd.s32 $0xFFFFFD80  }
0x146: {  	s11 =	simm.s32 $0x40;
	v5 =	vld [tilespmem:s10+$0x2E80]  }
.LBB2_31:
0x147: {  	p0 =	sne.s32 s11, $0x9C0;
	v6 =	vld [tilespmem:s10+$0x2C00];
	_ =	sdelay $0x2  }
.Ltmp15:
0x148: {  	(pc) =	sbr.rel @p0 .LBB2_31-.Ltmp15, $4  }
0x149: {  	_ = 	snop  }
0x14a: {  	v6 =	vadd.f32 v5, v6  }
0x14b: {  	s12 =	sshra.s32 s11, $0x2  }
0x14c: {  	s11 =	sadd.s32 $0x40, s11;
	v5 =	vld [tilespmem:s12+$0x2E80];
	[tilespmem:s10+$0x2C00] =	vst v6;
	s10 =	smov.u32 s12  }
0x14d: {  	v6 =	vld [tilespmem:s10+$0x2C00];
	_ =	sdelay $0x4  }
0x14e: {  	v5 =	vadd.f32 v5, v6;
	_ =	sdelay $0x1  }
0x14f: {  	[tilespmem:s10+$0x2C00] =	vst v5  }
0x150: {  	[tilespmem:s5], [sflag:$0x3] =	stream.strided.gather [spmem:s19], $0x280, s30, s1, $0x38;
	[tilespmem:$0x5900] =	vst v63  }
0x151: {  	_ =	swait.ge [sflag:s0], $0x280  }
0x152: {  	[sflag:s0] =	ssyncset.done $0x0  }
0x153: {  	s10 =	simm.s32 $0x0;
	[sflag:s0] =	ssyncadd.s32 $0xFFFFFD80  }
0x154: {  	s11 =	simm.s32 $0x40;
	v5 =	vld [tilespmem:s10+$0x2E80]  }
.LBB2_33:
0x155: {  	p0 =	sne.s32 s11, $0x9C0;
	v6 =	vld [tilespmem:s10+$0x2C00];
	_ =	sdelay $0x2  }
.Ltmp16:
0x156: {  	(pc) =	sbr.rel @p0 .LBB2_33-.Ltmp16, $4  }
0x157: {  	_ = 	snop  }
0x158: {  	v6 =	vadd.f32 v5, v6  }
0x159: {  	s12 =	sshra.s32 s11, $0x2  }
0x15a: {  	s11 =	sadd.s32 $0x40, s11;
	v5 =	vld [tilespmem:s12+$0x2E80];
	[tilespmem:s10+$0x2C00] =	vst v6;
	s10 =	smov.u32 s12  }
0x15b: {  	v6 =	vld [tilespmem:s10+$0x2C00];
	_ =	sdelay $0x4  }
0x15c: {  	v5 =	vadd.f32 v5, v6;
	_ =	sdelay $0x1  }
0x15d: {  	[tilespmem:s10+$0x2C00] =	vst v5  }
0x15e: {  	[tilespmem:s5], [sflag:$0x3] =	stream.strided.gather [spmem:s20], $0x280, s30, s1, $0x38;
	[tilespmem:$0x5900] =	vst v63  }
0x15f: {  	_ =	swait.ge [sflag:s0], $0x280  }
0x160: {  	[sflag:s0] =	ssyncset.done $0x0  }
0x161: {  	s10 =	simm.s32 $0x0;
	[sflag:s0] =	ssyncadd.s32 $0xFFFFFD80  }
0x162: {  	s11 =	simm.s32 $0x40;
	v5 =	vld [tilespmem:s10+$0x2E80]  }
.LBB2_35:
0x163: {  	p0 =	sne.s32 s11, $0x9C0;
	v6 =	vld [tilespmem:s10+$0x2C00];
	_ =	sdelay $0x2  }
.Ltmp17:
0x164: {  	(pc) =	sbr.rel @p0 .LBB2_35-.Ltmp17, $4  }
0x165: {  	_ = 	snop  }
0x166: {  	v6 =	vadd.f32 v5, v6  }
0x167: {  	s12 =	sshra.s32 s11, $0x2  }
0x168: {  	s11 =	sadd.s32 $0x40, s11;
	v5 =	vld [tilespmem:s12+$0x2E80];
	[tilespmem:s10+$0x2C00] =	vst v6;
	s10 =	smov.u32 s12  }
0x169: {  	v6 =	vld [tilespmem:s10+$0x2C00];
	_ =	sdelay $0x4  }
0x16a: {  	v5 =	vadd.f32 v5, v6;
	_ =	sdelay $0x1  }
0x16b: {  	[tilespmem:s10+$0x2C00] =	vst v5  }
0x16c: {  	[tilespmem:s5], [sflag:$0x3] =	stream.strided.gather [spmem:s21], $0x280, s30, s1, $0x38;
	[tilespmem:$0x5900] =	vst v63  }
0x16d: {  	_ =	swait.ge [sflag:s0], $0x280  }
0x16e: {  	[sflag:s0] =	ssyncset.done $0x0  }
0x16f: {  	s10 =	simm.s32 $0x0;
	[sflag:s0] =	ssyncadd.s32 $0xFFFFFD80  }
0x170: {  	s11 =	simm.s32 $0x40;
	v5 =	vld [tilespmem:s10+$0x2E80]  }
.LBB2_37:
0x171: {  	p0 =	sne.s32 s11, $0x9C0;
	v6 =	vld [tilespmem:s10+$0x2C00];
	_ =	sdelay $0x2  }
.Ltmp18:
0x172: {  	(pc) =	sbr.rel @p0 .LBB2_37-.Ltmp18, $4  }
0x173: {  	_ = 	snop  }
0x174: {  	v6 =	vadd.f32 v5, v6  }
0x175: {  	s12 =	sshra.s32 s11, $0x2  }
0x176: {  	s11 =	sadd.s32 $0x40, s11;
	v5 =	vld [tilespmem:s12+$0x2E80];
	[tilespmem:s10+$0x2C00] =	vst v6;
	s10 =	smov.u32 s12  }
0x177: {  	v6 =	vld [tilespmem:s10+$0x2C00];
	_ =	sdelay $0x4  }
0x178: {  	v5 =	vadd.f32 v5, v6;
	_ =	sdelay $0x1  }
0x179: {  	[tilespmem:s10+$0x2C00] =	vst v5  }
0x17a: {  	[tilespmem:s5], [sflag:$0x3] =	stream.strided.gather [spmem:s22], $0x280, s30, s1, $0x38;
	[tilespmem:$0x5900] =	vst v63  }
0x17b: {  	_ =	swait.ge [sflag:s0], $0x280  }
0x17c: {  	[sflag:s0] =	ssyncset.done $0x0  }
0x17d: {  	s10 =	simm.s32 $0x0;
	[sflag:s0] =	ssyncadd.s32 $0xFFFFFD80  }
0x17e: {  	s11 =	simm.s32 $0x40;
	v5 =	vld [tilespmem:s10+$0x2E80]  }
.LBB2_39:
0x17f: {  	p0 =	sne.s32 s11, $0x9C0;
	v6 =	vld [tilespmem:s10+$0x2C00];
	_ =	sdelay $0x2  }
.Ltmp19:
0x180: {  	(pc) =	sbr.rel @p0 .LBB2_39-.Ltmp19, $4  }
0x181: {  	_ = 	snop  }
0x182: {  	v6 =	vadd.f32 v5, v6  }
0x183: {  	s12 =	sshra.s32 s11, $0x2  }
0x184: {  	s11 =	sadd.s32 $0x40, s11;
	v5 =	vld [tilespmem:s12+$0x2E80];
	[tilespmem:s10+$0x2C00] =	vst v6;
	s10 =	smov.u32 s12  }
0x185: {  	v6 =	vld [tilespmem:s10+$0x2C00];
	_ =	sdelay $0x4  }
0x186: {  	v5 =	vadd.f32 v5, v6;
	_ =	sdelay $0x1  }
0x187: {  	[tilespmem:s10+$0x2C00] =	vst v5  }
0x188: {  	[tilespmem:s5], [sflag:$0x3] =	stream.strided.gather [spmem:s23], $0x280, s30, s1, $0x38;
	[tilespmem:$0x5900] =	vst v63  }
0x189: {  	_ =	swait.ge [sflag:s0], $0x280  }
0x18a: {  	[sflag:s0] =	ssyncset.done $0x0  }
0x18b: {  	s10 =	simm.s32 $0x0;
	[sflag:s0] =	ssyncadd.s32 $0xFFFFFD80  }
0x18c: {  	s11 =	simm.s32 $0x40;
	v5 =	vld [tilespmem:s10+$0x2E80]  }
.LBB2_41:
0x18d: {  	p0 =	sne.s32 s11, $0x9C0;
	v6 =	vld [tilespmem:s10+$0x2C00];
	_ =	sdelay $0x2  }
.Ltmp20:
0x18e: {  	(pc) =	sbr.rel @p0 .LBB2_41-.Ltmp20, $4  }
0x18f: {  	_ = 	snop  }
0x190: {  	v6 =	vadd.f32 v5, v6  }
0x191: {  	s12 =	sshra.s32 s11, $0x2  }
0x192: {  	s11 =	sadd.s32 $0x40, s11;
	v5 =	vld [tilespmem:s12+$0x2E80];
	[tilespmem:s10+$0x2C00] =	vst v6;
	s10 =	smov.u32 s12  }
0x193: {  	v6 =	vld [tilespmem:s10+$0x2C00];
	_ =	sdelay $0x4  }
0x194: {  	v5 =	vadd.f32 v5, v6;
	_ =	sdelay $0x1  }
0x195: {  	[tilespmem:s10+$0x2C00] =	vst v5  }
0x196: {  	[tilespmem:s5], [sflag:$0x3] =	stream.strided.gather [spmem:s26], $0x280, s30, s1, $0x38;
	[tilespmem:$0x5900] =	vst v63  }
0x197: {  	_ =	swait.ge [sflag:s0], $0x280  }
0x198: {  	[sflag:s0] =	ssyncset.done $0x0  }
0x199: {  	s10 =	simm.s32 $0x0;
	[sflag:s0] =	ssyncadd.s32 $0xFFFFFD80  }
0x19a: {  	s11 =	simm.s32 $0x40;
	v5 =	vld [tilespmem:s10+$0x2E80]  }
.LBB2_43:
0x19b: {  	p0 =	sne.s32 s11, $0x9C0;
	v6 =	vld [tilespmem:s10+$0x2C00];
	_ =	sdelay $0x2  }
.Ltmp21:
0x19c: {  	(pc) =	sbr.rel @p0 .LBB2_43-.Ltmp21, $4  }
0x19d: {  	_ = 	snop  }
0x19e: {  	v6 =	vadd.f32 v5, v6  }
0x19f: {  	s12 =	sshra.s32 s11, $0x2  }
0x1a0: {  	s11 =	sadd.s32 $0x40, s11;
	v5 =	vld [tilespmem:s12+$0x2E80];
	[tilespmem:s10+$0x2C00] =	vst v6;
	s10 =	smov.u32 s12  }
0x1a1: {  	v6 =	vld [tilespmem:s10+$0x2C00];
	_ =	sdelay $0x4  }
0x1a2: {  	s8 =	sadd.s32 $0x1, s8;
	v5 =	vadd.f32 v5, v6  }
0x1a3: {  	p0 =	sne.s32 s8, s25  }
.Ltmp22:
0x1a4: {  	s13 =	simm.s32 $0x100;
	s11 =	simm.s32 $0x2C00;
	[tilespmem:s10+$0x2C00] =	vst v5;
	(pc) =	sbr.rel @p0 .LBB2_1-.Ltmp22, $4  }
0x1a5: {  	[hbm4b:s24+s1] =	stream.strided.scatter [tilespmem:s11], [sflag:$0x3], $0x280, s13, s1, $0x38;
	[tilespmem:$0x5900] =	vst v63  }
0x1a6: {  	_ =	swait.ge [sflag:s0], $0x280  }
0x1a7: {  	[sflag:s0] =	ssyncset.done $0x0  }
0x1a8: {  	[sflag:s0] =	ssyncadd.s32 $0xFFFFFD80  }
0x1a9: {  	_ =	sfence.sel $0x180000  }
0x1aa: {  	[bflag:$0x0] =	sbarrier.arrive $0xFFFF  }
0x1ab: {  	_ =	strace $0x90000047  }
0x1ac: {  	s0 =	stileid.u32;
	[bflag:$0x2] =	sbarrier.arrive $0xFFFF  }
0x1ad: {  	p0 =	sne.s32 s0, $0x0;
	s0 =	rddreg [dreg:$0x2]  }
0x1ae: {  	s0 =	sadd.s32 @!p0 $0x100000, s0  }
0x1af: {  	[sflag:s0] =	ssyncadd.tile.s32 @!p0 $0x1;
	_ =	shalt  }
.Lfunc_end2:
_tile_overlayer_lowered:
.L_overlay_start_2:
0x1b0: {  	(tag) =	ssettag $0x2  }
0x1b1: {  	s0 =	rddreg [dreg:$0x0];
	s2 =	stileid.u32  }
0x1b2: {  	s1 =	rddreg [dreg:$0x1];
	p0 =	sne.s32 s2, $0x0  }
0x1b3: {  	s3 =	rddreg [dreg:$0x2];
	[bflag:$0x3] =	sbarrier.arrive $0xFFFF;
	s2 =	simm.s32 @!p0 $0x1C03  }
0x1b4: {  	[timem:s3], [sflag:s2] =	dma.local @!p0 [hbm:s0], s1  }
0x1b5: {  	s0 =	simm.s32 @!p0 $0x3  }
0x1b6: {  	_ =	swait.ge @!p0 [sflag:s0], s1  }
0x1b7: {  	s1 =	ssub.s32 @!p0 $0x0, s1;
	[sflag:s0] =	ssyncset.done @!p0 $0x0  }
0x1b8: {  	[sflag:s0] =	ssyncadd.s32 @!p0 s1  }
0x1b9: {  	[bflag:$0x3] =	sbarrier.arrive $0xFFFF  }
0x1ba: {  	_ =	shalt  }

</sc_bundles>
